<compile_context>
chip_gen: v7x
topology: tpu7x:2x2x1
jax: 0.10.2.dev20260603
libtpu: 0.0.44.dev20260713+nightly
codegen_flags: <defaults>
</compile_context>

<pallas_src>
import functools

import jax
import jax.numpy as jnp
from jax import lax
from jax.experimental import pallas as pl
from jax.experimental.pallas import tpu as pltpu
from jax.experimental.pallas import tpu_sc as plsc

_NC = 2
_NS = 16
_NW = _NC * _NS

_B = 16384
_D = 64
_B_SC = _B
_B_TC = _B - _B_SC
_BPW = _B_SC // _NW
_CHUNK = 128
_NSEM = 8


def _sc_gather(user_ids, item_ids, user_table, item_table):
  mesh = plsc.VectorSubcoreMesh(
      core_axis_name="c", subcore_axis_name="s",
      num_cores=_NC, num_subcores=_NS)

  @functools.partial(
      pl.kernel,
      out_type=[
          jax.ShapeDtypeStruct((_B_SC, _D), jnp.float32),
          jax.ShapeDtypeStruct((_B_SC, _D), jnp.float32),
      ],
      mesh=mesh,
      scratch_types=[
          [pltpu.VMEM((_CHUNK, _D), jnp.float32)] * 2,
          [pltpu.VMEM((_CHUNK, _D), jnp.float32)] * 2,
          pltpu.VMEM((_BPW,), jnp.int32),
          pltpu.VMEM((_BPW,), jnp.int32),
          [pltpu.SemaphoreType.DMA] * _NSEM,
      ],
  )
  def gather_kernel(uid_hbm, iid_hbm, ut_hbm, it_hbm, ue_out, ie_out,
                    urows, irows, uidx_s, iidx_s, sems):
    wid = lax.axis_index("s") * _NC + lax.axis_index("c")
    base = wid * _BPW
    pltpu.sync_copy(uid_hbm.at[pl.ds(base, _BPW)], uidx_s)
    pltpu.sync_copy(iid_hbm.at[pl.ds(base, _BPW)], iidx_s)

    nsem_h = _NSEM // 2
    nch = _BPW // _CHUNK

    def issue(c):
      off = c * _CHUNK
      sbase = (c % 2) * nsem_h

      def row_dma(g, _):
        uvec = uidx_s[pl.ds(off + g * 16, 16)]
        ivec = iidx_s[pl.ds(off + g * 16, 16)]
        for j in range(16):
          sem = sems[sbase + j % nsem_h]
          pltpu.async_copy(
              ut_hbm.at[uvec[j]], urows[c % 2].at[g * 16 + j], sem)
          pltpu.async_copy(
              it_hbm.at[ivec[j]], irows[c % 2].at[g * 16 + j], sem)
        return 0

      lax.fori_loop(0, _CHUNK // 16, row_dma, 0)

    def drain_and_write(c):
      sbase = (c % 2) * nsem_h
      for k in range(nsem_h):
        pltpu.make_async_copy(
            ut_hbm.at[pl.ds(0, 2 * _CHUNK // nsem_h)],
            urows[c % 2].at[pl.ds(0, 2 * _CHUNK // nsem_h)],
            sems[sbase + k],
        ).wait()
      off = c * _CHUNK
      pltpu.sync_copy(urows[c % 2], ue_out.at[pl.ds(base + off, _CHUNK)])
      pltpu.sync_copy(irows[c % 2], ie_out.at[pl.ds(base + off, _CHUNK)])

    for c in range(nch):
      issue(c)
      if c > 0:
        drain_and_write(c - 1)
    drain_and_write(nch - 1)

  return gather_kernel(user_ids, item_ids, user_table, item_table)


def _mlp_body(ue_ref, ie_ref, w0a_ref, w0b_ref, b0_ref, w1_ref, b1_ref,
              w2_ref, b2_ref, wout_ref, bout_ref, out_ref):
  h = jnp.dot(ue_ref[...], w0a_ref[...], preferred_element_type=jnp.float32)
  h += jnp.dot(ie_ref[...], w0b_ref[...], preferred_element_type=jnp.float32)
  h = jnp.maximum(h + b0_ref[...], 0.0)
  h = jnp.dot(h, w1_ref[...], preferred_element_type=jnp.float32)
  h = jnp.maximum(h + b1_ref[...], 0.0)
  h = jnp.dot(h, w2_ref[...], preferred_element_type=jnp.float32)
  h = jnp.maximum(h + b2_ref[...], 0.0)
  p = jnp.dot(h, wout_ref[...], preferred_element_type=jnp.float32)
  out_ref[...] = jax.nn.sigmoid(p + bout_ref[...])


_MLP_BLK = 2048


def _tc_mlp(ue, ie, w0a, w0b, b0, w1, b1, w2, b2, wout, bout):
  grid = _B // _MLP_BLK
  full = lambda shape: pl.BlockSpec(shape, lambda i: (0,) * len(shape))
  return pl.pallas_call(
      _mlp_body,
      grid=(grid,),
      in_specs=[
          pl.BlockSpec((_MLP_BLK, _D), lambda i: (i, 0)),
          pl.BlockSpec((_MLP_BLK, _D), lambda i: (i, 0)),
          full(w0a.shape), full(w0b.shape), full(b0.shape),
          full(w1.shape), full(b1.shape),
          full(w2.shape), full(b2.shape),
          full(wout.shape), full(bout.shape),
      ],
      out_specs=pl.BlockSpec((_MLP_BLK, 1), lambda i: (i, 0)),
      out_shape=jax.ShapeDtypeStruct((_B, 1), jnp.float32),
  )(ue, ie, w0a, w0b, b0, w1, b1, w2, b2, wout, bout)


def kernel(user_ids, item_ids, user_table, item_table,
           W0, b0, W1, b1, W2, b2, Wout, bout):
  user_ids = user_ids.astype(jnp.int32)
  item_ids = item_ids.astype(jnp.int32)
  ue, ie = _sc_gather(user_ids, item_ids, user_table, item_table)
  w0a = W0[:_D]
  w0b = W0[_D:]
  return _tc_mlp(ue, ie, w0a, w0b,
                 b0.reshape(1, -1), W1, b1.reshape(1, -1),
                 W2, b2.reshape(1, -1), Wout, bout.reshape(1, 1))

# --- scband reference (transcript-rebuilt; emitter-appended) ---
"""Pipeline reference for scband-ncfmodel-44186623541493 (READ-ONLY COPY).

The authoritative reference and input builder live on the scoring server;
editing this copy changes nothing except your own understanding.
"""

import jax, jax.numpy as jnp
import numpy as np

NUM_USERS = 1000000
NUM_ITEMS = 1000000
D = 64
B = 16384
LAYERS = [256, 128, 64]  # stand-in for settings.NCF_LAYERS


def setup_inputs(seed: int = 0) -> dict:
    key = jax.random.key(seed)
    ks = jax.random.split(key, 12)
    user_ids = jax.random.randint(ks[0], (B,), 0, NUM_USERS, dtype=jnp.int64 if jax.config.jax_enable_x64 else jnp.int32)
    item_ids = jax.random.randint(ks[1], (B,), 0, NUM_ITEMS, dtype=jnp.int64 if jax.config.jax_enable_x64 else jnp.int32)
    user_table = jax.random.normal(ks[2], (NUM_USERS, D), jnp.float32) * 0.02
    item_table = jax.random.normal(ks[3], (NUM_ITEMS, D), jnp.float32) * 0.02
    W0 = jax.random.normal(ks[4], (2 * D, LAYERS[0]), jnp.float32) * 0.05
    b0 = jnp.zeros((LAYERS[0],), jnp.float32)
    W1 = jax.random.normal(ks[5], (LAYERS[0], LAYERS[1]), jnp.float32) * 0.05
    b1 = jnp.zeros((LAYERS[1],), jnp.float32)
    W2 = jax.random.normal(ks[6], (LAYERS[1], LAYERS[2]), jnp.float32) * 0.05
    b2 = jnp.zeros((LAYERS[2],), jnp.float32)
    Wout = jax.random.normal(ks[7], (LAYERS[2], 1), jnp.float32) * 0.05
    bout = jnp.zeros((1,), jnp.float32)
    return {
        "user_ids": user_ids,
        "item_ids": item_ids,
        "user_table": user_table,
        "item_table": item_table,
        "W0": W0, "b0": b0,
        "W1": W1, "b1": b1,
        "W2": W2, "b2": b2,
        "Wout": Wout, "bout": bout,
    }


def reference(user_ids, item_ids, user_table, item_table, W0, b0, W1, b1, W2, b2, Wout, bout):
    # Embedding lookups (gather)
    user_emb = jnp.take(user_table, user_ids, axis=0)  # [B, D]
    item_emb = jnp.take(item_table, item_ids, axis=0)  # [B, D]
    concat = jnp.concatenate([user_emb, item_emb], axis=-1)  # [B, 2D]
    # MLP: Linear -> ReLU -> Dropout(eval: identity) per layer
    h = jax.nn.relu(concat @ W0 + b0)
    h = jax.nn.relu(h @ W1 + b1)
    h = jax.nn.relu(h @ W2 + b2)
    prediction = h @ Wout + bout  # [B, 1]
    return jax.nn.sigmoid(prediction)

if __name__ == "__main__":
    import jax
    _d = setup_inputs()
    print(jax.jit(kernel)(*tuple(_d.values())))

</pallas_src>

<mosaic_0001>
#map = affine_map<(d0, d1) -> (0)>
#map1 = affine_map<(d0, d1) -> (0, 0)>
module attributes {stable_mosaic.version = 14 : i64} {
  func.func @gather_kernel(%arg0: i32, %arg1: i32, %arg2: memref<16384xi32, #tpu.memory_space<hbm>>, %arg3: memref<16384xi32, #tpu.memory_space<hbm>>, %arg4: memref<1000000x64xf32, #tpu.memory_space<hbm>>, %arg5: memref<1000000x64xf32, #tpu.memory_space<hbm>>, %arg6: memref<16384x64xf32, #tpu.memory_space<hbm>>, %arg7: memref<16384x64xf32, #tpu.memory_space<hbm>>, %arg8: memref<128x64xf32, #tpu.memory_space<vmem>>, %arg9: memref<128x64xf32, #tpu.memory_space<vmem>>, %arg10: memref<128x64xf32, #tpu.memory_space<vmem>>, %arg11: memref<128x64xf32, #tpu.memory_space<vmem>>, %arg12: memref<512xi32, #tpu.memory_space<vmem>>, %arg13: memref<512xi32, #tpu.memory_space<vmem>>, %arg14: memref<!tpu.dma_semaphore, #tpu.memory_space<semaphore_mem>>, %arg15: memref<!tpu.dma_semaphore, #tpu.memory_space<semaphore_mem>>, %arg16: memref<!tpu.dma_semaphore, #tpu.memory_space<semaphore_mem>>, %arg17: memref<!tpu.dma_semaphore, #tpu.memory_space<semaphore_mem>>, %arg18: memref<!tpu.dma_semaphore, #tpu.memory_space<semaphore_mem>>, %arg19: memref<!tpu.dma_semaphore, #tpu.memory_space<semaphore_mem>>, %arg20: memref<!tpu.dma_semaphore, #tpu.memory_space<semaphore_mem>>, %arg21: memref<!tpu.dma_semaphore, #tpu.memory_space<semaphore_mem>>) attributes {dimension_semantics = [#tpu.dimension_semantics<core_parallel>, #tpu.dimension_semantics<subcore_parallel>], iteration_bounds = array<i64: 2, 16>, scalar_prefetch = 0 : i64, scratch_operands = 14 : i64, tpu.core_type = #tpu.core_type<sc_vector_subcore>, window_params = [{transform_indices = #map}, {transform_indices = #map}, {transform_indices = #map1}, {transform_indices = #map1}, {transform_indices = #map1}, {transform_indices = #map1}]} {
    %mul3A = arith.constant 2 : i32
    %mul3A_0 = arith.muli %arg1, %mul3A : i32
    %add3A = arith.addi %mul3A_0, %arg0 : i32
    %mul3A_1 = arith.constant 512 : i32
    %mul3A_2 = arith.muli %add3A, %mul3A_1 : i32
    "tpu.region"() ({
      %run_scoped3A = tpu.sem_alloc : memref<!tpu.dma_semaphore, #tpu.memory_space<semaphore_mem>>
      %dma_start3A = tpu.memref_slice %arg2[%mul3A_2] : memref<16384xi32, #tpu.memory_space<hbm>> -> memref<512xi32, #tpu.memory_space<hbm>>
      %dma_start3A_237 = tpu.memref_slice %arg2[%mul3A_2] : memref<16384xi32, #tpu.memory_space<hbm>> -> memref<512xi32, #tpu.memory_space<hbm>>
      tpu.enqueue_dma source(%dma_start3A_237 : memref<512xi32, #tpu.memory_space<hbm>>) target(%arg12 : memref<512xi32, #tpu.memory_space<vmem>>) target_semaphore(%run_scoped3A : memref<!tpu.dma_semaphore, #tpu.memory_space<semaphore_mem>>)
      %dma_wait3A_238 = tpu.memref_slice %arg2[%mul3A_2] : memref<16384xi32, #tpu.memory_space<hbm>> -> memref<512xi32, #tpu.memory_space<hbm>>
      %dma_wait3A_239 = tpu.memref_slice %arg2[%mul3A_2] : memref<16384xi32, #tpu.memory_space<hbm>> -> memref<512xi32, #tpu.memory_space<hbm>>
      tpu.wait_dma2 semaphore(%run_scoped3A : memref<!tpu.dma_semaphore, #tpu.memory_space<semaphore_mem>>) src(%dma_wait3A_239 : memref<512xi32, #tpu.memory_space<hbm>>) dst(%arg12 : memref<512xi32, #tpu.memory_space<vmem>>)
      tpu.yield
    }) : () -> ()
    "tpu.region"() ({
      %run_scoped3A = tpu.sem_alloc : memref<!tpu.dma_semaphore, #tpu.memory_space<semaphore_mem>>
      %dma_start3A = tpu.memref_slice %arg3[%mul3A_2] : memref<16384xi32, #tpu.memory_space<hbm>> -> memref<512xi32, #tpu.memory_space<hbm>>
      %dma_start3A_237 = tpu.memref_slice %arg3[%mul3A_2] : memref<16384xi32, #tpu.memory_space<hbm>> -> memref<512xi32, #tpu.memory_space<hbm>>
      tpu.enqueue_dma source(%dma_start3A_237 : memref<512xi32, #tpu.memory_space<hbm>>) target(%arg13 : memref<512xi32, #tpu.memory_space<vmem>>) target_semaphore(%run_scoped3A : memref<!tpu.dma_semaphore, #tpu.memory_space<semaphore_mem>>)
      %dma_wait3A_238 = tpu.memref_slice %arg3[%mul3A_2] : memref<16384xi32, #tpu.memory_space<hbm>> -> memref<512xi32, #tpu.memory_space<hbm>>
      %dma_wait3A_239 = tpu.memref_slice %arg3[%mul3A_2] : memref<16384xi32, #tpu.memory_space<hbm>> -> memref<512xi32, #tpu.memory_space<hbm>>
      tpu.wait_dma2 semaphore(%run_scoped3A : memref<!tpu.dma_semaphore, #tpu.memory_space<semaphore_mem>>) src(%dma_wait3A_239 : memref<512xi32, #tpu.memory_space<hbm>>) dst(%arg13 : memref<512xi32, #tpu.memory_space<vmem>>)
      tpu.yield
    }) : () -> ()
    %scan3A = arith.constant 0 : i32
    %scan3A_3 = arith.constant 0 : i32
    %scan3A_4 = arith.constant 8 : i32
    %scan3A_5 = arith.addi %scan3A_3, %scan3A_4 : i32
    %scan3A_6 = arith.constant 1 : i32
    %scan3A_7 = scf.for %scan3A_237 = %scan3A_3 to %scan3A_5 step %scan3A_6 iter_args(%scan3A_238 = %scan3A) -> (i32)  : i32 {
      %mul3A_239 = arith.constant 16 : i32
      %mul3A_240 = arith.muli %scan3A_237, %mul3A_239 : i32
      %add3A_241 = arith.constant 0 : i32
      %add3A_242 = arith.addi %add3A_241, %mul3A_240 : i32
      %get3A = arith.index_cast %add3A_242 : i32 to index
      %get3A_243 = tpu.vector_load %arg12[%get3A] {strides = array<i32>} : memref<512xi32, #tpu.memory_space<vmem>>, vector<16xi32>,
      %get3A_244 = vector.shape_cast %get3A_243 : vector<16xi32> to vector<16xi32>
      %mul3A_245 = arith.constant 16 : i32
      %mul3A_246 = arith.muli %scan3A_237, %mul3A_245 : i32
      %add3A_247 = arith.constant 0 : i32
      %add3A_248 = arith.addi %add3A_247, %mul3A_246 : i32
      %get3A_249 = arith.index_cast %add3A_248 : i32 to index
      %get3A_250 = tpu.vector_load %arg13[%get3A_249] {strides = array<i32>} : memref<512xi32, #tpu.memory_space<vmem>>, vector<16xi32>,
      %get3A_251 = vector.shape_cast %get3A_250 : vector<16xi32> to vector<16xi32>
      %slice3A = vector.extract_strided_slice %get3A_244 {offsets = [0], sizes = [1], strides = [1]} : vector<16xi32> to vector<1xi32>
      %squeeze3A = vector.extract %slice3A[0] : i32 from vector<1xi32>
      %mul3A_252 = arith.constant 16 : i32
      %mul3A_253 = arith.muli %scan3A_237, %mul3A_252 : i32
      %add3A_254 = arith.constant 0 : i32
      %add3A_255 = arith.addi %mul3A_253, %add3A_254 : i32
      %dma_start3A = arith.constant 0 : i32
      %dma_start3A_256 = tpu.memref_slice %arg8[%add3A_255, %dma_start3A] : memref<128x64xf32, #tpu.memory_space<vmem>> -> memref<1x64xf32, #tpu.memory_space<vmem>>
      %dma_start3A_257 = tpu.memref_squeeze %dma_start3A_256 : memref<1x64xf32, #tpu.memory_space<vmem>> -> memref<64xf32, #tpu.memory_space<vmem>>
      %dma_start3A_258 = arith.constant 0 : i32
      %dma_start3A_259 = tpu.memref_slice %arg4[%squeeze3A, %dma_start3A_258] : memref<1000000x64xf32, #tpu.memory_space<hbm>> -> memref<1x64xf32, #tpu.memory_space<hbm>>
      %dma_start3A_260 = tpu.memref_squeeze %dma_start3A_259 : memref<1x64xf32, #tpu.memory_space<hbm>> -> memref<64xf32, #tpu.memory_space<hbm>>
      %dma_start3A_261 = arith.constant 0 : i32
      %dma_start3A_262 = tpu.memref_slice %arg8[%add3A_255, %dma_start3A_261] : memref<128x64xf32, #tpu.memory_space<vmem>> -> memref<1x64xf32, #tpu.memory_space<vmem>>
      %dma_start3A_263 = tpu.memref_squeeze %dma_start3A_262 : memref<1x64xf32, #tpu.memory_space<vmem>> -> memref<64xf32, #tpu.memory_space<vmem>>
      %dma_start3A_264 = arith.constant 0 : i32
      %dma_start3A_265 = tpu.memref_slice %arg4[%squeeze3A, %dma_start3A_264] : memref<1000000x64xf32, #tpu.memory_space<hbm>> -> memref<1x64xf32, #tpu.memory_space<hbm>>
      %dma_start3A_266 = tpu.memref_squeeze %dma_start3A_265 : memref<1x64xf32, #tpu.memory_space<hbm>> -> memref<64xf32, #tpu.memory_space<hbm>>
      tpu.enqueue_dma source(%dma_start3A_266 : memref<64xf32, #tpu.memory_space<hbm>>) target(%dma_start3A_263 : memref<64xf32, #tpu.memory_space<vmem>>) target_semaphore(%arg14 : memref<!tpu.dma_semaphore, #tpu.memory_space<semaphore_mem>>)
      %slice3A_267 = vector.extract_strided_slice %get3A_251 {offsets = [0], sizes = [1], strides = [1]} : vector<16xi32> to vector<1xi32>
      %squeeze3A_268 = vector.extract %slice3A_267[0] : i32 from vector<1xi32>
      %mul3A_269 = arith.constant 16 : i32
      %mul3A_270 = arith.muli %scan3A_237, %mul3A_269 : i32
      %add3A_271 = arith.constant 0 : i32
      %add3A_272 = arith.addi %mul3A_270, %add3A_271 : i32
      %dma_start3A_273 = arith.constant 0 : i32
      %dma_start3A_274 = tpu.memref_slice %arg10[%add3A_272, %dma_start3A_273] : memref<128x64xf32, #tpu.memory_space<vmem>> -> memref<1x64xf32, #tpu.memory_space<vmem>>
      %dma_start3A_275 = tpu.memref_squeeze %dma_start3A_274 : memref<1x64xf32, #tpu.memory_space<vmem>> -> memref<64xf32, #tpu.memory_space<vmem>>
      %dma_start3A_276 = arith.constant 0 : i32
      %dma_start3A_277 = tpu.memref_slice %arg5[%squeeze3A_268, %dma_start3A_276] : memref<1000000x64xf32, #tpu.memory_space<hbm>> -> memref<1x64xf32, #tpu.memory_space<hbm>>
      %dma_start3A_278 = tpu.memref_squeeze %dma_start3A_277 : memref<1x64xf32, #tpu.memory_space<hbm>> -> memref<64xf32, #tpu.memory_space<hbm>>
      %dma_start3A_279 = arith.constant 0 : i32
      %dma_start3A_280 = tpu.memref_slice %arg10[%add3A_272, %dma_start3A_279] : memref<128x64xf32, #tpu.memory_space<vmem>> -> memref<1x64xf32, #tpu.memory_space<vmem>>
      %dma_start3A_281 = tpu.memref_squeeze %dma_start3A_280 : memref<1x64xf32, #tpu.memory_space<vmem>> -> memref<64xf32, #tpu.memory_space<vmem>>
      %dma_start3A_282 = arith.constant 0 : i32
      %dma_start3A_283 = tpu.memref_slice %arg5[%squeeze3A_268, %dma_start3A_282] : memref<1000000x64xf32, #tpu.memory_space<hbm>> -> memref<1x64xf32, #tpu.memory_space<hbm>>
      %dma_start3A_284 = tpu.memref_squeeze %dma_start3A_283 : memref<1x64xf32, #tpu.memory_space<hbm>> -> memref<64xf32, #tpu.memory_space<hbm>>
      tpu.enqueue_dma source(%dma_start3A_284 : memref<64xf32, #tpu.memory_space<hbm>>) target(%dma_start3A_281 : memref<64xf32, #tpu.memory_space<vmem>>) target_semaphore(%arg14 : memref<!tpu.dma_semaphore, #tpu.memory_space<semaphore_mem>>)
      %slice3A_285 = vector.extract_strided_slice %get3A_244 {offsets = [1], sizes = [1], strides = [1]} : vector<16xi32> to vector<1xi32>
      %squeeze3A_286 = vector.extract %slice3A_285[0] : i32 from vector<1xi32>
      %mul3A_287 = arith.constant 16 : i32
      %mul3A_288 = arith.muli %scan3A_237, %mul3A_287 : i32
      %add3A_289 = arith.constant 1 : i32
      %add3A_290 = arith.addi %mul3A_288, %add3A_289 : i32
      %dma_start3A_291 = arith.constant 0 : i32
      %dma_start3A_292 = tpu.memref_slice %arg8[%add3A_290, %dma_start3A_291] : memref<128x64xf32, #tpu.memory_space<vmem>> -> memref<1x64xf32, #tpu.memory_space<vmem>>
      %dma_start3A_293 = tpu.memref_squeeze %dma_start3A_292 : memref<1x64xf32, #tpu.memory_space<vmem>> -> memref<64xf32, #tpu.memory_space<vmem>>
      %dma_start3A_294 = arith.constant 0 : i32
      %dma_start3A_295 = tpu.memref_slice %arg4[%squeeze3A_286, %dma_start3A_294] : memref<1000000x64xf32, #tpu.memory_space<hbm>> -> memref<1x64xf32, #tpu.memory_space<hbm>>
      %dma_start3A_296 = tpu.memref_squeeze %dma_start3A_295 : memref<1x64xf32, #tpu.memory_space<hbm>> -> memref<64xf32, #tpu.memory_space<hbm>>
      %dma_start3A_297 = arith.constant 0 : i32
      %dma_start3A_298 = tpu.memref_slice %arg8[%add3A_290, %dma_start3A_297] : memref<128x64xf32, #tpu.memory_space<vmem>> -> memref<1x64xf32, #tpu.memory_space<vmem>>
      %dma_start3A_299 = tpu.memref_squeeze %dma_start3A_298 : memref<1x64xf32, #tpu.memory_space<vmem>> -> memref<64xf32, #tpu.memory_space<vmem>>
      %dma_start3A_300 = arith.constant 0 : i32
      %dma_start3A_301 = tpu.memref_slice %arg4[%squeeze3A_286, %dma_start3A_300] : memref<1000000x64xf32, #tpu.memory_space<hbm>> -> memref<1x64xf32, #tpu.memory_space<hbm>>
      %dma_start3A_302 = tpu.memref_squeeze %dma_start3A_301 : memref<1x64xf32, #tpu.memory_space<hbm>> -> memref<64xf32, #tpu.memory_space<hbm>>
      tpu.enqueue_dma source(%dma_start3A_302 : memref<64xf32, #tpu.memory_space<hbm>>) target(%dma_start3A_299 : memref<64xf32, #tpu.memory_space<vmem>>) target_semaphore(%arg15 : memref<!tpu.dma_semaphore, #tpu.memory_space<semaphore_mem>>)
      %slice3A_303 = vector.extract_strided_slice %get3A_251 {offsets = [1], sizes = [1], strides = [1]} : vector<16xi32> to vector<1xi32>
      %squeeze3A_304 = vector.extract %slice3A_303[0] : i32 from vector<1xi32>
      %mul3A_305 = arith.constant 16 : i32
      %mul3A_306 = arith.muli %scan3A_237, %mul3A_305 : i32
      %add3A_307 = arith.constant 1 : i32
      %add3A_308 = arith.addi %mul3A_306, %add3A_307 : i32
      %dma_start3A_309 = arith.constant 0 : i32
      %dma_start3A_310 = tpu.memref_slice %arg10[%add3A_308, %dma_start3A_309] : memref<128x64xf32, #tpu.memory_space<vmem>> -> memref<1x64xf32, #tpu.memory_space<vmem>>
      %dma_start3A_311 = tpu.memref_squeeze %dma_start3A_310 : memref<1x64xf32, #tpu.memory_space<vmem>> -> memref<64xf32, #tpu.memory_space<vmem>>
      %dma_start3A_312 = arith.constant 0 : i32
      %dma_start3A_313 = tpu.memref_slice %arg5[%squeeze3A_304, %dma_start3A_312] : memref<1000000x64xf32, #tpu.memory_space<hbm>> -> memref<1x64xf32, #tpu.memory_space<hbm>>
      %dma_start3A_314 = tpu.memref_squeeze %dma_start3A_313 : memref<1x64xf32, #tpu.memory_space<hbm>> -> memref<64xf32, #tpu.memory_space<hbm>>
      %dma_start3A_315 = arith.constant 0 : i32
      %dma_start3A_316 = tpu.memref_slice %arg10[%add3A_308, %dma_start3A_315] : memref<128x64xf32, #tpu.memory_space<vmem>> -> memref<1x64xf32, #tpu.memory_space<vmem>>
      %dma_start3A_317 = tpu.memref_squeeze %dma_start3A_316 : memref<1x64xf32, #tpu.memory_space<vmem>> -> memref<64xf32, #tpu.memory_space<vmem>>
      %dma_start3A_318 = arith.constant 0 : i32
      %dma_start3A_319 = tpu.memref_slice %arg5[%squeeze3A_304, %dma_start3A_318] : memref<1000000x64xf32, #tpu.memory_space<hbm>> -> memref<1x64xf32, #tpu.memory_space<hbm>>
      %dma_start3A_320 = tpu.memref_squeeze %dma_start3A_319 : memref<1x64xf32, #tpu.memory_space<hbm>> -> memref<64xf32, #tpu.memory_space<hbm>>
      tpu.enqueue_dma source(%dma_start3A_320 : memref<64xf32, #tpu.memory_space<hbm>>) target(%dma_start3A_317 : memref<64xf32, #tpu.memory_space<vmem>>) target_semaphore(%arg15 : memref<!tpu.dma_semaphore, #tpu.memory_space<semaphore_mem>>)
      %slice3A_321 = vector.extract_strided_slice %get3A_244 {offsets = [2], sizes = [1], strides = [1]} : vector<16xi32> to vector<1xi32>
      %squeeze3A_322 = vector.extract %slice3A_321[0] : i32 from vector<1xi32>
      %mul3A_323 = arith.constant 16 : i32
      %mul3A_324 = arith.muli %scan3A_237, %mul3A_323 : i32
      %add3A_325 = arith.constant 2 : i32
      %add3A_326 = arith.addi %mul3A_324, %add3A_325 : i32
      %dma_start3A_327 = arith.constant 0 : i32
      %dma_start3A_328 = tpu.memref_slice %arg8[%add3A_326, %dma_start3A_327] : memref<128x64xf32, #tpu.memory_space<vmem>> -> memref<1x64xf32, #tpu.memory_space<vmem>>
      %dma_start3A_329 = tpu.memref_squeeze %dma_start3A_328 : memref<1x64xf32, #tpu.memory_space<vmem>> -> memref<64xf32, #tpu.memory_space<vmem>>
      %dma_start3A_330 = arith.constant 0 : i32
      %dma_start3A_331 = tpu.memref_slice %arg4[%squeeze3A_322, %dma_start3A_330] : memref<1000000x64xf32, #tpu.memory_space<hbm>> -> memref<1x64xf32, #tpu.memory_space<hbm>>
      %dma_start3A_332 = tpu.memref_squeeze %dma_start3A_331 : memref<1x64xf32, #tpu.memory_space<hbm>> -> memref<64xf32, #tpu.memory_space<hbm>>
      %dma_start3A_333 = arith.constant 0 : i32
      %dma_start3A_334 = tpu.memref_slice %arg8[%add3A_326, %dma_start3A_333] : memref<128x64xf32, #tpu.memory_space<vmem>> -> memref<1x64xf32, #tpu.memory_space<vmem>>
      %dma_start3A_335 = tpu.memref_squeeze %dma_start3A_334 : memref<1x64xf32, #tpu.memory_space<vmem>> -> memref<64xf32, #tpu.memory_space<vmem>>
      %dma_start3A_336 = arith.constant 0 : i32
      %dma_start3A_337 = tpu.memref_slice %arg4[%squeeze3A_322, %dma_start3A_336] : memref<1000000x64xf32, #tpu.memory_space<hbm>> -> memref<1x64xf32, #tpu.memory_space<hbm>>
      %dma_start3A_338 = tpu.memref_squeeze %dma_start3A_337 : memref<1x64xf32, #tpu.memory_space<hbm>> -> memref<64xf32, #tpu.memory_space<hbm>>
      tpu.enqueue_dma source(%dma_start3A_338 : memref<64xf32, #tpu.memory_space<hbm>>) target(%dma_start3A_335 : memref<64xf32, #tpu.memory_space<vmem>>) target_semaphore(%arg16 : memref<!tpu.dma_semaphore, #tpu.memory_space<semaphore_mem>>)
      %slice3A_339 = vector.extract_strided_slice %get3A_251 {offsets = [2], sizes = [1], strides = [1]} : vector<16xi32> to vector<1xi32>
      %squeeze3A_340 = vector.extract %slice3A_339[0] : i32 from vector<1xi32>
      %mul3A_341 = arith.constant 16 : i32
      %mul3A_342 = arith.muli %scan3A_237, %mul3A_341 : i32
      %add3A_343 = arith.constant 2 : i32
      %add3A_344 = arith.addi %mul3A_342, %add3A_343 : i32
      %dma_start3A_345 = arith.constant 0 : i32
      %dma_start3A_346 = tpu.memref_slice %arg10[%add3A_344, %dma_start3A_345] : memref<128x64xf32, #tpu.memory_space<vmem>> -> memref<1x64xf32, #tpu.memory_space<vmem>>
      %dma_start3A_347 = tpu.memref_squeeze %dma_start3A_346 : memref<1x64xf32, #tpu.memory_space<vmem>> -> memref<64xf32, #tpu.memory_space<vmem>>
      %dma_start3A_348 = arith.constant 0 : i32
      %dma_start3A_349 = tpu.memref_slice %arg5[%squeeze3A_340, %dma_start3A_348] : memref<1000000x64xf32, #tpu.memory_space<hbm>> -> memref<1x64xf32, #tpu.memory_space<hbm>>
      %dma_start3A_350 = tpu.memref_squeeze %dma_start3A_349 : memref<1x64xf32, #tpu.memory_space<hbm>> -> memref<64xf32, #tpu.memory_space<hbm>>
      %dma_start3A_351 = arith.constant 0 : i32
      %dma_start3A_352 = tpu.memref_slice %arg10[%add3A_344, %dma_start3A_351] : memref<128x64xf32, #tpu.memory_space<vmem>> -> memref<1x64xf32, #tpu.memory_space<vmem>>
      %dma_start3A_353 = tpu.memref_squeeze %dma_start3A_352 : memref<1x64xf32, #tpu.memory_space<vmem>> -> memref<64xf32, #tpu.memory_space<vmem>>
      %dma_start3A_354 = arith.constant 0 : i32
      %dma_start3A_355 = tpu.memref_slice %arg5[%squeeze3A_340, %dma_start3A_354] : memref<1000000x64xf32, #tpu.memory_space<hbm>> -> memref<1x64xf32, #tpu.memory_space<hbm>>
      %dma_start3A_356 = tpu.memref_squeeze %dma_start3A_355 : memref<1x64xf32, #tpu.memory_space<hbm>> -> memref<64xf32, #tpu.memory_space<hbm>>
      tpu.enqueue_dma source(%dma_start3A_356 : memref<64xf32, #tpu.memory_space<hbm>>) target(%dma_start3A_353 : memref<64xf32, #tpu.memory_space<vmem>>) target_semaphore(%arg16 : memref<!tpu.dma_semaphore, #tpu.memory_space<semaphore_mem>>)
      %slice3A_357 = vector.extract_strided_slice %get3A_244 {offsets = [3], sizes = [1], strides = [1]} : vector<16xi32> to vector<1xi32>
      %squeeze3A_358 = vector.extract %slice3A_357[0] : i32 from vector<1xi32>
      %mul3A_359 = arith.constant 16 : i32
      %mul3A_360 = arith.muli %scan3A_237, %mul3A_359 : i32
      %add3A_361 = arith.constant 3 : i32
      %add3A_362 = arith.addi %mul3A_360, %add3A_361 : i32
      %dma_start3A_363 = arith.constant 0 : i32
      %dma_start3A_364 = tpu.memref_slice %arg8[%add3A_362, %dma_start3A_363] : memref<128x64xf32, #tpu.memory_space<vmem>> -> memref<1x64xf32, #tpu.memory_space<vmem>>
      %dma_start3A_365 = tpu.memref_squeeze %dma_start3A_364 : memref<1x64xf32, #tpu.memory_space<vmem>> -> memref<64xf32, #tpu.memory_space<vmem>>
      %dma_start3A_366 = arith.constant 0 : i32
      %dma_start3A_367 = tpu.memref_slice %arg4[%squeeze3A_358, %dma_start3A_366] : memref<1000000x64xf32, #tpu.memory_space<hbm>> -> memref<1x64xf32, #tpu.memory_space<hbm>>
      %dma_start3A_368 = tpu.memref_squeeze %dma_start3A_367 : memref<1x64xf32, #tpu.memory_space<hbm>> -> memref<64xf32, #tpu.memory_space<hbm>>
      %dma_start3A_369 = arith.constant 0 : i32
      %dma_start3A_370 = tpu.memref_slice %arg8[%add3A_362, %dma_start3A_369] : memref<128x64xf32, #tpu.memory_space<vmem>> -> memref<1x64xf32, #tpu.memory_space<vmem>>
      %dma_start3A_371 = tpu.memref_squeeze %dma_start3A_370 : memref<1x64xf32, #tpu.memory_space<vmem>> -> memref<64xf32, #tpu.memory_space<vmem>>
      %dma_start3A_372 = arith.constant 0 : i32
      %dma_start3A_373 = tpu.memref_slice %arg4[%squeeze3A_358, %dma_start3A_372] : memref<1000000x64xf32, #tpu.memory_space<hbm>> -> memref<1x64xf32, #tpu.memory_space<hbm>>
      %dma_start3A_374 = tpu.memref_squeeze %dma_start3A_373 : memref<1x64xf32, #tpu.memory_space<hbm>> -> memref<64xf32, #tpu.memory_space<hbm>>
      tpu.enqueue_dma source(%dma_start3A_374 : memref<64xf32, #tpu.memory_space<hbm>>) target(%dma_start3A_371 : memref<64xf32, #tpu.memory_space<vmem>>) target_semaphore(%arg17 : memref<!tpu.dma_semaphore, #tpu.memory_space<semaphore_mem>>)
      %slice3A_375 = vector.extract_strided_slice %get3A_251 {offsets = [3], sizes = [1], strides = [1]} : vector<16xi32> to vector<1xi32>
      %squeeze3A_376 = vector.extract %slice3A_375[0] : i32 from vector<1xi32>
      %mul3A_377 = arith.constant 16 : i32
      %mul3A_378 = arith.muli %scan3A_237, %mul3A_377 : i32
      %add3A_379 = arith.constant 3 : i32
      %add3A_380 = arith.addi %mul3A_378, %add3A_379 : i32
      %dma_start3A_381 = arith.constant 0 : i32
      %dma_start3A_382 = tpu.memref_slice %arg10[%add3A_380, %dma_start3A_381] : memref<128x64xf32, #tpu.memory_space<vmem>> -> memref<1x64xf32, #tpu.memory_space<vmem>>
      %dma_start3A_383 = tpu.memref_squeeze %dma_start3A_382 : memref<1x64xf32, #tpu.memory_space<vmem>> -> memref<64xf32, #tpu.memory_space<vmem>>
      %dma_start3A_384 = arith.constant 0 : i32
      %dma_start3A_385 = tpu.memref_slice %arg5[%squeeze3A_376, %dma_start3A_384] : memref<1000000x64xf32, #tpu.memory_space<hbm>> -> memref<1x64xf32, #tpu.memory_space<hbm>>
      %dma_start3A_386 = tpu.memref_squeeze %dma_start3A_385 : memref<1x64xf32, #tpu.memory_space<hbm>> -> memref<64xf32, #tpu.memory_space<hbm>>
      %dma_start3A_387 = arith.constant 0 : i32
      %dma_start3A_388 = tpu.memref_slice %arg10[%add3A_380, %dma_start3A_387] : memref<128x64xf32, #tpu.memory_space<vmem>> -> memref<1x64xf32, #tpu.memory_space<vmem>>
      %dma_start3A_389 = tpu.memref_squeeze %dma_start3A_388 : memref<1x64xf32, #tpu.memory_space<vmem>> -> memref<64xf32, #tpu.memory_space<vmem>>
      %dma_start3A_390 = arith.constant 0 : i32
      %dma_start3A_391 = tpu.memref_slice %arg5[%squeeze3A_376, %dma_start3A_390] : memref<1000000x64xf32, #tpu.memory_space<hbm>> -> memref<1x64xf32, #tpu.memory_space<hbm>>
      %dma_start3A_392 = tpu.memref_squeeze %dma_start3A_391 : memref<1x64xf32, #tpu.memory_space<hbm>> -> memref<64xf32, #tpu.memory_space<hbm>>
      tpu.enqueue_dma source(%dma_start3A_392 : memref<64xf32, #tpu.memory_space<hbm>>) target(%dma_start3A_389 : memref<64xf32, #tpu.memory_space<vmem>>) target_semaphore(%arg17 : memref<!tpu.dma_semaphore, #tpu.memory_space<semaphore_mem>>)
      %slice3A_393 = vector.extract_strided_slice %get3A_244 {offsets = [4], sizes = [1], strides = [1]} : vector<16xi32> to vector<1xi32>
      %squeeze3A_394 = vector.extract %slice3A_393[0] : i32 from vector<1xi32>
      %mul3A_395 = arith.constant 16 : i32
      %mul3A_396 = arith.muli %scan3A_237, %mul3A_395 : i32
      %add3A_397 = arith.constant 4 : i32
      %add3A_398 = arith.addi %mul3A_396, %add3A_397 : i32
      %dma_start3A_399 = arith.constant 0 : i32
      %dma_start3A_400 = tpu.memref_slice %arg8[%add3A_398, %dma_start3A_399] : memref<128x64xf32, #tpu.memory_space<vmem>> -> memref<1x64xf32, #tpu.memory_space<vmem>>
      %dma_start3A_401 = tpu.memref_squeeze %dma_start3A_400 : memref<1x64xf32, #tpu.memory_space<vmem>> -> memref<64xf32, #tpu.memory_space<vmem>>
      %dma_start3A_402 = arith.constant 0 : i32
      %dma_start3A_403 = tpu.memref_slice %arg4[%squeeze3A_394, %dma_start3A_402] : memref<1000000x64xf32, #tpu.memory_space<hbm>> -> memref<1x64xf32, #tpu.memory_space<hbm>>
      %dma_start3A_404 = tpu.memref_squeeze %dma_start3A_403 : memref<1x64xf32, #tpu.memory_space<hbm>> -> memref<64xf32, #tpu.memory_space<hbm>>
      %dma_start3A_405 = arith.constant 0 : i32
      %dma_start3A_406 = tpu.memref_slice %arg8[%add3A_398, %dma_start3A_405] : memref<128x64xf32, #tpu.memory_space<vmem>> -> memref<1x64xf32, #tpu.memory_space<vmem>>
      %dma_start3A_407 = tpu.memref_squeeze %dma_start3A_406 : memref<1x64xf32, #tpu.memory_space<vmem>> -> memref<64xf32, #tpu.memory_space<vmem>>
      %dma_start3A_408 = arith.constant 0 : i32
      %dma_start3A_409 = tpu.memref_slice %arg4[%squeeze3A_394, %dma_start3A_408] : memref<1000000x64xf32, #tpu.memory_space<hbm>> -> memref<1x64xf32, #tpu.memory_space<hbm>>
      %dma_start3A_410 = tpu.memref_squeeze %dma_start3A_409 : memref<1x64xf32, #tpu.memory_space<hbm>> -> memref<64xf32, #tpu.memory_space<hbm>>
      tpu.enqueue_dma source(%dma_start3A_410 : memref<64xf32, #tpu.memory_space<hbm>>) target(%dma_start3A_407 : memref<64xf32, #tpu.memory_space<vmem>>) target_semaphore(%arg14 : memref<!tpu.dma_semaphore, #tpu.memory_space<semaphore_mem>>)
      %slice3A_411 = vector.extract_strided_slice %get3A_251 {offsets = [4], sizes = [1], strides = [1]} : vector<16xi32> to vector<1xi32>
      %squeeze3A_412 = vector.extract %slice3A_411[0] : i32 from vector<1xi32>
      %mul3A_413 = arith.constant 16 : i32
      %mul3A_414 = arith.muli %scan3A_237, %mul3A_413 : i32
      %add3A_415 = arith.constant 4 : i32
      %add3A_416 = arith.addi %mul3A_414, %add3A_415 : i32
      %dma_start3A_417 = arith.constant 0 : i32
      %dma_start3A_418 = tpu.memref_slice %arg10[%add3A_416, %dma_start3A_417] : memref<128x64xf32, #tpu.memory_space<vmem>> -> memref<1x64xf32, #tpu.memory_space<vmem>>
      %dma_start3A_419 = tpu.memref_squeeze %dma_start3A_418 : memref<1x64xf32, #tpu.memory_space<vmem>> -> memref<64xf32, #tpu.memory_space<vmem>>
      %dma_start3A_420 = arith.constant 0 : i32
      %dma_start3A_421 = tpu.memref_slice %arg5[%squeeze3A_412, %dma_start3A_420] : memref<1000000x64xf32, #tpu.memory_space<hbm>> -> memref<1x64xf32, #tpu.memory_space<hbm>>
      %dma_start3A_422 = tpu.memref_squeeze %dma_start3A_421 : memref<1x64xf32, #tpu.memory_space<hbm>> -> memref<64xf32, #tpu.memory_space<hbm>>
      %dma_start3A_423 = arith.constant 0 : i32
      %dma_start3A_424 = tpu.memref_slice %arg10[%add3A_416, %dma_start3A_423] : memref<128x64xf32, #tpu.memory_space<vmem>> -> memref<1x64xf32, #tpu.memory_space<vmem>>
      %dma_start3A_425 = tpu.memref_squeeze %dma_start3A_424 : memref<1x64xf32, #tpu.memory_space<vmem>> -> memref<64xf32, #tpu.memory_space<vmem>>
      %dma_start3A_426 = arith.constant 0 : i32
      %dma_start3A_427 = tpu.memref_slice %arg5[%squeeze3A_412, %dma_start3A_426] : memref<1000000x64xf32, #tpu.memory_space<hbm>> -> memref<1x64xf32, #tpu.memory_space<hbm>>
      %dma_start3A_428 = tpu.memref_squeeze %dma_start3A_427 : memref<1x64xf32, #tpu.memory_space<hbm>> -> memref<64xf32, #tpu.memory_space<hbm>>
      tpu.enqueue_dma source(%dma_start3A_428 : memref<64xf32, #tpu.memory_space<hbm>>) target(%dma_start3A_425 : memref<64xf32, #tpu.memory_space<vmem>>) target_semaphore(%arg14 : memref<!tpu.dma_semaphore, #tpu.memory_space<semaphore_mem>>)
      %slice3A_429 = vector.extract_strided_slice %get3A_244 {offsets = [5], sizes = [1], strides = [1]} : vector<16xi32> to vector<1xi32>
      %squeeze3A_430 = vector.extract %slice3A_429[0] : i32 from vector<1xi32>
      %mul3A_431 = arith.constant 16 : i32
      %mul3A_432 = arith.muli %scan3A_237, %mul3A_431 : i32
      %add3A_433 = arith.constant 5 : i32
      %add3A_434 = arith.addi %mul3A_432, %add3A_433 : i32
      %dma_start3A_435 = arith.constant 0 : i32
      %dma_start3A_436 = tpu.memref_slice %arg8[%add3A_434, %dma_start3A_435] : memref<128x64xf32, #tpu.memory_space<vmem>> -> memref<1x64xf32, #tpu.memory_space<vmem>>
      %dma_start3A_437 = tpu.memref_squeeze %dma_start3A_436 : memref<1x64xf32, #tpu.memory_space<vmem>> -> memref<64xf32, #tpu.memory_space<vmem>>
      %dma_start3A_438 = arith.constant 0 : i32
      %dma_start3A_439 = tpu.memref_slice %arg4[%squeeze3A_430, %dma_start3A_438] : memref<1000000x64xf32, #tpu.memory_space<hbm>> -> memref<1x64xf32, #tpu.memory_space<hbm>>
      %dma_start3A_440 = tpu.memref_squeeze %dma_start3A_439 : memref<1x64xf32, #tpu.memory_space<hbm>> -> memref<64xf32, #tpu.memory_space<hbm>>
      %dma_start3A_441 = arith.constant 0 : i32
      %dma_start3A_442 = tpu.memref_slice %arg8[%add3A_434, %dma_start3A_441] : memref<128x64xf32, #tpu.memory_space<vmem>> -> memref<1x64xf32, #tpu.memory_space<vmem>>
      %dma_start3A_443 = tpu.memref_squeeze %dma_start3A_442 : memref<1x64xf32, #tpu.memory_space<vmem>> -> memref<64xf32, #tpu.memory_space<vmem>>
      %dma_start3A_444 = arith.constant 0 : i32
      %dma_start3A_445 = tpu.memref_slice %arg4[%squeeze3A_430, %dma_start3A_444] : memref<1000000x64xf32, #tpu.memory_space<hbm>> -> memref<1x64xf32, #tpu.memory_space<hbm>>
      %dma_start3A_446 = tpu.memref_squeeze %dma_start3A_445 : memref<1x64xf32, #tpu.memory_space<hbm>> -> memref<64xf32, #tpu.memory_space<hbm>>
      tpu.enqueue_dma source(%dma_start3A_446 : memref<64xf32, #tpu.memory_space<hbm>>) target(%dma_start3A_443 : memref<64xf32, #tpu.memory_space<vmem>>) target_semaphore(%arg15 : memref<!tpu.dma_semaphore, #tpu.memory_space<semaphore_mem>>)
      %slice3A_447 = vector.extract_strided_slice %get3A_251 {offsets = [5], sizes = [1], strides = [1]} : vector<16xi32> to vector<1xi32>
      %squeeze3A_448 = vector.extract %slice3A_447[0] : i32 from vector<1xi32>
      %mul3A_449 = arith.constant 16 : i32
      %mul3A_450 = arith.muli %scan3A_237, %mul3A_449 : i32
      %add3A_451 = arith.constant 5 : i32
      %add3A_452 = arith.addi %mul3A_450, %add3A_451 : i32
      %dma_start3A_453 = arith.constant 0 : i32
      %dma_start3A_454 = tpu.memref_slice %arg10[%add3A_452, %dma_start3A_453] : memref<128x64xf32, #tpu.memory_space<vmem>> -> memref<1x64xf32, #tpu.memory_space<vmem>>
      %dma_start3A_455 = tpu.memref_squeeze %dma_start3A_454 : memref<1x64xf32, #tpu.memory_space<vmem>> -> memref<64xf32, #tpu.memory_space<vmem>>
      %dma_start3A_456 = arith.constant 0 : i32
      %dma_start3A_457 = tpu.memref_slice %arg5[%squeeze3A_448, %dma_start3A_456] : memref<1000000x64xf32, #tpu.memory_space<hbm>> -> memref<1x64xf32, #tpu.memory_space<hbm>>
      %dma_start3A_458 = tpu.memref_squeeze %dma_start3A_457 : memref<1x64xf32, #tpu.memory_space<hbm>> -> memref<64xf32, #tpu.memory_space<hbm>>
      %dma_start3A_459 = arith.constant 0 : i32
      %dma_start3A_460 = tpu.memref_slice %arg10[%add3A_452, %dma_start3A_459] : memref<128x64xf32, #tpu.memory_space<vmem>> -> memref<1x64xf32, #tpu.memory_space<vmem>>
      %dma_start3A_461 = tpu.memref_squeeze %dma_start3A_460 : memref<1x64xf32, #tpu.memory_space<vmem>> -> memref<64xf32, #tpu.memory_space<vmem>>
      %dma_start3A_462 = arith.constant 0 : i32
      %dma_start3A_463 = tpu.memref_slice %arg5[%squeeze3A_448, %dma_start3A_462] : memref<1000000x64xf32, #tpu.memory_space<hbm>> -> memref<1x64xf32, #tpu.memory_space<hbm>>
      %dma_start3A_464 = tpu.memref_squeeze %dma_start3A_463 : memref<1x64xf32, #tpu.memory_space<hbm>> -> memref<64xf32, #tpu.memory_space<hbm>>
      tpu.enqueue_dma source(%dma_start3A_464 : memref<64xf32, #tpu.memory_space<hbm>>) target(%dma_start3A_461 : memref<64xf32, #tpu.memory_space<vmem>>) target_semaphore(%arg15 : memref<!tpu.dma_semaphore, #tpu.memory_space<semaphore_mem>>)
      %slice3A_465 = vector.extract_strided_slice %get3A_244 {offsets = [6], sizes = [1], strides = [1]} : vector<16xi32> to vector<1xi32>
      %squeeze3A_466 = vector.extract %slice3A_465[0] : i32 from vector<1xi32>
      %mul3A_467 = arith.constant 16 : i32
      %mul3A_468 = arith.muli %scan3A_237, %mul3A_467 : i32
      %add3A_469 = arith.constant 6 : i32
      %add3A_470 = arith.addi %mul3A_468, %add3A_469 : i32
      %dma_start3A_471 = arith.constant 0 : i32
      %dma_start3A_472 = tpu.memref_slice %arg8[%add3A_470, %dma_start3A_471] : memref<128x64xf32, #tpu.memory_space<vmem>> -> memref<1x64xf32, #tpu.memory_space<vmem>>
      %dma_start3A_473 = tpu.memref_squeeze %dma_start3A_472 : memref<1x64xf32, #tpu.memory_space<vmem>> -> memref<64xf32, #tpu.memory_space<vmem>>
      %dma_start3A_474 = arith.constant 0 : i32
      %dma_start3A_475 = tpu.memref_slice %arg4[%squeeze3A_466, %dma_start3A_474] : memref<1000000x64xf32, #tpu.memory_space<hbm>> -> memref<1x64xf32, #tpu.memory_space<hbm>>
      %dma_start3A_476 = tpu.memref_squeeze %dma_start3A_475 : memref<1x64xf32, #tpu.memory_space<hbm>> -> memref<64xf32, #tpu.memory_space<hbm>>
      %dma_start3A_477 = arith.constant 0 : i32
      %dma_start3A_478 = tpu.memref_slice %arg8[%add3A_470, %dma_start3A_477] : memref<128x64xf32, #tpu.memory_space<vmem>> -> memref<1x64xf32, #tpu.memory_space<vmem>>
      %dma_start3A_479 = tpu.memref_squeeze %dma_start3A_478 : memref<1x64xf32, #tpu.memory_space<vmem>> -> memref<64xf32, #tpu.memory_space<vmem>>
      %dma_start3A_480 = arith.constant 0 : i32
      %dma_start3A_481 = tpu.memref_slice %arg4[%squeeze3A_466, %dma_start3A_480] : memref<1000000x64xf32, #tpu.memory_space<hbm>> -> memref<1x64xf32, #tpu.memory_space<hbm>>
      %dma_start3A_482 = tpu.memref_squeeze %dma_start3A_481 : memref<1x64xf32, #tpu.memory_space<hbm>> -> memref<64xf32, #tpu.memory_space<hbm>>
      tpu.enqueue_dma source(%dma_start3A_482 : memref<64xf32, #tpu.memory_space<hbm>>) target(%dma_start3A_479 : memref<64xf32, #tpu.memory_space<vmem>>) target_semaphore(%arg16 : memref<!tpu.dma_semaphore, #tpu.memory_space<semaphore_mem>>)
      %slice3A_483 = vector.extract_strided_slice %get3A_251 {offsets = [6], sizes = [1], strides = [1]} : vector<16xi32> to vector<1xi32>
      %squeeze3A_484 = vector.extract %slice3A_483[0] : i32 from vector<1xi32>
      %mul3A_485 = arith.constant 16 : i32
      %mul3A_486 = arith.muli %scan3A_237, %mul3A_485 : i32
      %add3A_487 = arith.constant 6 : i32
      %add3A_488 = arith.addi %mul3A_486, %add3A_487 : i32
      %dma_start3A_489 = arith.constant 0 : i32
      %dma_start3A_490 = tpu.memref_slice %arg10[%add3A_488, %dma_start3A_489] : memref<128x64xf32, #tpu.memory_space<vmem>> -> memref<1x64xf32, #tpu.memory_space<vmem>>
      %dma_start3A_491 = tpu.memref_squeeze %dma_start3A_490 : memref<1x64xf32, #tpu.memory_space<vmem>> -> memref<64xf32, #tpu.memory_space<vmem>>
      %dma_start3A_492 = arith.constant 0 : i32
      %dma_start3A_493 = tpu.memref_slice %arg5[%squeeze3A_484, %dma_start3A_492] : memref<1000000x64xf32, #tpu.memory_space<hbm>> -> memref<1x64xf32, #tpu.memory_space<hbm>>
      %dma_start3A_494 = tpu.memref_squeeze %dma_start3A_493 : memref<1x64xf32, #tpu.memory_space<hbm>> -> memref<64xf32, #tpu.memory_space<hbm>>
      %dma_start3A_495 = arith.constant 0 : i32
      %dma_start3A_496 = tpu.memref_slice %arg10[%add3A_488, %dma_start3A_495] : memref<128x64xf32, #tpu.memory_space<vmem>> -> memref<1x64xf32, #tpu.memory_space<vmem>>
      %dma_start3A_497 = tpu.memref_squeeze %dma_start3A_496 : memref<1x64xf32, #tpu.memory_space<vmem>> -> memref<64xf32, #tpu.memory_space<vmem>>
      %dma_start3A_498 = arith.constant 0 : i32
      %dma_start3A_499 = tpu.memref_slice %arg5[%squeeze3A_484, %dma_start3A_498] : memref<1000000x64xf32, #tpu.memory_space<hbm>> -> memref<1x64xf32, #tpu.memory_space<hbm>>
      %dma_start3A_500 = tpu.memref_squeeze %dma_start3A_499 : memref<1x64xf32, #tpu.memory_space<hbm>> -> memref<64xf32, #tpu.memory_space<hbm>>
      tpu.enqueue_dma source(%dma_start3A_500 : memref<64xf32, #tpu.memory_space<hbm>>) target(%dma_start3A_497 : memref<64xf32, #tpu.memory_space<vmem>>) target_semaphore(%arg16 : memref<!tpu.dma_semaphore, #tpu.memory_space<semaphore_mem>>)
      %slice3A_501 = vector.extract_strided_slice %get3A_244 {offsets = [7], sizes = [1], strides = [1]} : vector<16xi32> to vector<1xi32>
      %squeeze3A_502 = vector.extract %slice3A_501[0] : i32 from vector<1xi32>
      %mul3A_503 = arith.constant 16 : i32
      %mul3A_504 = arith.muli %scan3A_237, %mul3A_503 : i32
      %add3A_505 = arith.constant 7 : i32
      %add3A_506 = arith.addi %mul3A_504, %add3A_505 : i32
      %dma_start3A_507 = arith.constant 0 : i32
      %dma_start3A_508 = tpu.memref_slice %arg8[%add3A_506, %dma_start3A_507] : memref<128x64xf32, #tpu.memory_space<vmem>> -> memref<1x64xf32, #tpu.memory_space<vmem>>
      %dma_start3A_509 = tpu.memref_squeeze %dma_start3A_508 : memref<1x64xf32, #tpu.memory_space<vmem>> -> memref<64xf32, #tpu.memory_space<vmem>>
      %dma_start3A_510 = arith.constant 0 : i32
      %dma_start3A_511 = tpu.memref_slice %arg4[%squeeze3A_502, %dma_start3A_510] : memref<1000000x64xf32, #tpu.memory_space<hbm>> -> memref<1x64xf32, #tpu.memory_space<hbm>>
      %dma_start3A_512 = tpu.memref_squeeze %dma_start3A_511 : memref<1x64xf32, #tpu.memory_space<hbm>> -> memref<64xf32, #tpu.memory_space<hbm>>
      %dma_start3A_513 = arith.constant 0 : i32
      %dma_start3A_514 = tpu.memref_slice %arg8[%add3A_506, %dma_start3A_513] : memref<128x64xf32, #tpu.memory_space<vmem>> -> memref<1x64xf32, #tpu.memory_space<vmem>>
      %dma_start3A_515 = tpu.memref_squeeze %dma_start3A_514 : memref<1x64xf32, #tpu.memory_space<vmem>> -> memref<64xf32, #tpu.memory_space<vmem>>
      %dma_start3A_516 = arith.constant 0 : i32
      %dma_start3A_517 = tpu.memref_slice %arg4[%squeeze3A_502, %dma_start3A_516] : memref<1000000x64xf32, #tpu.memory_space<hbm>> -> memref<1x64xf32, #tpu.memory_space<hbm>>
      %dma_start3A_518 = tpu.memref_squeeze %dma_start3A_517 : memref<1x64xf32, #tpu.memory_space<hbm>> -> memref<64xf32, #tpu.memory_space<hbm>>
      tpu.enqueue_dma source(%dma_start3A_518 : memref<64xf32, #tpu.memory_space<hbm>>) target(%dma_start3A_515 : memref<64xf32, #tpu.memory_space<vmem>>) target_semaphore(%arg17 : memref<!tpu.dma_semaphore, #tpu.memory_space<semaphore_mem>>)
      %slice3A_519 = vector.extract_strided_slice %get3A_251 {offsets = [7], sizes = [1], strides = [1]} : vector<16xi32> to vector<1xi32>
      %squeeze3A_520 = vector.extract %slice3A_519[0] : i32 from vector<1xi32>
      %mul3A_521 = arith.constant 16 : i32
      %mul3A_522 = arith.muli %scan3A_237, %mul3A_521 : i32
      %add3A_523 = arith.constant 7 : i32
      %add3A_524 = arith.addi %mul3A_522, %add3A_523 : i32
      %dma_start3A_525 = arith.constant 0 : i32
      %dma_start3A_526 = tpu.memref_slice %arg10[%add3A_524, %dma_start3A_525] : memref<128x64xf32, #tpu.memory_space<vmem>> -> memref<1x64xf32, #tpu.memory_space<vmem>>
      %dma_start3A_527 = tpu.memref_squeeze %dma_start3A_526 : memref<1x64xf32, #tpu.memory_space<vmem>> -> memref<64xf32, #tpu.memory_space<vmem>>
      %dma_start3A_528 = arith.constant 0 : i32
      %dma_start3A_529 = tpu.memref_slice %arg5[%squeeze3A_520, %dma_start3A_528] : memref<1000000x64xf32, #tpu.memory_space<hbm>> -> memref<1x64xf32, #tpu.memory_space<hbm>>
      %dma_start3A_530 = tpu.memref_squeeze %dma_start3A_529 : memref<1x64xf32, #tpu.memory_space<hbm>> -> memref<64xf32, #tpu.memory_space<hbm>>
      %dma_start3A_531 = arith.constant 0 : i32
      %dma_start3A_532 = tpu.memref_slice %arg10[%add3A_524, %dma_start3A_531] : memref<128x64xf32, #tpu.memory_space<vmem>> -> memref<1x64xf32, #tpu.memory_space<vmem>>
      %dma_start3A_533 = tpu.memref_squeeze %dma_start3A_532 : memref<1x64xf32, #tpu.memory_space<vmem>> -> memref<64xf32, #tpu.memory_space<vmem>>
      %dma_start3A_534 = arith.constant 0 : i32
      %dma_start3A_535 = tpu.memref_slice %arg5[%squeeze3A_520, %dma_start3A_534] : memref<1000000x64xf32, #tpu.memory_space<hbm>> -> memref<1x64xf32, #tpu.memory_space<hbm>>
      %dma_start3A_536 = tpu.memref_squeeze %dma_start3A_535 : memref<1x64xf32, #tpu.memory_space<hbm>> -> memref<64xf32, #tpu.memory_space<hbm>>
      tpu.enqueue_dma source(%dma_start3A_536 : memref<64xf32, #tpu.memory_space<hbm>>) target(%dma_start3A_533 : memref<64xf32, #tpu.memory_space<vmem>>) target_semaphore(%arg17 : memref<!tpu.dma_semaphore, #tpu.memory_space<semaphore_mem>>)
      %slice3A_537 = vector.extract_strided_slice %get3A_244 {offsets = [8], sizes = [1], strides = [1]} : vector<16xi32> to vector<1xi32>
      %squeeze3A_538 = vector.extract %slice3A_537[0] : i32 from vector<1xi32>
      %mul3A_539 = arith.constant 16 : i32
      %mul3A_540 = arith.muli %scan3A_237, %mul3A_539 : i32
      %add3A_541 = arith.constant 8 : i32
      %add3A_542 = arith.addi %mul3A_540, %add3A_541 : i32
      %dma_start3A_543 = arith.constant 0 : i32
      %dma_start3A_544 = tpu.memref_slice %arg8[%add3A_542, %dma_start3A_543] : memref<128x64xf32, #tpu.memory_space<vmem>> -> memref<1x64xf32, #tpu.memory_space<vmem>>
      %dma_start3A_545 = tpu.memref_squeeze %dma_start3A_544 : memref<1x64xf32, #tpu.memory_space<vmem>> -> memref<64xf32, #tpu.memory_space<vmem>>
      %dma_start3A_546 = arith.constant 0 : i32
      %dma_start3A_547 = tpu.memref_slice %arg4[%squeeze3A_538, %dma_start3A_546] : memref<1000000x64xf32, #tpu.memory_space<hbm>> -> memref<1x64xf32, #tpu.memory_space<hbm>>
      %dma_start3A_548 = tpu.memref_squeeze %dma_start3A_547 : memref<1x64xf32, #tpu.memory_space<hbm>> -> memref<64xf32, #tpu.memory_space<hbm>>
      %dma_start3A_549 = arith.constant 0 : i32
      %dma_start3A_550 = tpu.memref_slice %arg8[%add3A_542, %dma_start3A_549] : memref<128x64xf32, #tpu.memory_space<vmem>> -> memref<1x64xf32, #tpu.memory_space<vmem>>
      %dma_start3A_551 = tpu.memref_squeeze %dma_start3A_550 : memref<1x64xf32, #tpu.memory_space<vmem>> -> memref<64xf32, #tpu.memory_space<vmem>>
      %dma_start3A_552 = arith.constant 0 : i32
      %dma_start3A_553 = tpu.memref_slice %arg4[%squeeze3A_538, %dma_start3A_552] : memref<1000000x64xf32, #tpu.memory_space<hbm>> -> memref<1x64xf32, #tpu.memory_space<hbm>>
      %dma_start3A_554 = tpu.memref_squeeze %dma_start3A_553 : memref<1x64xf32, #tpu.memory_space<hbm>> -> memref<64xf32, #tpu.memory_space<hbm>>
      tpu.enqueue_dma source(%dma_start3A_554 : memref<64xf32, #tpu.memory_space<hbm>>) target(%dma_start3A_551 : memref<64xf32, #tpu.memory_space<vmem>>) target_semaphore(%arg14 : memref<!tpu.dma_semaphore, #tpu.memory_space<semaphore_mem>>)
      %slice3A_555 = vector.extract_strided_slice %get3A_251 {offsets = [8], sizes = [1], strides = [1]} : vector<16xi32> to vector<1xi32>
      %squeeze3A_556 = vector.extract %slice3A_555[0] : i32 from vector<1xi32>
      %mul3A_557 = arith.constant 16 : i32
      %mul3A_558 = arith.muli %scan3A_237, %mul3A_557 : i32
      %add3A_559 = arith.constant 8 : i32
      %add3A_560 = arith.addi %mul3A_558, %add3A_559 : i32
      %dma_start3A_561 = arith.constant 0 : i32
      %dma_start3A_562 = tpu.memref_slice %arg10[%add3A_560, %dma_start3A_561] : memref<128x64xf32, #tpu.memory_space<vmem>> -> memref<1x64xf32, #tpu.memory_space<vmem>>
      %dma_start3A_563 = tpu.memref_squeeze %dma_start3A_562 : memref<1x64xf32, #tpu.memory_space<vmem>> -> memref<64xf32, #tpu.memory_space<vmem>>
      %dma_start3A_564 = arith.constant 0 : i32
      %dma_start3A_565 = tpu.memref_slice %arg5[%squeeze3A_556, %dma_start3A_564] : memref<1000000x64xf32, #tpu.memory_space<hbm>> -> memref<1x64xf32, #tpu.memory_space<hbm>>
      %dma_start3A_566 = tpu.memref_squeeze %dma_start3A_565 : memref<1x64xf32, #tpu.memory_space<hbm>> -> memref<64xf32, #tpu.memory_space<hbm>>
      %dma_start3A_567 = arith.constant 0 : i32
      %dma_start3A_568 = tpu.memref_slice %arg10[%add3A_560, %dma_start3A_567] : memref<128x64xf32, #tpu.memory_space<vmem>> -> memref<1x64xf32, #tpu.memory_space<vmem>>
      %dma_start3A_569 = tpu.memref_squeeze %dma_start3A_568 : memref<1x64xf32, #tpu.memory_space<vmem>> -> memref<64xf32, #tpu.memory_space<vmem>>
      %dma_start3A_570 = arith.constant 0 : i32
      %dma_start3A_571 = tpu.memref_slice %arg5[%squeeze3A_556, %dma_start3A_570] : memref<1000000x64xf32, #tpu.memory_space<hbm>> -> memref<1x64xf32, #tpu.memory_space<hbm>>
      %dma_start3A_572 = tpu.memref_squeeze %dma_start3A_571 : memref<1x64xf32, #tpu.memory_space<hbm>> -> memref<64xf32, #tpu.memory_space<hbm>>
      tpu.enqueue_dma source(%dma_start3A_572 : memref<64xf32, #tpu.memory_space<hbm>>) target(%dma_start3A_569 : memref<64xf32, #tpu.memory_space<vmem>>) target_semaphore(%arg14 : memref<!tpu.dma_semaphore, #tpu.memory_space<semaphore_mem>>)
      %slice3A_573 = vector.extract_strided_slice %get3A_244 {offsets = [9], sizes = [1], strides = [1]} : vector<16xi32> to vector<1xi32>
      %squeeze3A_574 = vector.extract %slice3A_573[0] : i32 from vector<1xi32>
      %mul3A_575 = arith.constant 16 : i32
      %mul3A_576 = arith.muli %scan3A_237, %mul3A_575 : i32
      %add3A_577 = arith.constant 9 : i32
      %add3A_578 = arith.addi %mul3A_576, %add3A_577 : i32
      %dma_start3A_579 = arith.constant 0 : i32
      %dma_start3A_580 = tpu.memref_slice %arg8[%add3A_578, %dma_start3A_579] : memref<128x64xf32, #tpu.memory_space<vmem>> -> memref<1x64xf32, #tpu.memory_space<vmem>>
      %dma_start3A_581 = tpu.memref_squeeze %dma_start3A_580 : memref<1x64xf32, #tpu.memory_space<vmem>> -> memref<64xf32, #tpu.memory_space<vmem>>
      %dma_start3A_582 = arith.constant 0 : i32
      %dma_start3A_583 = tpu.memref_slice %arg4[%squeeze3A_574, %dma_start3A_582] : memref<1000000x64xf32, #tpu.memory_space<hbm>> -> memref<1x64xf32, #tpu.memory_space<hbm>>
      %dma_start3A_584 = tpu.memref_squeeze %dma_start3A_583 : memref<1x64xf32, #tpu.memory_space<hbm>> -> memref<64xf32, #tpu.memory_space<hbm>>
      %dma_start3A_585 = arith.constant 0 : i32
      %dma_start3A_586 = tpu.memref_slice %arg8[%add3A_578, %dma_start3A_585] : memref<128x64xf32, #tpu.memory_space<vmem>> -> memref<1x64xf32, #tpu.memory_space<vmem>>
      %dma_start3A_587 = tpu.memref_squeeze %dma_start3A_586 : memref<1x64xf32, #tpu.memory_space<vmem>> -> memref<64xf32, #tpu.memory_space<vmem>>
      %dma_start3A_588 = arith.constant 0 : i32
      %dma_start3A_589 = tpu.memref_slice %arg4[%squeeze3A_574, %dma_start3A_588] : memref<1000000x64xf32, #tpu.memory_space<hbm>> -> memref<1x64xf32, #tpu.memory_space<hbm>>
      %dma_start3A_590 = tpu.memref_squeeze %dma_start3A_589 : memref<1x64xf32, #tpu.memory_space<hbm>> -> memref<64xf32, #tpu.memory_space<hbm>>
      tpu.enqueue_dma source(%dma_start3A_590 : memref<64xf32, #tpu.memory_space<hbm>>) target(%dma_start3A_587 : memref<64xf32, #tpu.memory_space<vmem>>) target_semaphore(%arg15 : memref<!tpu.dma_semaphore, #tpu.memory_space<semaphore_mem>>)
      %slice3A_591 = vector.extract_strided_slice %get3A_251 {offsets = [9], sizes = [1], strides = [1]} : vector<16xi32> to vector<1xi32>
      %squeeze3A_592 = vector.extract %slice3A_591[0] : i32 from vector<1xi32>
      %mul3A_593 = arith.constant 16 : i32
      %mul3A_594 = arith.muli %scan3A_237, %mul3A_593 : i32
      %add3A_595 = arith.constant 9 : i32
      %add3A_596 = arith.addi %mul3A_594, %add3A_595 : i32
      %dma_start3A_597 = arith.constant 0 : i32
      %dma_start3A_598 = tpu.memref_slice %arg10[%add3A_596, %dma_start3A_597] : memref<128x64xf32, #tpu.memory_space<vmem>> -> memref<1x64xf32, #tpu.memory_space<vmem>>
      %dma_start3A_599 = tpu.memref_squeeze %dma_start3A_598 : memref<1x64xf32, #tpu.memory_space<vmem>> -> memref<64xf32, #tpu.memory_space<vmem>>
      %dma_start3A_600 = arith.constant 0 : i32
      %dma_start3A_601 = tpu.memref_slice %arg5[%squeeze3A_592, %dma_start3A_600] : memref<1000000x64xf32, #tpu.memory_space<hbm>> -> memref<1x64xf32, #tpu.memory_space<hbm>>
      %dma_start3A_602 = tpu.memref_squeeze %dma_start3A_601 : memref<1x64xf32, #tpu.memory_space<hbm>> -> memref<64xf32, #tpu.memory_space<hbm>>
      %dma_start3A_603 = arith.constant 0 : i32
      %dma_start3A_604 = tpu.memref_slice %arg10[%add3A_596, %dma_start3A_603] : memref<128x64xf32, #tpu.memory_space<vmem>> -> memref<1x64xf32, #tpu.memory_space<vmem>>
      %dma_start3A_605 = tpu.memref_squeeze %dma_start3A_604 : memref<1x64xf32, #tpu.memory_space<vmem>> -> memref<64xf32, #tpu.memory_space<vmem>>
      %dma_start3A_606 = arith.constant 0 : i32
      %dma_start3A_607 = tpu.memref_slice %arg5[%squeeze3A_592, %dma_start3A_606] : memref<1000000x64xf32, #tpu.memory_space<hbm>> -> memref<1x64xf32, #tpu.memory_space<hbm>>
      %dma_start3A_608 = tpu.memref_squeeze %dma_start3A_607 : memref<1x64xf32, #tpu.memory_space<hbm>> -> memref<64xf32, #tpu.memory_space<hbm>>
      tpu.enqueue_dma source(%dma_start3A_608 : memref<64xf32, #tpu.memory_space<hbm>>) target(%dma_start3A_605 : memref<64xf32, #tpu.memory_space<vmem>>) target_semaphore(%arg15 : memref<!tpu.dma_semaphore, #tpu.memory_space<semaphore_mem>>)
      %slice3A_609 = vector.extract_strided_slice %get3A_244 {offsets = [10], sizes = [1], strides = [1]} : vector<16xi32> to vector<1xi32>
      %squeeze3A_610 = vector.extract %slice3A_609[0] : i32 from vector<1xi32>
      %mul3A_611 = arith.constant 16 : i32
      %mul3A_612 = arith.muli %scan3A_237, %mul3A_611 : i32
      %add3A_613 = arith.constant 10 : i32
      %add3A_614 = arith.addi %mul3A_612, %add3A_613 : i32
      %dma_start3A_615 = arith.constant 0 : i32
      %dma_start3A_616 = tpu.memref_slice %arg8[%add3A_614, %dma_start3A_615] : memref<128x64xf32, #tpu.memory_space<vmem>> -> memref<1x64xf32, #tpu.memory_space<vmem>>
      %dma_start3A_617 = tpu.memref_squeeze %dma_start3A_616 : memref<1x64xf32, #tpu.memory_space<vmem>> -> memref<64xf32, #tpu.memory_space<vmem>>
      %dma_start3A_618 = arith.constant 0 : i32
      %dma_start3A_619 = tpu.memref_slice %arg4[%squeeze3A_610, %dma_start3A_618] : memref<1000000x64xf32, #tpu.memory_space<hbm>> -> memref<1x64xf32, #tpu.memory_space<hbm>>
      %dma_start3A_620 = tpu.memref_squeeze %dma_start3A_619 : memref<1x64xf32, #tpu.memory_space<hbm>> -> memref<64xf32, #tpu.memory_space<hbm>>
      %dma_start3A_621 = arith.constant 0 : i32
      %dma_start3A_622 = tpu.memref_slice %arg8[%add3A_614, %dma_start3A_621] : memref<128x64xf32, #tpu.memory_space<vmem>> -> memref<1x64xf32, #tpu.memory_space<vmem>>
      %dma_start3A_623 = tpu.memref_squeeze %dma_start3A_622 : memref<1x64xf32, #tpu.memory_space<vmem>> -> memref<64xf32, #tpu.memory_space<vmem>>
      %dma_start3A_624 = arith.constant 0 : i32
      %dma_start3A_625 = tpu.memref_slice %arg4[%squeeze3A_610, %dma_start3A_624] : memref<1000000x64xf32, #tpu.memory_space<hbm>> -> memref<1x64xf32, #tpu.memory_space<hbm>>
      %dma_start3A_626 = tpu.memref_squeeze %dma_start3A_625 : memref<1x64xf32, #tpu.memory_space<hbm>> -> memref<64xf32, #tpu.memory_space<hbm>>
      tpu.enqueue_dma source(%dma_start3A_626 : memref<64xf32, #tpu.memory_space<hbm>>) target(%dma_start3A_623 : memref<64xf32, #tpu.memory_space<vmem>>) target_semaphore(%arg16 : memref<!tpu.dma_semaphore, #tpu.memory_space<semaphore_mem>>)
      %slice3A_627 = vector.extract_strided_slice %get3A_251 {offsets = [10], sizes = [1], strides = [1]} : vector<16xi32> to vector<1xi32>
      %squeeze3A_628 = vector.extract %slice3A_627[0] : i32 from vector<1xi32>
      %mul3A_629 = arith.constant 16 : i32
      %mul3A_630 = arith.muli %scan3A_237, %mul3A_629 : i32
      %add3A_631 = arith.constant 10 : i32
      %add3A_632 = arith.addi %mul3A_630, %add3A_631 : i32
      %dma_start3A_633 = arith.constant 0 : i32
      %dma_start3A_634 = tpu.memref_slice %arg10[%add3A_632, %dma_start3A_633] : memref<128x64xf32, #tpu.memory_space<vmem>> -> memref<1x64xf32, #tpu.memory_space<vmem>>
      %dma_start3A_635 = tpu.memref_squeeze %dma_start3A_634 : memref<1x64xf32, #tpu.memory_space<vmem>> -> memref<64xf32, #tpu.memory_space<vmem>>
      %dma_start3A_636 = arith.constant 0 : i32
      %dma_start3A_637 = tpu.memref_slice %arg5[%squeeze3A_628, %dma_start3A_636] : memref<1000000x64xf32, #tpu.memory_space<hbm>> -> memref<1x64xf32, #tpu.memory_space<hbm>>
      %dma_start3A_638 = tpu.memref_squeeze %dma_start3A_637 : memref<1x64xf32, #tpu.memory_space<hbm>> -> memref<64xf32, #tpu.memory_space<hbm>>
      %dma_start3A_639 = arith.constant 0 : i32
      %dma_start3A_640 = tpu.memref_slice %arg10[%add3A_632, %dma_start3A_639] : memref<128x64xf32, #tpu.memory_space<vmem>> -> memref<1x64xf32, #tpu.memory_space<vmem>>
      %dma_start3A_641 = tpu.memref_squeeze %dma_start3A_640 : memref<1x64xf32, #tpu.memory_space<vmem>> -> memref<64xf32, #tpu.memory_space<vmem>>
      %dma_start3A_642 = arith.constant 0 : i32
      %dma_start3A_643 = tpu.memref_slice %arg5[%squeeze3A_628, %dma_start3A_642] : memref<1000000x64xf32, #tpu.memory_space<hbm>> -> memref<1x64xf32, #tpu.memory_space<hbm>>
      %dma_start3A_644 = tpu.memref_squeeze %dma_start3A_643 : memref<1x64xf32, #tpu.memory_space<hbm>> -> memref<64xf32, #tpu.memory_space<hbm>>
      tpu.enqueue_dma source(%dma_start3A_644 : memref<64xf32, #tpu.memory_space<hbm>>) target(%dma_start3A_641 : memref<64xf32, #tpu.memory_space<vmem>>) target_semaphore(%arg16 : memref<!tpu.dma_semaphore, #tpu.memory_space<semaphore_mem>>)
      %slice3A_645 = vector.extract_strided_slice %get3A_244 {offsets = [11], sizes = [1], strides = [1]} : vector<16xi32> to vector<1xi32>
      %squeeze3A_646 = vector.extract %slice3A_645[0] : i32 from vector<1xi32>
      %mul3A_647 = arith.constant 16 : i32
      %mul3A_648 = arith.muli %scan3A_237, %mul3A_647 : i32
      %add3A_649 = arith.constant 11 : i32
      %add3A_650 = arith.addi %mul3A_648, %add3A_649 : i32
      %dma_start3A_651 = arith.constant 0 : i32
      %dma_start3A_652 = tpu.memref_slice %arg8[%add3A_650, %dma_start3A_651] : memref<128x64xf32, #tpu.memory_space<vmem>> -> memref<1x64xf32, #tpu.memory_space<vmem>>
      %dma_start3A_653 = tpu.memref_squeeze %dma_start3A_652 : memref<1x64xf32, #tpu.memory_space<vmem>> -> memref<64xf32, #tpu.memory_space<vmem>>
      %dma_start3A_654 = arith.constant 0 : i32
      %dma_start3A_655 = tpu.memref_slice %arg4[%squeeze3A_646, %dma_start3A_654] : memref<1000000x64xf32, #tpu.memory_space<hbm>> -> memref<1x64xf32, #tpu.memory_space<hbm>>
      %dma_start3A_656 = tpu.memref_squeeze %dma_start3A_655 : memref<1x64xf32, #tpu.memory_space<hbm>> -> memref<64xf32, #tpu.memory_space<hbm>>
      %dma_start3A_657 = arith.constant 0 : i32
      %dma_start3A_658 = tpu.memref_slice %arg8[%add3A_650, %dma_start3A_657] : memref<128x64xf32, #tpu.memory_space<vmem>> -> memref<1x64xf32, #tpu.memory_space<vmem>>
      %dma_start3A_659 = tpu.memref_squeeze %dma_start3A_658 : memref<1x64xf32, #tpu.memory_space<vmem>> -> memref<64xf32, #tpu.memory_space<vmem>>
      %dma_start3A_660 = arith.constant 0 : i32
      %dma_start3A_661 = tpu.memref_slice %arg4[%squeeze3A_646, %dma_start3A_660] : memref<1000000x64xf32, #tpu.memory_space<hbm>> -> memref<1x64xf32, #tpu.memory_space<hbm>>
      %dma_start3A_662 = tpu.memref_squeeze %dma_start3A_661 : memref<1x64xf32, #tpu.memory_space<hbm>> -> memref<64xf32, #tpu.memory_space<hbm>>
      tpu.enqueue_dma source(%dma_start3A_662 : memref<64xf32, #tpu.memory_space<hbm>>) target(%dma_start3A_659 : memref<64xf32, #tpu.memory_space<vmem>>) target_semaphore(%arg17 : memref<!tpu.dma_semaphore, #tpu.memory_space<semaphore_mem>>)
      %slice3A_663 = vector.extract_strided_slice %get3A_251 {offsets = [11], sizes = [1], strides = [1]} : vector<16xi32> to vector<1xi32>
      %squeeze3A_664 = vector.extract %slice3A_663[0] : i32 from vector<1xi32>
      %mul3A_665 = arith.constant 16 : i32
      %mul3A_666 = arith.muli %scan3A_237, %mul3A_665 : i32
      %add3A_667 = arith.constant 11 : i32
      %add3A_668 = arith.addi %mul3A_666, %add3A_667 : i32
      %dma_start3A_669 = arith.constant 0 : i32
      %dma_start3A_670 = tpu.memref_slice %arg10[%add3A_668, %dma_start3A_669] : memref<128x64xf32, #tpu.memory_space<vmem>> -> memref<1x64xf32, #tpu.memory_space<vmem>>
      %dma_start3A_671 = tpu.memref_squeeze %dma_start3A_670 : memref<1x64xf32, #tpu.memory_space<vmem>> -> memref<64xf32, #tpu.memory_space<vmem>>
      %dma_start3A_672 = arith.constant 0 : i32
      %dma_start3A_673 = tpu.memref_slice %arg5[%squeeze3A_664, %dma_start3A_672] : memref<1000000x64xf32, #tpu.memory_space<hbm>> -> memref<1x64xf32, #tpu.memory_space<hbm>>
      %dma_start3A_674 = tpu.memref_squeeze %dma_start3A_673 : memref<1x64xf32, #tpu.memory_space<hbm>> -> memref<64xf32, #tpu.memory_space<hbm>>
      %dma_start3A_675 = arith.constant 0 : i32
      %dma_start3A_676 = tpu.memref_slice %arg10[%add3A_668, %dma_start3A_675] : memref<128x64xf32, #tpu.memory_space<vmem>> -> memref<1x64xf32, #tpu.memory_space<vmem>>
      %dma_start3A_677 = tpu.memref_squeeze %dma_start3A_676 : memref<1x64xf32, #tpu.memory_space<vmem>> -> memref<64xf32, #tpu.memory_space<vmem>>
      %dma_start3A_678 = arith.constant 0 : i32
      %dma_start3A_679 = tpu.memref_slice %arg5[%squeeze3A_664, %dma_start3A_678] : memref<1000000x64xf32, #tpu.memory_space<hbm>> -> memref<1x64xf32, #tpu.memory_space<hbm>>
      %dma_start3A_680 = tpu.memref_squeeze %dma_start3A_679 : memref<1x64xf32, #tpu.memory_space<hbm>> -> memref<64xf32, #tpu.memory_space<hbm>>
      tpu.enqueue_dma source(%dma_start3A_680 : memref<64xf32, #tpu.memory_space<hbm>>) target(%dma_start3A_677 : memref<64xf32, #tpu.memory_space<vmem>>) target_semaphore(%arg17 : memref<!tpu.dma_semaphore, #tpu.memory_space<semaphore_mem>>)
      %slice3A_681 = vector.extract_strided_slice %get3A_244 {offsets = [12], sizes = [1], strides = [1]} : vector<16xi32> to vector<1xi32>
      %squeeze3A_682 = vector.extract %slice3A_681[0] : i32 from vector<1xi32>
      %mul3A_683 = arith.constant 16 : i32
      %mul3A_684 = arith.muli %scan3A_237, %mul3A_683 : i32
      %add3A_685 = arith.constant 12 : i32
      %add3A_686 = arith.addi %mul3A_684, %add3A_685 : i32
      %dma_start3A_687 = arith.constant 0 : i32
      %dma_start3A_688 = tpu.memref_slice %arg8[%add3A_686, %dma_start3A_687] : memref<128x64xf32, #tpu.memory_space<vmem>> -> memref<1x64xf32, #tpu.memory_space<vmem>>
      %dma_start3A_689 = tpu.memref_squeeze %dma_start3A_688 : memref<1x64xf32, #tpu.memory_space<vmem>> -> memref<64xf32, #tpu.memory_space<vmem>>
      %dma_start3A_690 = arith.constant 0 : i32
      %dma_start3A_691 = tpu.memref_slice %arg4[%squeeze3A_682, %dma_start3A_690] : memref<1000000x64xf32, #tpu.memory_space<hbm>> -> memref<1x64xf32, #tpu.memory_space<hbm>>
      %dma_start3A_692 = tpu.memref_squeeze %dma_start3A_691 : memref<1x64xf32, #tpu.memory_space<hbm>> -> memref<64xf32, #tpu.memory_space<hbm>>
      %dma_start3A_693 = arith.constant 0 : i32
      %dma_start3A_694 = tpu.memref_slice %arg8[%add3A_686, %dma_start3A_693] : memref<128x64xf32, #tpu.memory_space<vmem>> -> memref<1x64xf32, #tpu.memory_space<vmem>>
      %dma_start3A_695 = tpu.memref_squeeze %dma_start3A_694 : memref<1x64xf32, #tpu.memory_space<vmem>> -> memref<64xf32, #tpu.memory_space<vmem>>
      %dma_start3A_696 = arith.constant 0 : i32
      %dma_start3A_697 = tpu.memref_slice %arg4[%squeeze3A_682, %dma_start3A_696] : memref<1000000x64xf32, #tpu.memory_space<hbm>> -> memref<1x64xf32, #tpu.memory_space<hbm>>
      %dma_start3A_698 = tpu.memref_squeeze %dma_start3A_697 : memref<1x64xf32, #tpu.memory_space<hbm>> -> memref<64xf32, #tpu.memory_space<hbm>>
      tpu.enqueue_dma source(%dma_start3A_698 : memref<64xf32, #tpu.memory_space<hbm>>) target(%dma_start3A_695 : memref<64xf32, #tpu.memory_space<vmem>>) target_semaphore(%arg14 : memref<!tpu.dma_semaphore, #tpu.memory_space<semaphore_mem>>)
      %slice3A_699 = vector.extract_strided_slice %get3A_251 {offsets = [12], sizes = [1], strides = [1]} : vector<16xi32> to vector<1xi32>
      %squeeze3A_700 = vector.extract %slice3A_699[0] : i32 from vector<1xi32>
      %mul3A_701 = arith.constant 16 : i32
      %mul3A_702 = arith.muli %scan3A_237, %mul3A_701 : i32
      %add3A_703 = arith.constant 12 : i32
      %add3A_704 = arith.addi %mul3A_702, %add3A_703 : i32
      %dma_start3A_705 = arith.constant 0 : i32
      %dma_start3A_706 = tpu.memref_slice %arg10[%add3A_704, %dma_start3A_705] : memref<128x64xf32, #tpu.memory_space<vmem>> -> memref<1x64xf32, #tpu.memory_space<vmem>>
      %dma_start3A_707 = tpu.memref_squeeze %dma_start3A_706 : memref<1x64xf32, #tpu.memory_space<vmem>> -> memref<64xf32, #tpu.memory_space<vmem>>
      %dma_start3A_708 = arith.constant 0 : i32
      %dma_start3A_709 = tpu.memref_slice %arg5[%squeeze3A_700, %dma_start3A_708] : memref<1000000x64xf32, #tpu.memory_space<hbm>> -> memref<1x64xf32, #tpu.memory_space<hbm>>
      %dma_start3A_710 = tpu.memref_squeeze %dma_start3A_709 : memref<1x64xf32, #tpu.memory_space<hbm>> -> memref<64xf32, #tpu.memory_space<hbm>>
      %dma_start3A_711 = arith.constant 0 : i32
      %dma_start3A_712 = tpu.memref_slice %arg10[%add3A_704, %dma_start3A_711] : memref<128x64xf32, #tpu.memory_space<vmem>> -> memref<1x64xf32, #tpu.memory_space<vmem>>
      %dma_start3A_713 = tpu.memref_squeeze %dma_start3A_712 : memref<1x64xf32, #tpu.memory_space<vmem>> -> memref<64xf32, #tpu.memory_space<vmem>>
      %dma_start3A_714 = arith.constant 0 : i32
      %dma_start3A_715 = tpu.memref_slice %arg5[%squeeze3A_700, %dma_start3A_714] : memref<1000000x64xf32, #tpu.memory_space<hbm>> -> memref<1x64xf32, #tpu.memory_space<hbm>>
      %dma_start3A_716 = tpu.memref_squeeze %dma_start3A_715 : memref<1x64xf32, #tpu.memory_space<hbm>> -> memref<64xf32, #tpu.memory_space<hbm>>
      tpu.enqueue_dma source(%dma_start3A_716 : memref<64xf32, #tpu.memory_space<hbm>>) target(%dma_start3A_713 : memref<64xf32, #tpu.memory_space<vmem>>) target_semaphore(%arg14 : memref<!tpu.dma_semaphore, #tpu.memory_space<semaphore_mem>>)
      %slice3A_717 = vector.extract_strided_slice %get3A_244 {offsets = [13], sizes = [1], strides = [1]} : vector<16xi32> to vector<1xi32>
      %squeeze3A_718 = vector.extract %slice3A_717[0] : i32 from vector<1xi32>
      %mul3A_719 = arith.constant 16 : i32
      %mul3A_720 = arith.muli %scan3A_237, %mul3A_719 : i32
      %add3A_721 = arith.constant 13 : i32
      %add3A_722 = arith.addi %mul3A_720, %add3A_721 : i32
      %dma_start3A_723 = arith.constant 0 : i32
      %dma_start3A_724 = tpu.memref_slice %arg8[%add3A_722, %dma_start3A_723] : memref<128x64xf32, #tpu.memory_space<vmem>> -> memref<1x64xf32, #tpu.memory_space<vmem>>
      %dma_start3A_725 = tpu.memref_squeeze %dma_start3A_724 : memref<1x64xf32, #tpu.memory_space<vmem>> -> memref<64xf32, #tpu.memory_space<vmem>>
      %dma_start3A_726 = arith.constant 0 : i32
      %dma_start3A_727 = tpu.memref_slice %arg4[%squeeze3A_718, %dma_start3A_726] : memref<1000000x64xf32, #tpu.memory_space<hbm>> -> memref<1x64xf32, #tpu.memory_space<hbm>>
      %dma_start3A_728 = tpu.memref_squeeze %dma_start3A_727 : memref<1x64xf32, #tpu.memory_space<hbm>> -> memref<64xf32, #tpu.memory_space<hbm>>
      %dma_start3A_729 = arith.constant 0 : i32
      %dma_start3A_730 = tpu.memref_slice %arg8[%add3A_722, %dma_start3A_729] : memref<128x64xf32, #tpu.memory_space<vmem>> -> memref<1x64xf32, #tpu.memory_space<vmem>>
      %dma_start3A_731 = tpu.memref_squeeze %dma_start3A_730 : memref<1x64xf32, #tpu.memory_space<vmem>> -> memref<64xf32, #tpu.memory_space<vmem>>
      %dma_start3A_732 = arith.constant 0 : i32
      %dma_start3A_733 = tpu.memref_slice %arg4[%squeeze3A_718, %dma_start3A_732] : memref<1000000x64xf32, #tpu.memory_space<hbm>> -> memref<1x64xf32, #tpu.memory_space<hbm>>
      %dma_start3A_734 = tpu.memref_squeeze %dma_start3A_733 : memref<1x64xf32, #tpu.memory_space<hbm>> -> memref<64xf32, #tpu.memory_space<hbm>>
      tpu.enqueue_dma source(%dma_start3A_734 : memref<64xf32, #tpu.memory_space<hbm>>) target(%dma_start3A_731 : memref<64xf32, #tpu.memory_space<vmem>>) target_semaphore(%arg15 : memref<!tpu.dma_semaphore, #tpu.memory_space<semaphore_mem>>)
      %slice3A_735 = vector.extract_strided_slice %get3A_251 {offsets = [13], sizes = [1], strides = [1]} : vector<16xi32> to vector<1xi32>
      %squeeze3A_736 = vector.extract %slice3A_735[0] : i32 from vector<1xi32>
      %mul3A_737 = arith.constant 16 : i32
      %mul3A_738 = arith.muli %scan3A_237, %mul3A_737 : i32
      %add3A_739 = arith.constant 13 : i32
      %add3A_740 = arith.addi %mul3A_738, %add3A_739 : i32
      %dma_start3A_741 = arith.constant 0 : i32
      %dma_start3A_742 = tpu.memref_slice %arg10[%add3A_740, %dma_start3A_741] : memref<128x64xf32, #tpu.memory_space<vmem>> -> memref<1x64xf32, #tpu.memory_space<vmem>>
      %dma_start3A_743 = tpu.memref_squeeze %dma_start3A_742 : memref<1x64xf32, #tpu.memory_space<vmem>> -> memref<64xf32, #tpu.memory_space<vmem>>
      %dma_start3A_744 = arith.constant 0 : i32
      %dma_start3A_745 = tpu.memref_slice %arg5[%squeeze3A_736, %dma_start3A_744] : memref<1000000x64xf32, #tpu.memory_space<hbm>> -> memref<1x64xf32, #tpu.memory_space<hbm>>
      %dma_start3A_746 = tpu.memref_squeeze %dma_start3A_745 : memref<1x64xf32, #tpu.memory_space<hbm>> -> memref<64xf32, #tpu.memory_space<hbm>>
      %dma_start3A_747 = arith.constant 0 : i32
      %dma_start3A_748 = tpu.memref_slice %arg10[%add3A_740, %dma_start3A_747] : memref<128x64xf32, #tpu.memory_space<vmem>> -> memref<1x64xf32, #tpu.memory_space<vmem>>
      %dma_start3A_749 = tpu.memref_squeeze %dma_start3A_748 : memref<1x64xf32, #tpu.memory_space<vmem>> -> memref<64xf32, #tpu.memory_space<vmem>>
      %dma_start3A_750 = arith.constant 0 : i32
      %dma_start3A_751 = tpu.memref_slice %arg5[%squeeze3A_736, %dma_start3A_750] : memref<1000000x64xf32, #tpu.memory_space<hbm>> -> memref<1x64xf32, #tpu.memory_space<hbm>>
      %dma_start3A_752 = tpu.memref_squeeze %dma_start3A_751 : memref<1x64xf32, #tpu.memory_space<hbm>> -> memref<64xf32, #tpu.memory_space<hbm>>
      tpu.enqueue_dma source(%dma_start3A_752 : memref<64xf32, #tpu.memory_space<hbm>>) target(%dma_start3A_749 : memref<64xf32, #tpu.memory_space<vmem>>) target_semaphore(%arg15 : memref<!tpu.dma_semaphore, #tpu.memory_space<semaphore_mem>>)
      %slice3A_753 = vector.extract_strided_slice %get3A_244 {offsets = [14], sizes = [1], strides = [1]} : vector<16xi32> to vector<1xi32>
      %squeeze3A_754 = vector.extract %slice3A_753[0] : i32 from vector<1xi32>
      %mul3A_755 = arith.constant 16 : i32
      %mul3A_756 = arith.muli %scan3A_237, %mul3A_755 : i32
      %add3A_757 = arith.constant 14 : i32
      %add3A_758 = arith.addi %mul3A_756, %add3A_757 : i32
      %dma_start3A_759 = arith.constant 0 : i32
      %dma_start3A_760 = tpu.memref_slice %arg8[%add3A_758, %dma_start3A_759] : memref<128x64xf32, #tpu.memory_space<vmem>> -> memref<1x64xf32, #tpu.memory_space<vmem>>
      %dma_start3A_761 = tpu.memref_squeeze %dma_start3A_760 : memref<1x64xf32, #tpu.memory_space<vmem>> -> memref<64xf32, #tpu.memory_space<vmem>>
      %dma_start3A_762 = arith.constant 0 : i32
      %dma_start3A_763 = tpu.memref_slice %arg4[%squeeze3A_754, %dma_start3A_762] : memref<1000000x64xf32, #tpu.memory_space<hbm>> -> memref<1x64xf32, #tpu.memory_space<hbm>>
      %dma_start3A_764 = tpu.memref_squeeze %dma_start3A_763 : memref<1x64xf32, #tpu.memory_space<hbm>> -> memref<64xf32, #tpu.memory_space<hbm>>
      %dma_start3A_765 = arith.constant 0 : i32
      %dma_start3A_766 = tpu.memref_slice %arg8[%add3A_758, %dma_start3A_765] : memref<128x64xf32, #tpu.memory_space<vmem>> -> memref<1x64xf32, #tpu.memory_space<vmem>>
      %dma_start3A_767 = tpu.memref_squeeze %dma_start3A_766 : memref<1x64xf32, #tpu.memory_space<vmem>> -> memref<64xf32, #tpu.memory_space<vmem>>
      %dma_start3A_768 = arith.constant 0 : i32
      %dma_start3A_769 = tpu.memref_slice %arg4[%squeeze3A_754, %dma_start3A_768] : memref<1000000x64xf32, #tpu.memory_space<hbm>> -> memref<1x64xf32, #tpu.memory_space<hbm>>
      %dma_start3A_770 = tpu.memref_squeeze %dma_start3A_769 : memref<1x64xf32, #tpu.memory_space<hbm>> -> memref<64xf32, #tpu.memory_space<hbm>>
      tpu.enqueue_dma source(%dma_start3A_770 : memref<64xf32, #tpu.memory_space<hbm>>) target(%dma_start3A_767 : memref<64xf32, #tpu.memory_space<vmem>>) target_semaphore(%arg16 : memref<!tpu.dma_semaphore, #tpu.memory_space<semaphore_mem>>)
      %slice3A_771 = vector.extract_strided_slice %get3A_251 {offsets = [14], sizes = [1], strides = [1]} : vector<16xi32> to vector<1xi32>
      %squeeze3A_772 = vector.extract %slice3A_771[0] : i32 from vector<1xi32>
      %mul3A_773 = arith.constant 16 : i32
      %mul3A_774 = arith.muli %scan3A_237, %mul3A_773 : i32
      %add3A_775 = arith.constant 14 : i32
      %add3A_776 = arith.addi %mul3A_774, %add3A_775 : i32
      %dma_start3A_777 = arith.constant 0 : i32
      %dma_start3A_778 = tpu.memref_slice %arg10[%add3A_776, %dma_start3A_777] : memref<128x64xf32, #tpu.memory_space<vmem>> -> memref<1x64xf32, #tpu.memory_space<vmem>>
      %dma_start3A_779 = tpu.memref_squeeze %dma_start3A_778 : memref<1x64xf32, #tpu.memory_space<vmem>> -> memref<64xf32, #tpu.memory_space<vmem>>
      %dma_start3A_780 = arith.constant 0 : i32
      %dma_start3A_781 = tpu.memref_slice %arg5[%squeeze3A_772, %dma_start3A_780] : memref<1000000x64xf32, #tpu.memory_space<hbm>> -> memref<1x64xf32, #tpu.memory_space<hbm>>
      %dma_start3A_782 = tpu.memref_squeeze %dma_start3A_781 : memref<1x64xf32, #tpu.memory_space<hbm>> -> memref<64xf32, #tpu.memory_space<hbm>>
      %dma_start3A_783 = arith.constant 0 : i32
      %dma_start3A_784 = tpu.memref_slice %arg10[%add3A_776, %dma_start3A_783] : memref<128x64xf32, #tpu.memory_space<vmem>> -> memref<1x64xf32, #tpu.memory_space<vmem>>
      %dma_start3A_785 = tpu.memref_squeeze %dma_start3A_784 : memref<1x64xf32, #tpu.memory_space<vmem>> -> memref<64xf32, #tpu.memory_space<vmem>>
      %dma_start3A_786 = arith.constant 0 : i32
      %dma_start3A_787 = tpu.memref_slice %arg5[%squeeze3A_772, %dma_start3A_786] : memref<1000000x64xf32, #tpu.memory_space<hbm>> -> memref<1x64xf32, #tpu.memory_space<hbm>>
      %dma_start3A_788 = tpu.memref_squeeze %dma_start3A_787 : memref<1x64xf32, #tpu.memory_space<hbm>> -> memref<64xf32, #tpu.memory_space<hbm>>
      tpu.enqueue_dma source(%dma_start3A_788 : memref<64xf32, #tpu.memory_space<hbm>>) target(%dma_start3A_785 : memref<64xf32, #tpu.memory_space<vmem>>) target_semaphore(%arg16 : memref<!tpu.dma_semaphore, #tpu.memory_space<semaphore_mem>>)
      %slice3A_789 = vector.extract_strided_slice %get3A_244 {offsets = [15], sizes = [1], strides = [1]} : vector<16xi32> to vector<1xi32>
      %squeeze3A_790 = vector.extract %slice3A_789[0] : i32 from vector<1xi32>
      %mul3A_791 = arith.constant 16 : i32
      %mul3A_792 = arith.muli %scan3A_237, %mul3A_791 : i32
      %add3A_793 = arith.constant 15 : i32
      %add3A_794 = arith.addi %mul3A_792, %add3A_793 : i32
      %dma_start3A_795 = arith.constant 0 : i32
      %dma_start3A_796 = tpu.memref_slice %arg8[%add3A_794, %dma_start3A_795] : memref<128x64xf32, #tpu.memory_space<vmem>> -> memref<1x64xf32, #tpu.memory_space<vmem>>
      %dma_start3A_797 = tpu.memref_squeeze %dma_start3A_796 : memref<1x64xf32, #tpu.memory_space<vmem>> -> memref<64xf32, #tpu.memory_space<vmem>>
      %dma_start3A_798 = arith.constant 0 : i32
      %dma_start3A_799 = tpu.memref_slice %arg4[%squeeze3A_790, %dma_start3A_798] : memref<1000000x64xf32, #tpu.memory_space<hbm>> -> memref<1x64xf32, #tpu.memory_space<hbm>>
      %dma_start3A_800 = tpu.memref_squeeze %dma_start3A_799 : memref<1x64xf32, #tpu.memory_space<hbm>> -> memref<64xf32, #tpu.memory_space<hbm>>
      %dma_start3A_801 = arith.constant 0 : i32
      %dma_start3A_802 = tpu.memref_slice %arg8[%add3A_794, %dma_start3A_801] : memref<128x64xf32, #tpu.memory_space<vmem>> -> memref<1x64xf32, #tpu.memory_space<vmem>>
      %dma_start3A_803 = tpu.memref_squeeze %dma_start3A_802 : memref<1x64xf32, #tpu.memory_space<vmem>> -> memref<64xf32, #tpu.memory_space<vmem>>
      %dma_start3A_804 = arith.constant 0 : i32
      %dma_start3A_805 = tpu.memref_slice %arg4[%squeeze3A_790, %dma_start3A_804] : memref<1000000x64xf32, #tpu.memory_space<hbm>> -> memref<1x64xf32, #tpu.memory_space<hbm>>
      %dma_start3A_806 = tpu.memref_squeeze %dma_start3A_805 : memref<1x64xf32, #tpu.memory_space<hbm>> -> memref<64xf32, #tpu.memory_space<hbm>>
      tpu.enqueue_dma source(%dma_start3A_806 : memref<64xf32, #tpu.memory_space<hbm>>) target(%dma_start3A_803 : memref<64xf32, #tpu.memory_space<vmem>>) target_semaphore(%arg17 : memref<!tpu.dma_semaphore, #tpu.memory_space<semaphore_mem>>)
      %slice3A_807 = vector.extract_strided_slice %get3A_251 {offsets = [15], sizes = [1], strides = [1]} : vector<16xi32> to vector<1xi32>
      %squeeze3A_808 = vector.extract %slice3A_807[0] : i32 from vector<1xi32>
      %mul3A_809 = arith.constant 16 : i32
      %mul3A_810 = arith.muli %scan3A_237, %mul3A_809 : i32
      %add3A_811 = arith.constant 15 : i32
      %add3A_812 = arith.addi %mul3A_810, %add3A_811 : i32
      %dma_start3A_813 = arith.constant 0 : i32
      %dma_start3A_814 = tpu.memref_slice %arg10[%add3A_812, %dma_start3A_813] : memref<128x64xf32, #tpu.memory_space<vmem>> -> memref<1x64xf32, #tpu.memory_space<vmem>>
      %dma_start3A_815 = tpu.memref_squeeze %dma_start3A_814 : memref<1x64xf32, #tpu.memory_space<vmem>> -> memref<64xf32, #tpu.memory_space<vmem>>
      %dma_start3A_816 = arith.constant 0 : i32
      %dma_start3A_817 = tpu.memref_slice %arg5[%squeeze3A_808, %dma_start3A_816] : memref<1000000x64xf32, #tpu.memory_space<hbm>> -> memref<1x64xf32, #tpu.memory_space<hbm>>
      %dma_start3A_818 = tpu.memref_squeeze %dma_start3A_817 : memref<1x64xf32, #tpu.memory_space<hbm>> -> memref<64xf32, #tpu.memory_space<hbm>>
      %dma_start3A_819 = arith.constant 0 : i32
      %dma_start3A_820 = tpu.memref_slice %arg10[%add3A_812, %dma_start3A_819] : memref<128x64xf32, #tpu.memory_space<vmem>> -> memref<1x64xf32, #tpu.memory_space<vmem>>
      %dma_start3A_821 = tpu.memref_squeeze %dma_start3A_820 : memref<1x64xf32, #tpu.memory_space<vmem>> -> memref<64xf32, #tpu.memory_space<vmem>>
      %dma_start3A_822 = arith.constant 0 : i32
      %dma_start3A_823 = tpu.memref_slice %arg5[%squeeze3A_808, %dma_start3A_822] : memref<1000000x64xf32, #tpu.memory_space<hbm>> -> memref<1x64xf32, #tpu.memory_space<hbm>>
      %dma_start3A_824 = tpu.memref_squeeze %dma_start3A_823 : memref<1x64xf32, #tpu.memory_space<hbm>> -> memref<64xf32, #tpu.memory_space<hbm>>
      tpu.enqueue_dma source(%dma_start3A_824 : memref<64xf32, #tpu.memory_space<hbm>>) target(%dma_start3A_821 : memref<64xf32, #tpu.memory_space<vmem>>) target_semaphore(%arg17 : memref<!tpu.dma_semaphore, #tpu.memory_space<semaphore_mem>>)
      %scan3A_825 = arith.constant 0 : i32
      scf.yield %scan3A_825 : i32
    }
    %scan3A_8 = arith.constant 8 : i32
    %scan3A_9 = arith.constant 0 : i32
    %scan3A_10 = arith.constant 0 : i32
    %scan3A_11 = arith.constant 8 : i32
    %scan3A_12 = arith.addi %scan3A_10, %scan3A_11 : i32
    %scan3A_13 = arith.constant 1 : i32
    %scan3A_14 = scf.for %scan3A_237 = %scan3A_10 to %scan3A_12 step %scan3A_13 iter_args(%scan3A_238 = %scan3A_9) -> (i32)  : i32 {
      %mul3A_239 = arith.constant 16 : i32
      %mul3A_240 = arith.muli %scan3A_237, %mul3A_239 : i32
      %add3A_241 = arith.constant 128 : i32
      %add3A_242 = arith.addi %add3A_241, %mul3A_240 : i32
      %get3A = arith.index_cast %add3A_242 : i32 to index
      %get3A_243 = tpu.vector_load %arg12[%get3A] {strides = array<i32>} : memref<512xi32, #tpu.memory_space<vmem>>, vector<16xi32>,
      %get3A_244 = vector.shape_cast %get3A_243 : vector<16xi32> to vector<16xi32>
      %mul3A_245 = arith.constant 16 : i32
      %mul3A_246 = arith.muli %scan3A_237, %mul3A_245 : i32
      %add3A_247 = arith.constant 128 : i32
      %add3A_248 = arith.addi %add3A_247, %mul3A_246 : i32
      %get3A_249 = arith.index_cast %add3A_248 : i32 to index
      %get3A_250 = tpu.vector_load %arg13[%get3A_249] {strides = array<i32>} : memref<512xi32, #tpu.memory_space<vmem>>, vector<16xi32>,
      %get3A_251 = vector.shape_cast %get3A_250 : vector<16xi32> to vector<16xi32>
      %slice3A = vector.extract_strided_slice %get3A_244 {offsets = [0], sizes = [1], strides = [1]} : vector<16xi32> to vector<1xi32>
      %squeeze3A = vector.extract %slice3A[0] : i32 from vector<1xi32>
      %mul3A_252 = arith.constant 16 : i32
      %mul3A_253 = arith.muli %scan3A_237, %mul3A_252 : i32
      %add3A_254 = arith.constant 0 : i32
      %add3A_255 = arith.addi %mul3A_253, %add3A_254 : i32
      %dma_start3A = arith.constant 0 : i32
      %dma_start3A_256 = tpu.memref_slice %arg9[%add3A_255, %dma_start3A] : memref<128x64xf32, #tpu.memory_space<vmem>> -> memref<1x64xf32, #tpu.memory_space<vmem>>
      %dma_start3A_257 = tpu.memref_squeeze %dma_start3A_256 : memref<1x64xf32, #tpu.memory_space<vmem>> -> memref<64xf32, #tpu.memory_space<vmem>>
      %dma_start3A_258 = arith.constant 0 : i32
      %dma_start3A_259 = tpu.memref_slice %arg4[%squeeze3A, %dma_start3A_258] : memref<1000000x64xf32, #tpu.memory_space<hbm>> -> memref<1x64xf32, #tpu.memory_space<hbm>>
      %dma_start3A_260 = tpu.memref_squeeze %dma_start3A_259 : memref<1x64xf32, #tpu.memory_space<hbm>> -> memref<64xf32, #tpu.memory_space<hbm>>
      %dma_start3A_261 = arith.constant 0 : i32
      %dma_start3A_262 = tpu.memref_slice %arg9[%add3A_255, %dma_start3A_261] : memref<128x64xf32, #tpu.memory_space<vmem>> -> memref<1x64xf32, #tpu.memory_space<vmem>>
      %dma_start3A_263 = tpu.memref_squeeze %dma_start3A_262 : memref<1x64xf32, #tpu.memory_space<vmem>> -> memref<64xf32, #tpu.memory_space<vmem>>
      %dma_start3A_264 = arith.constant 0 : i32
      %dma_start3A_265 = tpu.memref_slice %arg4[%squeeze3A, %dma_start3A_264] : memref<1000000x64xf32, #tpu.memory_space<hbm>> -> memref<1x64xf32, #tpu.memory_space<hbm>>
      %dma_start3A_266 = tpu.memref_squeeze %dma_start3A_265 : memref<1x64xf32, #tpu.memory_space<hbm>> -> memref<64xf32, #tpu.memory_space<hbm>>
      tpu.enqueue_dma source(%dma_start3A_266 : memref<64xf32, #tpu.memory_space<hbm>>) target(%dma_start3A_263 : memref<64xf32, #tpu.memory_space<vmem>>) target_semaphore(%arg18 : memref<!tpu.dma_semaphore, #tpu.memory_space<semaphore_mem>>)
      %slice3A_267 = vector.extract_strided_slice %get3A_251 {offsets = [0], sizes = [1], strides = [1]} : vector<16xi32> to vector<1xi32>
      %squeeze3A_268 = vector.extract %slice3A_267[0] : i32 from vector<1xi32>
      %mul3A_269 = arith.constant 16 : i32
      %mul3A_270 = arith.muli %scan3A_237, %mul3A_269 : i32
      %add3A_271 = arith.constant 0 : i32
      %add3A_272 = arith.addi %mul3A_270, %add3A_271 : i32
      %dma_start3A_273 = arith.constant 0 : i32
      %dma_start3A_274 = tpu.memref_slice %arg11[%add3A_272, %dma_start3A_273] : memref<128x64xf32, #tpu.memory_space<vmem>> -> memref<1x64xf32, #tpu.memory_space<vmem>>
      %dma_start3A_275 = tpu.memref_squeeze %dma_start3A_274 : memref<1x64xf32, #tpu.memory_space<vmem>> -> memref<64xf32, #tpu.memory_space<vmem>>
      %dma_start3A_276 = arith.constant 0 : i32
      %dma_start3A_277 = tpu.memref_slice %arg5[%squeeze3A_268, %dma_start3A_276] : memref<1000000x64xf32, #tpu.memory_space<hbm>> -> memref<1x64xf32, #tpu.memory_space<hbm>>
      %dma_start3A_278 = tpu.memref_squeeze %dma_start3A_277 : memref<1x64xf32, #tpu.memory_space<hbm>> -> memref<64xf32, #tpu.memory_space<hbm>>
      %dma_start3A_279 = arith.constant 0 : i32
      %dma_start3A_280 = tpu.memref_slice %arg11[%add3A_272, %dma_start3A_279] : memref<128x64xf32, #tpu.memory_space<vmem>> -> memref<1x64xf32, #tpu.memory_space<vmem>>
      %dma_start3A_281 = tpu.memref_squeeze %dma_start3A_280 : memref<1x64xf32, #tpu.memory_space<vmem>> -> memref<64xf32, #tpu.memory_space<vmem>>
      %dma_start3A_282 = arith.constant 0 : i32
      %dma_start3A_283 = tpu.memref_slice %arg5[%squeeze3A_268, %dma_start3A_282] : memref<1000000x64xf32, #tpu.memory_space<hbm>> -> memref<1x64xf32, #tpu.memory_space<hbm>>
      %dma_start3A_284 = tpu.memref_squeeze %dma_start3A_283 : memref<1x64xf32, #tpu.memory_space<hbm>> -> memref<64xf32, #tpu.memory_space<hbm>>
      tpu.enqueue_dma source(%dma_start3A_284 : memref<64xf32, #tpu.memory_space<hbm>>) target(%dma_start3A_281 : memref<64xf32, #tpu.memory_space<vmem>>) target_semaphore(%arg18 : memref<!tpu.dma_semaphore, #tpu.memory_space<semaphore_mem>>)
      %slice3A_285 = vector.extract_strided_slice %get3A_244 {offsets = [1], sizes = [1], strides = [1]} : vector<16xi32> to vector<1xi32>
      %squeeze3A_286 = vector.extract %slice3A_285[0] : i32 from vector<1xi32>
      %mul3A_287 = arith.constant 16 : i32
      %mul3A_288 = arith.muli %scan3A_237, %mul3A_287 : i32
      %add3A_289 = arith.constant 1 : i32
      %add3A_290 = arith.addi %mul3A_288, %add3A_289 : i32
      %dma_start3A_291 = arith.constant 0 : i32
      %dma_start3A_292 = tpu.memref_slice %arg9[%add3A_290, %dma_start3A_291] : memref<128x64xf32, #tpu.memory_space<vmem>> -> memref<1x64xf32, #tpu.memory_space<vmem>>
      %dma_start3A_293 = tpu.memref_squeeze %dma_start3A_292 : memref<1x64xf32, #tpu.memory_space<vmem>> -> memref<64xf32, #tpu.memory_space<vmem>>
      %dma_start3A_294 = arith.constant 0 : i32
      %dma_start3A_295 = tpu.memref_slice %arg4[%squeeze3A_286, %dma_start3A_294] : memref<1000000x64xf32, #tpu.memory_space<hbm>> -> memref<1x64xf32, #tpu.memory_space<hbm>>
      %dma_start3A_296 = tpu.memref_squeeze %dma_start3A_295 : memref<1x64xf32, #tpu.memory_space<hbm>> -> memref<64xf32, #tpu.memory_space<hbm>>
      %dma_start3A_297 = arith.constant 0 : i32
      %dma_start3A_298 = tpu.memref_slice %arg9[%add3A_290, %dma_start3A_297] : memref<128x64xf32, #tpu.memory_space<vmem>> -> memref<1x64xf32, #tpu.memory_space<vmem>>
      %dma_start3A_299 = tpu.memref_squeeze %dma_start3A_298 : memref<1x64xf32, #tpu.memory_space<vmem>> -> memref<64xf32, #tpu.memory_space<vmem>>
      %dma_start3A_300 = arith.constant 0 : i32
      %dma_start3A_301 = tpu.memref_slice %arg4[%squeeze3A_286, %dma_start3A_300] : memref<1000000x64xf32, #tpu.memory_space<hbm>> -> memref<1x64xf32, #tpu.memory_space<hbm>>
      %dma_start3A_302 = tpu.memref_squeeze %dma_start3A_301 : memref<1x64xf32, #tpu.memory_space<hbm>> -> memref<64xf32, #tpu.memory_space<hbm>>
      tpu.enqueue_dma source(%dma_start3A_302 : memref<64xf32, #tpu.memory_space<hbm>>) target(%dma_start3A_299 : memref<64xf32, #tpu.memory_space<vmem>>) target_semaphore(%arg19 : memref<!tpu.dma_semaphore, #tpu.memory_space<semaphore_mem>>)
      %slice3A_303 = vector.extract_strided_slice %get3A_251 {offsets = [1], sizes = [1], strides = [1]} : vector<16xi32> to vector<1xi32>
      %squeeze3A_304 = vector.extract %slice3A_303[0] : i32 from vector<1xi32>
      %mul3A_305 = arith.constant 16 : i32
      %mul3A_306 = arith.muli %scan3A_237, %mul3A_305 : i32
      %add3A_307 = arith.constant 1 : i32
      %add3A_308 = arith.addi %mul3A_306, %add3A_307 : i32
      %dma_start3A_309 = arith.constant 0 : i32
      %dma_start3A_310 = tpu.memref_slice %arg11[%add3A_308, %dma_start3A_309] : memref<128x64xf32, #tpu.memory_space<vmem>> -> memref<1x64xf32, #tpu.memory_space<vmem>>
      %dma_start3A_311 = tpu.memref_squeeze %dma_start3A_310 : memref<1x64xf32, #tpu.memory_space<vmem>> -> memref<64xf32, #tpu.memory_space<vmem>>
      %dma_start3A_312 = arith.constant 0 : i32
      %dma_start3A_313 = tpu.memref_slice %arg5[%squeeze3A_304, %dma_start3A_312] : memref<1000000x64xf32, #tpu.memory_space<hbm>> -> memref<1x64xf32, #tpu.memory_space<hbm>>
      %dma_start3A_314 = tpu.memref_squeeze %dma_start3A_313 : memref<1x64xf32, #tpu.memory_space<hbm>> -> memref<64xf32, #tpu.memory_space<hbm>>
      %dma_start3A_315 = arith.constant 0 : i32
      %dma_start3A_316 = tpu.memref_slice %arg11[%add3A_308, %dma_start3A_315] : memref<128x64xf32, #tpu.memory_space<vmem>> -> memref<1x64xf32, #tpu.memory_space<vmem>>
      %dma_start3A_317 = tpu.memref_squeeze %dma_start3A_316 : memref<1x64xf32, #tpu.memory_space<vmem>> -> memref<64xf32, #tpu.memory_space<vmem>>
      %dma_start3A_318 = arith.constant 0 : i32
      %dma_start3A_319 = tpu.memref_slice %arg5[%squeeze3A_304, %dma_start3A_318] : memref<1000000x64xf32, #tpu.memory_space<hbm>> -> memref<1x64xf32, #tpu.memory_space<hbm>>
      %dma_start3A_320 = tpu.memref_squeeze %dma_start3A_319 : memref<1x64xf32, #tpu.memory_space<hbm>> -> memref<64xf32, #tpu.memory_space<hbm>>
      tpu.enqueue_dma source(%dma_start3A_320 : memref<64xf32, #tpu.memory_space<hbm>>) target(%dma_start3A_317 : memref<64xf32, #tpu.memory_space<vmem>>) target_semaphore(%arg19 : memref<!tpu.dma_semaphore, #tpu.memory_space<semaphore_mem>>)
      %slice3A_321 = vector.extract_strided_slice %get3A_244 {offsets = [2], sizes = [1], strides = [1]} : vector<16xi32> to vector<1xi32>
      %squeeze3A_322 = vector.extract %slice3A_321[0] : i32 from vector<1xi32>
      %mul3A_323 = arith.constant 16 : i32
      %mul3A_324 = arith.muli %scan3A_237, %mul3A_323 : i32
      %add3A_325 = arith.constant 2 : i32
      %add3A_326 = arith.addi %mul3A_324, %add3A_325 : i32
      %dma_start3A_327 = arith.constant 0 : i32
      %dma_start3A_328 = tpu.memref_slice %arg9[%add3A_326, %dma_start3A_327] : memref<128x64xf32, #tpu.memory_space<vmem>> -> memref<1x64xf32, #tpu.memory_space<vmem>>
      %dma_start3A_329 = tpu.memref_squeeze %dma_start3A_328 : memref<1x64xf32, #tpu.memory_space<vmem>> -> memref<64xf32, #tpu.memory_space<vmem>>
      %dma_start3A_330 = arith.constant 0 : i32
      %dma_start3A_331 = tpu.memref_slice %arg4[%squeeze3A_322, %dma_start3A_330] : memref<1000000x64xf32, #tpu.memory_space<hbm>> -> memref<1x64xf32, #tpu.memory_space<hbm>>
      %dma_start3A_332 = tpu.memref_squeeze %dma_start3A_331 : memref<1x64xf32, #tpu.memory_space<hbm>> -> memref<64xf32, #tpu.memory_space<hbm>>
      %dma_start3A_333 = arith.constant 0 : i32
      %dma_start3A_334 = tpu.memref_slice %arg9[%add3A_326, %dma_start3A_333] : memref<128x64xf32, #tpu.memory_space<vmem>> -> memref<1x64xf32, #tpu.memory_space<vmem>>
      %dma_start3A_335 = tpu.memref_squeeze %dma_start3A_334 : memref<1x64xf32, #tpu.memory_space<vmem>> -> memref<64xf32, #tpu.memory_space<vmem>>
      %dma_start3A_336 = arith.constant 0 : i32
      %dma_start3A_337 = tpu.memref_slice %arg4[%squeeze3A_322, %dma_start3A_336] : memref<1000000x64xf32, #tpu.memory_space<hbm>> -> memref<1x64xf32, #tpu.memory_space<hbm>>
      %dma_start3A_338 = tpu.memref_squeeze %dma_start3A_337 : memref<1x64xf32, #tpu.memory_space<hbm>> -> memref<64xf32, #tpu.memory_space<hbm>>
      tpu.enqueue_dma source(%dma_start3A_338 : memref<64xf32, #tpu.memory_space<hbm>>) target(%dma_start3A_335 : memref<64xf32, #tpu.memory_space<vmem>>) target_semaphore(%arg20 : memref<!tpu.dma_semaphore, #tpu.memory_space<semaphore_mem>>)
      %slice3A_339 = vector.extract_strided_slice %get3A_251 {offsets = [2], sizes = [1], strides = [1]} : vector<16xi32> to vector<1xi32>
      %squeeze3A_340 = vector.extract %slice3A_339[0] : i32 from vector<1xi32>
      %mul3A_341 = arith.constant 16 : i32
      %mul3A_342 = arith.muli %scan3A_237, %mul3A_341 : i32
      %add3A_343 = arith.constant 2 : i32
      %add3A_344 = arith.addi %mul3A_342, %add3A_343 : i32
      %dma_start3A_345 = arith.constant 0 : i32
      %dma_start3A_346 = tpu.memref_slice %arg11[%add3A_344, %dma_start3A_345] : memref<128x64xf32, #tpu.memory_space<vmem>> -> memref<1x64xf32, #tpu.memory_space<vmem>>
      %dma_start3A_347 = tpu.memref_squeeze %dma_start3A_346 : memref<1x64xf32, #tpu.memory_space<vmem>> -> memref<64xf32, #tpu.memory_space<vmem>>
      %dma_start3A_348 = arith.constant 0 : i32
      %dma_start3A_349 = tpu.memref_slice %arg5[%squeeze3A_340, %dma_start3A_348] : memref<1000000x64xf32, #tpu.memory_space<hbm>> -> memref<1x64xf32, #tpu.memory_space<hbm>>
      %dma_start3A_350 = tpu.memref_squeeze %dma_start3A_349 : memref<1x64xf32, #tpu.memory_space<hbm>> -> memref<64xf32, #tpu.memory_space<hbm>>
      %dma_start3A_351 = arith.constant 0 : i32
      %dma_start3A_352 = tpu.memref_slice %arg11[%add3A_344, %dma_start3A_351] : memref<128x64xf32, #tpu.memory_space<vmem>> -> memref<1x64xf32, #tpu.memory_space<vmem>>
      %dma_start3A_353 = tpu.memref_squeeze %dma_start3A_352 : memref<1x64xf32, #tpu.memory_space<vmem>> -> memref<64xf32, #tpu.memory_space<vmem>>
      %dma_start3A_354 = arith.constant 0 : i32
      %dma_start3A_355 = tpu.memref_slice %arg5[%squeeze3A_340, %dma_start3A_354] : memref<1000000x64xf32, #tpu.memory_space<hbm>> -> memref<1x64xf32, #tpu.memory_space<hbm>>
      %dma_start3A_356 = tpu.memref_squeeze %dma_start3A_355 : memref<1x64xf32, #tpu.memory_space<hbm>> -> memref<64xf32, #tpu.memory_space<hbm>>
      tpu.enqueue_dma source(%dma_start3A_356 : memref<64xf32, #tpu.memory_space<hbm>>) target(%dma_start3A_353 : memref<64xf32, #tpu.memory_space<vmem>>) target_semaphore(%arg20 : memref<!tpu.dma_semaphore, #tpu.memory_space<semaphore_mem>>)
      %slice3A_357 = vector.extract_strided_slice %get3A_244 {offsets = [3], sizes = [1], strides = [1]} : vector<16xi32> to vector<1xi32>
      %squeeze3A_358 = vector.extract %slice3A_357[0] : i32 from vector<1xi32>
      %mul3A_359 = arith.constant 16 : i32
      %mul3A_360 = arith.muli %scan3A_237, %mul3A_359 : i32
      %add3A_361 = arith.constant 3 : i32
      %add3A_362 = arith.addi %mul3A_360, %add3A_361 : i32
      %dma_start3A_363 = arith.constant 0 : i32
      %dma_start3A_364 = tpu.memref_slice %arg9[%add3A_362, %dma_start3A_363] : memref<128x64xf32, #tpu.memory_space<vmem>> -> memref<1x64xf32, #tpu.memory_space<vmem>>
      %dma_start3A_365 = tpu.memref_squeeze %dma_start3A_364 : memref<1x64xf32, #tpu.memory_space<vmem>> -> memref<64xf32, #tpu.memory_space<vmem>>
      %dma_start3A_366 = arith.constant 0 : i32
      %dma_start3A_367 = tpu.memref_slice %arg4[%squeeze3A_358, %dma_start3A_366] : memref<1000000x64xf32, #tpu.memory_space<hbm>> -> memref<1x64xf32, #tpu.memory_space<hbm>>
      %dma_start3A_368 = tpu.memref_squeeze %dma_start3A_367 : memref<1x64xf32, #tpu.memory_space<hbm>> -> memref<64xf32, #tpu.memory_space<hbm>>
      %dma_start3A_369 = arith.constant 0 : i32
      %dma_start3A_370 = tpu.memref_slice %arg9[%add3A_362, %dma_start3A_369] : memref<128x64xf32, #tpu.memory_space<vmem>> -> memref<1x64xf32, #tpu.memory_space<vmem>>
      %dma_start3A_371 = tpu.memref_squeeze %dma_start3A_370 : memref<1x64xf32, #tpu.memory_space<vmem>> -> memref<64xf32, #tpu.memory_space<vmem>>
      %dma_start3A_372 = arith.constant 0 : i32
      %dma_start3A_373 = tpu.memref_slice %arg4[%squeeze3A_358, %dma_start3A_372] : memref<1000000x64xf32, #tpu.memory_space<hbm>> -> memref<1x64xf32, #tpu.memory_space<hbm>>
      %dma_start3A_374 = tpu.memref_squeeze %dma_start3A_373 : memref<1x64xf32, #tpu.memory_space<hbm>> -> memref<64xf32, #tpu.memory_space<hbm>>
      tpu.enqueue_dma source(%dma_start3A_374 : memref<64xf32, #tpu.memory_space<hbm>>) target(%dma_start3A_371 : memref<64xf32, #tpu.memory_space<vmem>>) target_semaphore(%arg21 : memref<!tpu.dma_semaphore, #tpu.memory_space<semaphore_mem>>)
      %slice3A_375 = vector.extract_strided_slice %get3A_251 {offsets = [3], sizes = [1], strides = [1]} : vector<16xi32> to vector<1xi32>
      %squeeze3A_376 = vector.extract %slice3A_375[0] : i32 from vector<1xi32>
      %mul3A_377 = arith.constant 16 : i32
      %mul3A_378 = arith.muli %scan3A_237, %mul3A_377 : i32
      %add3A_379 = arith.constant 3 : i32
      %add3A_380 = arith.addi %mul3A_378, %add3A_379 : i32
      %dma_start3A_381 = arith.constant 0 : i32
      %dma_start3A_382 = tpu.memref_slice %arg11[%add3A_380, %dma_start3A_381] : memref<128x64xf32, #tpu.memory_space<vmem>> -> memref<1x64xf32, #tpu.memory_space<vmem>>
      %dma_start3A_383 = tpu.memref_squeeze %dma_start3A_382 : memref<1x64xf32, #tpu.memory_space<vmem>> -> memref<64xf32, #tpu.memory_space<vmem>>
      %dma_start3A_384 = arith.constant 0 : i32
      %dma_start3A_385 = tpu.memref_slice %arg5[%squeeze3A_376, %dma_start3A_384] : memref<1000000x64xf32, #tpu.memory_space<hbm>> -> memref<1x64xf32, #tpu.memory_space<hbm>>
      %dma_start3A_386 = tpu.memref_squeeze %dma_start3A_385 : memref<1x64xf32, #tpu.memory_space<hbm>> -> memref<64xf32, #tpu.memory_space<hbm>>
      %dma_start3A_387 = arith.constant 0 : i32
      %dma_start3A_388 = tpu.memref_slice %arg11[%add3A_380, %dma_start3A_387] : memref<128x64xf32, #tpu.memory_space<vmem>> -> memref<1x64xf32, #tpu.memory_space<vmem>>
      %dma_start3A_389 = tpu.memref_squeeze %dma_start3A_388 : memref<1x64xf32, #tpu.memory_space<vmem>> -> memref<64xf32, #tpu.memory_space<vmem>>
      %dma_start3A_390 = arith.constant 0 : i32
      %dma_start3A_391 = tpu.memref_slice %arg5[%squeeze3A_376, %dma_start3A_390] : memref<1000000x64xf32, #tpu.memory_space<hbm>> -> memref<1x64xf32, #tpu.memory_space<hbm>>
      %dma_start3A_392 = tpu.memref_squeeze %dma_start3A_391 : memref<1x64xf32, #tpu.memory_space<hbm>> -> memref<64xf32, #tpu.memory_space<hbm>>
      tpu.enqueue_dma source(%dma_start3A_392 : memref<64xf32, #tpu.memory_space<hbm>>) target(%dma_start3A_389 : memref<64xf32, #tpu.memory_space<vmem>>) target_semaphore(%arg21 : memref<!tpu.dma_semaphore, #tpu.memory_space<semaphore_mem>>)
      %slice3A_393 = vector.extract_strided_slice %get3A_244 {offsets = [4], sizes = [1], strides = [1]} : vector<16xi32> to vector<1xi32>
      %squeeze3A_394 = vector.extract %slice3A_393[0] : i32 from vector<1xi32>
      %mul3A_395 = arith.constant 16 : i32
      %mul3A_396 = arith.muli %scan3A_237, %mul3A_395 : i32
      %add3A_397 = arith.constant 4 : i32
      %add3A_398 = arith.addi %mul3A_396, %add3A_397 : i32
      %dma_start3A_399 = arith.constant 0 : i32
      %dma_start3A_400 = tpu.memref_slice %arg9[%add3A_398, %dma_start3A_399] : memref<128x64xf32, #tpu.memory_space<vmem>> -> memref<1x64xf32, #tpu.memory_space<vmem>>
      %dma_start3A_401 = tpu.memref_squeeze %dma_start3A_400 : memref<1x64xf32, #tpu.memory_space<vmem>> -> memref<64xf32, #tpu.memory_space<vmem>>
      %dma_start3A_402 = arith.constant 0 : i32
      %dma_start3A_403 = tpu.memref_slice %arg4[%squeeze3A_394, %dma_start3A_402] : memref<1000000x64xf32, #tpu.memory_space<hbm>> -> memref<1x64xf32, #tpu.memory_space<hbm>>
      %dma_start3A_404 = tpu.memref_squeeze %dma_start3A_403 : memref<1x64xf32, #tpu.memory_space<hbm>> -> memref<64xf32, #tpu.memory_space<hbm>>
      %dma_start3A_405 = arith.constant 0 : i32
      %dma_start3A_406 = tpu.memref_slice %arg9[%add3A_398, %dma_start3A_405] : memref<128x64xf32, #tpu.memory_space<vmem>> -> memref<1x64xf32, #tpu.memory_space<vmem>>
      %dma_start3A_407 = tpu.memref_squeeze %dma_start3A_406 : memref<1x64xf32, #tpu.memory_space<vmem>> -> memref<64xf32, #tpu.memory_space<vmem>>
      %dma_start3A_408 = arith.constant 0 : i32
      %dma_start3A_409 = tpu.memref_slice %arg4[%squeeze3A_394, %dma_start3A_408] : memref<1000000x64xf32, #tpu.memory_space<hbm>> -> memref<1x64xf32, #tpu.memory_space<hbm>>
      %dma_start3A_410 = tpu.memref_squeeze %dma_start3A_409 : memref<1x64xf32, #tpu.memory_space<hbm>> -> memref<64xf32, #tpu.memory_space<hbm>>
      tpu.enqueue_dma source(%dma_start3A_410 : memref<64xf32, #tpu.memory_space<hbm>>) target(%dma_start3A_407 : memref<64xf32, #tpu.memory_space<vmem>>) target_semaphore(%arg18 : memref<!tpu.dma_semaphore, #tpu.memory_space<semaphore_mem>>)
      %slice3A_411 = vector.extract_strided_slice %get3A_251 {offsets = [4], sizes = [1], strides = [1]} : vector<16xi32> to vector<1xi32>
      %squeeze3A_412 = vector.extract %slice3A_411[0] : i32 from vector<1xi32>
      %mul3A_413 = arith.constant 16 : i32
      %mul3A_414 = arith.muli %scan3A_237, %mul3A_413 : i32
      %add3A_415 = arith.constant 4 : i32
      %add3A_416 = arith.addi %mul3A_414, %add3A_415 : i32
      %dma_start3A_417 = arith.constant 0 : i32
      %dma_start3A_418 = tpu.memref_slice %arg11[%add3A_416, %dma_start3A_417] : memref<128x64xf32, #tpu.memory_space<vmem>> -> memref<1x64xf32, #tpu.memory_space<vmem>>
      %dma_start3A_419 = tpu.memref_squeeze %dma_start3A_418 : memref<1x64xf32, #tpu.memory_space<vmem>> -> memref<64xf32, #tpu.memory_space<vmem>>
      %dma_start3A_420 = arith.constant 0 : i32
      %dma_start3A_421 = tpu.memref_slice %arg5[%squeeze3A_412, %dma_start3A_420] : memref<1000000x64xf32, #tpu.memory_space<hbm>> -> memref<1x64xf32, #tpu.memory_space<hbm>>
      %dma_start3A_422 = tpu.memref_squeeze %dma_start3A_421 : memref<1x64xf32, #tpu.memory_space<hbm>> -> memref<64xf32, #tpu.memory_space<hbm>>
      %dma_start3A_423 = arith.constant 0 : i32
      %dma_start3A_424 = tpu.memref_slice %arg11[%add3A_416, %dma_start3A_423] : memref<128x64xf32, #tpu.memory_space<vmem>> -> memref<1x64xf32, #tpu.memory_space<vmem>>
      %dma_start3A_425 = tpu.memref_squeeze %dma_start3A_424 : memref<1x64xf32, #tpu.memory_space<vmem>> -> memref<64xf32, #tpu.memory_space<vmem>>
      %dma_start3A_426 = arith.constant 0 : i32
      %dma_start3A_427 = tpu.memref_slice %arg5[%squeeze3A_412, %dma_start3A_426] : memref<1000000x64xf32, #tpu.memory_space<hbm>> -> memref<1x64xf32, #tpu.memory_space<hbm>>
      %dma_start3A_428 = tpu.memref_squeeze %dma_start3A_427 : memref<1x64xf32, #tpu.memory_space<hbm>> -> memref<64xf32, #tpu.memory_space<hbm>>
      tpu.enqueue_dma source(%dma_start3A_428 : memref<64xf32, #tpu.memory_space<hbm>>) target(%dma_start3A_425 : memref<64xf32, #tpu.memory_space<vmem>>) target_semaphore(%arg18 : memref<!tpu.dma_semaphore, #tpu.memory_space<semaphore_mem>>)
      %slice3A_429 = vector.extract_strided_slice %get3A_244 {offsets = [5], sizes = [1], strides = [1]} : vector<16xi32> to vector<1xi32>
      %squeeze3A_430 = vector.extract %slice3A_429[0] : i32 from vector<1xi32>
      %mul3A_431 = arith.constant 16 : i32
      %mul3A_432 = arith.muli %scan3A_237, %mul3A_431 : i32
      %add3A_433 = arith.constant 5 : i32
      %add3A_434 = arith.addi %mul3A_432, %add3A_433 : i32
      %dma_start3A_435 = arith.constant 0 : i32
      %dma_start3A_436 = tpu.memref_slice %arg9[%add3A_434, %dma_start3A_435] : memref<128x64xf32, #tpu.memory_space<vmem>> -> memref<1x64xf32, #tpu.memory_space<vmem>>
      %dma_start3A_437 = tpu.memref_squeeze %dma_start3A_436 : memref<1x64xf32, #tpu.memory_space<vmem>> -> memref<64xf32, #tpu.memory_space<vmem>>
      %dma_start3A_438 = arith.constant 0 : i32
      %dma_start3A_439 = tpu.memref_slice %arg4[%squeeze3A_430, %dma_start3A_438] : memref<1000000x64xf32, #tpu.memory_space<hbm>> -> memref<1x64xf32, #tpu.memory_space<hbm>>
      %dma_start3A_440 = tpu.memref_squeeze %dma_start3A_439 : memref<1x64xf32, #tpu.memory_space<hbm>> -> memref<64xf32, #tpu.memory_space<hbm>>
      %dma_start3A_441 = arith.constant 0 : i32
      %dma_start3A_442 = tpu.memref_slice %arg9[%add3A_434, %dma_start3A_441] : memref<128x64xf32, #tpu.memory_space<vmem>> -> memref<1x64xf32, #tpu.memory_space<vmem>>
      %dma_start3A_443 = tpu.memref_squeeze %dma_start3A_442 : memref<1x64xf32, #tpu.memory_space<vmem>> -> memref<64xf32, #tpu.memory_space<vmem>>
      %dma_start3A_444 = arith.constant 0 : i32
      %dma_start3A_445 = tpu.memref_slice %arg4[%squeeze3A_430, %dma_start3A_444] : memref<1000000x64xf32, #tpu.memory_space<hbm>> -> memref<1x64xf32, #tpu.memory_space<hbm>>
      %dma_start3A_446 = tpu.memref_squeeze %dma_start3A_445 : memref<1x64xf32, #tpu.memory_space<hbm>> -> memref<64xf32, #tpu.memory_space<hbm>>
      tpu.enqueue_dma source(%dma_start3A_446 : memref<64xf32, #tpu.memory_space<hbm>>) target(%dma_start3A_443 : memref<64xf32, #tpu.memory_space<vmem>>) target_semaphore(%arg19 : memref<!tpu.dma_semaphore, #tpu.memory_space<semaphore_mem>>)
      %slice3A_447 = vector.extract_strided_slice %get3A_251 {offsets = [5], sizes = [1], strides = [1]} : vector<16xi32> to vector<1xi32>
      %squeeze3A_448 = vector.extract %slice3A_447[0] : i32 from vector<1xi32>
      %mul3A_449 = arith.constant 16 : i32
      %mul3A_450 = arith.muli %scan3A_237, %mul3A_449 : i32
      %add3A_451 = arith.constant 5 : i32
      %add3A_452 = arith.addi %mul3A_450, %add3A_451 : i32
      %dma_start3A_453 = arith.constant 0 : i32
      %dma_start3A_454 = tpu.memref_slice %arg11[%add3A_452, %dma_start3A_453] : memref<128x64xf32, #tpu.memory_space<vmem>> -> memref<1x64xf32, #tpu.memory_space<vmem>>
      %dma_start3A_455 = tpu.memref_squeeze %dma_start3A_454 : memref<1x64xf32, #tpu.memory_space<vmem>> -> memref<64xf32, #tpu.memory_space<vmem>>
      %dma_start3A_456 = arith.constant 0 : i32
      %dma_start3A_457 = tpu.memref_slice %arg5[%squeeze3A_448, %dma_start3A_456] : memref<1000000x64xf32, #tpu.memory_space<hbm>> -> memref<1x64xf32, #tpu.memory_space<hbm>>
      %dma_start3A_458 = tpu.memref_squeeze %dma_start3A_457 : memref<1x64xf32, #tpu.memory_space<hbm>> -> memref<64xf32, #tpu.memory_space<hbm>>
      %dma_start3A_459 = arith.constant 0 : i32
      %dma_start3A_460 = tpu.memref_slice %arg11[%add3A_452, %dma_start3A_459] : memref<128x64xf32, #tpu.memory_space<vmem>> -> memref<1x64xf32, #tpu.memory_space<vmem>>
      %dma_start3A_461 = tpu.memref_squeeze %dma_start3A_460 : memref<1x64xf32, #tpu.memory_space<vmem>> -> memref<64xf32, #tpu.memory_space<vmem>>
      %dma_start3A_462 = arith.constant 0 : i32
      %dma_start3A_463 = tpu.memref_slice %arg5[%squeeze3A_448, %dma_start3A_462] : memref<1000000x64xf32, #tpu.memory_space<hbm>> -> memref<1x64xf32, #tpu.memory_space<hbm>>
      %dma_start3A_464 = tpu.memref_squeeze %dma_start3A_463 : memref<1x64xf32, #tpu.memory_space<hbm>> -> memref<64xf32, #tpu.memory_space<hbm>>
      tpu.enqueue_dma source(%dma_start3A_464 : memref<64xf32, #tpu.memory_space<hbm>>) target(%dma_start3A_461 : memref<64xf32, #tpu.memory_space<vmem>>) target_semaphore(%arg19 : memref<!tpu.dma_semaphore, #tpu.memory_space<semaphore_mem>>)
      %slice3A_465 = vector.extract_strided_slice %get3A_244 {offsets = [6], sizes = [1], strides = [1]} : vector<16xi32> to vector<1xi32>
      %squeeze3A_466 = vector.extract %slice3A_465[0] : i32 from vector<1xi32>
      %mul3A_467 = arith.constant 16 : i32
      %mul3A_468 = arith.muli %scan3A_237, %mul3A_467 : i32
      %add3A_469 = arith.constant 6 : i32
      %add3A_470 = arith.addi %mul3A_468, %add3A_469 : i32
      %dma_start3A_471 = arith.constant 0 : i32
      %dma_start3A_472 = tpu.memref_slice %arg9[%add3A_470, %dma_start3A_471] : memref<128x64xf32, #tpu.memory_space<vmem>> -> memref<1x64xf32, #tpu.memory_space<vmem>>
      %dma_start3A_473 = tpu.memref_squeeze %dma_start3A_472 : memref<1x64xf32, #tpu.memory_space<vmem>> -> memref<64xf32, #tpu.memory_space<vmem>>
      %dma_start3A_474 = arith.constant 0 : i32
      %dma_start3A_475 = tpu.memref_slice %arg4[%squeeze3A_466, %dma_start3A_474] : memref<1000000x64xf32, #tpu.memory_space<hbm>> -> memref<1x64xf32, #tpu.memory_space<hbm>>
      %dma_start3A_476 = tpu.memref_squeeze %dma_start3A_475 : memref<1x64xf32, #tpu.memory_space<hbm>> -> memref<64xf32, #tpu.memory_space<hbm>>
      %dma_start3A_477 = arith.constant 0 : i32
      %dma_start3A_478 = tpu.memref_slice %arg9[%add3A_470, %dma_start3A_477] : memref<128x64xf32, #tpu.memory_space<vmem>> -> memref<1x64xf32, #tpu.memory_space<vmem>>
      %dma_start3A_479 = tpu.memref_squeeze %dma_start3A_478 : memref<1x64xf32, #tpu.memory_space<vmem>> -> memref<64xf32, #tpu.memory_space<vmem>>
      %dma_start3A_480 = arith.constant 0 : i32
      %dma_start3A_481 = tpu.memref_slice %arg4[%squeeze3A_466, %dma_start3A_480] : memref<1000000x64xf32, #tpu.memory_space<hbm>> -> memref<1x64xf32, #tpu.memory_space<hbm>>
      %dma_start3A_482 = tpu.memref_squeeze %dma_start3A_481 : memref<1x64xf32, #tpu.memory_space<hbm>> -> memref<64xf32, #tpu.memory_space<hbm>>
      tpu.enqueue_dma source(%dma_start3A_482 : memref<64xf32, #tpu.memory_space<hbm>>) target(%dma_start3A_479 : memref<64xf32, #tpu.memory_space<vmem>>) target_semaphore(%arg20 : memref<!tpu.dma_semaphore, #tpu.memory_space<semaphore_mem>>)
      %slice3A_483 = vector.extract_strided_slice %get3A_251 {offsets = [6], sizes = [1], strides = [1]} : vector<16xi32> to vector<1xi32>
      %squeeze3A_484 = vector.extract %slice3A_483[0] : i32 from vector<1xi32>
      %mul3A_485 = arith.constant 16 : i32
      %mul3A_486 = arith.muli %scan3A_237, %mul3A_485 : i32
      %add3A_487 = arith.constant 6 : i32
      %add3A_488 = arith.addi %mul3A_486, %add3A_487 : i32
      %dma_start3A_489 = arith.constant 0 : i32
      %dma_start3A_490 = tpu.memref_slice %arg11[%add3A_488, %dma_start3A_489] : memref<128x64xf32, #tpu.memory_space<vmem>> -> memref<1x64xf32, #tpu.memory_space<vmem>>
      %dma_start3A_491 = tpu.memref_squeeze %dma_start3A_490 : memref<1x64xf32, #tpu.memory_space<vmem>> -> memref<64xf32, #tpu.memory_space<vmem>>
      %dma_start3A_492 = arith.constant 0 : i32
      %dma_start3A_493 = tpu.memref_slice %arg5[%squeeze3A_484, %dma_start3A_492] : memref<1000000x64xf32, #tpu.memory_space<hbm>> -> memref<1x64xf32, #tpu.memory_space<hbm>>
      %dma_start3A_494 = tpu.memref_squeeze %dma_start3A_493 : memref<1x64xf32, #tpu.memory_space<hbm>> -> memref<64xf32, #tpu.memory_space<hbm>>
      %dma_start3A_495 = arith.constant 0 : i32
      %dma_start3A_496 = tpu.memref_slice %arg11[%add3A_488, %dma_start3A_495] : memref<128x64xf32, #tpu.memory_space<vmem>> -> memref<1x64xf32, #tpu.memory_space<vmem>>
      %dma_start3A_497 = tpu.memref_squeeze %dma_start3A_496 : memref<1x64xf32, #tpu.memory_space<vmem>> -> memref<64xf32, #tpu.memory_space<vmem>>
      %dma_start3A_498 = arith.constant 0 : i32
      %dma_start3A_499 = tpu.memref_slice %arg5[%squeeze3A_484, %dma_start3A_498] : memref<1000000x64xf32, #tpu.memory_space<hbm>> -> memref<1x64xf32, #tpu.memory_space<hbm>>
      %dma_start3A_500 = tpu.memref_squeeze %dma_start3A_499 : memref<1x64xf32, #tpu.memory_space<hbm>> -> memref<64xf32, #tpu.memory_space<hbm>>
      tpu.enqueue_dma source(%dma_start3A_500 : memref<64xf32, #tpu.memory_space<hbm>>) target(%dma_start3A_497 : memref<64xf32, #tpu.memory_space<vmem>>) target_semaphore(%arg20 : memref<!tpu.dma_semaphore, #tpu.memory_space<semaphore_mem>>)
      %slice3A_501 = vector.extract_strided_slice %get3A_244 {offsets = [7], sizes = [1], strides = [1]} : vector<16xi32> to vector<1xi32>
      %squeeze3A_502 = vector.extract %slice3A_501[0] : i32 from vector<1xi32>
      %mul3A_503 = arith.constant 16 : i32
      %mul3A_504 = arith.muli %scan3A_237, %mul3A_503 : i32
      %add3A_505 = arith.constant 7 : i32
      %add3A_506 = arith.addi %mul3A_504, %add3A_505 : i32
      %dma_start3A_507 = arith.constant 0 : i32
      %dma_start3A_508 = tpu.memref_slice %arg9[%add3A_506, %dma_start3A_507] : memref<128x64xf32, #tpu.memory_space<vmem>> -> memref<1x64xf32, #tpu.memory_space<vmem>>
      %dma_start3A_509 = tpu.memref_squeeze %dma_start3A_508 : memref<1x64xf32, #tpu.memory_space<vmem>> -> memref<64xf32, #tpu.memory_space<vmem>>
      %dma_start3A_510 = arith.constant 0 : i32
      %dma_start3A_511 = tpu.memref_slice %arg4[%squeeze3A_502, %dma_start3A_510] : memref<1000000x64xf32, #tpu.memory_space<hbm>> -> memref<1x64xf32, #tpu.memory_space<hbm>>
      %dma_start3A_512 = tpu.memref_squeeze %dma_start3A_511 : memref<1x64xf32, #tpu.memory_space<hbm>> -> memref<64xf32, #tpu.memory_space<hbm>>
      %dma_start3A_513 = arith.constant 0 : i32
      %dma_start3A_514 = tpu.memref_slice %arg9[%add3A_506, %dma_start3A_513] : memref<128x64xf32, #tpu.memory_space<vmem>> -> memref<1x64xf32, #tpu.memory_space<vmem>>
      %dma_start3A_515 = tpu.memref_squeeze %dma_start3A_514 : memref<1x64xf32, #tpu.memory_space<vmem>> -> memref<64xf32, #tpu.memory_space<vmem>>
      %dma_start3A_516 = arith.constant 0 : i32
      %dma_start3A_517 = tpu.memref_slice %arg4[%squeeze3A_502, %dma_start3A_516] : memref<1000000x64xf32, #tpu.memory_space<hbm>> -> memref<1x64xf32, #tpu.memory_space<hbm>>
      %dma_start3A_518 = tpu.memref_squeeze %dma_start3A_517 : memref<1x64xf32, #tpu.memory_space<hbm>> -> memref<64xf32, #tpu.memory_space<hbm>>
      tpu.enqueue_dma source(%dma_start3A_518 : memref<64xf32, #tpu.memory_space<hbm>>) target(%dma_start3A_515 : memref<64xf32, #tpu.memory_space<vmem>>) target_semaphore(%arg21 : memref<!tpu.dma_semaphore, #tpu.memory_space<semaphore_mem>>)
      %slice3A_519 = vector.extract_strided_slice %get3A_251 {offsets = [7], sizes = [1], strides = [1]} : vector<16xi32> to vector<1xi32>
      %squeeze3A_520 = vector.extract %slice3A_519[0] : i32 from vector<1xi32>
      %mul3A_521 = arith.constant 16 : i32
      %mul3A_522 = arith.muli %scan3A_237, %mul3A_521 : i32
      %add3A_523 = arith.constant 7 : i32
      %add3A_524 = arith.addi %mul3A_522, %add3A_523 : i32
      %dma_start3A_525 = arith.constant 0 : i32
      %dma_start3A_526 = tpu.memref_slice %arg11[%add3A_524, %dma_start3A_525] : memref<128x64xf32, #tpu.memory_space<vmem>> -> memref<1x64xf32, #tpu.memory_space<vmem>>
      %dma_start3A_527 = tpu.memref_squeeze %dma_start3A_526 : memref<1x64xf32, #tpu.memory_space<vmem>> -> memref<64xf32, #tpu.memory_space<vmem>>
      %dma_start3A_528 = arith.constant 0 : i32
      %dma_start3A_529 = tpu.memref_slice %arg5[%squeeze3A_520, %dma_start3A_528] : memref<1000000x64xf32, #tpu.memory_space<hbm>> -> memref<1x64xf32, #tpu.memory_space<hbm>>
      %dma_start3A_530 = tpu.memref_squeeze %dma_start3A_529 : memref<1x64xf32, #tpu.memory_space<hbm>> -> memref<64xf32, #tpu.memory_space<hbm>>
      %dma_start3A_531 = arith.constant 0 : i32
      %dma_start3A_532 = tpu.memref_slice %arg11[%add3A_524, %dma_start3A_531] : memref<128x64xf32, #tpu.memory_space<vmem>> -> memref<1x64xf32, #tpu.memory_space<vmem>>
      %dma_start3A_533 = tpu.memref_squeeze %dma_start3A_532 : memref<1x64xf32, #tpu.memory_space<vmem>> -> memref<64xf32, #tpu.memory_space<vmem>>
      %dma_start3A_534 = arith.constant 0 : i32
      %dma_start3A_535 = tpu.memref_slice %arg5[%squeeze3A_520, %dma_start3A_534] : memref<1000000x64xf32, #tpu.memory_space<hbm>> -> memref<1x64xf32, #tpu.memory_space<hbm>>
      %dma_start3A_536 = tpu.memref_squeeze %dma_start3A_535 : memref<1x64xf32, #tpu.memory_space<hbm>> -> memref<64xf32, #tpu.memory_space<hbm>>
      tpu.enqueue_dma source(%dma_start3A_536 : memref<64xf32, #tpu.memory_space<hbm>>) target(%dma_start3A_533 : memref<64xf32, #tpu.memory_space<vmem>>) target_semaphore(%arg21 : memref<!tpu.dma_semaphore, #tpu.memory_space<semaphore_mem>>)
      %slice3A_537 = vector.extract_strided_slice %get3A_244 {offsets = [8], sizes = [1], strides = [1]} : vector<16xi32> to vector<1xi32>
      %squeeze3A_538 = vector.extract %slice3A_537[0] : i32 from vector<1xi32>
      %mul3A_539 = arith.constant 16 : i32
      %mul3A_540 = arith.muli %scan3A_237, %mul3A_539 : i32
      %add3A_541 = arith.constant 8 : i32
      %add3A_542 = arith.addi %mul3A_540, %add3A_541 : i32
      %dma_start3A_543 = arith.constant 0 : i32
      %dma_start3A_544 = tpu.memref_slice %arg9[%add3A_542, %dma_start3A_543] : memref<128x64xf32, #tpu.memory_space<vmem>> -> memref<1x64xf32, #tpu.memory_space<vmem>>
      %dma_start3A_545 = tpu.memref_squeeze %dma_start3A_544 : memref<1x64xf32, #tpu.memory_space<vmem>> -> memref<64xf32, #tpu.memory_space<vmem>>
      %dma_start3A_546 = arith.constant 0 : i32
      %dma_start3A_547 = tpu.memref_slice %arg4[%squeeze3A_538, %dma_start3A_546] : memref<1000000x64xf32, #tpu.memory_space<hbm>> -> memref<1x64xf32, #tpu.memory_space<hbm>>
      %dma_start3A_548 = tpu.memref_squeeze %dma_start3A_547 : memref<1x64xf32, #tpu.memory_space<hbm>> -> memref<64xf32, #tpu.memory_space<hbm>>
      %dma_start3A_549 = arith.constant 0 : i32
      %dma_start3A_550 = tpu.memref_slice %arg9[%add3A_542, %dma_start3A_549] : memref<128x64xf32, #tpu.memory_space<vmem>> -> memref<1x64xf32, #tpu.memory_space<vmem>>
      %dma_start3A_551 = tpu.memref_squeeze %dma_start3A_550 : memref<1x64xf32, #tpu.memory_space<vmem>> -> memref<64xf32, #tpu.memory_space<vmem>>
      %dma_start3A_552 = arith.constant 0 : i32
      %dma_start3A_553 = tpu.memref_slice %arg4[%squeeze3A_538, %dma_start3A_552] : memref<1000000x64xf32, #tpu.memory_space<hbm>> -> memref<1x64xf32, #tpu.memory_space<hbm>>
      %dma_start3A_554 = tpu.memref_squeeze %dma_start3A_553 : memref<1x64xf32, #tpu.memory_space<hbm>> -> memref<64xf32, #tpu.memory_space<hbm>>
      tpu.enqueue_dma source(%dma_start3A_554 : memref<64xf32, #tpu.memory_space<hbm>>) target(%dma_start3A_551 : memref<64xf32, #tpu.memory_space<vmem>>) target_semaphore(%arg18 : memref<!tpu.dma_semaphore, #tpu.memory_space<semaphore_mem>>)
      %slice3A_555 = vector.extract_strided_slice %get3A_251 {offsets = [8], sizes = [1], strides = [1]} : vector<16xi32> to vector<1xi32>
      %squeeze3A_556 = vector.extract %slice3A_555[0] : i32 from vector<1xi32>
      %mul3A_557 = arith.constant 16 : i32
      %mul3A_558 = arith.muli %scan3A_237, %mul3A_557 : i32
      %add3A_559 = arith.constant 8 : i32
      %add3A_560 = arith.addi %mul3A_558, %add3A_559 : i32
      %dma_start3A_561 = arith.constant 0 : i32
      %dma_start3A_562 = tpu.memref_slice %arg11[%add3A_560, %dma_start3A_561] : memref<128x64xf32, #tpu.memory_space<vmem>> -> memref<1x64xf32, #tpu.memory_space<vmem>>
      %dma_start3A_563 = tpu.memref_squeeze %dma_start3A_562 : memref<1x64xf32, #tpu.memory_space<vmem>> -> memref<64xf32, #tpu.memory_space<vmem>>
      %dma_start3A_564 = arith.constant 0 : i32
      %dma_start3A_565 = tpu.memref_slice %arg5[%squeeze3A_556, %dma_start3A_564] : memref<1000000x64xf32, #tpu.memory_space<hbm>> -> memref<1x64xf32, #tpu.memory_space<hbm>>
      %dma_start3A_566 = tpu.memref_squeeze %dma_start3A_565 : memref<1x64xf32, #tpu.memory_space<hbm>> -> memref<64xf32, #tpu.memory_space<hbm>>
      %dma_start3A_567 = arith.constant 0 : i32
      %dma_start3A_568 = tpu.memref_slice %arg11[%add3A_560, %dma_start3A_567] : memref<128x64xf32, #tpu.memory_space<vmem>> -> memref<1x64xf32, #tpu.memory_space<vmem>>
      %dma_start3A_569 = tpu.memref_squeeze %dma_start3A_568 : memref<1x64xf32, #tpu.memory_space<vmem>> -> memref<64xf32, #tpu.memory_space<vmem>>
      %dma_start3A_570 = arith.constant 0 : i32
      %dma_start3A_571 = tpu.memref_slice %arg5[%squeeze3A_556, %dma_start3A_570] : memref<1000000x64xf32, #tpu.memory_space<hbm>> -> memref<1x64xf32, #tpu.memory_space<hbm>>
      %dma_start3A_572 = tpu.memref_squeeze %dma_start3A_571 : memref<1x64xf32, #tpu.memory_space<hbm>> -> memref<64xf32, #tpu.memory_space<hbm>>
      tpu.enqueue_dma source(%dma_start3A_572 : memref<64xf32, #tpu.memory_space<hbm>>) target(%dma_start3A_569 : memref<64xf32, #tpu.memory_space<vmem>>) target_semaphore(%arg18 : memref<!tpu.dma_semaphore, #tpu.memory_space<semaphore_mem>>)
      %slice3A_573 = vector.extract_strided_slice %get3A_244 {offsets = [9], sizes = [1], strides = [1]} : vector<16xi32> to vector<1xi32>
      %squeeze3A_574 = vector.extract %slice3A_573[0] : i32 from vector<1xi32>
      %mul3A_575 = arith.constant 16 : i32
      %mul3A_576 = arith.muli %scan3A_237, %mul3A_575 : i32
      %add3A_577 = arith.constant 9 : i32
      %add3A_578 = arith.addi %mul3A_576, %add3A_577 : i32
      %dma_start3A_579 = arith.constant 0 : i32
      %dma_start3A_580 = tpu.memref_slice %arg9[%add3A_578, %dma_start3A_579] : memref<128x64xf32, #tpu.memory_space<vmem>> -> memref<1x64xf32, #tpu.memory_space<vmem>>
      %dma_start3A_581 = tpu.memref_squeeze %dma_start3A_580 : memref<1x64xf32, #tpu.memory_space<vmem>> -> memref<64xf32, #tpu.memory_space<vmem>>
      %dma_start3A_582 = arith.constant 0 : i32
      %dma_start3A_583 = tpu.memref_slice %arg4[%squeeze3A_574, %dma_start3A_582] : memref<1000000x64xf32, #tpu.memory_space<hbm>> -> memref<1x64xf32, #tpu.memory_space<hbm>>
      %dma_start3A_584 = tpu.memref_squeeze %dma_start3A_583 : memref<1x64xf32, #tpu.memory_space<hbm>> -> memref<64xf32, #tpu.memory_space<hbm>>
      %dma_start3A_585 = arith.constant 0 : i32
      %dma_start3A_586 = tpu.memref_slice %arg9[%add3A_578, %dma_start3A_585] : memref<128x64xf32, #tpu.memory_space<vmem>> -> memref<1x64xf32, #tpu.memory_space<vmem>>
      %dma_start3A_587 = tpu.memref_squeeze %dma_start3A_586 : memref<1x64xf32, #tpu.memory_space<vmem>> -> memref<64xf32, #tpu.memory_space<vmem>>
      %dma_start3A_588 = arith.constant 0 : i32
      %dma_start3A_589 = tpu.memref_slice %arg4[%squeeze3A_574, %dma_start3A_588] : memref<1000000x64xf32, #tpu.memory_space<hbm>> -> memref<1x64xf32, #tpu.memory_space<hbm>>
      %dma_start3A_590 = tpu.memref_squeeze %dma_start3A_589 : memref<1x64xf32, #tpu.memory_space<hbm>> -> memref<64xf32, #tpu.memory_space<hbm>>
      tpu.enqueue_dma source(%dma_start3A_590 : memref<64xf32, #tpu.memory_space<hbm>>) target(%dma_start3A_587 : memref<64xf32, #tpu.memory_space<vmem>>) target_semaphore(%arg19 : memref<!tpu.dma_semaphore, #tpu.memory_space<semaphore_mem>>)
      %slice3A_591 = vector.extract_strided_slice %get3A_251 {offsets = [9], sizes = [1], strides = [1]} : vector<16xi32> to vector<1xi32>
      %squeeze3A_592 = vector.extract %slice3A_591[0] : i32 from vector<1xi32>
      %mul3A_593 = arith.constant 16 : i32
      %mul3A_594 = arith.muli %scan3A_237, %mul3A_593 : i32
      %add3A_595 = arith.constant 9 : i32
      %add3A_596 = arith.addi %mul3A_594, %add3A_595 : i32
      %dma_start3A_597 = arith.constant 0 : i32
      %dma_start3A_598 = tpu.memref_slice %arg11[%add3A_596, %dma_start3A_597] : memref<128x64xf32, #tpu.memory_space<vmem>> -> memref<1x64xf32, #tpu.memory_space<vmem>>
      %dma_start3A_599 = tpu.memref_squeeze %dma_start3A_598 : memref<1x64xf32, #tpu.memory_space<vmem>> -> memref<64xf32, #tpu.memory_space<vmem>>
      %dma_start3A_600 = arith.constant 0 : i32
      %dma_start3A_601 = tpu.memref_slice %arg5[%squeeze3A_592, %dma_start3A_600] : memref<1000000x64xf32, #tpu.memory_space<hbm>> -> memref<1x64xf32, #tpu.memory_space<hbm>>
      %dma_start3A_602 = tpu.memref_squeeze %dma_start3A_601 : memref<1x64xf32, #tpu.memory_space<hbm>> -> memref<64xf32, #tpu.memory_space<hbm>>
      %dma_start3A_603 = arith.constant 0 : i32
      %dma_start3A_604 = tpu.memref_slice %arg11[%add3A_596, %dma_start3A_603] : memref<128x64xf32, #tpu.memory_space<vmem>> -> memref<1x64xf32, #tpu.memory_space<vmem>>
      %dma_start3A_605 = tpu.memref_squeeze %dma_start3A_604 : memref<1x64xf32, #tpu.memory_space<vmem>> -> memref<64xf32, #tpu.memory_space<vmem>>
      %dma_start3A_606 = arith.constant 0 : i32
      %dma_start3A_607 = tpu.memref_slice %arg5[%squeeze3A_592, %dma_start3A_606] : memref<1000000x64xf32, #tpu.memory_space<hbm>> -> memref<1x64xf32, #tpu.memory_space<hbm>>
      %dma_start3A_608 = tpu.memref_squeeze %dma_start3A_607 : memref<1x64xf32, #tpu.memory_space<hbm>> -> memref<64xf32, #tpu.memory_space<hbm>>
      tpu.enqueue_dma source(%dma_start3A_608 : memref<64xf32, #tpu.memory_space<hbm>>) target(%dma_start3A_605 : memref<64xf32, #tpu.memory_space<vmem>>) target_semaphore(%arg19 : memref<!tpu.dma_semaphore, #tpu.memory_space<semaphore_mem>>)
      %slice3A_609 = vector.extract_strided_slice %get3A_244 {offsets = [10], sizes = [1], strides = [1]} : vector<16xi32> to vector<1xi32>
      %squeeze3A_610 = vector.extract %slice3A_609[0] : i32 from vector<1xi32>
      %mul3A_611 = arith.constant 16 : i32
      %mul3A_612 = arith.muli %scan3A_237, %mul3A_611 : i32
      %add3A_613 = arith.constant 10 : i32
      %add3A_614 = arith.addi %mul3A_612, %add3A_613 : i32
      %dma_start3A_615 = arith.constant 0 : i32
      %dma_start3A_616 = tpu.memref_slice %arg9[%add3A_614, %dma_start3A_615] : memref<128x64xf32, #tpu.memory_space<vmem>> -> memref<1x64xf32, #tpu.memory_space<vmem>>
      %dma_start3A_617 = tpu.memref_squeeze %dma_start3A_616 : memref<1x64xf32, #tpu.memory_space<vmem>> -> memref<64xf32, #tpu.memory_space<vmem>>
      %dma_start3A_618 = arith.constant 0 : i32
      %dma_start3A_619 = tpu.memref_slice %arg4[%squeeze3A_610, %dma_start3A_618] : memref<1000000x64xf32, #tpu.memory_space<hbm>> -> memref<1x64xf32, #tpu.memory_space<hbm>>
      %dma_start3A_620 = tpu.memref_squeeze %dma_start3A_619 : memref<1x64xf32, #tpu.memory_space<hbm>> -> memref<64xf32, #tpu.memory_space<hbm>>
      %dma_start3A_621 = arith.constant 0 : i32
      %dma_start3A_622 = tpu.memref_slice %arg9[%add3A_614, %dma_start3A_621] : memref<128x64xf32, #tpu.memory_space<vmem>> -> memref<1x64xf32, #tpu.memory_space<vmem>>
      %dma_start3A_623 = tpu.memref_squeeze %dma_start3A_622 : memref<1x64xf32, #tpu.memory_space<vmem>> -> memref<64xf32, #tpu.memory_space<vmem>>
      %dma_start3A_624 = arith.constant 0 : i32
      %dma_start3A_625 = tpu.memref_slice %arg4[%squeeze3A_610, %dma_start3A_624] : memref<1000000x64xf32, #tpu.memory_space<hbm>> -> memref<1x64xf32, #tpu.memory_space<hbm>>
      %dma_start3A_626 = tpu.memref_squeeze %dma_start3A_625 : memref<1x64xf32, #tpu.memory_space<hbm>> -> memref<64xf32, #tpu.memory_space<hbm>>
      tpu.enqueue_dma source(%dma_start3A_626 : memref<64xf32, #tpu.memory_space<hbm>>) target(%dma_start3A_623 : memref<64xf32, #tpu.memory_space<vmem>>) target_semaphore(%arg20 : memref<!tpu.dma_semaphore, #tpu.memory_space<semaphore_mem>>)
      %slice3A_627 = vector.extract_strided_slice %get3A_251 {offsets = [10], sizes = [1], strides = [1]} : vector<16xi32> to vector<1xi32>
      %squeeze3A_628 = vector.extract %slice3A_627[0] : i32 from vector<1xi32>
      %mul3A_629 = arith.constant 16 : i32
      %mul3A_630 = arith.muli %scan3A_237, %mul3A_629 : i32
      %add3A_631 = arith.constant 10 : i32
      %add3A_632 = arith.addi %mul3A_630, %add3A_631 : i32
      %dma_start3A_633 = arith.constant 0 : i32
      %dma_start3A_634 = tpu.memref_slice %arg11[%add3A_632, %dma_start3A_633] : memref<128x64xf32, #tpu.memory_space<vmem>> -> memref<1x64xf32, #tpu.memory_space<vmem>>
      %dma_start3A_635 = tpu.memref_squeeze %dma_start3A_634 : memref<1x64xf32, #tpu.memory_space<vmem>> -> memref<64xf32, #tpu.memory_space<vmem>>
      %dma_start3A_636 = arith.constant 0 : i32
      %dma_start3A_637 = tpu.memref_slice %arg5[%squeeze3A_628, %dma_start3A_636] : memref<1000000x64xf32, #tpu.memory_space<hbm>> -> memref<1x64xf32, #tpu.memory_space<hbm>>
      %dma_start3A_638 = tpu.memref_squeeze %dma_start3A_637 : memref<1x64xf32, #tpu.memory_space<hbm>> -> memref<64xf32, #tpu.memory_space<hbm>>
      %dma_start3A_639 = arith.constant 0 : i32
      %dma_start3A_640 = tpu.memref_slice %arg11[%add3A_632, %dma_start3A_639] : memref<128x64xf32, #tpu.memory_space<vmem>> -> memref<1x64xf32, #tpu.memory_space<vmem>>
      %dma_start3A_641 = tpu.memref_squeeze %dma_start3A_640 : memref<1x64xf32, #tpu.memory_space<vmem>> -> memref<64xf32, #tpu.memory_space<vmem>>
      %dma_start3A_642 = arith.constant 0 : i32
      %dma_start3A_643 = tpu.memref_slice %arg5[%squeeze3A_628, %dma_start3A_642] : memref<1000000x64xf32, #tpu.memory_space<hbm>> -> memref<1x64xf32, #tpu.memory_space<hbm>>
      %dma_start3A_644 = tpu.memref_squeeze %dma_start3A_643 : memref<1x64xf32, #tpu.memory_space<hbm>> -> memref<64xf32, #tpu.memory_space<hbm>>
      tpu.enqueue_dma source(%dma_start3A_644 : memref<64xf32, #tpu.memory_space<hbm>>) target(%dma_start3A_641 : memref<64xf32, #tpu.memory_space<vmem>>) target_semaphore(%arg20 : memref<!tpu.dma_semaphore, #tpu.memory_space<semaphore_mem>>)
      %slice3A_645 = vector.extract_strided_slice %get3A_244 {offsets = [11], sizes = [1], strides = [1]} : vector<16xi32> to vector<1xi32>
      %squeeze3A_646 = vector.extract %slice3A_645[0] : i32 from vector<1xi32>
      %mul3A_647 = arith.constant 16 : i32
      %mul3A_648 = arith.muli %scan3A_237, %mul3A_647 : i32
      %add3A_649 = arith.constant 11 : i32
      %add3A_650 = arith.addi %mul3A_648, %add3A_649 : i32
      %dma_start3A_651 = arith.constant 0 : i32
      %dma_start3A_652 = tpu.memref_slice %arg9[%add3A_650, %dma_start3A_651] : memref<128x64xf32, #tpu.memory_space<vmem>> -> memref<1x64xf32, #tpu.memory_space<vmem>>
      %dma_start3A_653 = tpu.memref_squeeze %dma_start3A_652 : memref<1x64xf32, #tpu.memory_space<vmem>> -> memref<64xf32, #tpu.memory_space<vmem>>
      %dma_start3A_654 = arith.constant 0 : i32
      %dma_start3A_655 = tpu.memref_slice %arg4[%squeeze3A_646, %dma_start3A_654] : memref<1000000x64xf32, #tpu.memory_space<hbm>> -> memref<1x64xf32, #tpu.memory_space<hbm>>
      %dma_start3A_656 = tpu.memref_squeeze %dma_start3A_655 : memref<1x64xf32, #tpu.memory_space<hbm>> -> memref<64xf32, #tpu.memory_space<hbm>>
      %dma_start3A_657 = arith.constant 0 : i32
      %dma_start3A_658 = tpu.memref_slice %arg9[%add3A_650, %dma_start3A_657] : memref<128x64xf32, #tpu.memory_space<vmem>> -> memref<1x64xf32, #tpu.memory_space<vmem>>
      %dma_start3A_659 = tpu.memref_squeeze %dma_start3A_658 : memref<1x64xf32, #tpu.memory_space<vmem>> -> memref<64xf32, #tpu.memory_space<vmem>>
      %dma_start3A_660 = arith.constant 0 : i32
      %dma_start3A_661 = tpu.memref_slice %arg4[%squeeze3A_646, %dma_start3A_660] : memref<1000000x64xf32, #tpu.memory_space<hbm>> -> memref<1x64xf32, #tpu.memory_space<hbm>>
      %dma_start3A_662 = tpu.memref_squeeze %dma_start3A_661 : memref<1x64xf32, #tpu.memory_space<hbm>> -> memref<64xf32, #tpu.memory_space<hbm>>
      tpu.enqueue_dma source(%dma_start3A_662 : memref<64xf32, #tpu.memory_space<hbm>>) target(%dma_start3A_659 : memref<64xf32, #tpu.memory_space<vmem>>) target_semaphore(%arg21 : memref<!tpu.dma_semaphore, #tpu.memory_space<semaphore_mem>>)
      %slice3A_663 = vector.extract_strided_slice %get3A_251 {offsets = [11], sizes = [1], strides = [1]} : vector<16xi32> to vector<1xi32>
      %squeeze3A_664 = vector.extract %slice3A_663[0] : i32 from vector<1xi32>
      %mul3A_665 = arith.constant 16 : i32
      %mul3A_666 = arith.muli %scan3A_237, %mul3A_665 : i32
      %add3A_667 = arith.constant 11 : i32
      %add3A_668 = arith.addi %mul3A_666, %add3A_667 : i32
      %dma_start3A_669 = arith.constant 0 : i32
      %dma_start3A_670 = tpu.memref_slice %arg11[%add3A_668, %dma_start3A_669] : memref<128x64xf32, #tpu.memory_space<vmem>> -> memref<1x64xf32, #tpu.memory_space<vmem>>
      %dma_start3A_671 = tpu.memref_squeeze %dma_start3A_670 : memref<1x64xf32, #tpu.memory_space<vmem>> -> memref<64xf32, #tpu.memory_space<vmem>>
      %dma_start3A_672 = arith.constant 0 : i32
      %dma_start3A_673 = tpu.memref_slice %arg5[%squeeze3A_664, %dma_start3A_672] : memref<1000000x64xf32, #tpu.memory_space<hbm>> -> memref<1x64xf32, #tpu.memory_space<hbm>>
      %dma_start3A_674 = tpu.memref_squeeze %dma_start3A_673 : memref<1x64xf32, #tpu.memory_space<hbm>> -> memref<64xf32, #tpu.memory_space<hbm>>
      %dma_start3A_675 = arith.constant 0 : i32
      %dma_start3A_676 = tpu.memref_slice %arg11[%add3A_668, %dma_start3A_675] : memref<128x64xf32, #tpu.memory_space<vmem>> -> memref<1x64xf32, #tpu.memory_space<vmem>>
      %dma_start3A_677 = tpu.memref_squeeze %dma_start3A_676 : memref<1x64xf32, #tpu.memory_space<vmem>> -> memref<64xf32, #tpu.memory_space<vmem>>
      %dma_start3A_678 = arith.constant 0 : i32
      %dma_start3A_679 = tpu.memref_slice %arg5[%squeeze3A_664, %dma_start3A_678] : memref<1000000x64xf32, #tpu.memory_space<hbm>> -> memref<1x64xf32, #tpu.memory_space<hbm>>
      %dma_start3A_680 = tpu.memref_squeeze %dma_start3A_679 : memref<1x64xf32, #tpu.memory_space<hbm>> -> memref<64xf32, #tpu.memory_space<hbm>>
      tpu.enqueue_dma source(%dma_start3A_680 : memref<64xf32, #tpu.memory_space<hbm>>) target(%dma_start3A_677 : memref<64xf32, #tpu.memory_space<vmem>>) target_semaphore(%arg21 : memref<!tpu.dma_semaphore, #tpu.memory_space<semaphore_mem>>)
      %slice3A_681 = vector.extract_strided_slice %get3A_244 {offsets = [12], sizes = [1], strides = [1]} : vector<16xi32> to vector<1xi32>
      %squeeze3A_682 = vector.extract %slice3A_681[0] : i32 from vector<1xi32>
      %mul3A_683 = arith.constant 16 : i32
      %mul3A_684 = arith.muli %scan3A_237, %mul3A_683 : i32
      %add3A_685 = arith.constant 12 : i32
      %add3A_686 = arith.addi %mul3A_684, %add3A_685 : i32
      %dma_start3A_687 = arith.constant 0 : i32
      %dma_start3A_688 = tpu.memref_slice %arg9[%add3A_686, %dma_start3A_687] : memref<128x64xf32, #tpu.memory_space<vmem>> -> memref<1x64xf32, #tpu.memory_space<vmem>>
      %dma_start3A_689 = tpu.memref_squeeze %dma_start3A_688 : memref<1x64xf32, #tpu.memory_space<vmem>> -> memref<64xf32, #tpu.memory_space<vmem>>
      %dma_start3A_690 = arith.constant 0 : i32
      %dma_start3A_691 = tpu.memref_slice %arg4[%squeeze3A_682, %dma_start3A_690] : memref<1000000x64xf32, #tpu.memory_space<hbm>> -> memref<1x64xf32, #tpu.memory_space<hbm>>
      %dma_start3A_692 = tpu.memref_squeeze %dma_start3A_691 : memref<1x64xf32, #tpu.memory_space<hbm>> -> memref<64xf32, #tpu.memory_space<hbm>>
      %dma_start3A_693 = arith.constant 0 : i32
      %dma_start3A_694 = tpu.memref_slice %arg9[%add3A_686, %dma_start3A_693] : memref<128x64xf32, #tpu.memory_space<vmem>> -> memref<1x64xf32, #tpu.memory_space<vmem>>
      %dma_start3A_695 = tpu.memref_squeeze %dma_start3A_694 : memref<1x64xf32, #tpu.memory_space<vmem>> -> memref<64xf32, #tpu.memory_space<vmem>>
      %dma_start3A_696 = arith.constant 0 : i32
      %dma_start3A_697 = tpu.memref_slice %arg4[%squeeze3A_682, %dma_start3A_696] : memref<1000000x64xf32, #tpu.memory_space<hbm>> -> memref<1x64xf32, #tpu.memory_space<hbm>>
      %dma_start3A_698 = tpu.memref_squeeze %dma_start3A_697 : memref<1x64xf32, #tpu.memory_space<hbm>> -> memref<64xf32, #tpu.memory_space<hbm>>
      tpu.enqueue_dma source(%dma_start3A_698 : memref<64xf32, #tpu.memory_space<hbm>>) target(%dma_start3A_695 : memref<64xf32, #tpu.memory_space<vmem>>) target_semaphore(%arg18 : memref<!tpu.dma_semaphore, #tpu.memory_space<semaphore_mem>>)
      %slice3A_699 = vector.extract_strided_slice %get3A_251 {offsets = [12], sizes = [1], strides = [1]} : vector<16xi32> to vector<1xi32>
      %squeeze3A_700 = vector.extract %slice3A_699[0] : i32 from vector<1xi32>
      %mul3A_701 = arith.constant 16 : i32
      %mul3A_702 = arith.muli %scan3A_237, %mul3A_701 : i32
      %add3A_703 = arith.constant 12 : i32
      %add3A_704 = arith.addi %mul3A_702, %add3A_703 : i32
      %dma_start3A_705 = arith.constant 0 : i32
      %dma_start3A_706 = tpu.memref_slice %arg11[%add3A_704, %dma_start3A_705] : memref<128x64xf32, #tpu.memory_space<vmem>> -> memref<1x64xf32, #tpu.memory_space<vmem>>
      %dma_start3A_707 = tpu.memref_squeeze %dma_start3A_706 : memref<1x64xf32, #tpu.memory_space<vmem>> -> memref<64xf32, #tpu.memory_space<vmem>>
      %dma_start3A_708 = arith.constant 0 : i32
      %dma_start3A_709 = tpu.memref_slice %arg5[%squeeze3A_700, %dma_start3A_708] : memref<1000000x64xf32, #tpu.memory_space<hbm>> -> memref<1x64xf32, #tpu.memory_space<hbm>>
      %dma_start3A_710 = tpu.memref_squeeze %dma_start3A_709 : memref<1x64xf32, #tpu.memory_space<hbm>> -> memref<64xf32, #tpu.memory_space<hbm>>
      %dma_start3A_711 = arith.constant 0 : i32
      %dma_start3A_712 = tpu.memref_slice %arg11[%add3A_704, %dma_start3A_711] : memref<128x64xf32, #tpu.memory_space<vmem>> -> memref<1x64xf32, #tpu.memory_space<vmem>>
      %dma_start3A_713 = tpu.memref_squeeze %dma_start3A_712 : memref<1x64xf32, #tpu.memory_space<vmem>> -> memref<64xf32, #tpu.memory_space<vmem>>
      %dma_start3A_714 = arith.constant 0 : i32
      %dma_start3A_715 = tpu.memref_slice %arg5[%squeeze3A_700, %dma_start3A_714] : memref<1000000x64xf32, #tpu.memory_space<hbm>> -> memref<1x64xf32, #tpu.memory_space<hbm>>
      %dma_start3A_716 = tpu.memref_squeeze %dma_start3A_715 : memref<1x64xf32, #tpu.memory_space<hbm>> -> memref<64xf32, #tpu.memory_space<hbm>>
      tpu.enqueue_dma source(%dma_start3A_716 : memref<64xf32, #tpu.memory_space<hbm>>) target(%dma_start3A_713 : memref<64xf32, #tpu.memory_space<vmem>>) target_semaphore(%arg18 : memref<!tpu.dma_semaphore, #tpu.memory_space<semaphore_mem>>)
      %slice3A_717 = vector.extract_strided_slice %get3A_244 {offsets = [13], sizes = [1], strides = [1]} : vector<16xi32> to vector<1xi32>
      %squeeze3A_718 = vector.extract %slice3A_717[0] : i32 from vector<1xi32>
      %mul3A_719 = arith.constant 16 : i32
      %mul3A_720 = arith.muli %scan3A_237, %mul3A_719 : i32
      %add3A_721 = arith.constant 13 : i32
      %add3A_722 = arith.addi %mul3A_720, %add3A_721 : i32
      %dma_start3A_723 = arith.constant 0 : i32
      %dma_start3A_724 = tpu.memref_slice %arg9[%add3A_722, %dma_start3A_723] : memref<128x64xf32, #tpu.memory_space<vmem>> -> memref<1x64xf32, #tpu.memory_space<vmem>>
      %dma_start3A_725 = tpu.memref_squeeze %dma_start3A_724 : memref<1x64xf32, #tpu.memory_space<vmem>> -> memref<64xf32, #tpu.memory_space<vmem>>
      %dma_start3A_726 = arith.constant 0 : i32
      %dma_start3A_727 = tpu.memref_slice %arg4[%squeeze3A_718, %dma_start3A_726] : memref<1000000x64xf32, #tpu.memory_space<hbm>> -> memref<1x64xf32, #tpu.memory_space<hbm>>
      %dma_start3A_728 = tpu.memref_squeeze %dma_start3A_727 : memref<1x64xf32, #tpu.memory_space<hbm>> -> memref<64xf32, #tpu.memory_space<hbm>>
      %dma_start3A_729 = arith.constant 0 : i32
      %dma_start3A_730 = tpu.memref_slice %arg9[%add3A_722, %dma_start3A_729] : memref<128x64xf32, #tpu.memory_space<vmem>> -> memref<1x64xf32, #tpu.memory_space<vmem>>
      %dma_start3A_731 = tpu.memref_squeeze %dma_start3A_730 : memref<1x64xf32, #tpu.memory_space<vmem>> -> memref<64xf32, #tpu.memory_space<vmem>>
      %dma_start3A_732 = arith.constant 0 : i32
      %dma_start3A_733 = tpu.memref_slice %arg4[%squeeze3A_718, %dma_start3A_732] : memref<1000000x64xf32, #tpu.memory_space<hbm>> -> memref<1x64xf32, #tpu.memory_space<hbm>>
      %dma_start3A_734 = tpu.memref_squeeze %dma_start3A_733 : memref<1x64xf32, #tpu.memory_space<hbm>> -> memref<64xf32, #tpu.memory_space<hbm>>
      tpu.enqueue_dma source(%dma_start3A_734 : memref<64xf32, #tpu.memory_space<hbm>>) target(%dma_start3A_731 : memref<64xf32, #tpu.memory_space<vmem>>) target_semaphore(%arg19 : memref<!tpu.dma_semaphore, #tpu.memory_space<semaphore_mem>>)
      %slice3A_735 = vector.extract_strided_slice %get3A_251 {offsets = [13], sizes = [1], strides = [1]} : vector<16xi32> to vector<1xi32>
      %squeeze3A_736 = vector.extract %slice3A_735[0] : i32 from vector<1xi32>
      %mul3A_737 = arith.constant 16 : i32
      %mul3A_738 = arith.muli %scan3A_237, %mul3A_737 : i32
      %add3A_739 = arith.constant 13 : i32
      %add3A_740 = arith.addi %mul3A_738, %add3A_739 : i32
      %dma_start3A_741 = arith.constant 0 : i32
      %dma_start3A_742 = tpu.memref_slice %arg11[%add3A_740, %dma_start3A_741] : memref<128x64xf32, #tpu.memory_space<vmem>> -> memref<1x64xf32, #tpu.memory_space<vmem>>
      %dma_start3A_743 = tpu.memref_squeeze %dma_start3A_742 : memref<1x64xf32, #tpu.memory_space<vmem>> -> memref<64xf32, #tpu.memory_space<vmem>>
      %dma_start3A_744 = arith.constant 0 : i32
      %dma_start3A_745 = tpu.memref_slice %arg5[%squeeze3A_736, %dma_start3A_744] : memref<1000000x64xf32, #tpu.memory_space<hbm>> -> memref<1x64xf32, #tpu.memory_space<hbm>>
      %dma_start3A_746 = tpu.memref_squeeze %dma_start3A_745 : memref<1x64xf32, #tpu.memory_space<hbm>> -> memref<64xf32, #tpu.memory_space<hbm>>
      %dma_start3A_747 = arith.constant 0 : i32
      %dma_start3A_748 = tpu.memref_slice %arg11[%add3A_740, %dma_start3A_747] : memref<128x64xf32, #tpu.memory_space<vmem>> -> memref<1x64xf32, #tpu.memory_space<vmem>>
      %dma_start3A_749 = tpu.memref_squeeze %dma_start3A_748 : memref<1x64xf32, #tpu.memory_space<vmem>> -> memref<64xf32, #tpu.memory_space<vmem>>
      %dma_start3A_750 = arith.constant 0 : i32
      %dma_start3A_751 = tpu.memref_slice %arg5[%squeeze3A_736, %dma_start3A_750] : memref<1000000x64xf32, #tpu.memory_space<hbm>> -> memref<1x64xf32, #tpu.memory_space<hbm>>
      %dma_start3A_752 = tpu.memref_squeeze %dma_start3A_751 : memref<1x64xf32, #tpu.memory_space<hbm>> -> memref<64xf32, #tpu.memory_space<hbm>>
      tpu.enqueue_dma source(%dma_start3A_752 : memref<64xf32, #tpu.memory_space<hbm>>) target(%dma_start3A_749 : memref<64xf32, #tpu.memory_space<vmem>>) target_semaphore(%arg19 : memref<!tpu.dma_semaphore, #tpu.memory_space<semaphore_mem>>)
      %slice3A_753 = vector.extract_strided_slice %get3A_244 {offsets = [14], sizes = [1], strides = [1]} : vector<16xi32> to vector<1xi32>
      %squeeze3A_754 = vector.extract %slice3A_753[0] : i32 from vector<1xi32>
      %mul3A_755 = arith.constant 16 : i32
      %mul3A_756 = arith.muli %scan3A_237, %mul3A_755 : i32
      %add3A_757 = arith.constant 14 : i32
      %add3A_758 = arith.addi %mul3A_756, %add3A_757 : i32
      %dma_start3A_759 = arith.constant 0 : i32
      %dma_start3A_760 = tpu.memref_slice %arg9[%add3A_758, %dma_start3A_759] : memref<128x64xf32, #tpu.memory_space<vmem>> -> memref<1x64xf32, #tpu.memory_space<vmem>>
      %dma_start3A_761 = tpu.memref_squeeze %dma_start3A_760 : memref<1x64xf32, #tpu.memory_space<vmem>> -> memref<64xf32, #tpu.memory_space<vmem>>
      %dma_start3A_762 = arith.constant 0 : i32
      %dma_start3A_763 = tpu.memref_slice %arg4[%squeeze3A_754, %dma_start3A_762] : memref<1000000x64xf32, #tpu.memory_space<hbm>> -> memref<1x64xf32, #tpu.memory_space<hbm>>
      %dma_start3A_764 = tpu.memref_squeeze %dma_start3A_763 : memref<1x64xf32, #tpu.memory_space<hbm>> -> memref<64xf32, #tpu.memory_space<hbm>>
      %dma_start3A_765 = arith.constant 0 : i32
      %dma_start3A_766 = tpu.memref_slice %arg9[%add3A_758, %dma_start3A_765] : memref<128x64xf32, #tpu.memory_space<vmem>> -> memref<1x64xf32, #tpu.memory_space<vmem>>
      %dma_start3A_767 = tpu.memref_squeeze %dma_start3A_766 : memref<1x64xf32, #tpu.memory_space<vmem>> -> memref<64xf32, #tpu.memory_space<vmem>>
      %dma_start3A_768 = arith.constant 0 : i32
      %dma_start3A_769 = tpu.memref_slice %arg4[%squeeze3A_754, %dma_start3A_768] : memref<1000000x64xf32, #tpu.memory_space<hbm>> -> memref<1x64xf32, #tpu.memory_space<hbm>>
      %dma_start3A_770 = tpu.memref_squeeze %dma_start3A_769 : memref<1x64xf32, #tpu.memory_space<hbm>> -> memref<64xf32, #tpu.memory_space<hbm>>
      tpu.enqueue_dma source(%dma_start3A_770 : memref<64xf32, #tpu.memory_space<hbm>>) target(%dma_start3A_767 : memref<64xf32, #tpu.memory_space<vmem>>) target_semaphore(%arg20 : memref<!tpu.dma_semaphore, #tpu.memory_space<semaphore_mem>>)
      %slice3A_771 = vector.extract_strided_slice %get3A_251 {offsets = [14], sizes = [1], strides = [1]} : vector<16xi32> to vector<1xi32>
      %squeeze3A_772 = vector.extract %slice3A_771[0] : i32 from vector<1xi32>
      %mul3A_773 = arith.constant 16 : i32
      %mul3A_774 = arith.muli %scan3A_237, %mul3A_773 : i32
      %add3A_775 = arith.constant 14 : i32
      %add3A_776 = arith.addi %mul3A_774, %add3A_775 : i32
      %dma_start3A_777 = arith.constant 0 : i32
      %dma_start3A_778 = tpu.memref_slice %arg11[%add3A_776, %dma_start3A_777] : memref<128x64xf32, #tpu.memory_space<vmem>> -> memref<1x64xf32, #tpu.memory_space<vmem>>
      %dma_start3A_779 = tpu.memref_squeeze %dma_start3A_778 : memref<1x64xf32, #tpu.memory_space<vmem>> -> memref<64xf32, #tpu.memory_space<vmem>>
      %dma_start3A_780 = arith.constant 0 : i32
      %dma_start3A_781 = tpu.memref_slice %arg5[%squeeze3A_772, %dma_start3A_780] : memref<1000000x64xf32, #tpu.memory_space<hbm>> -> memref<1x64xf32, #tpu.memory_space<hbm>>
      %dma_start3A_782 = tpu.memref_squeeze %dma_start3A_781 : memref<1x64xf32, #tpu.memory_space<hbm>> -> memref<64xf32, #tpu.memory_space<hbm>>
      %dma_start3A_783 = arith.constant 0 : i32
      %dma_start3A_784 = tpu.memref_slice %arg11[%add3A_776, %dma_start3A_783] : memref<128x64xf32, #tpu.memory_space<vmem>> -> memref<1x64xf32, #tpu.memory_space<vmem>>
      %dma_start3A_785 = tpu.memref_squeeze %dma_start3A_784 : memref<1x64xf32, #tpu.memory_space<vmem>> -> memref<64xf32, #tpu.memory_space<vmem>>
      %dma_start3A_786 = arith.constant 0 : i32
      %dma_start3A_787 = tpu.memref_slice %arg5[%squeeze3A_772, %dma_start3A_786] : memref<1000000x64xf32, #tpu.memory_space<hbm>> -> memref<1x64xf32, #tpu.memory_space<hbm>>
      %dma_start3A_788 = tpu.memref_squeeze %dma_start3A_787 : memref<1x64xf32, #tpu.memory_space<hbm>> -> memref<64xf32, #tpu.memory_space<hbm>>
      tpu.enqueue_dma source(%dma_start3A_788 : memref<64xf32, #tpu.memory_space<hbm>>) target(%dma_start3A_785 : memref<64xf32, #tpu.memory_space<vmem>>) target_semaphore(%arg20 : memref<!tpu.dma_semaphore, #tpu.memory_space<semaphore_mem>>)
      %slice3A_789 = vector.extract_strided_slice %get3A_244 {offsets = [15], sizes = [1], strides = [1]} : vector<16xi32> to vector<1xi32>
      %squeeze3A_790 = vector.extract %slice3A_789[0] : i32 from vector<1xi32>
      %mul3A_791 = arith.constant 16 : i32
      %mul3A_792 = arith.muli %scan3A_237, %mul3A_791 : i32
      %add3A_793 = arith.constant 15 : i32
      %add3A_794 = arith.addi %mul3A_792, %add3A_793 : i32
      %dma_start3A_795 = arith.constant 0 : i32
      %dma_start3A_796 = tpu.memref_slice %arg9[%add3A_794, %dma_start3A_795] : memref<128x64xf32, #tpu.memory_space<vmem>> -> memref<1x64xf32, #tpu.memory_space<vmem>>
      %dma_start3A_797 = tpu.memref_squeeze %dma_start3A_796 : memref<1x64xf32, #tpu.memory_space<vmem>> -> memref<64xf32, #tpu.memory_space<vmem>>
      %dma_start3A_798 = arith.constant 0 : i32
      %dma_start3A_799 = tpu.memref_slice %arg4[%squeeze3A_790, %dma_start3A_798] : memref<1000000x64xf32, #tpu.memory_space<hbm>> -> memref<1x64xf32, #tpu.memory_space<hbm>>
      %dma_start3A_800 = tpu.memref_squeeze %dma_start3A_799 : memref<1x64xf32, #tpu.memory_space<hbm>> -> memref<64xf32, #tpu.memory_space<hbm>>
      %dma_start3A_801 = arith.constant 0 : i32
      %dma_start3A_802 = tpu.memref_slice %arg9[%add3A_794, %dma_start3A_801] : memref<128x64xf32, #tpu.memory_space<vmem>> -> memref<1x64xf32, #tpu.memory_space<vmem>>
      %dma_start3A_803 = tpu.memref_squeeze %dma_start3A_802 : memref<1x64xf32, #tpu.memory_space<vmem>> -> memref<64xf32, #tpu.memory_space<vmem>>
      %dma_start3A_804 = arith.constant 0 : i32
      %dma_start3A_805 = tpu.memref_slice %arg4[%squeeze3A_790, %dma_start3A_804] : memref<1000000x64xf32, #tpu.memory_space<hbm>> -> memref<1x64xf32, #tpu.memory_space<hbm>>
      %dma_start3A_806 = tpu.memref_squeeze %dma_start3A_805 : memref<1x64xf32, #tpu.memory_space<hbm>> -> memref<64xf32, #tpu.memory_space<hbm>>
      tpu.enqueue_dma source(%dma_start3A_806 : memref<64xf32, #tpu.memory_space<hbm>>) target(%dma_start3A_803 : memref<64xf32, #tpu.memory_space<vmem>>) target_semaphore(%arg21 : memref<!tpu.dma_semaphore, #tpu.memory_space<semaphore_mem>>)
      %slice3A_807 = vector.extract_strided_slice %get3A_251 {offsets = [15], sizes = [1], strides = [1]} : vector<16xi32> to vector<1xi32>
      %squeeze3A_808 = vector.extract %slice3A_807[0] : i32 from vector<1xi32>
      %mul3A_809 = arith.constant 16 : i32
      %mul3A_810 = arith.muli %scan3A_237, %mul3A_809 : i32
      %add3A_811 = arith.constant 15 : i32
      %add3A_812 = arith.addi %mul3A_810, %add3A_811 : i32
      %dma_start3A_813 = arith.constant 0 : i32
      %dma_start3A_814 = tpu.memref_slice %arg11[%add3A_812, %dma_start3A_813] : memref<128x64xf32, #tpu.memory_space<vmem>> -> memref<1x64xf32, #tpu.memory_space<vmem>>
      %dma_start3A_815 = tpu.memref_squeeze %dma_start3A_814 : memref<1x64xf32, #tpu.memory_space<vmem>> -> memref<64xf32, #tpu.memory_space<vmem>>
      %dma_start3A_816 = arith.constant 0 : i32
      %dma_start3A_817 = tpu.memref_slice %arg5[%squeeze3A_808, %dma_start3A_816] : memref<1000000x64xf32, #tpu.memory_space<hbm>> -> memref<1x64xf32, #tpu.memory_space<hbm>>
      %dma_start3A_818 = tpu.memref_squeeze %dma_start3A_817 : memref<1x64xf32, #tpu.memory_space<hbm>> -> memref<64xf32, #tpu.memory_space<hbm>>
      %dma_start3A_819 = arith.constant 0 : i32
      %dma_start3A_820 = tpu.memref_slice %arg11[%add3A_812, %dma_start3A_819] : memref<128x64xf32, #tpu.memory_space<vmem>> -> memref<1x64xf32, #tpu.memory_space<vmem>>
      %dma_start3A_821 = tpu.memref_squeeze %dma_start3A_820 : memref<1x64xf32, #tpu.memory_space<vmem>> -> memref<64xf32, #tpu.memory_space<vmem>>
      %dma_start3A_822 = arith.constant 0 : i32
      %dma_start3A_823 = tpu.memref_slice %arg5[%squeeze3A_808, %dma_start3A_822] : memref<1000000x64xf32, #tpu.memory_space<hbm>> -> memref<1x64xf32, #tpu.memory_space<hbm>>
      %dma_start3A_824 = tpu.memref_squeeze %dma_start3A_823 : memref<1x64xf32, #tpu.memory_space<hbm>> -> memref<64xf32, #tpu.memory_space<hbm>>
      tpu.enqueue_dma source(%dma_start3A_824 : memref<64xf32, #tpu.memory_space<hbm>>) target(%dma_start3A_821 : memref<64xf32, #tpu.memory_space<vmem>>) target_semaphore(%arg21 : memref<!tpu.dma_semaphore, #tpu.memory_space<semaphore_mem>>)
      %scan3A_825 = arith.constant 0 : i32
      scf.yield %scan3A_825 : i32
    }
    %scan3A_15 = arith.constant 8 : i32
    %dma_wait3A = arith.constant 0 : i32
    %dma_wait3A_16 = arith.constant 0 : i32
    %dma_wait3A_17 = tpu.memref_slice %arg8[%dma_wait3A, %dma_wait3A_16] : memref<128x64xf32, #tpu.memory_space<vmem>> -> memref<64x64xf32, #tpu.memory_space<vmem>>
    %dma_wait3A_18 = arith.constant 0 : i32
    %dma_wait3A_19 = arith.constant 0 : i32
    %dma_wait3A_20 = tpu.memref_slice %arg4[%dma_wait3A_18, %dma_wait3A_19] : memref<1000000x64xf32, #tpu.memory_space<hbm>> -> memref<64x64xf32, #tpu.memory_space<hbm>>
    %dma_wait3A_21 = arith.constant 0 : i32
    %dma_wait3A_22 = arith.constant 0 : i32
    %dma_wait3A_23 = tpu.memref_slice %arg8[%dma_wait3A_21, %dma_wait3A_22] : memref<128x64xf32, #tpu.memory_space<vmem>> -> memref<64x64xf32, #tpu.memory_space<vmem>>
    %dma_wait3A_24 = arith.constant 0 : i32
    %dma_wait3A_25 = arith.constant 0 : i32
    %dma_wait3A_26 = tpu.memref_slice %arg4[%dma_wait3A_24, %dma_wait3A_25] : memref<1000000x64xf32, #tpu.memory_space<hbm>> -> memref<64x64xf32, #tpu.memory_space<hbm>>
    tpu.wait_dma2 semaphore(%arg14 : memref<!tpu.dma_semaphore, #tpu.memory_space<semaphore_mem>>) src(%dma_wait3A_26 : memref<64x64xf32, #tpu.memory_space<hbm>>) dst(%dma_wait3A_23 : memref<64x64xf32, #tpu.memory_space<vmem>>)
    %dma_wait3A_27 = arith.constant 0 : i32
    %dma_wait3A_28 = arith.constant 0 : i32
    %dma_wait3A_29 = tpu.memref_slice %arg8[%dma_wait3A_27, %dma_wait3A_28] : memref<128x64xf32, #tpu.memory_space<vmem>> -> memref<64x64xf32, #tpu.memory_space<vmem>>
    %dma_wait3A_30 = arith.constant 0 : i32
    %dma_wait3A_31 = arith.constant 0 : i32
    %dma_wait3A_32 = tpu.memref_slice %arg4[%dma_wait3A_30, %dma_wait3A_31] : memref<1000000x64xf32, #tpu.memory_space<hbm>> -> memref<64x64xf32, #tpu.memory_space<hbm>>
    %dma_wait3A_33 = arith.constant 0 : i32
    %dma_wait3A_34 = arith.constant 0 : i32
    %dma_wait3A_35 = tpu.memref_slice %arg8[%dma_wait3A_33, %dma_wait3A_34] : memref<128x64xf32, #tpu.memory_space<vmem>> -> memref<64x64xf32, #tpu.memory_space<vmem>>
    %dma_wait3A_36 = arith.constant 0 : i32
    %dma_wait3A_37 = arith.constant 0 : i32
    %dma_wait3A_38 = tpu.memref_slice %arg4[%dma_wait3A_36, %dma_wait3A_37] : memref<1000000x64xf32, #tpu.memory_space<hbm>> -> memref<64x64xf32, #tpu.memory_space<hbm>>
    tpu.wait_dma2 semaphore(%arg15 : memref<!tpu.dma_semaphore, #tpu.memory_space<semaphore_mem>>) src(%dma_wait3A_38 : memref<64x64xf32, #tpu.memory_space<hbm>>) dst(%dma_wait3A_35 : memref<64x64xf32, #tpu.memory_space<vmem>>)
    %dma_wait3A_39 = arith.constant 0 : i32
    %dma_wait3A_40 = arith.constant 0 : i32
    %dma_wait3A_41 = tpu.memref_slice %arg8[%dma_wait3A_39, %dma_wait3A_40] : memref<128x64xf32, #tpu.memory_space<vmem>> -> memref<64x64xf32, #tpu.memory_space<vmem>>
    %dma_wait3A_42 = arith.constant 0 : i32
    %dma_wait3A_43 = arith.constant 0 : i32
    %dma_wait3A_44 = tpu.memref_slice %arg4[%dma_wait3A_42, %dma_wait3A_43] : memref<1000000x64xf32, #tpu.memory_space<hbm>> -> memref<64x64xf32, #tpu.memory_space<hbm>>
    %dma_wait3A_45 = arith.constant 0 : i32
    %dma_wait3A_46 = arith.constant 0 : i32
    %dma_wait3A_47 = tpu.memref_slice %arg8[%dma_wait3A_45, %dma_wait3A_46] : memref<128x64xf32, #tpu.memory_space<vmem>> -> memref<64x64xf32, #tpu.memory_space<vmem>>
    %dma_wait3A_48 = arith.constant 0 : i32
    %dma_wait3A_49 = arith.constant 0 : i32
    %dma_wait3A_50 = tpu.memref_slice %arg4[%dma_wait3A_48, %dma_wait3A_49] : memref<1000000x64xf32, #tpu.memory_space<hbm>> -> memref<64x64xf32, #tpu.memory_space<hbm>>
    tpu.wait_dma2 semaphore(%arg16 : memref<!tpu.dma_semaphore, #tpu.memory_space<semaphore_mem>>) src(%dma_wait3A_50 : memref<64x64xf32, #tpu.memory_space<hbm>>) dst(%dma_wait3A_47 : memref<64x64xf32, #tpu.memory_space<vmem>>)
    %dma_wait3A_51 = arith.constant 0 : i32
    %dma_wait3A_52 = arith.constant 0 : i32
    %dma_wait3A_53 = tpu.memref_slice %arg8[%dma_wait3A_51, %dma_wait3A_52] : memref<128x64xf32, #tpu.memory_space<vmem>> -> memref<64x64xf32, #tpu.memory_space<vmem>>
    %dma_wait3A_54 = arith.constant 0 : i32
    %dma_wait3A_55 = arith.constant 0 : i32
    %dma_wait3A_56 = tpu.memref_slice %arg4[%dma_wait3A_54, %dma_wait3A_55] : memref<1000000x64xf32, #tpu.memory_space<hbm>> -> memref<64x64xf32, #tpu.memory_space<hbm>>
    %dma_wait3A_57 = arith.constant 0 : i32
    %dma_wait3A_58 = arith.constant 0 : i32
    %dma_wait3A_59 = tpu.memref_slice %arg8[%dma_wait3A_57, %dma_wait3A_58] : memref<128x64xf32, #tpu.memory_space<vmem>> -> memref<64x64xf32, #tpu.memory_space<vmem>>
    %dma_wait3A_60 = arith.constant 0 : i32
    %dma_wait3A_61 = arith.constant 0 : i32
    %dma_wait3A_62 = tpu.memref_slice %arg4[%dma_wait3A_60, %dma_wait3A_61] : memref<1000000x64xf32, #tpu.memory_space<hbm>> -> memref<64x64xf32, #tpu.memory_space<hbm>>
    tpu.wait_dma2 semaphore(%arg17 : memref<!tpu.dma_semaphore, #tpu.memory_space<semaphore_mem>>) src(%dma_wait3A_62 : memref<64x64xf32, #tpu.memory_space<hbm>>) dst(%dma_wait3A_59 : memref<64x64xf32, #tpu.memory_space<vmem>>)
    %add3A_63 = arith.constant 0 : i32
    %add3A_64 = arith.addi %mul3A_2, %add3A_63 : i32
    "tpu.region"() ({
      %run_scoped3A = tpu.sem_alloc : memref<!tpu.dma_semaphore, #tpu.memory_space<semaphore_mem>>
      %dma_start3A = arith.constant 0 : i32
      %dma_start3A_237 = tpu.memref_slice %arg6[%add3A_64, %dma_start3A] : memref<16384x64xf32, #tpu.memory_space<hbm>> -> memref<128x64xf32, #tpu.memory_space<hbm>>
      %dma_start3A_238 = arith.constant 0 : i32
      %dma_start3A_239 = tpu.memref_slice %arg6[%add3A_64, %dma_start3A_238] : memref<16384x64xf32, #tpu.memory_space<hbm>> -> memref<128x64xf32, #tpu.memory_space<hbm>>
      tpu.enqueue_dma source(%arg8 : memref<128x64xf32, #tpu.memory_space<vmem>>) target(%dma_start3A_239 : memref<128x64xf32, #tpu.memory_space<hbm>>) target_semaphore(%run_scoped3A : memref<!tpu.dma_semaphore, #tpu.memory_space<semaphore_mem>>)
      %dma_wait3A_240 = arith.constant 0 : i32
      %dma_wait3A_241 = tpu.memref_slice %arg6[%add3A_64, %dma_wait3A_240] : memref<16384x64xf32, #tpu.memory_space<hbm>> -> memref<128x64xf32, #tpu.memory_space<hbm>>
      %dma_wait3A_242 = arith.constant 0 : i32
      %dma_wait3A_243 = tpu.memref_slice %arg6[%add3A_64, %dma_wait3A_242] : memref<16384x64xf32, #tpu.memory_space<hbm>> -> memref<128x64xf32, #tpu.memory_space<hbm>>
      tpu.wait_dma2 semaphore(%run_scoped3A : memref<!tpu.dma_semaphore, #tpu.memory_space<semaphore_mem>>) src(%arg8 : memref<128x64xf32, #tpu.memory_space<vmem>>) dst(%dma_wait3A_243 : memref<128x64xf32, #tpu.memory_space<hbm>>)
      tpu.yield
    }) : () -> ()
    %add3A_65 = arith.constant 0 : i32
    %add3A_66 = arith.addi %mul3A_2, %add3A_65 : i32
    "tpu.region"() ({
      %run_scoped3A = tpu.sem_alloc : memref<!tpu.dma_semaphore, #tpu.memory_space<semaphore_mem>>
      %dma_start3A = arith.constant 0 : i32
      %dma_start3A_237 = tpu.memref_slice %arg7[%add3A_66, %dma_start3A] : memref<16384x64xf32, #tpu.memory_space<hbm>> -> memref<128x64xf32, #tpu.memory_space<hbm>>
      %dma_start3A_238 = arith.constant 0 : i32
      %dma_start3A_239 = tpu.memref_slice %arg7[%add3A_66, %dma_start3A_238] : memref<16384x64xf32, #tpu.memory_space<hbm>> -> memref<128x64xf32, #tpu.memory_space<hbm>>
      tpu.enqueue_dma source(%arg10 : memref<128x64xf32, #tpu.memory_space<vmem>>) target(%dma_start3A_239 : memref<128x64xf32, #tpu.memory_space<hbm>>) target_semaphore(%run_scoped3A : memref<!tpu.dma_semaphore, #tpu.memory_space<semaphore_mem>>)
      %dma_wait3A_240 = arith.constant 0 : i32
      %dma_wait3A_241 = tpu.memref_slice %arg7[%add3A_66, %dma_wait3A_240] : memref<16384x64xf32, #tpu.memory_space<hbm>> -> memref<128x64xf32, #tpu.memory_space<hbm>>
      %dma_wait3A_242 = arith.constant 0 : i32
      %dma_wait3A_243 = tpu.memref_slice %arg7[%add3A_66, %dma_wait3A_242] : memref<16384x64xf32, #tpu.memory_space<hbm>> -> memref<128x64xf32, #tpu.memory_space<hbm>>
      tpu.wait_dma2 semaphore(%run_scoped3A : memref<!tpu.dma_semaphore, #tpu.memory_space<semaphore_mem>>) src(%arg10 : memref<128x64xf32, #tpu.memory_space<vmem>>) dst(%dma_wait3A_243 : memref<128x64xf32, #tpu.memory_space<hbm>>)
      tpu.yield
    }) : () -> ()
    %scan3A_67 = arith.constant 0 : i32
    %scan3A_68 = arith.constant 0 : i32
    %scan3A_69 = arith.constant 8 : i32
    %scan3A_70 = arith.addi %scan3A_68, %scan3A_69 : i32
    %scan3A_71 = arith.constant 1 : i32
    %scan3A_72 = scf.for %scan3A_237 = %scan3A_68 to %scan3A_70 step %scan3A_71 iter_args(%scan3A_238 = %scan3A_67) -> (i32)  : i32 {
      %mul3A_239 = arith.constant 16 : i32
      %mul3A_240 = arith.muli %scan3A_237, %mul3A_239 : i32
      %add3A_241 = arith.constant 256 : i32
      %add3A_242 = arith.addi %add3A_241, %mul3A_240 : i32
      %get3A = arith.index_cast %add3A_242 : i32 to index
      %get3A_243 = tpu.vector_load %arg12[%get3A] {strides = array<i32>} : memref<512xi32, #tpu.memory_space<vmem>>, vector<16xi32>,
      %get3A_244 = vector.shape_cast %get3A_243 : vector<16xi32> to vector<16xi32>
      %mul3A_245 = arith.constant 16 : i32
      %mul3A_246 = arith.muli %scan3A_237, %mul3A_245 : i32
      %add3A_247 = arith.constant 256 : i32
      %add3A_248 = arith.addi %add3A_247, %mul3A_246 : i32
      %get3A_249 = arith.index_cast %add3A_248 : i32 to index
      %get3A_250 = tpu.vector_load %arg13[%get3A_249] {strides = array<i32>} : memref<512xi32, #tpu.memory_space<vmem>>, vector<16xi32>,
      %get3A_251 = vector.shape_cast %get3A_250 : vector<16xi32> to vector<16xi32>
      %slice3A = vector.extract_strided_slice %get3A_244 {offsets = [0], sizes = [1], strides = [1]} : vector<16xi32> to vector<1xi32>
      %squeeze3A = vector.extract %slice3A[0] : i32 from vector<1xi32>
      %mul3A_252 = arith.constant 16 : i32
      %mul3A_253 = arith.muli %scan3A_237, %mul3A_252 : i32
      %add3A_254 = arith.constant 0 : i32
      %add3A_255 = arith.addi %mul3A_253, %add3A_254 : i32
      %dma_start3A = arith.constant 0 : i32
      %dma_start3A_256 = tpu.memref_slice %arg8[%add3A_255, %dma_start3A] : memref<128x64xf32, #tpu.memory_space<vmem>> -> memref<1x64xf32, #tpu.memory_space<vmem>>
      %dma_start3A_257 = tpu.memref_squeeze %dma_start3A_256 : memref<1x64xf32, #tpu.memory_space<vmem>> -> memref<64xf32, #tpu.memory_space<vmem>>
      %dma_start3A_258 = arith.constant 0 : i32
      %dma_start3A_259 = tpu.memref_slice %arg4[%squeeze3A, %dma_start3A_258] : memref<1000000x64xf32, #tpu.memory_space<hbm>> -> memref<1x64xf32, #tpu.memory_space<hbm>>
      %dma_start3A_260 = tpu.memref_squeeze %dma_start3A_259 : memref<1x64xf32, #tpu.memory_space<hbm>> -> memref<64xf32, #tpu.memory_space<hbm>>
      %dma_start3A_261 = arith.constant 0 : i32
      %dma_start3A_262 = tpu.memref_slice %arg8[%add3A_255, %dma_start3A_261] : memref<128x64xf32, #tpu.memory_space<vmem>> -> memref<1x64xf32, #tpu.memory_space<vmem>>
      %dma_start3A_263 = tpu.memref_squeeze %dma_start3A_262 : memref<1x64xf32, #tpu.memory_space<vmem>> -> memref<64xf32, #tpu.memory_space<vmem>>
      %dma_start3A_264 = arith.constant 0 : i32
      %dma_start3A_265 = tpu.memref_slice %arg4[%squeeze3A, %dma_start3A_264] : memref<1000000x64xf32, #tpu.memory_space<hbm>> -> memref<1x64xf32, #tpu.memory_space<hbm>>
      %dma_start3A_266 = tpu.memref_squeeze %dma_start3A_265 : memref<1x64xf32, #tpu.memory_space<hbm>> -> memref<64xf32, #tpu.memory_space<hbm>>
      tpu.enqueue_dma source(%dma_start3A_266 : memref<64xf32, #tpu.memory_space<hbm>>) target(%dma_start3A_263 : memref<64xf32, #tpu.memory_space<vmem>>) target_semaphore(%arg14 : memref<!tpu.dma_semaphore, #tpu.memory_space<semaphore_mem>>)
      %slice3A_267 = vector.extract_strided_slice %get3A_251 {offsets = [0], sizes = [1], strides = [1]} : vector<16xi32> to vector<1xi32>
      %squeeze3A_268 = vector.extract %slice3A_267[0] : i32 from vector<1xi32>
      %mul3A_269 = arith.constant 16 : i32
      %mul3A_270 = arith.muli %scan3A_237, %mul3A_269 : i32
      %add3A_271 = arith.constant 0 : i32
      %add3A_272 = arith.addi %mul3A_270, %add3A_271 : i32
      %dma_start3A_273 = arith.constant 0 : i32
      %dma_start3A_274 = tpu.memref_slice %arg10[%add3A_272, %dma_start3A_273] : memref<128x64xf32, #tpu.memory_space<vmem>> -> memref<1x64xf32, #tpu.memory_space<vmem>>
      %dma_start3A_275 = tpu.memref_squeeze %dma_start3A_274 : memref<1x64xf32, #tpu.memory_space<vmem>> -> memref<64xf32, #tpu.memory_space<vmem>>
      %dma_start3A_276 = arith.constant 0 : i32
      %dma_start3A_277 = tpu.memref_slice %arg5[%squeeze3A_268, %dma_start3A_276] : memref<1000000x64xf32, #tpu.memory_space<hbm>> -> memref<1x64xf32, #tpu.memory_space<hbm>>
      %dma_start3A_278 = tpu.memref_squeeze %dma_start3A_277 : memref<1x64xf32, #tpu.memory_space<hbm>> -> memref<64xf32, #tpu.memory_space<hbm>>
      %dma_start3A_279 = arith.constant 0 : i32
      %dma_start3A_280 = tpu.memref_slice %arg10[%add3A_272, %dma_start3A_279] : memref<128x64xf32, #tpu.memory_space<vmem>> -> memref<1x64xf32, #tpu.memory_space<vmem>>
      %dma_start3A_281 = tpu.memref_squeeze %dma_start3A_280 : memref<1x64xf32, #tpu.memory_space<vmem>> -> memref<64xf32, #tpu.memory_space<vmem>>
      %dma_start3A_282 = arith.constant 0 : i32
      %dma_start3A_283 = tpu.memref_slice %arg5[%squeeze3A_268, %dma_start3A_282] : memref<1000000x64xf32, #tpu.memory_space<hbm>> -> memref<1x64xf32, #tpu.memory_space<hbm>>
      %dma_start3A_284 = tpu.memref_squeeze %dma_start3A_283 : memref<1x64xf32, #tpu.memory_space<hbm>> -> memref<64xf32, #tpu.memory_space<hbm>>
      tpu.enqueue_dma source(%dma_start3A_284 : memref<64xf32, #tpu.memory_space<hbm>>) target(%dma_start3A_281 : memref<64xf32, #tpu.memory_space<vmem>>) target_semaphore(%arg14 : memref<!tpu.dma_semaphore, #tpu.memory_space<semaphore_mem>>)
      %slice3A_285 = vector.extract_strided_slice %get3A_244 {offsets = [1], sizes = [1], strides = [1]} : vector<16xi32> to vector<1xi32>
      %squeeze3A_286 = vector.extract %slice3A_285[0] : i32 from vector<1xi32>
      %mul3A_287 = arith.constant 16 : i32
      %mul3A_288 = arith.muli %scan3A_237, %mul3A_287 : i32
      %add3A_289 = arith.constant 1 : i32
      %add3A_290 = arith.addi %mul3A_288, %add3A_289 : i32
      %dma_start3A_291 = arith.constant 0 : i32
      %dma_start3A_292 = tpu.memref_slice %arg8[%add3A_290, %dma_start3A_291] : memref<128x64xf32, #tpu.memory_space<vmem>> -> memref<1x64xf32, #tpu.memory_space<vmem>>
      %dma_start3A_293 = tpu.memref_squeeze %dma_start3A_292 : memref<1x64xf32, #tpu.memory_space<vmem>> -> memref<64xf32, #tpu.memory_space<vmem>>
      %dma_start3A_294 = arith.constant 0 : i32
      %dma_start3A_295 = tpu.memref_slice %arg4[%squeeze3A_286, %dma_start3A_294] : memref<1000000x64xf32, #tpu.memory_space<hbm>> -> memref<1x64xf32, #tpu.memory_space<hbm>>
      %dma_start3A_296 = tpu.memref_squeeze %dma_start3A_295 : memref<1x64xf32, #tpu.memory_space<hbm>> -> memref<64xf32, #tpu.memory_space<hbm>>
      %dma_start3A_297 = arith.constant 0 : i32
      %dma_start3A_298 = tpu.memref_slice %arg8[%add3A_290, %dma_start3A_297] : memref<128x64xf32, #tpu.memory_space<vmem>> -> memref<1x64xf32, #tpu.memory_space<vmem>>
      %dma_start3A_299 = tpu.memref_squeeze %dma_start3A_298 : memref<1x64xf32, #tpu.memory_space<vmem>> -> memref<64xf32, #tpu.memory_space<vmem>>
      %dma_start3A_300 = arith.constant 0 : i32
      %dma_start3A_301 = tpu.memref_slice %arg4[%squeeze3A_286, %dma_start3A_300] : memref<1000000x64xf32, #tpu.memory_space<hbm>> -> memref<1x64xf32, #tpu.memory_space<hbm>>
      %dma_start3A_302 = tpu.memref_squeeze %dma_start3A_301 : memref<1x64xf32, #tpu.memory_space<hbm>> -> memref<64xf32, #tpu.memory_space<hbm>>
      tpu.enqueue_dma source(%dma_start3A_302 : memref<64xf32, #tpu.memory_space<hbm>>) target(%dma_start3A_299 : memref<64xf32, #tpu.memory_space<vmem>>) target_semaphore(%arg15 : memref<!tpu.dma_semaphore, #tpu.memory_space<semaphore_mem>>)
      %slice3A_303 = vector.extract_strided_slice %get3A_251 {offsets = [1], sizes = [1], strides = [1]} : vector<16xi32> to vector<1xi32>
      %squeeze3A_304 = vector.extract %slice3A_303[0] : i32 from vector<1xi32>
      %mul3A_305 = arith.constant 16 : i32
      %mul3A_306 = arith.muli %scan3A_237, %mul3A_305 : i32
      %add3A_307 = arith.constant 1 : i32
      %add3A_308 = arith.addi %mul3A_306, %add3A_307 : i32
      %dma_start3A_309 = arith.constant 0 : i32
      %dma_start3A_310 = tpu.memref_slice %arg10[%add3A_308, %dma_start3A_309] : memref<128x64xf32, #tpu.memory_space<vmem>> -> memref<1x64xf32, #tpu.memory_space<vmem>>
      %dma_start3A_311 = tpu.memref_squeeze %dma_start3A_310 : memref<1x64xf32, #tpu.memory_space<vmem>> -> memref<64xf32, #tpu.memory_space<vmem>>
      %dma_start3A_312 = arith.constant 0 : i32
      %dma_start3A_313 = tpu.memref_slice %arg5[%squeeze3A_304, %dma_start3A_312] : memref<1000000x64xf32, #tpu.memory_space<hbm>> -> memref<1x64xf32, #tpu.memory_space<hbm>>
      %dma_start3A_314 = tpu.memref_squeeze %dma_start3A_313 : memref<1x64xf32, #tpu.memory_space<hbm>> -> memref<64xf32, #tpu.memory_space<hbm>>
      %dma_start3A_315 = arith.constant 0 : i32
      %dma_start3A_316 = tpu.memref_slice %arg10[%add3A_308, %dma_start3A_315] : memref<128x64xf32, #tpu.memory_space<vmem>> -> memref<1x64xf32, #tpu.memory_space<vmem>>
      %dma_start3A_317 = tpu.memref_squeeze %dma_start3A_316 : memref<1x64xf32, #tpu.memory_space<vmem>> -> memref<64xf32, #tpu.memory_space<vmem>>
      %dma_start3A_318 = arith.constant 0 : i32
      %dma_start3A_319 = tpu.memref_slice %arg5[%squeeze3A_304, %dma_start3A_318] : memref<1000000x64xf32, #tpu.memory_space<hbm>> -> memref<1x64xf32, #tpu.memory_space<hbm>>
      %dma_start3A_320 = tpu.memref_squeeze %dma_start3A_319 : memref<1x64xf32, #tpu.memory_space<hbm>> -> memref<64xf32, #tpu.memory_space<hbm>>
      tpu.enqueue_dma source(%dma_start3A_320 : memref<64xf32, #tpu.memory_space<hbm>>) target(%dma_start3A_317 : memref<64xf32, #tpu.memory_space<vmem>>) target_semaphore(%arg15 : memref<!tpu.dma_semaphore, #tpu.memory_space<semaphore_mem>>)
      %slice3A_321 = vector.extract_strided_slice %get3A_244 {offsets = [2], sizes = [1], strides = [1]} : vector<16xi32> to vector<1xi32>
      %squeeze3A_322 = vector.extract %slice3A_321[0] : i32 from vector<1xi32>
      %mul3A_323 = arith.constant 16 : i32
      %mul3A_324 = arith.muli %scan3A_237, %mul3A_323 : i32
      %add3A_325 = arith.constant 2 : i32
      %add3A_326 = arith.addi %mul3A_324, %add3A_325 : i32
      %dma_start3A_327 = arith.constant 0 : i32
      %dma_start3A_328 = tpu.memref_slice %arg8[%add3A_326, %dma_start3A_327] : memref<128x64xf32, #tpu.memory_space<vmem>> -> memref<1x64xf32, #tpu.memory_space<vmem>>
      %dma_start3A_329 = tpu.memref_squeeze %dma_start3A_328 : memref<1x64xf32, #tpu.memory_space<vmem>> -> memref<64xf32, #tpu.memory_space<vmem>>
      %dma_start3A_330 = arith.constant 0 : i32
      %dma_start3A_331 = tpu.memref_slice %arg4[%squeeze3A_322, %dma_start3A_330] : memref<1000000x64xf32, #tpu.memory_space<hbm>> -> memref<1x64xf32, #tpu.memory_space<hbm>>
      %dma_start3A_332 = tpu.memref_squeeze %dma_start3A_331 : memref<1x64xf32, #tpu.memory_space<hbm>> -> memref<64xf32, #tpu.memory_space<hbm>>
      %dma_start3A_333 = arith.constant 0 : i32
      %dma_start3A_334 = tpu.memref_slice %arg8[%add3A_326, %dma_start3A_333] : memref<128x64xf32, #tpu.memory_space<vmem>> -> memref<1x64xf32, #tpu.memory_space<vmem>>
      %dma_start3A_335 = tpu.memref_squeeze %dma_start3A_334 : memref<1x64xf32, #tpu.memory_space<vmem>> -> memref<64xf32, #tpu.memory_space<vmem>>
      %dma_start3A_336 = arith.constant 0 : i32
      %dma_start3A_337 = tpu.memref_slice %arg4[%squeeze3A_322, %dma_start3A_336] : memref<1000000x64xf32, #tpu.memory_space<hbm>> -> memref<1x64xf32, #tpu.memory_space<hbm>>
      %dma_start3A_338 = tpu.memref_squeeze %dma_start3A_337 : memref<1x64xf32, #tpu.memory_space<hbm>> -> memref<64xf32, #tpu.memory_space<hbm>>
      tpu.enqueue_dma source(%dma_start3A_338 : memref<64xf32, #tpu.memory_space<hbm>>) target(%dma_start3A_335 : memref<64xf32, #tpu.memory_space<vmem>>) target_semaphore(%arg16 : memref<!tpu.dma_semaphore, #tpu.memory_space<semaphore_mem>>)
      %slice3A_339 = vector.extract_strided_slice %get3A_251 {offsets = [2], sizes = [1], strides = [1]} : vector<16xi32> to vector<1xi32>
      %squeeze3A_340 = vector.extract %slice3A_339[0] : i32 from vector<1xi32>
      %mul3A_341 = arith.constant 16 : i32
      %mul3A_342 = arith.muli %scan3A_237, %mul3A_341 : i32
      %add3A_343 = arith.constant 2 : i32
      %add3A_344 = arith.addi %mul3A_342, %add3A_343 : i32
      %dma_start3A_345 = arith.constant 0 : i32
      %dma_start3A_346 = tpu.memref_slice %arg10[%add3A_344, %dma_start3A_345] : memref<128x64xf32, #tpu.memory_space<vmem>> -> memref<1x64xf32, #tpu.memory_space<vmem>>
      %dma_start3A_347 = tpu.memref_squeeze %dma_start3A_346 : memref<1x64xf32, #tpu.memory_space<vmem>> -> memref<64xf32, #tpu.memory_space<vmem>>
      %dma_start3A_348 = arith.constant 0 : i32
      %dma_start3A_349 = tpu.memref_slice %arg5[%squeeze3A_340, %dma_start3A_348] : memref<1000000x64xf32, #tpu.memory_space<hbm>> -> memref<1x64xf32, #tpu.memory_space<hbm>>
      %dma_start3A_350 = tpu.memref_squeeze %dma_start3A_349 : memref<1x64xf32, #tpu.memory_space<hbm>> -> memref<64xf32, #tpu.memory_space<hbm>>
      %dma_start3A_351 = arith.constant 0 : i32
      %dma_start3A_352 = tpu.memref_slice %arg10[%add3A_344, %dma_start3A_351] : memref<128x64xf32, #tpu.memory_space<vmem>> -> memref<1x64xf32, #tpu.memory_space<vmem>>
      %dma_start3A_353 = tpu.memref_squeeze %dma_start3A_352 : memref<1x64xf32, #tpu.memory_space<vmem>> -> memref<64xf32, #tpu.memory_space<vmem>>
      %dma_start3A_354 = arith.constant 0 : i32
      %dma_start3A_355 = tpu.memref_slice %arg5[%squeeze3A_340, %dma_start3A_354] : memref<1000000x64xf32, #tpu.memory_space<hbm>> -> memref<1x64xf32, #tpu.memory_space<hbm>>
      %dma_start3A_356 = tpu.memref_squeeze %dma_start3A_355 : memref<1x64xf32, #tpu.memory_space<hbm>> -> memref<64xf32, #tpu.memory_space<hbm>>
      tpu.enqueue_dma source(%dma_start3A_356 : memref<64xf32, #tpu.memory_space<hbm>>) target(%dma_start3A_353 : memref<64xf32, #tpu.memory_space<vmem>>) target_semaphore(%arg16 : memref<!tpu.dma_semaphore, #tpu.memory_space<semaphore_mem>>)
      %slice3A_357 = vector.extract_strided_slice %get3A_244 {offsets = [3], sizes = [1], strides = [1]} : vector<16xi32> to vector<1xi32>
      %squeeze3A_358 = vector.extract %slice3A_357[0] : i32 from vector<1xi32>
      %mul3A_359 = arith.constant 16 : i32
      %mul3A_360 = arith.muli %scan3A_237, %mul3A_359 : i32
      %add3A_361 = arith.constant 3 : i32
      %add3A_362 = arith.addi %mul3A_360, %add3A_361 : i32
      %dma_start3A_363 = arith.constant 0 : i32
      %dma_start3A_364 = tpu.memref_slice %arg8[%add3A_362, %dma_start3A_363] : memref<128x64xf32, #tpu.memory_space<vmem>> -> memref<1x64xf32, #tpu.memory_space<vmem>>
      %dma_start3A_365 = tpu.memref_squeeze %dma_start3A_364 : memref<1x64xf32, #tpu.memory_space<vmem>> -> memref<64xf32, #tpu.memory_space<vmem>>
      %dma_start3A_366 = arith.constant 0 : i32
      %dma_start3A_367 = tpu.memref_slice %arg4[%squeeze3A_358, %dma_start3A_366] : memref<1000000x64xf32, #tpu.memory_space<hbm>> -> memref<1x64xf32, #tpu.memory_space<hbm>>
      %dma_start3A_368 = tpu.memref_squeeze %dma_start3A_367 : memref<1x64xf32, #tpu.memory_space<hbm>> -> memref<64xf32, #tpu.memory_space<hbm>>
      %dma_start3A_369 = arith.constant 0 : i32
      %dma_start3A_370 = tpu.memref_slice %arg8[%add3A_362, %dma_start3A_369] : memref<128x64xf32, #tpu.memory_space<vmem>> -> memref<1x64xf32, #tpu.memory_space<vmem>>
      %dma_start3A_371 = tpu.memref_squeeze %dma_start3A_370 : memref<1x64xf32, #tpu.memory_space<vmem>> -> memref<64xf32, #tpu.memory_space<vmem>>
      %dma_start3A_372 = arith.constant 0 : i32
      %dma_start3A_373 = tpu.memref_slice %arg4[%squeeze3A_358, %dma_start3A_372] : memref<1000000x64xf32, #tpu.memory_space<hbm>> -> memref<1x64xf32, #tpu.memory_space<hbm>>
      %dma_start3A_374 = tpu.memref_squeeze %dma_start3A_373 : memref<1x64xf32, #tpu.memory_space<hbm>> -> memref<64xf32, #tpu.memory_space<hbm>>
      tpu.enqueue_dma source(%dma_start3A_374 : memref<64xf32, #tpu.memory_space<hbm>>) target(%dma_start3A_371 : memref<64xf32, #tpu.memory_space<vmem>>) target_semaphore(%arg17 : memref<!tpu.dma_semaphore, #tpu.memory_space<semaphore_mem>>)
      %slice3A_375 = vector.extract_strided_slice %get3A_251 {offsets = [3], sizes = [1], strides = [1]} : vector<16xi32> to vector<1xi32>
      %squeeze3A_376 = vector.extract %slice3A_375[0] : i32 from vector<1xi32>
      %mul3A_377 = arith.constant 16 : i32
      %mul3A_378 = arith.muli %scan3A_237, %mul3A_377 : i32
      %add3A_379 = arith.constant 3 : i32
      %add3A_380 = arith.addi %mul3A_378, %add3A_379 : i32
      %dma_start3A_381 = arith.constant 0 : i32
      %dma_start3A_382 = tpu.memref_slice %arg10[%add3A_380, %dma_start3A_381] : memref<128x64xf32, #tpu.memory_space<vmem>> -> memref<1x64xf32, #tpu.memory_space<vmem>>
      %dma_start3A_383 = tpu.memref_squeeze %dma_start3A_382 : memref<1x64xf32, #tpu.memory_space<vmem>> -> memref<64xf32, #tpu.memory_space<vmem>>
      %dma_start3A_384 = arith.constant 0 : i32
      %dma_start3A_385 = tpu.memref_slice %arg5[%squeeze3A_376, %dma_start3A_384] : memref<1000000x64xf32, #tpu.memory_space<hbm>> -> memref<1x64xf32, #tpu.memory_space<hbm>>
      %dma_start3A_386 = tpu.memref_squeeze %dma_start3A_385 : memref<1x64xf32, #tpu.memory_space<hbm>> -> memref<64xf32, #tpu.memory_space<hbm>>
      %dma_start3A_387 = arith.constant 0 : i32
      %dma_start3A_388 = tpu.memref_slice %arg10[%add3A_380, %dma_start3A_387] : memref<128x64xf32, #tpu.memory_space<vmem>> -> memref<1x64xf32, #tpu.memory_space<vmem>>
      %dma_start3A_389 = tpu.memref_squeeze %dma_start3A_388 : memref<1x64xf32, #tpu.memory_space<vmem>> -> memref<64xf32, #tpu.memory_space<vmem>>
      %dma_start3A_390 = arith.constant 0 : i32
      %dma_start3A_391 = tpu.memref_slice %arg5[%squeeze3A_376, %dma_start3A_390] : memref<1000000x64xf32, #tpu.memory_space<hbm>> -> memref<1x64xf32, #tpu.memory_space<hbm>>
      %dma_start3A_392 = tpu.memref_squeeze %dma_start3A_391 : memref<1x64xf32, #tpu.memory_space<hbm>> -> memref<64xf32, #tpu.memory_space<hbm>>
      tpu.enqueue_dma source(%dma_start3A_392 : memref<64xf32, #tpu.memory_space<hbm>>) target(%dma_start3A_389 : memref<64xf32, #tpu.memory_space<vmem>>) target_semaphore(%arg17 : memref<!tpu.dma_semaphore, #tpu.memory_space<semaphore_mem>>)
      %slice3A_393 = vector.extract_strided_slice %get3A_244 {offsets = [4], sizes = [1], strides = [1]} : vector<16xi32> to vector<1xi32>
      %squeeze3A_394 = vector.extract %slice3A_393[0] : i32 from vector<1xi32>
      %mul3A_395 = arith.constant 16 : i32
      %mul3A_396 = arith.muli %scan3A_237, %mul3A_395 : i32
      %add3A_397 = arith.constant 4 : i32
      %add3A_398 = arith.addi %mul3A_396, %add3A_397 : i32
      %dma_start3A_399 = arith.constant 0 : i32
      %dma_start3A_400 = tpu.memref_slice %arg8[%add3A_398, %dma_start3A_399] : memref<128x64xf32, #tpu.memory_space<vmem>> -> memref<1x64xf32, #tpu.memory_space<vmem>>
      %dma_start3A_401 = tpu.memref_squeeze %dma_start3A_400 : memref<1x64xf32, #tpu.memory_space<vmem>> -> memref<64xf32, #tpu.memory_space<vmem>>
      %dma_start3A_402 = arith.constant 0 : i32
      %dma_start3A_403 = tpu.memref_slice %arg4[%squeeze3A_394, %dma_start3A_402] : memref<1000000x64xf32, #tpu.memory_space<hbm>> -> memref<1x64xf32, #tpu.memory_space<hbm>>
      %dma_start3A_404 = tpu.memref_squeeze %dma_start3A_403 : memref<1x64xf32, #tpu.memory_space<hbm>> -> memref<64xf32, #tpu.memory_space<hbm>>
      %dma_start3A_405 = arith.constant 0 : i32
      %dma_start3A_406 = tpu.memref_slice %arg8[%add3A_398, %dma_start3A_405] : memref<128x64xf32, #tpu.memory_space<vmem>> -> memref<1x64xf32, #tpu.memory_space<vmem>>
      %dma_start3A_407 = tpu.memref_squeeze %dma_start3A_406 : memref<1x64xf32, #tpu.memory_space<vmem>> -> memref<64xf32, #tpu.memory_space<vmem>>
      %dma_start3A_408 = arith.constant 0 : i32
      %dma_start3A_409 = tpu.memref_slice %arg4[%squeeze3A_394, %dma_start3A_408] : memref<1000000x64xf32, #tpu.memory_space<hbm>> -> memref<1x64xf32, #tpu.memory_space<hbm>>
      %dma_start3A_410 = tpu.memref_squeeze %dma_start3A_409 : memref<1x64xf32, #tpu.memory_space<hbm>> -> memref<64xf32, #tpu.memory_space<hbm>>
      tpu.enqueue_dma source(%dma_start3A_410 : memref<64xf32, #tpu.memory_space<hbm>>) target(%dma_start3A_407 : memref<64xf32, #tpu.memory_space<vmem>>) target_semaphore(%arg14 : memref<!tpu.dma_semaphore, #tpu.memory_space<semaphore_mem>>)
      %slice3A_411 = vector.extract_strided_slice %get3A_251 {offsets = [4], sizes = [1], strides = [1]} : vector<16xi32> to vector<1xi32>
      %squeeze3A_412 = vector.extract %slice3A_411[0] : i32 from vector<1xi32>
      %mul3A_413 = arith.constant 16 : i32
      %mul3A_414 = arith.muli %scan3A_237, %mul3A_413 : i32
      %add3A_415 = arith.constant 4 : i32
      %add3A_416 = arith.addi %mul3A_414, %add3A_415 : i32
      %dma_start3A_417 = arith.constant 0 : i32
      %dma_start3A_418 = tpu.memref_slice %arg10[%add3A_416, %dma_start3A_417] : memref<128x64xf32, #tpu.memory_space<vmem>> -> memref<1x64xf32, #tpu.memory_space<vmem>>
      %dma_start3A_419 = tpu.memref_squeeze %dma_start3A_418 : memref<1x64xf32, #tpu.memory_space<vmem>> -> memref<64xf32, #tpu.memory_space<vmem>>
      %dma_start3A_420 = arith.constant 0 : i32
      %dma_start3A_421 = tpu.memref_slice %arg5[%squeeze3A_412, %dma_start3A_420] : memref<1000000x64xf32, #tpu.memory_space<hbm>> -> memref<1x64xf32, #tpu.memory_space<hbm>>
      %dma_start3A_422 = tpu.memref_squeeze %dma_start3A_421 : memref<1x64xf32, #tpu.memory_space<hbm>> -> memref<64xf32, #tpu.memory_space<hbm>>
      %dma_start3A_423 = arith.constant 0 : i32
      %dma_start3A_424 = tpu.memref_slice %arg10[%add3A_416, %dma_start3A_423] : memref<128x64xf32, #tpu.memory_space<vmem>> -> memref<1x64xf32, #tpu.memory_space<vmem>>
      %dma_start3A_425 = tpu.memref_squeeze %dma_start3A_424 : memref<1x64xf32, #tpu.memory_space<vmem>> -> memref<64xf32, #tpu.memory_space<vmem>>
      %dma_start3A_426 = arith.constant 0 : i32
      %dma_start3A_427 = tpu.memref_slice %arg5[%squeeze3A_412, %dma_start3A_426] : memref<1000000x64xf32, #tpu.memory_space<hbm>> -> memref<1x64xf32, #tpu.memory_space<hbm>>
      %dma_start3A_428 = tpu.memref_squeeze %dma_start3A_427 : memref<1x64xf32, #tpu.memory_space<hbm>> -> memref<64xf32, #tpu.memory_space<hbm>>
      tpu.enqueue_dma source(%dma_start3A_428 : memref<64xf32, #tpu.memory_space<hbm>>) target(%dma_start3A_425 : memref<64xf32, #tpu.memory_space<vmem>>) target_semaphore(%arg14 : memref<!tpu.dma_semaphore, #tpu.memory_space<semaphore_mem>>)
      %slice3A_429 = vector.extract_strided_slice %get3A_244 {offsets = [5], sizes = [1], strides = [1]} : vector<16xi32> to vector<1xi32>
      %squeeze3A_430 = vector.extract %slice3A_429[0] : i32 from vector<1xi32>
      %mul3A_431 = arith.constant 16 : i32
      %mul3A_432 = arith.muli %scan3A_237, %mul3A_431 : i32
      %add3A_433 = arith.constant 5 : i32
      %add3A_434 = arith.addi %mul3A_432, %add3A_433 : i32
      %dma_start3A_435 = arith.constant 0 : i32
      %dma_start3A_436 = tpu.memref_slice %arg8[%add3A_434, %dma_start3A_435] : memref<128x64xf32, #tpu.memory_space<vmem>> -> memref<1x64xf32, #tpu.memory_space<vmem>>
      %dma_start3A_437 = tpu.memref_squeeze %dma_start3A_436 : memref<1x64xf32, #tpu.memory_space<vmem>> -> memref<64xf32, #tpu.memory_space<vmem>>
      %dma_start3A_438 = arith.constant 0 : i32
      %dma_start3A_439 = tpu.memref_slice %arg4[%squeeze3A_430, %dma_start3A_438] : memref<1000000x64xf32, #tpu.memory_space<hbm>> -> memref<1x64xf32, #tpu.memory_space<hbm>>
      %dma_start3A_440 = tpu.memref_squeeze %dma_start3A_439 : memref<1x64xf32, #tpu.memory_space<hbm>> -> memref<64xf32, #tpu.memory_space<hbm>>
      %dma_start3A_441 = arith.constant 0 : i32
      %dma_start3A_442 = tpu.memref_slice %arg8[%add3A_434, %dma_start3A_441] : memref<128x64xf32, #tpu.memory_space<vmem>> -> memref<1x64xf32, #tpu.memory_space<vmem>>
      %dma_start3A_443 = tpu.memref_squeeze %dma_start3A_442 : memref<1x64xf32, #tpu.memory_space<vmem>> -> memref<64xf32, #tpu.memory_space<vmem>>
      %dma_start3A_444 = arith.constant 0 : i32
      %dma_start3A_445 = tpu.memref_slice %arg4[%squeeze3A_430, %dma_start3A_444] : memref<1000000x64xf32, #tpu.memory_space<hbm>> -> memref<1x64xf32, #tpu.memory_space<hbm>>
      %dma_start3A_446 = tpu.memref_squeeze %dma_start3A_445 : memref<1x64xf32, #tpu.memory_space<hbm>> -> memref<64xf32, #tpu.memory_space<hbm>>
      tpu.enqueue_dma source(%dma_start3A_446 : memref<64xf32, #tpu.memory_space<hbm>>) target(%dma_start3A_443 : memref<64xf32, #tpu.memory_space<vmem>>) target_semaphore(%arg15 : memref<!tpu.dma_semaphore, #tpu.memory_space<semaphore_mem>>)
      %slice3A_447 = vector.extract_strided_slice %get3A_251 {offsets = [5], sizes = [1], strides = [1]} : vector<16xi32> to vector<1xi32>
      %squeeze3A_448 = vector.extract %slice3A_447[0] : i32 from vector<1xi32>
      %mul3A_449 = arith.constant 16 : i32
      %mul3A_450 = arith.muli %scan3A_237, %mul3A_449 : i32
      %add3A_451 = arith.constant 5 : i32
      %add3A_452 = arith.addi %mul3A_450, %add3A_451 : i32
      %dma_start3A_453 = arith.constant 0 : i32
      %dma_start3A_454 = tpu.memref_slice %arg10[%add3A_452, %dma_start3A_453] : memref<128x64xf32, #tpu.memory_space<vmem>> -> memref<1x64xf32, #tpu.memory_space<vmem>>
      %dma_start3A_455 = tpu.memref_squeeze %dma_start3A_454 : memref<1x64xf32, #tpu.memory_space<vmem>> -> memref<64xf32, #tpu.memory_space<vmem>>
      %dma_start3A_456 = arith.constant 0 : i32
      %dma_start3A_457 = tpu.memref_slice %arg5[%squeeze3A_448, %dma_start3A_456] : memref<1000000x64xf32, #tpu.memory_space<hbm>> -> memref<1x64xf32, #tpu.memory_space<hbm>>
      %dma_start3A_458 = tpu.memref_squeeze %dma_start3A_457 : memref<1x64xf32, #tpu.memory_space<hbm>> -> memref<64xf32, #tpu.memory_space<hbm>>
      %dma_start3A_459 = arith.constant 0 : i32
      %dma_start3A_460 = tpu.memref_slice %arg10[%add3A_452, %dma_start3A_459] : memref<128x64xf32, #tpu.memory_space<vmem>> -> memref<1x64xf32, #tpu.memory_space<vmem>>
      %dma_start3A_461 = tpu.memref_squeeze %dma_start3A_460 : memref<1x64xf32, #tpu.memory_space<vmem>> -> memref<64xf32, #tpu.memory_space<vmem>>
      %dma_start3A_462 = arith.constant 0 : i32
      %dma_start3A_463 = tpu.memref_slice %arg5[%squeeze3A_448, %dma_start3A_462] : memref<1000000x64xf32, #tpu.memory_space<hbm>> -> memref<1x64xf32, #tpu.memory_space<hbm>>
      %dma_start3A_464 = tpu.memref_squeeze %dma_start3A_463 : memref<1x64xf32, #tpu.memory_space<hbm>> -> memref<64xf32, #tpu.memory_space<hbm>>
      tpu.enqueue_dma source(%dma_start3A_464 : memref<64xf32, #tpu.memory_space<hbm>>) target(%dma_start3A_461 : memref<64xf32, #tpu.memory_space<vmem>>) target_semaphore(%arg15 : memref<!tpu.dma_semaphore, #tpu.memory_space<semaphore_mem>>)
      %slice3A_465 = vector.extract_strided_slice %get3A_244 {offsets = [6], sizes = [1], strides = [1]} : vector<16xi32> to vector<1xi32>
      %squeeze3A_466 = vector.extract %slice3A_465[0] : i32 from vector<1xi32>
      %mul3A_467 = arith.constant 16 : i32
      %mul3A_468 = arith.muli %scan3A_237, %mul3A_467 : i32
      %add3A_469 = arith.constant 6 : i32
      %add3A_470 = arith.addi %mul3A_468, %add3A_469 : i32
      %dma_start3A_471 = arith.constant 0 : i32
      %dma_start3A_472 = tpu.memref_slice %arg8[%add3A_470, %dma_start3A_471] : memref<128x64xf32, #tpu.memory_space<vmem>> -> memref<1x64xf32, #tpu.memory_space<vmem>>
      %dma_start3A_473 = tpu.memref_squeeze %dma_start3A_472 : memref<1x64xf32, #tpu.memory_space<vmem>> -> memref<64xf32, #tpu.memory_space<vmem>>
      %dma_start3A_474 = arith.constant 0 : i32
      %dma_start3A_475 = tpu.memref_slice %arg4[%squeeze3A_466, %dma_start3A_474] : memref<1000000x64xf32, #tpu.memory_space<hbm>> -> memref<1x64xf32, #tpu.memory_space<hbm>>
      %dma_start3A_476 = tpu.memref_squeeze %dma_start3A_475 : memref<1x64xf32, #tpu.memory_space<hbm>> -> memref<64xf32, #tpu.memory_space<hbm>>
      %dma_start3A_477 = arith.constant 0 : i32
      %dma_start3A_478 = tpu.memref_slice %arg8[%add3A_470, %dma_start3A_477] : memref<128x64xf32, #tpu.memory_space<vmem>> -> memref<1x64xf32, #tpu.memory_space<vmem>>
      %dma_start3A_479 = tpu.memref_squeeze %dma_start3A_478 : memref<1x64xf32, #tpu.memory_space<vmem>> -> memref<64xf32, #tpu.memory_space<vmem>>
      %dma_start3A_480 = arith.constant 0 : i32
      %dma_start3A_481 = tpu.memref_slice %arg4[%squeeze3A_466, %dma_start3A_480] : memref<1000000x64xf32, #tpu.memory_space<hbm>> -> memref<1x64xf32, #tpu.memory_space<hbm>>
      %dma_start3A_482 = tpu.memref_squeeze %dma_start3A_481 : memref<1x64xf32, #tpu.memory_space<hbm>> -> memref<64xf32, #tpu.memory_space<hbm>>
      tpu.enqueue_dma source(%dma_start3A_482 : memref<64xf32, #tpu.memory_space<hbm>>) target(%dma_start3A_479 : memref<64xf32, #tpu.memory_space<vmem>>) target_semaphore(%arg16 : memref<!tpu.dma_semaphore, #tpu.memory_space<semaphore_mem>>)
      %slice3A_483 = vector.extract_strided_slice %get3A_251 {offsets = [6], sizes = [1], strides = [1]} : vector<16xi32> to vector<1xi32>
      %squeeze3A_484 = vector.extract %slice3A_483[0] : i32 from vector<1xi32>
      %mul3A_485 = arith.constant 16 : i32
      %mul3A_486 = arith.muli %scan3A_237, %mul3A_485 : i32
      %add3A_487 = arith.constant 6 : i32
      %add3A_488 = arith.addi %mul3A_486, %add3A_487 : i32
      %dma_start3A_489 = arith.constant 0 : i32
      %dma_start3A_490 = tpu.memref_slice %arg10[%add3A_488, %dma_start3A_489] : memref<128x64xf32, #tpu.memory_space<vmem>> -> memref<1x64xf32, #tpu.memory_space<vmem>>
      %dma_start3A_491 = tpu.memref_squeeze %dma_start3A_490 : memref<1x64xf32, #tpu.memory_space<vmem>> -> memref<64xf32, #tpu.memory_space<vmem>>
      %dma_start3A_492 = arith.constant 0 : i32
      %dma_start3A_493 = tpu.memref_slice %arg5[%squeeze3A_484, %dma_start3A_492] : memref<1000000x64xf32, #tpu.memory_space<hbm>> -> memref<1x64xf32, #tpu.memory_space<hbm>>
      %dma_start3A_494 = tpu.memref_squeeze %dma_start3A_493 : memref<1x64xf32, #tpu.memory_space<hbm>> -> memref<64xf32, #tpu.memory_space<hbm>>
      %dma_start3A_495 = arith.constant 0 : i32
      %dma_start3A_496 = tpu.memref_slice %arg10[%add3A_488, %dma_start3A_495] : memref<128x64xf32, #tpu.memory_space<vmem>> -> memref<1x64xf32, #tpu.memory_space<vmem>>
      %dma_start3A_497 = tpu.memref_squeeze %dma_start3A_496 : memref<1x64xf32, #tpu.memory_space<vmem>> -> memref<64xf32, #tpu.memory_space<vmem>>
      %dma_start3A_498 = arith.constant 0 : i32
      %dma_start3A_499 = tpu.memref_slice %arg5[%squeeze3A_484, %dma_start3A_498] : memref<1000000x64xf32, #tpu.memory_space<hbm>> -> memref<1x64xf32, #tpu.memory_space<hbm>>
      %dma_start3A_500 = tpu.memref_squeeze %dma_start3A_499 : memref<1x64xf32, #tpu.memory_space<hbm>> -> memref<64xf32, #tpu.memory_space<hbm>>
      tpu.enqueue_dma source(%dma_start3A_500 : memref<64xf32, #tpu.memory_space<hbm>>) target(%dma_start3A_497 : memref<64xf32, #tpu.memory_space<vmem>>) target_semaphore(%arg16 : memref<!tpu.dma_semaphore, #tpu.memory_space<semaphore_mem>>)
      %slice3A_501 = vector.extract_strided_slice %get3A_244 {offsets = [7], sizes = [1], strides = [1]} : vector<16xi32> to vector<1xi32>
      %squeeze3A_502 = vector.extract %slice3A_501[0] : i32 from vector<1xi32>
      %mul3A_503 = arith.constant 16 : i32
      %mul3A_504 = arith.muli %scan3A_237, %mul3A_503 : i32
      %add3A_505 = arith.constant 7 : i32
      %add3A_506 = arith.addi %mul3A_504, %add3A_505 : i32
      %dma_start3A_507 = arith.constant 0 : i32
      %dma_start3A_508 = tpu.memref_slice %arg8[%add3A_506, %dma_start3A_507] : memref<128x64xf32, #tpu.memory_space<vmem>> -> memref<1x64xf32, #tpu.memory_space<vmem>>
      %dma_start3A_509 = tpu.memref_squeeze %dma_start3A_508 : memref<1x64xf32, #tpu.memory_space<vmem>> -> memref<64xf32, #tpu.memory_space<vmem>>
      %dma_start3A_510 = arith.constant 0 : i32
      %dma_start3A_511 = tpu.memref_slice %arg4[%squeeze3A_502, %dma_start3A_510] : memref<1000000x64xf32, #tpu.memory_space<hbm>> -> memref<1x64xf32, #tpu.memory_space<hbm>>
      %dma_start3A_512 = tpu.memref_squeeze %dma_start3A_511 : memref<1x64xf32, #tpu.memory_space<hbm>> -> memref<64xf32, #tpu.memory_space<hbm>>
      %dma_start3A_513 = arith.constant 0 : i32
      %dma_start3A_514 = tpu.memref_slice %arg8[%add3A_506, %dma_start3A_513] : memref<128x64xf32, #tpu.memory_space<vmem>> -> memref<1x64xf32, #tpu.memory_space<vmem>>
      %dma_start3A_515 = tpu.memref_squeeze %dma_start3A_514 : memref<1x64xf32, #tpu.memory_space<vmem>> -> memref<64xf32, #tpu.memory_space<vmem>>
      %dma_start3A_516 = arith.constant 0 : i32
      %dma_start3A_517 = tpu.memref_slice %arg4[%squeeze3A_502, %dma_start3A_516] : memref<1000000x64xf32, #tpu.memory_space<hbm>> -> memref<1x64xf32, #tpu.memory_space<hbm>>
      %dma_start3A_518 = tpu.memref_squeeze %dma_start3A_517 : memref<1x64xf32, #tpu.memory_space<hbm>> -> memref<64xf32, #tpu.memory_space<hbm>>
      tpu.enqueue_dma source(%dma_start3A_518 : memref<64xf32, #tpu.memory_space<hbm>>) target(%dma_start3A_515 : memref<64xf32, #tpu.memory_space<vmem>>) target_semaphore(%arg17 : memref<!tpu.dma_semaphore, #tpu.memory_space<semaphore_mem>>)
      %slice3A_519 = vector.extract_strided_slice %get3A_251 {offsets = [7], sizes = [1], strides = [1]} : vector<16xi32> to vector<1xi32>
      %squeeze3A_520 = vector.extract %slice3A_519[0] : i32 from vector<1xi32>
      %mul3A_521 = arith.constant 16 : i32
      %mul3A_522 = arith.muli %scan3A_237, %mul3A_521 : i32
      %add3A_523 = arith.constant 7 : i32
      %add3A_524 = arith.addi %mul3A_522, %add3A_523 : i32
      %dma_start3A_525 = arith.constant 0 : i32
      %dma_start3A_526 = tpu.memref_slice %arg10[%add3A_524, %dma_start3A_525] : memref<128x64xf32, #tpu.memory_space<vmem>> -> memref<1x64xf32, #tpu.memory_space<vmem>>
      %dma_start3A_527 = tpu.memref_squeeze %dma_start3A_526 : memref<1x64xf32, #tpu.memory_space<vmem>> -> memref<64xf32, #tpu.memory_space<vmem>>
      %dma_start3A_528 = arith.constant 0 : i32
      %dma_start3A_529 = tpu.memref_slice %arg5[%squeeze3A_520, %dma_start3A_528] : memref<1000000x64xf32, #tpu.memory_space<hbm>> -> memref<1x64xf32, #tpu.memory_space<hbm>>
      %dma_start3A_530 = tpu.memref_squeeze %dma_start3A_529 : memref<1x64xf32, #tpu.memory_space<hbm>> -> memref<64xf32, #tpu.memory_space<hbm>>
      %dma_start3A_531 = arith.constant 0 : i32
      %dma_start3A_532 = tpu.memref_slice %arg10[%add3A_524, %dma_start3A_531] : memref<128x64xf32, #tpu.memory_space<vmem>> -> memref<1x64xf32, #tpu.memory_space<vmem>>
      %dma_start3A_533 = tpu.memref_squeeze %dma_start3A_532 : memref<1x64xf32, #tpu.memory_space<vmem>> -> memref<64xf32, #tpu.memory_space<vmem>>
      %dma_start3A_534 = arith.constant 0 : i32
      %dma_start3A_535 = tpu.memref_slice %arg5[%squeeze3A_520, %dma_start3A_534] : memref<1000000x64xf32, #tpu.memory_space<hbm>> -> memref<1x64xf32, #tpu.memory_space<hbm>>
      %dma_start3A_536 = tpu.memref_squeeze %dma_start3A_535 : memref<1x64xf32, #tpu.memory_space<hbm>> -> memref<64xf32, #tpu.memory_space<hbm>>
      tpu.enqueue_dma source(%dma_start3A_536 : memref<64xf32, #tpu.memory_space<hbm>>) target(%dma_start3A_533 : memref<64xf32, #tpu.memory_space<vmem>>) target_semaphore(%arg17 : memref<!tpu.dma_semaphore, #tpu.memory_space<semaphore_mem>>)
      %slice3A_537 = vector.extract_strided_slice %get3A_244 {offsets = [8], sizes = [1], strides = [1]} : vector<16xi32> to vector<1xi32>
      %squeeze3A_538 = vector.extract %slice3A_537[0] : i32 from vector<1xi32>
      %mul3A_539 = arith.constant 16 : i32
      %mul3A_540 = arith.muli %scan3A_237, %mul3A_539 : i32
      %add3A_541 = arith.constant 8 : i32
      %add3A_542 = arith.addi %mul3A_540, %add3A_541 : i32
      %dma_start3A_543 = arith.constant 0 : i32
      %dma_start3A_544 = tpu.memref_slice %arg8[%add3A_542, %dma_start3A_543] : memref<128x64xf32, #tpu.memory_space<vmem>> -> memref<1x64xf32, #tpu.memory_space<vmem>>
      %dma_start3A_545 = tpu.memref_squeeze %dma_start3A_544 : memref<1x64xf32, #tpu.memory_space<vmem>> -> memref<64xf32, #tpu.memory_space<vmem>>
      %dma_start3A_546 = arith.constant 0 : i32
      %dma_start3A_547 = tpu.memref_slice %arg4[%squeeze3A_538, %dma_start3A_546] : memref<1000000x64xf32, #tpu.memory_space<hbm>> -> memref<1x64xf32, #tpu.memory_space<hbm>>
      %dma_start3A_548 = tpu.memref_squeeze %dma_start3A_547 : memref<1x64xf32, #tpu.memory_space<hbm>> -> memref<64xf32, #tpu.memory_space<hbm>>
      %dma_start3A_549 = arith.constant 0 : i32
      %dma_start3A_550 = tpu.memref_slice %arg8[%add3A_542, %dma_start3A_549] : memref<128x64xf32, #tpu.memory_space<vmem>> -> memref<1x64xf32, #tpu.memory_space<vmem>>
      %dma_start3A_551 = tpu.memref_squeeze %dma_start3A_550 : memref<1x64xf32, #tpu.memory_space<vmem>> -> memref<64xf32, #tpu.memory_space<vmem>>
      %dma_start3A_552 = arith.constant 0 : i32
      %dma_start3A_553 = tpu.memref_slice %arg4[%squeeze3A_538, %dma_start3A_552] : memref<1000000x64xf32, #tpu.memory_space<hbm>> -> memref<1x64xf32, #tpu.memory_space<hbm>>
      %dma_start3A_554 = tpu.memref_squeeze %dma_start3A_553 : memref<1x64xf32, #tpu.memory_space<hbm>> -> memref<64xf32, #tpu.memory_space<hbm>>
      tpu.enqueue_dma source(%dma_start3A_554 : memref<64xf32, #tpu.memory_space<hbm>>) target(%dma_start3A_551 : memref<64xf32, #tpu.memory_space<vmem>>) target_semaphore(%arg14 : memref<!tpu.dma_semaphore, #tpu.memory_space<semaphore_mem>>)
      %slice3A_555 = vector.extract_strided_slice %get3A_251 {offsets = [8], sizes = [1], strides = [1]} : vector<16xi32> to vector<1xi32>
      %squeeze3A_556 = vector.extract %slice3A_555[0] : i32 from vector<1xi32>
      %mul3A_557 = arith.constant 16 : i32
      %mul3A_558 = arith.muli %scan3A_237, %mul3A_557 : i32
      %add3A_559 = arith.constant 8 : i32
      %add3A_560 = arith.addi %mul3A_558, %add3A_559 : i32
      %dma_start3A_561 = arith.constant 0 : i32
      %dma_start3A_562 = tpu.memref_slice %arg10[%add3A_560, %dma_start3A_561] : memref<128x64xf32, #tpu.memory_space<vmem>> -> memref<1x64xf32, #tpu.memory_space<vmem>>
      %dma_start3A_563 = tpu.memref_squeeze %dma_start3A_562 : memref<1x64xf32, #tpu.memory_space<vmem>> -> memref<64xf32, #tpu.memory_space<vmem>>
      %dma_start3A_564 = arith.constant 0 : i32
      %dma_start3A_565 = tpu.memref_slice %arg5[%squeeze3A_556, %dma_start3A_564] : memref<1000000x64xf32, #tpu.memory_space<hbm>> -> memref<1x64xf32, #tpu.memory_space<hbm>>
      %dma_start3A_566 = tpu.memref_squeeze %dma_start3A_565 : memref<1x64xf32, #tpu.memory_space<hbm>> -> memref<64xf32, #tpu.memory_space<hbm>>
      %dma_start3A_567 = arith.constant 0 : i32
      %dma_start3A_568 = tpu.memref_slice %arg10[%add3A_560, %dma_start3A_567] : memref<128x64xf32, #tpu.memory_space<vmem>> -> memref<1x64xf32, #tpu.memory_space<vmem>>
      %dma_start3A_569 = tpu.memref_squeeze %dma_start3A_568 : memref<1x64xf32, #tpu.memory_space<vmem>> -> memref<64xf32, #tpu.memory_space<vmem>>
      %dma_start3A_570 = arith.constant 0 : i32
      %dma_start3A_571 = tpu.memref_slice %arg5[%squeeze3A_556, %dma_start3A_570] : memref<1000000x64xf32, #tpu.memory_space<hbm>> -> memref<1x64xf32, #tpu.memory_space<hbm>>
      %dma_start3A_572 = tpu.memref_squeeze %dma_start3A_571 : memref<1x64xf32, #tpu.memory_space<hbm>> -> memref<64xf32, #tpu.memory_space<hbm>>
      tpu.enqueue_dma source(%dma_start3A_572 : memref<64xf32, #tpu.memory_space<hbm>>) target(%dma_start3A_569 : memref<64xf32, #tpu.memory_space<vmem>>) target_semaphore(%arg14 : memref<!tpu.dma_semaphore, #tpu.memory_space<semaphore_mem>>)
      %slice3A_573 = vector.extract_strided_slice %get3A_244 {offsets = [9], sizes = [1], strides = [1]} : vector<16xi32> to vector<1xi32>
      %squeeze3A_574 = vector.extract %slice3A_573[0] : i32 from vector<1xi32>
      %mul3A_575 = arith.constant 16 : i32
      %mul3A_576 = arith.muli %scan3A_237, %mul3A_575 : i32
      %add3A_577 = arith.constant 9 : i32
      %add3A_578 = arith.addi %mul3A_576, %add3A_577 : i32
      %dma_start3A_579 = arith.constant 0 : i32
      %dma_start3A_580 = tpu.memref_slice %arg8[%add3A_578, %dma_start3A_579] : memref<128x64xf32, #tpu.memory_space<vmem>> -> memref<1x64xf32, #tpu.memory_space<vmem>>
      %dma_start3A_581 = tpu.memref_squeeze %dma_start3A_580 : memref<1x64xf32, #tpu.memory_space<vmem>> -> memref<64xf32, #tpu.memory_space<vmem>>
      %dma_start3A_582 = arith.constant 0 : i32
      %dma_start3A_583 = tpu.memref_slice %arg4[%squeeze3A_574, %dma_start3A_582] : memref<1000000x64xf32, #tpu.memory_space<hbm>> -> memref<1x64xf32, #tpu.memory_space<hbm>>
      %dma_start3A_584 = tpu.memref_squeeze %dma_start3A_583 : memref<1x64xf32, #tpu.memory_space<hbm>> -> memref<64xf32, #tpu.memory_space<hbm>>
      %dma_start3A_585 = arith.constant 0 : i32
      %dma_start3A_586 = tpu.memref_slice %arg8[%add3A_578, %dma_start3A_585] : memref<128x64xf32, #tpu.memory_space<vmem>> -> memref<1x64xf32, #tpu.memory_space<vmem>>
      %dma_start3A_587 = tpu.memref_squeeze %dma_start3A_586 : memref<1x64xf32, #tpu.memory_space<vmem>> -> memref<64xf32, #tpu.memory_space<vmem>>
      %dma_start3A_588 = arith.constant 0 : i32
      %dma_start3A_589 = tpu.memref_slice %arg4[%squeeze3A_574, %dma_start3A_588] : memref<1000000x64xf32, #tpu.memory_space<hbm>> -> memref<1x64xf32, #tpu.memory_space<hbm>>
      %dma_start3A_590 = tpu.memref_squeeze %dma_start3A_589 : memref<1x64xf32, #tpu.memory_space<hbm>> -> memref<64xf32, #tpu.memory_space<hbm>>
      tpu.enqueue_dma source(%dma_start3A_590 : memref<64xf32, #tpu.memory_space<hbm>>) target(%dma_start3A_587 : memref<64xf32, #tpu.memory_space<vmem>>) target_semaphore(%arg15 : memref<!tpu.dma_semaphore, #tpu.memory_space<semaphore_mem>>)
      %slice3A_591 = vector.extract_strided_slice %get3A_251 {offsets = [9], sizes = [1], strides = [1]} : vector<16xi32> to vector<1xi32>
      %squeeze3A_592 = vector.extract %slice3A_591[0] : i32 from vector<1xi32>
      %mul3A_593 = arith.constant 16 : i32
      %mul3A_594 = arith.muli %scan3A_237, %mul3A_593 : i32
      %add3A_595 = arith.constant 9 : i32
      %add3A_596 = arith.addi %mul3A_594, %add3A_595 : i32
      %dma_start3A_597 = arith.constant 0 : i32
      %dma_start3A_598 = tpu.memref_slice %arg10[%add3A_596, %dma_start3A_597] : memref<128x64xf32, #tpu.memory_space<vmem>> -> memref<1x64xf32, #tpu.memory_space<vmem>>
      %dma_start3A_599 = tpu.memref_squeeze %dma_start3A_598 : memref<1x64xf32, #tpu.memory_space<vmem>> -> memref<64xf32, #tpu.memory_space<vmem>>
      %dma_start3A_600 = arith.constant 0 : i32
      %dma_start3A_601 = tpu.memref_slice %arg5[%squeeze3A_592, %dma_start3A_600] : memref<1000000x64xf32, #tpu.memory_space<hbm>> -> memref<1x64xf32, #tpu.memory_space<hbm>>
      %dma_start3A_602 = tpu.memref_squeeze %dma_start3A_601 : memref<1x64xf32, #tpu.memory_space<hbm>> -> memref<64xf32, #tpu.memory_space<hbm>>
      %dma_start3A_603 = arith.constant 0 : i32
      %dma_start3A_604 = tpu.memref_slice %arg10[%add3A_596, %dma_start3A_603] : memref<128x64xf32, #tpu.memory_space<vmem>> -> memref<1x64xf32, #tpu.memory_space<vmem>>
      %dma_start3A_605 = tpu.memref_squeeze %dma_start3A_604 : memref<1x64xf32, #tpu.memory_space<vmem>> -> memref<64xf32, #tpu.memory_space<vmem>>
      %dma_start3A_606 = arith.constant 0 : i32
      %dma_start3A_607 = tpu.memref_slice %arg5[%squeeze3A_592, %dma_start3A_606] : memref<1000000x64xf32, #tpu.memory_space<hbm>> -> memref<1x64xf32, #tpu.memory_space<hbm>>
      %dma_start3A_608 = tpu.memref_squeeze %dma_start3A_607 : memref<1x64xf32, #tpu.memory_space<hbm>> -> memref<64xf32, #tpu.memory_space<hbm>>
      tpu.enqueue_dma source(%dma_start3A_608 : memref<64xf32, #tpu.memory_space<hbm>>) target(%dma_start3A_605 : memref<64xf32, #tpu.memory_space<vmem>>) target_semaphore(%arg15 : memref<!tpu.dma_semaphore, #tpu.memory_space<semaphore_mem>>)
      %slice3A_609 = vector.extract_strided_slice %get3A_244 {offsets = [10], sizes = [1], strides = [1]} : vector<16xi32> to vector<1xi32>
      %squeeze3A_610 = vector.extract %slice3A_609[0] : i32 from vector<1xi32>
      %mul3A_611 = arith.constant 16 : i32
      %mul3A_612 = arith.muli %scan3A_237, %mul3A_611 : i32
      %add3A_613 = arith.constant 10 : i32
      %add3A_614 = arith.addi %mul3A_612, %add3A_613 : i32
      %dma_start3A_615 = arith.constant 0 : i32
      %dma_start3A_616 = tpu.memref_slice %arg8[%add3A_614, %dma_start3A_615] : memref<128x64xf32, #tpu.memory_space<vmem>> -> memref<1x64xf32, #tpu.memory_space<vmem>>
      %dma_start3A_617 = tpu.memref_squeeze %dma_start3A_616 : memref<1x64xf32, #tpu.memory_space<vmem>> -> memref<64xf32, #tpu.memory_space<vmem>>
      %dma_start3A_618 = arith.constant 0 : i32
      %dma_start3A_619 = tpu.memref_slice %arg4[%squeeze3A_610, %dma_start3A_618] : memref<1000000x64xf32, #tpu.memory_space<hbm>> -> memref<1x64xf32, #tpu.memory_space<hbm>>
      %dma_start3A_620 = tpu.memref_squeeze %dma_start3A_619 : memref<1x64xf32, #tpu.memory_space<hbm>> -> memref<64xf32, #tpu.memory_space<hbm>>
      %dma_start3A_621 = arith.constant 0 : i32
      %dma_start3A_622 = tpu.memref_slice %arg8[%add3A_614, %dma_start3A_621] : memref<128x64xf32, #tpu.memory_space<vmem>> -> memref<1x64xf32, #tpu.memory_space<vmem>>
      %dma_start3A_623 = tpu.memref_squeeze %dma_start3A_622 : memref<1x64xf32, #tpu.memory_space<vmem>> -> memref<64xf32, #tpu.memory_space<vmem>>
      %dma_start3A_624 = arith.constant 0 : i32
      %dma_start3A_625 = tpu.memref_slice %arg4[%squeeze3A_610, %dma_start3A_624] : memref<1000000x64xf32, #tpu.memory_space<hbm>> -> memref<1x64xf32, #tpu.memory_space<hbm>>
      %dma_start3A_626 = tpu.memref_squeeze %dma_start3A_625 : memref<1x64xf32, #tpu.memory_space<hbm>> -> memref<64xf32, #tpu.memory_space<hbm>>
      tpu.enqueue_dma source(%dma_start3A_626 : memref<64xf32, #tpu.memory_space<hbm>>) target(%dma_start3A_623 : memref<64xf32, #tpu.memory_space<vmem>>) target_semaphore(%arg16 : memref<!tpu.dma_semaphore, #tpu.memory_space<semaphore_mem>>)
      %slice3A_627 = vector.extract_strided_slice %get3A_251 {offsets = [10], sizes = [1], strides = [1]} : vector<16xi32> to vector<1xi32>
      %squeeze3A_628 = vector.extract %slice3A_627[0] : i32 from vector<1xi32>
      %mul3A_629 = arith.constant 16 : i32
      %mul3A_630 = arith.muli %scan3A_237, %mul3A_629 : i32
      %add3A_631 = arith.constant 10 : i32
      %add3A_632 = arith.addi %mul3A_630, %add3A_631 : i32
      %dma_start3A_633 = arith.constant 0 : i32
      %dma_start3A_634 = tpu.memref_slice %arg10[%add3A_632, %dma_start3A_633] : memref<128x64xf32, #tpu.memory_space<vmem>> -> memref<1x64xf32, #tpu.memory_space<vmem>>
      %dma_start3A_635 = tpu.memref_squeeze %dma_start3A_634 : memref<1x64xf32, #tpu.memory_space<vmem>> -> memref<64xf32, #tpu.memory_space<vmem>>
      %dma_start3A_636 = arith.constant 0 : i32
      %dma_start3A_637 = tpu.memref_slice %arg5[%squeeze3A_628, %dma_start3A_636] : memref<1000000x64xf32, #tpu.memory_space<hbm>> -> memref<1x64xf32, #tpu.memory_space<hbm>>
      %dma_start3A_638 = tpu.memref_squeeze %dma_start3A_637 : memref<1x64xf32, #tpu.memory_space<hbm>> -> memref<64xf32, #tpu.memory_space<hbm>>
      %dma_start3A_639 = arith.constant 0 : i32
      %dma_start3A_640 = tpu.memref_slice %arg10[%add3A_632, %dma_start3A_639] : memref<128x64xf32, #tpu.memory_space<vmem>> -> memref<1x64xf32, #tpu.memory_space<vmem>>
      %dma_start3A_641 = tpu.memref_squeeze %dma_start3A_640 : memref<1x64xf32, #tpu.memory_space<vmem>> -> memref<64xf32, #tpu.memory_space<vmem>>
      %dma_start3A_642 = arith.constant 0 : i32
      %dma_start3A_643 = tpu.memref_slice %arg5[%squeeze3A_628, %dma_start3A_642] : memref<1000000x64xf32, #tpu.memory_space<hbm>> -> memref<1x64xf32, #tpu.memory_space<hbm>>
      %dma_start3A_644 = tpu.memref_squeeze %dma_start3A_643 : memref<1x64xf32, #tpu.memory_space<hbm>> -> memref<64xf32, #tpu.memory_space<hbm>>
      tpu.enqueue_dma source(%dma_start3A_644 : memref<64xf32, #tpu.memory_space<hbm>>) target(%dma_start3A_641 : memref<64xf32, #tpu.memory_space<vmem>>) target_semaphore(%arg16 : memref<!tpu.dma_semaphore, #tpu.memory_space<semaphore_mem>>)
      %slice3A_645 = vector.extract_strided_slice %get3A_244 {offsets = [11], sizes = [1], strides = [1]} : vector<16xi32> to vector<1xi32>
      %squeeze3A_646 = vector.extract %slice3A_645[0] : i32 from vector<1xi32>
      %mul3A_647 = arith.constant 16 : i32
      %mul3A_648 = arith.muli %scan3A_237, %mul3A_647 : i32
      %add3A_649 = arith.constant 11 : i32
      %add3A_650 = arith.addi %mul3A_648, %add3A_649 : i32
      %dma_start3A_651 = arith.constant 0 : i32
      %dma_start3A_652 = tpu.memref_slice %arg8[%add3A_650, %dma_start3A_651] : memref<128x64xf32, #tpu.memory_space<vmem>> -> memref<1x64xf32, #tpu.memory_space<vmem>>
      %dma_start3A_653 = tpu.memref_squeeze %dma_start3A_652 : memref<1x64xf32, #tpu.memory_space<vmem>> -> memref<64xf32, #tpu.memory_space<vmem>>
      %dma_start3A_654 = arith.constant 0 : i32
      %dma_start3A_655 = tpu.memref_slice %arg4[%squeeze3A_646, %dma_start3A_654] : memref<1000000x64xf32, #tpu.memory_space<hbm>> -> memref<1x64xf32, #tpu.memory_space<hbm>>
      %dma_start3A_656 = tpu.memref_squeeze %dma_start3A_655 : memref<1x64xf32, #tpu.memory_space<hbm>> -> memref<64xf32, #tpu.memory_space<hbm>>
      %dma_start3A_657 = arith.constant 0 : i32
      %dma_start3A_658 = tpu.memref_slice %arg8[%add3A_650, %dma_start3A_657] : memref<128x64xf32, #tpu.memory_space<vmem>> -> memref<1x64xf32, #tpu.memory_space<vmem>>
      %dma_start3A_659 = tpu.memref_squeeze %dma_start3A_658 : memref<1x64xf32, #tpu.memory_space<vmem>> -> memref<64xf32, #tpu.memory_space<vmem>>
      %dma_start3A_660 = arith.constant 0 : i32
      %dma_start3A_661 = tpu.memref_slice %arg4[%squeeze3A_646, %dma_start3A_660] : memref<1000000x64xf32, #tpu.memory_space<hbm>> -> memref<1x64xf32, #tpu.memory_space<hbm>>
      %dma_start3A_662 = tpu.memref_squeeze %dma_start3A_661 : memref<1x64xf32, #tpu.memory_space<hbm>> -> memref<64xf32, #tpu.memory_space<hbm>>
      tpu.enqueue_dma source(%dma_start3A_662 : memref<64xf32, #tpu.memory_space<hbm>>) target(%dma_start3A_659 : memref<64xf32, #tpu.memory_space<vmem>>) target_semaphore(%arg17 : memref<!tpu.dma_semaphore, #tpu.memory_space<semaphore_mem>>)
      %slice3A_663 = vector.extract_strided_slice %get3A_251 {offsets = [11], sizes = [1], strides = [1]} : vector<16xi32> to vector<1xi32>
      %squeeze3A_664 = vector.extract %slice3A_663[0] : i32 from vector<1xi32>
      %mul3A_665 = arith.constant 16 : i32
      %mul3A_666 = arith.muli %scan3A_237, %mul3A_665 : i32
      %add3A_667 = arith.constant 11 : i32
      %add3A_668 = arith.addi %mul3A_666, %add3A_667 : i32
      %dma_start3A_669 = arith.constant 0 : i32
      %dma_start3A_670 = tpu.memref_slice %arg10[%add3A_668, %dma_start3A_669] : memref<128x64xf32, #tpu.memory_space<vmem>> -> memref<1x64xf32, #tpu.memory_space<vmem>>
      %dma_start3A_671 = tpu.memref_squeeze %dma_start3A_670 : memref<1x64xf32, #tpu.memory_space<vmem>> -> memref<64xf32, #tpu.memory_space<vmem>>
      %dma_start3A_672 = arith.constant 0 : i32
      %dma_start3A_673 = tpu.memref_slice %arg5[%squeeze3A_664, %dma_start3A_672] : memref<1000000x64xf32, #tpu.memory_space<hbm>> -> memref<1x64xf32, #tpu.memory_space<hbm>>
      %dma_start3A_674 = tpu.memref_squeeze %dma_start3A_673 : memref<1x64xf32, #tpu.memory_space<hbm>> -> memref<64xf32, #tpu.memory_space<hbm>>
      %dma_start3A_675 = arith.constant 0 : i32
      %dma_start3A_676 = tpu.memref_slice %arg10[%add3A_668, %dma_start3A_675] : memref<128x64xf32, #tpu.memory_space<vmem>> -> memref<1x64xf32, #tpu.memory_space<vmem>>
      %dma_start3A_677 = tpu.memref_squeeze %dma_start3A_676 : memref<1x64xf32, #tpu.memory_space<vmem>> -> memref<64xf32, #tpu.memory_space<vmem>>
      %dma_start3A_678 = arith.constant 0 : i32
      %dma_start3A_679 = tpu.memref_slice %arg5[%squeeze3A_664, %dma_start3A_678] : memref<1000000x64xf32, #tpu.memory_space<hbm>> -> memref<1x64xf32, #tpu.memory_space<hbm>>
      %dma_start3A_680 = tpu.memref_squeeze %dma_start3A_679 : memref<1x64xf32, #tpu.memory_space<hbm>> -> memref<64xf32, #tpu.memory_space<hbm>>
      tpu.enqueue_dma source(%dma_start3A_680 : memref<64xf32, #tpu.memory_space<hbm>>) target(%dma_start3A_677 : memref<64xf32, #tpu.memory_space<vmem>>) target_semaphore(%arg17 : memref<!tpu.dma_semaphore, #tpu.memory_space<semaphore_mem>>)
      %slice3A_681 = vector.extract_strided_slice %get3A_244 {offsets = [12], sizes = [1], strides = [1]} : vector<16xi32> to vector<1xi32>
      %squeeze3A_682 = vector.extract %slice3A_681[0] : i32 from vector<1xi32>
      %mul3A_683 = arith.constant 16 : i32
      %mul3A_684 = arith.muli %scan3A_237, %mul3A_683 : i32
      %add3A_685 = arith.constant 12 : i32
      %add3A_686 = arith.addi %mul3A_684, %add3A_685 : i32
      %dma_start3A_687 = arith.constant 0 : i32
      %dma_start3A_688 = tpu.memref_slice %arg8[%add3A_686, %dma_start3A_687] : memref<128x64xf32, #tpu.memory_space<vmem>> -> memref<1x64xf32, #tpu.memory_space<vmem>>
      %dma_start3A_689 = tpu.memref_squeeze %dma_start3A_688 : memref<1x64xf32, #tpu.memory_space<vmem>> -> memref<64xf32, #tpu.memory_space<vmem>>
      %dma_start3A_690 = arith.constant 0 : i32
      %dma_start3A_691 = tpu.memref_slice %arg4[%squeeze3A_682, %dma_start3A_690] : memref<1000000x64xf32, #tpu.memory_space<hbm>> -> memref<1x64xf32, #tpu.memory_space<hbm>>
      %dma_start3A_692 = tpu.memref_squeeze %dma_start3A_691 : memref<1x64xf32, #tpu.memory_space<hbm>> -> memref<64xf32, #tpu.memory_space<hbm>>
      %dma_start3A_693 = arith.constant 0 : i32
      %dma_start3A_694 = tpu.memref_slice %arg8[%add3A_686, %dma_start3A_693] : memref<128x64xf32, #tpu.memory_space<vmem>> -> memref<1x64xf32, #tpu.memory_space<vmem>>
      %dma_start3A_695 = tpu.memref_squeeze %dma_start3A_694 : memref<1x64xf32, #tpu.memory_space<vmem>> -> memref<64xf32, #tpu.memory_space<vmem>>
      %dma_start3A_696 = arith.constant 0 : i32
      %dma_start3A_697 = tpu.memref_slice %arg4[%squeeze3A_682, %dma_start3A_696] : memref<1000000x64xf32, #tpu.memory_space<hbm>> -> memref<1x64xf32, #tpu.memory_space<hbm>>
      %dma_start3A_698 = tpu.memref_squeeze %dma_start3A_697 : memref<1x64xf32, #tpu.memory_space<hbm>> -> memref<64xf32, #tpu.memory_space<hbm>>
      tpu.enqueue_dma source(%dma_start3A_698 : memref<64xf32, #tpu.memory_space<hbm>>) target(%dma_start3A_695 : memref<64xf32, #tpu.memory_space<vmem>>) target_semaphore(%arg14 : memref<!tpu.dma_semaphore, #tpu.memory_space<semaphore_mem>>)
      %slice3A_699 = vector.extract_strided_slice %get3A_251 {offsets = [12], sizes = [1], strides = [1]} : vector<16xi32> to vector<1xi32>
      %squeeze3A_700 = vector.extract %slice3A_699[0] : i32 from vector<1xi32>
      %mul3A_701 = arith.constant 16 : i32
      %mul3A_702 = arith.muli %scan3A_237, %mul3A_701 : i32
      %add3A_703 = arith.constant 12 : i32
      %add3A_704 = arith.addi %mul3A_702, %add3A_703 : i32
      %dma_start3A_705 = arith.constant 0 : i32
      %dma_start3A_706 = tpu.memref_slice %arg10[%add3A_704, %dma_start3A_705] : memref<128x64xf32, #tpu.memory_space<vmem>> -> memref<1x64xf32, #tpu.memory_space<vmem>>
      %dma_start3A_707 = tpu.memref_squeeze %dma_start3A_706 : memref<1x64xf32, #tpu.memory_space<vmem>> -> memref<64xf32, #tpu.memory_space<vmem>>
      %dma_start3A_708 = arith.constant 0 : i32
      %dma_start3A_709 = tpu.memref_slice %arg5[%squeeze3A_700, %dma_start3A_708] : memref<1000000x64xf32, #tpu.memory_space<hbm>> -> memref<1x64xf32, #tpu.memory_space<hbm>>
      %dma_start3A_710 = tpu.memref_squeeze %dma_start3A_709 : memref<1x64xf32, #tpu.memory_space<hbm>> -> memref<64xf32, #tpu.memory_space<hbm>>
      %dma_start3A_711 = arith.constant 0 : i32
      %dma_start3A_712 = tpu.memref_slice %arg10[%add3A_704, %dma_start3A_711] : memref<128x64xf32, #tpu.memory_space<vmem>> -> memref<1x64xf32, #tpu.memory_space<vmem>>
      %dma_start3A_713 = tpu.memref_squeeze %dma_start3A_712 : memref<1x64xf32, #tpu.memory_space<vmem>> -> memref<64xf32, #tpu.memory_space<vmem>>
      %dma_start3A_714 = arith.constant 0 : i32
      %dma_start3A_715 = tpu.memref_slice %arg5[%squeeze3A_700, %dma_start3A_714] : memref<1000000x64xf32, #tpu.memory_space<hbm>> -> memref<1x64xf32, #tpu.memory_space<hbm>>
      %dma_start3A_716 = tpu.memref_squeeze %dma_start3A_715 : memref<1x64xf32, #tpu.memory_space<hbm>> -> memref<64xf32, #tpu.memory_space<hbm>>
      tpu.enqueue_dma source(%dma_start3A_716 : memref<64xf32, #tpu.memory_space<hbm>>) target(%dma_start3A_713 : memref<64xf32, #tpu.memory_space<vmem>>) target_semaphore(%arg14 : memref<!tpu.dma_semaphore, #tpu.memory_space<semaphore_mem>>)
      %slice3A_717 = vector.extract_strided_slice %get3A_244 {offsets = [13], sizes = [1], strides = [1]} : vector<16xi32> to vector<1xi32>
      %squeeze3A_718 = vector.extract %slice3A_717[0] : i32 from vector<1xi32>
      %mul3A_719 = arith.constant 16 : i32
      %mul3A_720 = arith.muli %scan3A_237, %mul3A_719 : i32
      %add3A_721 = arith.constant 13 : i32
      %add3A_722 = arith.addi %mul3A_720, %add3A_721 : i32
      %dma_start3A_723 = arith.constant 0 : i32
      %dma_start3A_724 = tpu.memref_slice %arg8[%add3A_722, %dma_start3A_723] : memref<128x64xf32, #tpu.memory_space<vmem>> -> memref<1x64xf32, #tpu.memory_space<vmem>>
      %dma_start3A_725 = tpu.memref_squeeze %dma_start3A_724 : memref<1x64xf32, #tpu.memory_space<vmem>> -> memref<64xf32, #tpu.memory_space<vmem>>
      %dma_start3A_726 = arith.constant 0 : i32
      %dma_start3A_727 = tpu.memref_slice %arg4[%squeeze3A_718, %dma_start3A_726] : memref<1000000x64xf32, #tpu.memory_space<hbm>> -> memref<1x64xf32, #tpu.memory_space<hbm>>
      %dma_start3A_728 = tpu.memref_squeeze %dma_start3A_727 : memref<1x64xf32, #tpu.memory_space<hbm>> -> memref<64xf32, #tpu.memory_space<hbm>>
      %dma_start3A_729 = arith.constant 0 : i32
      %dma_start3A_730 = tpu.memref_slice %arg8[%add3A_722, %dma_start3A_729] : memref<128x64xf32, #tpu.memory_space<vmem>> -> memref<1x64xf32, #tpu.memory_space<vmem>>
      %dma_start3A_731 = tpu.memref_squeeze %dma_start3A_730 : memref<1x64xf32, #tpu.memory_space<vmem>> -> memref<64xf32, #tpu.memory_space<vmem>>
      %dma_start3A_732 = arith.constant 0 : i32
      %dma_start3A_733 = tpu.memref_slice %arg4[%squeeze3A_718, %dma_start3A_732] : memref<1000000x64xf32, #tpu.memory_space<hbm>> -> memref<1x64xf32, #tpu.memory_space<hbm>>
      %dma_start3A_734 = tpu.memref_squeeze %dma_start3A_733 : memref<1x64xf32, #tpu.memory_space<hbm>> -> memref<64xf32, #tpu.memory_space<hbm>>
      tpu.enqueue_dma source(%dma_start3A_734 : memref<64xf32, #tpu.memory_space<hbm>>) target(%dma_start3A_731 : memref<64xf32, #tpu.memory_space<vmem>>) target_semaphore(%arg15 : memref<!tpu.dma_semaphore, #tpu.memory_space<semaphore_mem>>)
      %slice3A_735 = vector.extract_strided_slice %get3A_251 {offsets = [13], sizes = [1], strides = [1]} : vector<16xi32> to vector<1xi32>
      %squeeze3A_736 = vector.extract %slice3A_735[0] : i32 from vector<1xi32>
      %mul3A_737 = arith.constant 16 : i32
      %mul3A_738 = arith.muli %scan3A_237, %mul3A_737 : i32
      %add3A_739 = arith.constant 13 : i32
      %add3A_740 = arith.addi %mul3A_738, %add3A_739 : i32
      %dma_start3A_741 = arith.constant 0 : i32
      %dma_start3A_742 = tpu.memref_slice %arg10[%add3A_740, %dma_start3A_741] : memref<128x64xf32, #tpu.memory_space<vmem>> -> memref<1x64xf32, #tpu.memory_space<vmem>>
      %dma_start3A_743 = tpu.memref_squeeze %dma_start3A_742 : memref<1x64xf32, #tpu.memory_space<vmem>> -> memref<64xf32, #tpu.memory_space<vmem>>
      %dma_start3A_744 = arith.constant 0 : i32
      %dma_start3A_745 = tpu.memref_slice %arg5[%squeeze3A_736, %dma_start3A_744] : memref<1000000x64xf32, #tpu.memory_space<hbm>> -> memref<1x64xf32, #tpu.memory_space<hbm>>
      %dma_start3A_746 = tpu.memref_squeeze %dma_start3A_745 : memref<1x64xf32, #tpu.memory_space<hbm>> -> memref<64xf32, #tpu.memory_space<hbm>>
      %dma_start3A_747 = arith.constant 0 : i32
      %dma_start3A_748 = tpu.memref_slice %arg10[%add3A_740, %dma_start3A_747] : memref<128x64xf32, #tpu.memory_space<vmem>> -> memref<1x64xf32, #tpu.memory_space<vmem>>
      %dma_start3A_749 = tpu.memref_squeeze %dma_start3A_748 : memref<1x64xf32, #tpu.memory_space<vmem>> -> memref<64xf32, #tpu.memory_space<vmem>>
      %dma_start3A_750 = arith.constant 0 : i32
      %dma_start3A_751 = tpu.memref_slice %arg5[%squeeze3A_736, %dma_start3A_750] : memref<1000000x64xf32, #tpu.memory_space<hbm>> -> memref<1x64xf32, #tpu.memory_space<hbm>>
      %dma_start3A_752 = tpu.memref_squeeze %dma_start3A_751 : memref<1x64xf32, #tpu.memory_space<hbm>> -> memref<64xf32, #tpu.memory_space<hbm>>
      tpu.enqueue_dma source(%dma_start3A_752 : memref<64xf32, #tpu.memory_space<hbm>>) target(%dma_start3A_749 : memref<64xf32, #tpu.memory_space<vmem>>) target_semaphore(%arg15 : memref<!tpu.dma_semaphore, #tpu.memory_space<semaphore_mem>>)
      %slice3A_753 = vector.extract_strided_slice %get3A_244 {offsets = [14], sizes = [1], strides = [1]} : vector<16xi32> to vector<1xi32>
      %squeeze3A_754 = vector.extract %slice3A_753[0] : i32 from vector<1xi32>
      %mul3A_755 = arith.constant 16 : i32
      %mul3A_756 = arith.muli %scan3A_237, %mul3A_755 : i32
      %add3A_757 = arith.constant 14 : i32
      %add3A_758 = arith.addi %mul3A_756, %add3A_757 : i32
      %dma_start3A_759 = arith.constant 0 : i32
      %dma_start3A_760 = tpu.memref_slice %arg8[%add3A_758, %dma_start3A_759] : memref<128x64xf32, #tpu.memory_space<vmem>> -> memref<1x64xf32, #tpu.memory_space<vmem>>
      %dma_start3A_761 = tpu.memref_squeeze %dma_start3A_760 : memref<1x64xf32, #tpu.memory_space<vmem>> -> memref<64xf32, #tpu.memory_space<vmem>>
      %dma_start3A_762 = arith.constant 0 : i32
      %dma_start3A_763 = tpu.memref_slice %arg4[%squeeze3A_754, %dma_start3A_762] : memref<1000000x64xf32, #tpu.memory_space<hbm>> -> memref<1x64xf32, #tpu.memory_space<hbm>>
      %dma_start3A_764 = tpu.memref_squeeze %dma_start3A_763 : memref<1x64xf32, #tpu.memory_space<hbm>> -> memref<64xf32, #tpu.memory_space<hbm>>
      %dma_start3A_765 = arith.constant 0 : i32
      %dma_start3A_766 = tpu.memref_slice %arg8[%add3A_758, %dma_start3A_765] : memref<128x64xf32, #tpu.memory_space<vmem>> -> memref<1x64xf32, #tpu.memory_space<vmem>>
      %dma_start3A_767 = tpu.memref_squeeze %dma_start3A_766 : memref<1x64xf32, #tpu.memory_space<vmem>> -> memref<64xf32, #tpu.memory_space<vmem>>
      %dma_start3A_768 = arith.constant 0 : i32
      %dma_start3A_769 = tpu.memref_slice %arg4[%squeeze3A_754, %dma_start3A_768] : memref<1000000x64xf32, #tpu.memory_space<hbm>> -> memref<1x64xf32, #tpu.memory_space<hbm>>
      %dma_start3A_770 = tpu.memref_squeeze %dma_start3A_769 : memref<1x64xf32, #tpu.memory_space<hbm>> -> memref<64xf32, #tpu.memory_space<hbm>>
      tpu.enqueue_dma source(%dma_start3A_770 : memref<64xf32, #tpu.memory_space<hbm>>) target(%dma_start3A_767 : memref<64xf32, #tpu.memory_space<vmem>>) target_semaphore(%arg16 : memref<!tpu.dma_semaphore, #tpu.memory_space<semaphore_mem>>)
      %slice3A_771 = vector.extract_strided_slice %get3A_251 {offsets = [14], sizes = [1], strides = [1]} : vector<16xi32> to vector<1xi32>
      %squeeze3A_772 = vector.extract %slice3A_771[0] : i32 from vector<1xi32>
      %mul3A_773 = arith.constant 16 : i32
      %mul3A_774 = arith.muli %scan3A_237, %mul3A_773 : i32
      %add3A_775 = arith.constant 14 : i32
      %add3A_776 = arith.addi %mul3A_774, %add3A_775 : i32
      %dma_start3A_777 = arith.constant 0 : i32
      %dma_start3A_778 = tpu.memref_slice %arg10[%add3A_776, %dma_start3A_777] : memref<128x64xf32, #tpu.memory_space<vmem>> -> memref<1x64xf32, #tpu.memory_space<vmem>>
      %dma_start3A_779 = tpu.memref_squeeze %dma_start3A_778 : memref<1x64xf32, #tpu.memory_space<vmem>> -> memref<64xf32, #tpu.memory_space<vmem>>
      %dma_start3A_780 = arith.constant 0 : i32
      %dma_start3A_781 = tpu.memref_slice %arg5[%squeeze3A_772, %dma_start3A_780] : memref<1000000x64xf32, #tpu.memory_space<hbm>> -> memref<1x64xf32, #tpu.memory_space<hbm>>
      %dma_start3A_782 = tpu.memref_squeeze %dma_start3A_781 : memref<1x64xf32, #tpu.memory_space<hbm>> -> memref<64xf32, #tpu.memory_space<hbm>>
      %dma_start3A_783 = arith.constant 0 : i32
      %dma_start3A_784 = tpu.memref_slice %arg10[%add3A_776, %dma_start3A_783] : memref<128x64xf32, #tpu.memory_space<vmem>> -> memref<1x64xf32, #tpu.memory_space<vmem>>
      %dma_start3A_785 = tpu.memref_squeeze %dma_start3A_784 : memref<1x64xf32, #tpu.memory_space<vmem>> -> memref<64xf32, #tpu.memory_space<vmem>>
      %dma_start3A_786 = arith.constant 0 : i32
      %dma_start3A_787 = tpu.memref_slice %arg5[%squeeze3A_772, %dma_start3A_786] : memref<1000000x64xf32, #tpu.memory_space<hbm>> -> memref<1x64xf32, #tpu.memory_space<hbm>>
      %dma_start3A_788 = tpu.memref_squeeze %dma_start3A_787 : memref<1x64xf32, #tpu.memory_space<hbm>> -> memref<64xf32, #tpu.memory_space<hbm>>
      tpu.enqueue_dma source(%dma_start3A_788 : memref<64xf32, #tpu.memory_space<hbm>>) target(%dma_start3A_785 : memref<64xf32, #tpu.memory_space<vmem>>) target_semaphore(%arg16 : memref<!tpu.dma_semaphore, #tpu.memory_space<semaphore_mem>>)
      %slice3A_789 = vector.extract_strided_slice %get3A_244 {offsets = [15], sizes = [1], strides = [1]} : vector<16xi32> to vector<1xi32>
      %squeeze3A_790 = vector.extract %slice3A_789[0] : i32 from vector<1xi32>
      %mul3A_791 = arith.constant 16 : i32
      %mul3A_792 = arith.muli %scan3A_237, %mul3A_791 : i32
      %add3A_793 = arith.constant 15 : i32
      %add3A_794 = arith.addi %mul3A_792, %add3A_793 : i32
      %dma_start3A_795 = arith.constant 0 : i32
      %dma_start3A_796 = tpu.memref_slice %arg8[%add3A_794, %dma_start3A_795] : memref<128x64xf32, #tpu.memory_space<vmem>> -> memref<1x64xf32, #tpu.memory_space<vmem>>
      %dma_start3A_797 = tpu.memref_squeeze %dma_start3A_796 : memref<1x64xf32, #tpu.memory_space<vmem>> -> memref<64xf32, #tpu.memory_space<vmem>>
      %dma_start3A_798 = arith.constant 0 : i32
      %dma_start3A_799 = tpu.memref_slice %arg4[%squeeze3A_790, %dma_start3A_798] : memref<1000000x64xf32, #tpu.memory_space<hbm>> -> memref<1x64xf32, #tpu.memory_space<hbm>>
      %dma_start3A_800 = tpu.memref_squeeze %dma_start3A_799 : memref<1x64xf32, #tpu.memory_space<hbm>> -> memref<64xf32, #tpu.memory_space<hbm>>
      %dma_start3A_801 = arith.constant 0 : i32
      %dma_start3A_802 = tpu.memref_slice %arg8[%add3A_794, %dma_start3A_801] : memref<128x64xf32, #tpu.memory_space<vmem>> -> memref<1x64xf32, #tpu.memory_space<vmem>>
      %dma_start3A_803 = tpu.memref_squeeze %dma_start3A_802 : memref<1x64xf32, #tpu.memory_space<vmem>> -> memref<64xf32, #tpu.memory_space<vmem>>
      %dma_start3A_804 = arith.constant 0 : i32
      %dma_start3A_805 = tpu.memref_slice %arg4[%squeeze3A_790, %dma_start3A_804] : memref<1000000x64xf32, #tpu.memory_space<hbm>> -> memref<1x64xf32, #tpu.memory_space<hbm>>
      %dma_start3A_806 = tpu.memref_squeeze %dma_start3A_805 : memref<1x64xf32, #tpu.memory_space<hbm>> -> memref<64xf32, #tpu.memory_space<hbm>>
      tpu.enqueue_dma source(%dma_start3A_806 : memref<64xf32, #tpu.memory_space<hbm>>) target(%dma_start3A_803 : memref<64xf32, #tpu.memory_space<vmem>>) target_semaphore(%arg17 : memref<!tpu.dma_semaphore, #tpu.memory_space<semaphore_mem>>)
      %slice3A_807 = vector.extract_strided_slice %get3A_251 {offsets = [15], sizes = [1], strides = [1]} : vector<16xi32> to vector<1xi32>
      %squeeze3A_808 = vector.extract %slice3A_807[0] : i32 from vector<1xi32>
      %mul3A_809 = arith.constant 16 : i32
      %mul3A_810 = arith.muli %scan3A_237, %mul3A_809 : i32
      %add3A_811 = arith.constant 15 : i32
      %add3A_812 = arith.addi %mul3A_810, %add3A_811 : i32
      %dma_start3A_813 = arith.constant 0 : i32
      %dma_start3A_814 = tpu.memref_slice %arg10[%add3A_812, %dma_start3A_813] : memref<128x64xf32, #tpu.memory_space<vmem>> -> memref<1x64xf32, #tpu.memory_space<vmem>>
      %dma_start3A_815 = tpu.memref_squeeze %dma_start3A_814 : memref<1x64xf32, #tpu.memory_space<vmem>> -> memref<64xf32, #tpu.memory_space<vmem>>
      %dma_start3A_816 = arith.constant 0 : i32
      %dma_start3A_817 = tpu.memref_slice %arg5[%squeeze3A_808, %dma_start3A_816] : memref<1000000x64xf32, #tpu.memory_space<hbm>> -> memref<1x64xf32, #tpu.memory_space<hbm>>
      %dma_start3A_818 = tpu.memref_squeeze %dma_start3A_817 : memref<1x64xf32, #tpu.memory_space<hbm>> -> memref<64xf32, #tpu.memory_space<hbm>>
      %dma_start3A_819 = arith.constant 0 : i32
      %dma_start3A_820 = tpu.memref_slice %arg10[%add3A_812, %dma_start3A_819] : memref<128x64xf32, #tpu.memory_space<vmem>> -> memref<1x64xf32, #tpu.memory_space<vmem>>
      %dma_start3A_821 = tpu.memref_squeeze %dma_start3A_820 : memref<1x64xf32, #tpu.memory_space<vmem>> -> memref<64xf32, #tpu.memory_space<vmem>>
      %dma_start3A_822 = arith.constant 0 : i32
      %dma_start3A_823 = tpu.memref_slice %arg5[%squeeze3A_808, %dma_start3A_822] : memref<1000000x64xf32, #tpu.memory_space<hbm>> -> memref<1x64xf32, #tpu.memory_space<hbm>>
      %dma_start3A_824 = tpu.memref_squeeze %dma_start3A_823 : memref<1x64xf32, #tpu.memory_space<hbm>> -> memref<64xf32, #tpu.memory_space<hbm>>
      tpu.enqueue_dma source(%dma_start3A_824 : memref<64xf32, #tpu.memory_space<hbm>>) target(%dma_start3A_821 : memref<64xf32, #tpu.memory_space<vmem>>) target_semaphore(%arg17 : memref<!tpu.dma_semaphore, #tpu.memory_space<semaphore_mem>>)
      %scan3A_825 = arith.constant 0 : i32
      scf.yield %scan3A_825 : i32
    }
    %scan3A_73 = arith.constant 8 : i32
    %dma_wait3A_74 = arith.constant 0 : i32
    %dma_wait3A_75 = arith.constant 0 : i32
    %dma_wait3A_76 = tpu.memref_slice %arg9[%dma_wait3A_74, %dma_wait3A_75] : memref<128x64xf32, #tpu.memory_space<vmem>> -> memref<64x64xf32, #tpu.memory_space<vmem>>
    %dma_wait3A_77 = arith.constant 0 : i32
    %dma_wait3A_78 = arith.constant 0 : i32
    %dma_wait3A_79 = tpu.memref_slice %arg4[%dma_wait3A_77, %dma_wait3A_78] : memref<1000000x64xf32, #tpu.memory_space<hbm>> -> memref<64x64xf32, #tpu.memory_space<hbm>>
    %dma_wait3A_80 = arith.constant 0 : i32
    %dma_wait3A_81 = arith.constant 0 : i32
    %dma_wait3A_82 = tpu.memref_slice %arg9[%dma_wait3A_80, %dma_wait3A_81] : memref<128x64xf32, #tpu.memory_space<vmem>> -> memref<64x64xf32, #tpu.memory_space<vmem>>
    %dma_wait3A_83 = arith.constant 0 : i32
    %dma_wait3A_84 = arith.constant 0 : i32
    %dma_wait3A_85 = tpu.memref_slice %arg4[%dma_wait3A_83, %dma_wait3A_84] : memref<1000000x64xf32, #tpu.memory_space<hbm>> -> memref<64x64xf32, #tpu.memory_space<hbm>>
    tpu.wait_dma2 semaphore(%arg18 : memref<!tpu.dma_semaphore, #tpu.memory_space<semaphore_mem>>) src(%dma_wait3A_85 : memref<64x64xf32, #tpu.memory_space<hbm>>) dst(%dma_wait3A_82 : memref<64x64xf32, #tpu.memory_space<vmem>>)
    %dma_wait3A_86 = arith.constant 0 : i32
    %dma_wait3A_87 = arith.constant 0 : i32
    %dma_wait3A_88 = tpu.memref_slice %arg9[%dma_wait3A_86, %dma_wait3A_87] : memref<128x64xf32, #tpu.memory_space<vmem>> -> memref<64x64xf32, #tpu.memory_space<vmem>>
    %dma_wait3A_89 = arith.constant 0 : i32
    %dma_wait3A_90 = arith.constant 0 : i32
    %dma_wait3A_91 = tpu.memref_slice %arg4[%dma_wait3A_89, %dma_wait3A_90] : memref<1000000x64xf32, #tpu.memory_space<hbm>> -> memref<64x64xf32, #tpu.memory_space<hbm>>
    %dma_wait3A_92 = arith.constant 0 : i32
    %dma_wait3A_93 = arith.constant 0 : i32
    %dma_wait3A_94 = tpu.memref_slice %arg9[%dma_wait3A_92, %dma_wait3A_93] : memref<128x64xf32, #tpu.memory_space<vmem>> -> memref<64x64xf32, #tpu.memory_space<vmem>>
    %dma_wait3A_95 = arith.constant 0 : i32
    %dma_wait3A_96 = arith.constant 0 : i32
    %dma_wait3A_97 = tpu.memref_slice %arg4[%dma_wait3A_95, %dma_wait3A_96] : memref<1000000x64xf32, #tpu.memory_space<hbm>> -> memref<64x64xf32, #tpu.memory_space<hbm>>
    tpu.wait_dma2 semaphore(%arg19 : memref<!tpu.dma_semaphore, #tpu.memory_space<semaphore_mem>>) src(%dma_wait3A_97 : memref<64x64xf32, #tpu.memory_space<hbm>>) dst(%dma_wait3A_94 : memref<64x64xf32, #tpu.memory_space<vmem>>)
    %dma_wait3A_98 = arith.constant 0 : i32
    %dma_wait3A_99 = arith.constant 0 : i32
    %dma_wait3A_100 = tpu.memref_slice %arg9[%dma_wait3A_98, %dma_wait3A_99] : memref<128x64xf32, #tpu.memory_space<vmem>> -> memref<64x64xf32, #tpu.memory_space<vmem>>
    %dma_wait3A_101 = arith.constant 0 : i32
    %dma_wait3A_102 = arith.constant 0 : i32
    %dma_wait3A_103 = tpu.memref_slice %arg4[%dma_wait3A_101, %dma_wait3A_102] : memref<1000000x64xf32, #tpu.memory_space<hbm>> -> memref<64x64xf32, #tpu.memory_space<hbm>>
    %dma_wait3A_104 = arith.constant 0 : i32
    %dma_wait3A_105 = arith.constant 0 : i32
    %dma_wait3A_106 = tpu.memref_slice %arg9[%dma_wait3A_104, %dma_wait3A_105] : memref<128x64xf32, #tpu.memory_space<vmem>> -> memref<64x64xf32, #tpu.memory_space<vmem>>
    %dma_wait3A_107 = arith.constant 0 : i32
    %dma_wait3A_108 = arith.constant 0 : i32
    %dma_wait3A_109 = tpu.memref_slice %arg4[%dma_wait3A_107, %dma_wait3A_108] : memref<1000000x64xf32, #tpu.memory_space<hbm>> -> memref<64x64xf32, #tpu.memory_space<hbm>>
    tpu.wait_dma2 semaphore(%arg20 : memref<!tpu.dma_semaphore, #tpu.memory_space<semaphore_mem>>) src(%dma_wait3A_109 : memref<64x64xf32, #tpu.memory_space<hbm>>) dst(%dma_wait3A_106 : memref<64x64xf32, #tpu.memory_space<vmem>>)
    %dma_wait3A_110 = arith.constant 0 : i32
    %dma_wait3A_111 = arith.constant 0 : i32
    %dma_wait3A_112 = tpu.memref_slice %arg9[%dma_wait3A_110, %dma_wait3A_111] : memref<128x64xf32, #tpu.memory_space<vmem>> -> memref<64x64xf32, #tpu.memory_space<vmem>>
    %dma_wait3A_113 = arith.constant 0 : i32
    %dma_wait3A_114 = arith.constant 0 : i32
    %dma_wait3A_115 = tpu.memref_slice %arg4[%dma_wait3A_113, %dma_wait3A_114] : memref<1000000x64xf32, #tpu.memory_space<hbm>> -> memref<64x64xf32, #tpu.memory_space<hbm>>
    %dma_wait3A_116 = arith.constant 0 : i32
    %dma_wait3A_117 = arith.constant 0 : i32
    %dma_wait3A_118 = tpu.memref_slice %arg9[%dma_wait3A_116, %dma_wait3A_117] : memref<128x64xf32, #tpu.memory_space<vmem>> -> memref<64x64xf32, #tpu.memory_space<vmem>>
    %dma_wait3A_119 = arith.constant 0 : i32
    %dma_wait3A_120 = arith.constant 0 : i32
    %dma_wait3A_121 = tpu.memref_slice %arg4[%dma_wait3A_119, %dma_wait3A_120] : memref<1000000x64xf32, #tpu.memory_space<hbm>> -> memref<64x64xf32, #tpu.memory_space<hbm>>
    tpu.wait_dma2 semaphore(%arg21 : memref<!tpu.dma_semaphore, #tpu.memory_space<semaphore_mem>>) src(%dma_wait3A_121 : memref<64x64xf32, #tpu.memory_space<hbm>>) dst(%dma_wait3A_118 : memref<64x64xf32, #tpu.memory_space<vmem>>)
    %add3A_122 = arith.constant 128 : i32
    %add3A_123 = arith.addi %mul3A_2, %add3A_122 : i32
    "tpu.region"() ({
      %run_scoped3A = tpu.sem_alloc : memref<!tpu.dma_semaphore, #tpu.memory_space<semaphore_mem>>
      %dma_start3A = arith.constant 0 : i32
      %dma_start3A_237 = tpu.memref_slice %arg6[%add3A_123, %dma_start3A] : memref<16384x64xf32, #tpu.memory_space<hbm>> -> memref<128x64xf32, #tpu.memory_space<hbm>>
      %dma_start3A_238 = arith.constant 0 : i32
      %dma_start3A_239 = tpu.memref_slice %arg6[%add3A_123, %dma_start3A_238] : memref<16384x64xf32, #tpu.memory_space<hbm>> -> memref<128x64xf32, #tpu.memory_space<hbm>>
      tpu.enqueue_dma source(%arg9 : memref<128x64xf32, #tpu.memory_space<vmem>>) target(%dma_start3A_239 : memref<128x64xf32, #tpu.memory_space<hbm>>) target_semaphore(%run_scoped3A : memref<!tpu.dma_semaphore, #tpu.memory_space<semaphore_mem>>)
      %dma_wait3A_240 = arith.constant 0 : i32
      %dma_wait3A_241 = tpu.memref_slice %arg6[%add3A_123, %dma_wait3A_240] : memref<16384x64xf32, #tpu.memory_space<hbm>> -> memref<128x64xf32, #tpu.memory_space<hbm>>
      %dma_wait3A_242 = arith.constant 0 : i32
      %dma_wait3A_243 = tpu.memref_slice %arg6[%add3A_123, %dma_wait3A_242] : memref<16384x64xf32, #tpu.memory_space<hbm>> -> memref<128x64xf32, #tpu.memory_space<hbm>>
      tpu.wait_dma2 semaphore(%run_scoped3A : memref<!tpu.dma_semaphore, #tpu.memory_space<semaphore_mem>>) src(%arg9 : memref<128x64xf32, #tpu.memory_space<vmem>>) dst(%dma_wait3A_243 : memref<128x64xf32, #tpu.memory_space<hbm>>)
      tpu.yield
    }) : () -> ()
    %add3A_124 = arith.constant 128 : i32
    %add3A_125 = arith.addi %mul3A_2, %add3A_124 : i32
    "tpu.region"() ({
      %run_scoped3A = tpu.sem_alloc : memref<!tpu.dma_semaphore, #tpu.memory_space<semaphore_mem>>
      %dma_start3A = arith.constant 0 : i32
      %dma_start3A_237 = tpu.memref_slice %arg7[%add3A_125, %dma_start3A] : memref<16384x64xf32, #tpu.memory_space<hbm>> -> memref<128x64xf32, #tpu.memory_space<hbm>>
      %dma_start3A_238 = arith.constant 0 : i32
      %dma_start3A_239 = tpu.memref_slice %arg7[%add3A_125, %dma_start3A_238] : memref<16384x64xf32, #tpu.memory_space<hbm>> -> memref<128x64xf32, #tpu.memory_space<hbm>>
      tpu.enqueue_dma source(%arg11 : memref<128x64xf32, #tpu.memory_space<vmem>>) target(%dma_start3A_239 : memref<128x64xf32, #tpu.memory_space<hbm>>) target_semaphore(%run_scoped3A : memref<!tpu.dma_semaphore, #tpu.memory_space<semaphore_mem>>)
      %dma_wait3A_240 = arith.constant 0 : i32
      %dma_wait3A_241 = tpu.memref_slice %arg7[%add3A_125, %dma_wait3A_240] : memref<16384x64xf32, #tpu.memory_space<hbm>> -> memref<128x64xf32, #tpu.memory_space<hbm>>
      %dma_wait3A_242 = arith.constant 0 : i32
      %dma_wait3A_243 = tpu.memref_slice %arg7[%add3A_125, %dma_wait3A_242] : memref<16384x64xf32, #tpu.memory_space<hbm>> -> memref<128x64xf32, #tpu.memory_space<hbm>>
      tpu.wait_dma2 semaphore(%run_scoped3A : memref<!tpu.dma_semaphore, #tpu.memory_space<semaphore_mem>>) src(%arg11 : memref<128x64xf32, #tpu.memory_space<vmem>>) dst(%dma_wait3A_243 : memref<128x64xf32, #tpu.memory_space<hbm>>)
      tpu.yield
    }) : () -> ()
    %scan3A_126 = arith.constant 0 : i32
    %scan3A_127 = arith.constant 0 : i32
    %scan3A_128 = arith.constant 8 : i32
    %scan3A_129 = arith.addi %scan3A_127, %scan3A_128 : i32
    %scan3A_130 = arith.constant 1 : i32
    %scan3A_131 = scf.for %scan3A_237 = %scan3A_127 to %scan3A_129 step %scan3A_130 iter_args(%scan3A_238 = %scan3A_126) -> (i32)  : i32 {
      %mul3A_239 = arith.constant 16 : i32
      %mul3A_240 = arith.muli %scan3A_237, %mul3A_239 : i32
      %add3A_241 = arith.constant 384 : i32
      %add3A_242 = arith.addi %add3A_241, %mul3A_240 : i32
      %get3A = arith.index_cast %add3A_242 : i32 to index
      %get3A_243 = tpu.vector_load %arg12[%get3A] {strides = array<i32>} : memref<512xi32, #tpu.memory_space<vmem>>, vector<16xi32>,
      %get3A_244 = vector.shape_cast %get3A_243 : vector<16xi32> to vector<16xi32>
      %mul3A_245 = arith.constant 16 : i32
      %mul3A_246 = arith.muli %scan3A_237, %mul3A_245 : i32
      %add3A_247 = arith.constant 384 : i32
      %add3A_248 = arith.addi %add3A_247, %mul3A_246 : i32
      %get3A_249 = arith.index_cast %add3A_248 : i32 to index
      %get3A_250 = tpu.vector_load %arg13[%get3A_249] {strides = array<i32>} : memref<512xi32, #tpu.memory_space<vmem>>, vector<16xi32>,
      %get3A_251 = vector.shape_cast %get3A_250 : vector<16xi32> to vector<16xi32>
      %slice3A = vector.extract_strided_slice %get3A_244 {offsets = [0], sizes = [1], strides = [1]} : vector<16xi32> to vector<1xi32>
      %squeeze3A = vector.extract %slice3A[0] : i32 from vector<1xi32>
      %mul3A_252 = arith.constant 16 : i32
      %mul3A_253 = arith.muli %scan3A_237, %mul3A_252 : i32
      %add3A_254 = arith.constant 0 : i32
      %add3A_255 = arith.addi %mul3A_253, %add3A_254 : i32
      %dma_start3A = arith.constant 0 : i32
      %dma_start3A_256 = tpu.memref_slice %arg9[%add3A_255, %dma_start3A] : memref<128x64xf32, #tpu.memory_space<vmem>> -> memref<1x64xf32, #tpu.memory_space<vmem>>
      %dma_start3A_257 = tpu.memref_squeeze %dma_start3A_256 : memref<1x64xf32, #tpu.memory_space<vmem>> -> memref<64xf32, #tpu.memory_space<vmem>>
      %dma_start3A_258 = arith.constant 0 : i32
      %dma_start3A_259 = tpu.memref_slice %arg4[%squeeze3A, %dma_start3A_258] : memref<1000000x64xf32, #tpu.memory_space<hbm>> -> memref<1x64xf32, #tpu.memory_space<hbm>>
      %dma_start3A_260 = tpu.memref_squeeze %dma_start3A_259 : memref<1x64xf32, #tpu.memory_space<hbm>> -> memref<64xf32, #tpu.memory_space<hbm>>
      %dma_start3A_261 = arith.constant 0 : i32
      %dma_start3A_262 = tpu.memref_slice %arg9[%add3A_255, %dma_start3A_261] : memref<128x64xf32, #tpu.memory_space<vmem>> -> memref<1x64xf32, #tpu.memory_space<vmem>>
      %dma_start3A_263 = tpu.memref_squeeze %dma_start3A_262 : memref<1x64xf32, #tpu.memory_space<vmem>> -> memref<64xf32, #tpu.memory_space<vmem>>
      %dma_start3A_264 = arith.constant 0 : i32
      %dma_start3A_265 = tpu.memref_slice %arg4[%squeeze3A, %dma_start3A_264] : memref<1000000x64xf32, #tpu.memory_space<hbm>> -> memref<1x64xf32, #tpu.memory_space<hbm>>
      %dma_start3A_266 = tpu.memref_squeeze %dma_start3A_265 : memref<1x64xf32, #tpu.memory_space<hbm>> -> memref<64xf32, #tpu.memory_space<hbm>>
      tpu.enqueue_dma source(%dma_start3A_266 : memref<64xf32, #tpu.memory_space<hbm>>) target(%dma_start3A_263 : memref<64xf32, #tpu.memory_space<vmem>>) target_semaphore(%arg18 : memref<!tpu.dma_semaphore, #tpu.memory_space<semaphore_mem>>)
      %slice3A_267 = vector.extract_strided_slice %get3A_251 {offsets = [0], sizes = [1], strides = [1]} : vector<16xi32> to vector<1xi32>
      %squeeze3A_268 = vector.extract %slice3A_267[0] : i32 from vector<1xi32>
      %mul3A_269 = arith.constant 16 : i32
      %mul3A_270 = arith.muli %scan3A_237, %mul3A_269 : i32
      %add3A_271 = arith.constant 0 : i32
      %add3A_272 = arith.addi %mul3A_270, %add3A_271 : i32
      %dma_start3A_273 = arith.constant 0 : i32
      %dma_start3A_274 = tpu.memref_slice %arg11[%add3A_272, %dma_start3A_273] : memref<128x64xf32, #tpu.memory_space<vmem>> -> memref<1x64xf32, #tpu.memory_space<vmem>>
      %dma_start3A_275 = tpu.memref_squeeze %dma_start3A_274 : memref<1x64xf32, #tpu.memory_space<vmem>> -> memref<64xf32, #tpu.memory_space<vmem>>
      %dma_start3A_276 = arith.constant 0 : i32
      %dma_start3A_277 = tpu.memref_slice %arg5[%squeeze3A_268, %dma_start3A_276] : memref<1000000x64xf32, #tpu.memory_space<hbm>> -> memref<1x64xf32, #tpu.memory_space<hbm>>
      %dma_start3A_278 = tpu.memref_squeeze %dma_start3A_277 : memref<1x64xf32, #tpu.memory_space<hbm>> -> memref<64xf32, #tpu.memory_space<hbm>>
      %dma_start3A_279 = arith.constant 0 : i32
      %dma_start3A_280 = tpu.memref_slice %arg11[%add3A_272, %dma_start3A_279] : memref<128x64xf32, #tpu.memory_space<vmem>> -> memref<1x64xf32, #tpu.memory_space<vmem>>
      %dma_start3A_281 = tpu.memref_squeeze %dma_start3A_280 : memref<1x64xf32, #tpu.memory_space<vmem>> -> memref<64xf32, #tpu.memory_space<vmem>>
      %dma_start3A_282 = arith.constant 0 : i32
      %dma_start3A_283 = tpu.memref_slice %arg5[%squeeze3A_268, %dma_start3A_282] : memref<1000000x64xf32, #tpu.memory_space<hbm>> -> memref<1x64xf32, #tpu.memory_space<hbm>>
      %dma_start3A_284 = tpu.memref_squeeze %dma_start3A_283 : memref<1x64xf32, #tpu.memory_space<hbm>> -> memref<64xf32, #tpu.memory_space<hbm>>
      tpu.enqueue_dma source(%dma_start3A_284 : memref<64xf32, #tpu.memory_space<hbm>>) target(%dma_start3A_281 : memref<64xf32, #tpu.memory_space<vmem>>) target_semaphore(%arg18 : memref<!tpu.dma_semaphore, #tpu.memory_space<semaphore_mem>>)
      %slice3A_285 = vector.extract_strided_slice %get3A_244 {offsets = [1], sizes = [1], strides = [1]} : vector<16xi32> to vector<1xi32>
      %squeeze3A_286 = vector.extract %slice3A_285[0] : i32 from vector<1xi32>
      %mul3A_287 = arith.constant 16 : i32
      %mul3A_288 = arith.muli %scan3A_237, %mul3A_287 : i32
      %add3A_289 = arith.constant 1 : i32
      %add3A_290 = arith.addi %mul3A_288, %add3A_289 : i32
      %dma_start3A_291 = arith.constant 0 : i32
      %dma_start3A_292 = tpu.memref_slice %arg9[%add3A_290, %dma_start3A_291] : memref<128x64xf32, #tpu.memory_space<vmem>> -> memref<1x64xf32, #tpu.memory_space<vmem>>
      %dma_start3A_293 = tpu.memref_squeeze %dma_start3A_292 : memref<1x64xf32, #tpu.memory_space<vmem>> -> memref<64xf32, #tpu.memory_space<vmem>>
      %dma_start3A_294 = arith.constant 0 : i32
      %dma_start3A_295 = tpu.memref_slice %arg4[%squeeze3A_286, %dma_start3A_294] : memref<1000000x64xf32, #tpu.memory_space<hbm>> -> memref<1x64xf32, #tpu.memory_space<hbm>>
      %dma_start3A_296 = tpu.memref_squeeze %dma_start3A_295 : memref<1x64xf32, #tpu.memory_space<hbm>> -> memref<64xf32, #tpu.memory_space<hbm>>
      %dma_start3A_297 = arith.constant 0 : i32
      %dma_start3A_298 = tpu.memref_slice %arg9[%add3A_290, %dma_start3A_297] : memref<128x64xf32, #tpu.memory_space<vmem>> -> memref<1x64xf32, #tpu.memory_space<vmem>>
      %dma_start3A_299 = tpu.memref_squeeze %dma_start3A_298 : memref<1x64xf32, #tpu.memory_space<vmem>> -> memref<64xf32, #tpu.memory_space<vmem>>
      %dma_start3A_300 = arith.constant 0 : i32
      %dma_start3A_301 = tpu.memref_slice %arg4[%squeeze3A_286, %dma_start3A_300] : memref<1000000x64xf32, #tpu.memory_space<hbm>> -> memref<1x64xf32, #tpu.memory_space<hbm>>
      %dma_start3A_302 = tpu.memref_squeeze %dma_start3A_301 : memref<1x64xf32, #tpu.memory_space<hbm>> -> memref<64xf32, #tpu.memory_space<hbm>>
      tpu.enqueue_dma source(%dma_start3A_302 : memref<64xf32, #tpu.memory_space<hbm>>) target(%dma_start3A_299 : memref<64xf32, #tpu.memory_space<vmem>>) target_semaphore(%arg19 : memref<!tpu.dma_semaphore, #tpu.memory_space<semaphore_mem>>)
      %slice3A_303 = vector.extract_strided_slice %get3A_251 {offsets = [1], sizes = [1], strides = [1]} : vector<16xi32> to vector<1xi32>
      %squeeze3A_304 = vector.extract %slice3A_303[0] : i32 from vector<1xi32>
      %mul3A_305 = arith.constant 16 : i32
      %mul3A_306 = arith.muli %scan3A_237, %mul3A_305 : i32
      %add3A_307 = arith.constant 1 : i32
      %add3A_308 = arith.addi %mul3A_306, %add3A_307 : i32
      %dma_start3A_309 = arith.constant 0 : i32
      %dma_start3A_310 = tpu.memref_slice %arg11[%add3A_308, %dma_start3A_309] : memref<128x64xf32, #tpu.memory_space<vmem>> -> memref<1x64xf32, #tpu.memory_space<vmem>>
      %dma_start3A_311 = tpu.memref_squeeze %dma_start3A_310 : memref<1x64xf32, #tpu.memory_space<vmem>> -> memref<64xf32, #tpu.memory_space<vmem>>
      %dma_start3A_312 = arith.constant 0 : i32
      %dma_start3A_313 = tpu.memref_slice %arg5[%squeeze3A_304, %dma_start3A_312] : memref<1000000x64xf32, #tpu.memory_space<hbm>> -> memref<1x64xf32, #tpu.memory_space<hbm>>
      %dma_start3A_314 = tpu.memref_squeeze %dma_start3A_313 : memref<1x64xf32, #tpu.memory_space<hbm>> -> memref<64xf32, #tpu.memory_space<hbm>>
      %dma_start3A_315 = arith.constant 0 : i32
      %dma_start3A_316 = tpu.memref_slice %arg11[%add3A_308, %dma_start3A_315] : memref<128x64xf32, #tpu.memory_space<vmem>> -> memref<1x64xf32, #tpu.memory_space<vmem>>
      %dma_start3A_317 = tpu.memref_squeeze %dma_start3A_316 : memref<1x64xf32, #tpu.memory_space<vmem>> -> memref<64xf32, #tpu.memory_space<vmem>>
      %dma_start3A_318 = arith.constant 0 : i32
      %dma_start3A_319 = tpu.memref_slice %arg5[%squeeze3A_304, %dma_start3A_318] : memref<1000000x64xf32, #tpu.memory_space<hbm>> -> memref<1x64xf32, #tpu.memory_space<hbm>>
      %dma_start3A_320 = tpu.memref_squeeze %dma_start3A_319 : memref<1x64xf32, #tpu.memory_space<hbm>> -> memref<64xf32, #tpu.memory_space<hbm>>
      tpu.enqueue_dma source(%dma_start3A_320 : memref<64xf32, #tpu.memory_space<hbm>>) target(%dma_start3A_317 : memref<64xf32, #tpu.memory_space<vmem>>) target_semaphore(%arg19 : memref<!tpu.dma_semaphore, #tpu.memory_space<semaphore_mem>>)
      %slice3A_321 = vector.extract_strided_slice %get3A_244 {offsets = [2], sizes = [1], strides = [1]} : vector<16xi32> to vector<1xi32>
      %squeeze3A_322 = vector.extract %slice3A_321[0] : i32 from vector<1xi32>
      %mul3A_323 = arith.constant 16 : i32
      %mul3A_324 = arith.muli %scan3A_237, %mul3A_323 : i32
      %add3A_325 = arith.constant 2 : i32
      %add3A_326 = arith.addi %mul3A_324, %add3A_325 : i32
      %dma_start3A_327 = arith.constant 0 : i32
      %dma_start3A_328 = tpu.memref_slice %arg9[%add3A_326, %dma_start3A_327] : memref<128x64xf32, #tpu.memory_space<vmem>> -> memref<1x64xf32, #tpu.memory_space<vmem>>
      %dma_start3A_329 = tpu.memref_squeeze %dma_start3A_328 : memref<1x64xf32, #tpu.memory_space<vmem>> -> memref<64xf32, #tpu.memory_space<vmem>>
      %dma_start3A_330 = arith.constant 0 : i32
      %dma_start3A_331 = tpu.memref_slice %arg4[%squeeze3A_322, %dma_start3A_330] : memref<1000000x64xf32, #tpu.memory_space<hbm>> -> memref<1x64xf32, #tpu.memory_space<hbm>>
      %dma_start3A_332 = tpu.memref_squeeze %dma_start3A_331 : memref<1x64xf32, #tpu.memory_space<hbm>> -> memref<64xf32, #tpu.memory_space<hbm>>
      %dma_start3A_333 = arith.constant 0 : i32
      %dma_start3A_334 = tpu.memref_slice %arg9[%add3A_326, %dma_start3A_333] : memref<128x64xf32, #tpu.memory_space<vmem>> -> memref<1x64xf32, #tpu.memory_space<vmem>>
      %dma_start3A_335 = tpu.memref_squeeze %dma_start3A_334 : memref<1x64xf32, #tpu.memory_space<vmem>> -> memref<64xf32, #tpu.memory_space<vmem>>
      %dma_start3A_336 = arith.constant 0 : i32
      %dma_start3A_337 = tpu.memref_slice %arg4[%squeeze3A_322, %dma_start3A_336] : memref<1000000x64xf32, #tpu.memory_space<hbm>> -> memref<1x64xf32, #tpu.memory_space<hbm>>
      %dma_start3A_338 = tpu.memref_squeeze %dma_start3A_337 : memref<1x64xf32, #tpu.memory_space<hbm>> -> memref<64xf32, #tpu.memory_space<hbm>>
      tpu.enqueue_dma source(%dma_start3A_338 : memref<64xf32, #tpu.memory_space<hbm>>) target(%dma_start3A_335 : memref<64xf32, #tpu.memory_space<vmem>>) target_semaphore(%arg20 : memref<!tpu.dma_semaphore, #tpu.memory_space<semaphore_mem>>)
      %slice3A_339 = vector.extract_strided_slice %get3A_251 {offsets = [2], sizes = [1], strides = [1]} : vector<16xi32> to vector<1xi32>
      %squeeze3A_340 = vector.extract %slice3A_339[0] : i32 from vector<1xi32>
      %mul3A_341 = arith.constant 16 : i32
      %mul3A_342 = arith.muli %scan3A_237, %mul3A_341 : i32
      %add3A_343 = arith.constant 2 : i32
      %add3A_344 = arith.addi %mul3A_342, %add3A_343 : i32
      %dma_start3A_345 = arith.constant 0 : i32
      %dma_start3A_346 = tpu.memref_slice %arg11[%add3A_344, %dma_start3A_345] : memref<128x64xf32, #tpu.memory_space<vmem>> -> memref<1x64xf32, #tpu.memory_space<vmem>>
      %dma_start3A_347 = tpu.memref_squeeze %dma_start3A_346 : memref<1x64xf32, #tpu.memory_space<vmem>> -> memref<64xf32, #tpu.memory_space<vmem>>
      %dma_start3A_348 = arith.constant 0 : i32
      %dma_start3A_349 = tpu.memref_slice %arg5[%squeeze3A_340, %dma_start3A_348] : memref<1000000x64xf32, #tpu.memory_space<hbm>> -> memref<1x64xf32, #tpu.memory_space<hbm>>
      %dma_start3A_350 = tpu.memref_squeeze %dma_start3A_349 : memref<1x64xf32, #tpu.memory_space<hbm>> -> memref<64xf32, #tpu.memory_space<hbm>>
      %dma_start3A_351 = arith.constant 0 : i32
      %dma_start3A_352 = tpu.memref_slice %arg11[%add3A_344, %dma_start3A_351] : memref<128x64xf32, #tpu.memory_space<vmem>> -> memref<1x64xf32, #tpu.memory_space<vmem>>
      %dma_start3A_353 = tpu.memref_squeeze %dma_start3A_352 : memref<1x64xf32, #tpu.memory_space<vmem>> -> memref<64xf32, #tpu.memory_space<vmem>>
      %dma_start3A_354 = arith.constant 0 : i32
      %dma_start3A_355 = tpu.memref_slice %arg5[%squeeze3A_340, %dma_start3A_354] : memref<1000000x64xf32, #tpu.memory_space<hbm>> -> memref<1x64xf32, #tpu.memory_space<hbm>>
      %dma_start3A_356 = tpu.memref_squeeze %dma_start3A_355 : memref<1x64xf32, #tpu.memory_space<hbm>> -> memref<64xf32, #tpu.memory_space<hbm>>
      tpu.enqueue_dma source(%dma_start3A_356 : memref<64xf32, #tpu.memory_space<hbm>>) target(%dma_start3A_353 : memref<64xf32, #tpu.memory_space<vmem>>) target_semaphore(%arg20 : memref<!tpu.dma_semaphore, #tpu.memory_space<semaphore_mem>>)
      %slice3A_357 = vector.extract_strided_slice %get3A_244 {offsets = [3], sizes = [1], strides = [1]} : vector<16xi32> to vector<1xi32>
      %squeeze3A_358 = vector.extract %slice3A_357[0] : i32 from vector<1xi32>
      %mul3A_359 = arith.constant 16 : i32
      %mul3A_360 = arith.muli %scan3A_237, %mul3A_359 : i32
      %add3A_361 = arith.constant 3 : i32
      %add3A_362 = arith.addi %mul3A_360, %add3A_361 : i32
      %dma_start3A_363 = arith.constant 0 : i32
      %dma_start3A_364 = tpu.memref_slice %arg9[%add3A_362, %dma_start3A_363] : memref<128x64xf32, #tpu.memory_space<vmem>> -> memref<1x64xf32, #tpu.memory_space<vmem>>
      %dma_start3A_365 = tpu.memref_squeeze %dma_start3A_364 : memref<1x64xf32, #tpu.memory_space<vmem>> -> memref<64xf32, #tpu.memory_space<vmem>>
      %dma_start3A_366 = arith.constant 0 : i32
      %dma_start3A_367 = tpu.memref_slice %arg4[%squeeze3A_358, %dma_start3A_366] : memref<1000000x64xf32, #tpu.memory_space<hbm>> -> memref<1x64xf32, #tpu.memory_space<hbm>>
      %dma_start3A_368 = tpu.memref_squeeze %dma_start3A_367 : memref<1x64xf32, #tpu.memory_space<hbm>> -> memref<64xf32, #tpu.memory_space<hbm>>
      %dma_start3A_369 = arith.constant 0 : i32
      %dma_start3A_370 = tpu.memref_slice %arg9[%add3A_362, %dma_start3A_369] : memref<128x64xf32, #tpu.memory_space<vmem>> -> memref<1x64xf32, #tpu.memory_space<vmem>>
      %dma_start3A_371 = tpu.memref_squeeze %dma_start3A_370 : memref<1x64xf32, #tpu.memory_space<vmem>> -> memref<64xf32, #tpu.memory_space<vmem>>
      %dma_start3A_372 = arith.constant 0 : i32
      %dma_start3A_373 = tpu.memref_slice %arg4[%squeeze3A_358, %dma_start3A_372] : memref<1000000x64xf32, #tpu.memory_space<hbm>> -> memref<1x64xf32, #tpu.memory_space<hbm>>
      %dma_start3A_374 = tpu.memref_squeeze %dma_start3A_373 : memref<1x64xf32, #tpu.memory_space<hbm>> -> memref<64xf32, #tpu.memory_space<hbm>>
      tpu.enqueue_dma source(%dma_start3A_374 : memref<64xf32, #tpu.memory_space<hbm>>) target(%dma_start3A_371 : memref<64xf32, #tpu.memory_space<vmem>>) target_semaphore(%arg21 : memref<!tpu.dma_semaphore, #tpu.memory_space<semaphore_mem>>)
      %slice3A_375 = vector.extract_strided_slice %get3A_251 {offsets = [3], sizes = [1], strides = [1]} : vector<16xi32> to vector<1xi32>
      %squeeze3A_376 = vector.extract %slice3A_375[0] : i32 from vector<1xi32>
      %mul3A_377 = arith.constant 16 : i32
      %mul3A_378 = arith.muli %scan3A_237, %mul3A_377 : i32
      %add3A_379 = arith.constant 3 : i32
      %add3A_380 = arith.addi %mul3A_378, %add3A_379 : i32
      %dma_start3A_381 = arith.constant 0 : i32
      %dma_start3A_382 = tpu.memref_slice %arg11[%add3A_380, %dma_start3A_381] : memref<128x64xf32, #tpu.memory_space<vmem>> -> memref<1x64xf32, #tpu.memory_space<vmem>>
      %dma_start3A_383 = tpu.memref_squeeze %dma_start3A_382 : memref<1x64xf32, #tpu.memory_space<vmem>> -> memref<64xf32, #tpu.memory_space<vmem>>
      %dma_start3A_384 = arith.constant 0 : i32
      %dma_start3A_385 = tpu.memref_slice %arg5[%squeeze3A_376, %dma_start3A_384] : memref<1000000x64xf32, #tpu.memory_space<hbm>> -> memref<1x64xf32, #tpu.memory_space<hbm>>
      %dma_start3A_386 = tpu.memref_squeeze %dma_start3A_385 : memref<1x64xf32, #tpu.memory_space<hbm>> -> memref<64xf32, #tpu.memory_space<hbm>>
      %dma_start3A_387 = arith.constant 0 : i32
      %dma_start3A_388 = tpu.memref_slice %arg11[%add3A_380, %dma_start3A_387] : memref<128x64xf32, #tpu.memory_space<vmem>> -> memref<1x64xf32, #tpu.memory_space<vmem>>
      %dma_start3A_389 = tpu.memref_squeeze %dma_start3A_388 : memref<1x64xf32, #tpu.memory_space<vmem>> -> memref<64xf32, #tpu.memory_space<vmem>>
      %dma_start3A_390 = arith.constant 0 : i32
      %dma_start3A_391 = tpu.memref_slice %arg5[%squeeze3A_376, %dma_start3A_390] : memref<1000000x64xf32, #tpu.memory_space<hbm>> -> memref<1x64xf32, #tpu.memory_space<hbm>>
      %dma_start3A_392 = tpu.memref_squeeze %dma_start3A_391 : memref<1x64xf32, #tpu.memory_space<hbm>> -> memref<64xf32, #tpu.memory_space<hbm>>
      tpu.enqueue_dma source(%dma_start3A_392 : memref<64xf32, #tpu.memory_space<hbm>>) target(%dma_start3A_389 : memref<64xf32, #tpu.memory_space<vmem>>) target_semaphore(%arg21 : memref<!tpu.dma_semaphore, #tpu.memory_space<semaphore_mem>>)
      %slice3A_393 = vector.extract_strided_slice %get3A_244 {offsets = [4], sizes = [1], strides = [1]} : vector<16xi32> to vector<1xi32>
      %squeeze3A_394 = vector.extract %slice3A_393[0] : i32 from vector<1xi32>
      %mul3A_395 = arith.constant 16 : i32
      %mul3A_396 = arith.muli %scan3A_237, %mul3A_395 : i32
      %add3A_397 = arith.constant 4 : i32
      %add3A_398 = arith.addi %mul3A_396, %add3A_397 : i32
      %dma_start3A_399 = arith.constant 0 : i32
      %dma_start3A_400 = tpu.memref_slice %arg9[%add3A_398, %dma_start3A_399] : memref<128x64xf32, #tpu.memory_space<vmem>> -> memref<1x64xf32, #tpu.memory_space<vmem>>
      %dma_start3A_401 = tpu.memref_squeeze %dma_start3A_400 : memref<1x64xf32, #tpu.memory_space<vmem>> -> memref<64xf32, #tpu.memory_space<vmem>>
      %dma_start3A_402 = arith.constant 0 : i32
      %dma_start3A_403 = tpu.memref_slice %arg4[%squeeze3A_394, %dma_start3A_402] : memref<1000000x64xf32, #tpu.memory_space<hbm>> -> memref<1x64xf32, #tpu.memory_space<hbm>>
      %dma_start3A_404 = tpu.memref_squeeze %dma_start3A_403 : memref<1x64xf32, #tpu.memory_space<hbm>> -> memref<64xf32, #tpu.memory_space<hbm>>
      %dma_start3A_405 = arith.constant 0 : i32
      %dma_start3A_406 = tpu.memref_slice %arg9[%add3A_398, %dma_start3A_405] : memref<128x64xf32, #tpu.memory_space<vmem>> -> memref<1x64xf32, #tpu.memory_space<vmem>>
      %dma_start3A_407 = tpu.memref_squeeze %dma_start3A_406 : memref<1x64xf32, #tpu.memory_space<vmem>> -> memref<64xf32, #tpu.memory_space<vmem>>
      %dma_start3A_408 = arith.constant 0 : i32
      %dma_start3A_409 = tpu.memref_slice %arg4[%squeeze3A_394, %dma_start3A_408] : memref<1000000x64xf32, #tpu.memory_space<hbm>> -> memref<1x64xf32, #tpu.memory_space<hbm>>
      %dma_start3A_410 = tpu.memref_squeeze %dma_start3A_409 : memref<1x64xf32, #tpu.memory_space<hbm>> -> memref<64xf32, #tpu.memory_space<hbm>>
      tpu.enqueue_dma source(%dma_start3A_410 : memref<64xf32, #tpu.memory_space<hbm>>) target(%dma_start3A_407 : memref<64xf32, #tpu.memory_space<vmem>>) target_semaphore(%arg18 : memref<!tpu.dma_semaphore, #tpu.memory_space<semaphore_mem>>)
      %slice3A_411 = vector.extract_strided_slice %get3A_251 {offsets = [4], sizes = [1], strides = [1]} : vector<16xi32> to vector<1xi32>
      %squeeze3A_412 = vector.extract %slice3A_411[0] : i32 from vector<1xi32>
      %mul3A_413 = arith.constant 16 : i32
      %mul3A_414 = arith.muli %scan3A_237, %mul3A_413 : i32
      %add3A_415 = arith.constant 4 : i32
      %add3A_416 = arith.addi %mul3A_414, %add3A_415 : i32
      %dma_start3A_417 = arith.constant 0 : i32
      %dma_start3A_418 = tpu.memref_slice %arg11[%add3A_416, %dma_start3A_417] : memref<128x64xf32, #tpu.memory_space<vmem>> -> memref<1x64xf32, #tpu.memory_space<vmem>>
      %dma_start3A_419 = tpu.memref_squeeze %dma_start3A_418 : memref<1x64xf32, #tpu.memory_space<vmem>> -> memref<64xf32, #tpu.memory_space<vmem>>
      %dma_start3A_420 = arith.constant 0 : i32
      %dma_start3A_421 = tpu.memref_slice %arg5[%squeeze3A_412, %dma_start3A_420] : memref<1000000x64xf32, #tpu.memory_space<hbm>> -> memref<1x64xf32, #tpu.memory_space<hbm>>
      %dma_start3A_422 = tpu.memref_squeeze %dma_start3A_421 : memref<1x64xf32, #tpu.memory_space<hbm>> -> memref<64xf32, #tpu.memory_space<hbm>>
      %dma_start3A_423 = arith.constant 0 : i32
      %dma_start3A_424 = tpu.memref_slice %arg11[%add3A_416, %dma_start3A_423] : memref<128x64xf32, #tpu.memory_space<vmem>> -> memref<1x64xf32, #tpu.memory_space<vmem>>
      %dma_start3A_425 = tpu.memref_squeeze %dma_start3A_424 : memref<1x64xf32, #tpu.memory_space<vmem>> -> memref<64xf32, #tpu.memory_space<vmem>>
      %dma_start3A_426 = arith.constant 0 : i32
      %dma_start3A_427 = tpu.memref_slice %arg5[%squeeze3A_412, %dma_start3A_426] : memref<1000000x64xf32, #tpu.memory_space<hbm>> -> memref<1x64xf32, #tpu.memory_space<hbm>>
      %dma_start3A_428 = tpu.memref_squeeze %dma_start3A_427 : memref<1x64xf32, #tpu.memory_space<hbm>> -> memref<64xf32, #tpu.memory_space<hbm>>
      tpu.enqueue_dma source(%dma_start3A_428 : memref<64xf32, #tpu.memory_space<hbm>>) target(%dma_start3A_425 : memref<64xf32, #tpu.memory_space<vmem>>) target_semaphore(%arg18 : memref<!tpu.dma_semaphore, #tpu.memory_space<semaphore_mem>>)
      %slice3A_429 = vector.extract_strided_slice %get3A_244 {offsets = [5], sizes = [1], strides = [1]} : vector<16xi32> to vector<1xi32>
      %squeeze3A_430 = vector.extract %slice3A_429[0] : i32 from vector<1xi32>
      %mul3A_431 = arith.constant 16 : i32
      %mul3A_432 = arith.muli %scan3A_237, %mul3A_431 : i32
      %add3A_433 = arith.constant 5 : i32
      %add3A_434 = arith.addi %mul3A_432, %add3A_433 : i32
      %dma_start3A_435 = arith.constant 0 : i32
      %dma_start3A_436 = tpu.memref_slice %arg9[%add3A_434, %dma_start3A_435] : memref<128x64xf32, #tpu.memory_space<vmem>> -> memref<1x64xf32, #tpu.memory_space<vmem>>
      %dma_start3A_437 = tpu.memref_squeeze %dma_start3A_436 : memref<1x64xf32, #tpu.memory_space<vmem>> -> memref<64xf32, #tpu.memory_space<vmem>>
      %dma_start3A_438 = arith.constant 0 : i32
      %dma_start3A_439 = tpu.memref_slice %arg4[%squeeze3A_430, %dma_start3A_438] : memref<1000000x64xf32, #tpu.memory_space<hbm>> -> memref<1x64xf32, #tpu.memory_space<hbm>>
      %dma_start3A_440 = tpu.memref_squeeze %dma_start3A_439 : memref<1x64xf32, #tpu.memory_space<hbm>> -> memref<64xf32, #tpu.memory_space<hbm>>
      %dma_start3A_441 = arith.constant 0 : i32
      %dma_start3A_442 = tpu.memref_slice %arg9[%add3A_434, %dma_start3A_441] : memref<128x64xf32, #tpu.memory_space<vmem>> -> memref<1x64xf32, #tpu.memory_space<vmem>>
      %dma_start3A_443 = tpu.memref_squeeze %dma_start3A_442 : memref<1x64xf32, #tpu.memory_space<vmem>> -> memref<64xf32, #tpu.memory_space<vmem>>
      %dma_start3A_444 = arith.constant 0 : i32
      %dma_start3A_445 = tpu.memref_slice %arg4[%squeeze3A_430, %dma_start3A_444] : memref<1000000x64xf32, #tpu.memory_space<hbm>> -> memref<1x64xf32, #tpu.memory_space<hbm>>
      %dma_start3A_446 = tpu.memref_squeeze %dma_start3A_445 : memref<1x64xf32, #tpu.memory_space<hbm>> -> memref<64xf32, #tpu.memory_space<hbm>>
      tpu.enqueue_dma source(%dma_start3A_446 : memref<64xf32, #tpu.memory_space<hbm>>) target(%dma_start3A_443 : memref<64xf32, #tpu.memory_space<vmem>>) target_semaphore(%arg19 : memref<!tpu.dma_semaphore, #tpu.memory_space<semaphore_mem>>)
      %slice3A_447 = vector.extract_strided_slice %get3A_251 {offsets = [5], sizes = [1], strides = [1]} : vector<16xi32> to vector<1xi32>
      %squeeze3A_448 = vector.extract %slice3A_447[0] : i32 from vector<1xi32>
      %mul3A_449 = arith.constant 16 : i32
      %mul3A_450 = arith.muli %scan3A_237, %mul3A_449 : i32
      %add3A_451 = arith.constant 5 : i32
      %add3A_452 = arith.addi %mul3A_450, %add3A_451 : i32
      %dma_start3A_453 = arith.constant 0 : i32
      %dma_start3A_454 = tpu.memref_slice %arg11[%add3A_452, %dma_start3A_453] : memref<128x64xf32, #tpu.memory_space<vmem>> -> memref<1x64xf32, #tpu.memory_space<vmem>>
      %dma_start3A_455 = tpu.memref_squeeze %dma_start3A_454 : memref<1x64xf32, #tpu.memory_space<vmem>> -> memref<64xf32, #tpu.memory_space<vmem>>
      %dma_start3A_456 = arith.constant 0 : i32
      %dma_start3A_457 = tpu.memref_slice %arg5[%squeeze3A_448, %dma_start3A_456] : memref<1000000x64xf32, #tpu.memory_space<hbm>> -> memref<1x64xf32, #tpu.memory_space<hbm>>
      %dma_start3A_458 = tpu.memref_squeeze %dma_start3A_457 : memref<1x64xf32, #tpu.memory_space<hbm>> -> memref<64xf32, #tpu.memory_space<hbm>>
      %dma_start3A_459 = arith.constant 0 : i32
      %dma_start3A_460 = tpu.memref_slice %arg11[%add3A_452, %dma_start3A_459] : memref<128x64xf32, #tpu.memory_space<vmem>> -> memref<1x64xf32, #tpu.memory_space<vmem>>
      %dma_start3A_461 = tpu.memref_squeeze %dma_start3A_460 : memref<1x64xf32, #tpu.memory_space<vmem>> -> memref<64xf32, #tpu.memory_space<vmem>>
      %dma_start3A_462 = arith.constant 0 : i32
      %dma_start3A_463 = tpu.memref_slice %arg5[%squeeze3A_448, %dma_start3A_462] : memref<1000000x64xf32, #tpu.memory_space<hbm>> -> memref<1x64xf32, #tpu.memory_space<hbm>>
      %dma_start3A_464 = tpu.memref_squeeze %dma_start3A_463 : memref<1x64xf32, #tpu.memory_space<hbm>> -> memref<64xf32, #tpu.memory_space<hbm>>
      tpu.enqueue_dma source(%dma_start3A_464 : memref<64xf32, #tpu.memory_space<hbm>>) target(%dma_start3A_461 : memref<64xf32, #tpu.memory_space<vmem>>) target_semaphore(%arg19 : memref<!tpu.dma_semaphore, #tpu.memory_space<semaphore_mem>>)
      %slice3A_465 = vector.extract_strided_slice %get3A_244 {offsets = [6], sizes = [1], strides = [1]} : vector<16xi32> to vector<1xi32>
      %squeeze3A_466 = vector.extract %slice3A_465[0] : i32 from vector<1xi32>
      %mul3A_467 = arith.constant 16 : i32
      %mul3A_468 = arith.muli %scan3A_237, %mul3A_467 : i32
      %add3A_469 = arith.constant 6 : i32
      %add3A_470 = arith.addi %mul3A_468, %add3A_469 : i32
      %dma_start3A_471 = arith.constant 0 : i32
      %dma_start3A_472 = tpu.memref_slice %arg9[%add3A_470, %dma_start3A_471] : memref<128x64xf32, #tpu.memory_space<vmem>> -> memref<1x64xf32, #tpu.memory_space<vmem>>
      %dma_start3A_473 = tpu.memref_squeeze %dma_start3A_472 : memref<1x64xf32, #tpu.memory_space<vmem>> -> memref<64xf32, #tpu.memory_space<vmem>>
      %dma_start3A_474 = arith.constant 0 : i32
      %dma_start3A_475 = tpu.memref_slice %arg4[%squeeze3A_466, %dma_start3A_474] : memref<1000000x64xf32, #tpu.memory_space<hbm>> -> memref<1x64xf32, #tpu.memory_space<hbm>>
      %dma_start3A_476 = tpu.memref_squeeze %dma_start3A_475 : memref<1x64xf32, #tpu.memory_space<hbm>> -> memref<64xf32, #tpu.memory_space<hbm>>
      %dma_start3A_477 = arith.constant 0 : i32
      %dma_start3A_478 = tpu.memref_slice %arg9[%add3A_470, %dma_start3A_477] : memref<128x64xf32, #tpu.memory_space<vmem>> -> memref<1x64xf32, #tpu.memory_space<vmem>>
      %dma_start3A_479 = tpu.memref_squeeze %dma_start3A_478 : memref<1x64xf32, #tpu.memory_space<vmem>> -> memref<64xf32, #tpu.memory_space<vmem>>
      %dma_start3A_480 = arith.constant 0 : i32
      %dma_start3A_481 = tpu.memref_slice %arg4[%squeeze3A_466, %dma_start3A_480] : memref<1000000x64xf32, #tpu.memory_space<hbm>> -> memref<1x64xf32, #tpu.memory_space<hbm>>
      %dma_start3A_482 = tpu.memref_squeeze %dma_start3A_481 : memref<1x64xf32, #tpu.memory_space<hbm>> -> memref<64xf32, #tpu.memory_space<hbm>>
      tpu.enqueue_dma source(%dma_start3A_482 : memref<64xf32, #tpu.memory_space<hbm>>) target(%dma_start3A_479 : memref<64xf32, #tpu.memory_space<vmem>>) target_semaphore(%arg20 : memref<!tpu.dma_semaphore, #tpu.memory_space<semaphore_mem>>)
      %slice3A_483 = vector.extract_strided_slice %get3A_251 {offsets = [6], sizes = [1], strides = [1]} : vector<16xi32> to vector<1xi32>
      %squeeze3A_484 = vector.extract %slice3A_483[0] : i32 from vector<1xi32>
      %mul3A_485 = arith.constant 16 : i32
      %mul3A_486 = arith.muli %scan3A_237, %mul3A_485 : i32
      %add3A_487 = arith.constant 6 : i32
      %add3A_488 = arith.addi %mul3A_486, %add3A_487 : i32
      %dma_start3A_489 = arith.constant 0 : i32
      %dma_start3A_490 = tpu.memref_slice %arg11[%add3A_488, %dma_start3A_489] : memref<128x64xf32, #tpu.memory_space<vmem>> -> memref<1x64xf32, #tpu.memory_space<vmem>>
      %dma_start3A_491 = tpu.memref_squeeze %dma_start3A_490 : memref<1x64xf32, #tpu.memory_space<vmem>> -> memref<64xf32, #tpu.memory_space<vmem>>
      %dma_start3A_492 = arith.constant 0 : i32
      %dma_start3A_493 = tpu.memref_slice %arg5[%squeeze3A_484, %dma_start3A_492] : memref<1000000x64xf32, #tpu.memory_space<hbm>> -> memref<1x64xf32, #tpu.memory_space<hbm>>
      %dma_start3A_494 = tpu.memref_squeeze %dma_start3A_493 : memref<1x64xf32, #tpu.memory_space<hbm>> -> memref<64xf32, #tpu.memory_space<hbm>>
      %dma_start3A_495 = arith.constant 0 : i32
      %dma_start3A_496 = tpu.memref_slice %arg11[%add3A_488, %dma_start3A_495] : memref<128x64xf32, #tpu.memory_space<vmem>> -> memref<1x64xf32, #tpu.memory_space<vmem>>
      %dma_start3A_497 = tpu.memref_squeeze %dma_start3A_496 : memref<1x64xf32, #tpu.memory_space<vmem>> -> memref<64xf32, #tpu.memory_space<vmem>>
      %dma_start3A_498 = arith.constant 0 : i32
      %dma_start3A_499 = tpu.memref_slice %arg5[%squeeze3A_484, %dma_start3A_498] : memref<1000000x64xf32, #tpu.memory_space<hbm>> -> memref<1x64xf32, #tpu.memory_space<hbm>>
      %dma_start3A_500 = tpu.memref_squeeze %dma_start3A_499 : memref<1x64xf32, #tpu.memory_space<hbm>> -> memref<64xf32, #tpu.memory_space<hbm>>
      tpu.enqueue_dma source(%dma_start3A_500 : memref<64xf32, #tpu.memory_space<hbm>>) target(%dma_start3A_497 : memref<64xf32, #tpu.memory_space<vmem>>) target_semaphore(%arg20 : memref<!tpu.dma_semaphore, #tpu.memory_space<semaphore_mem>>)
      %slice3A_501 = vector.extract_strided_slice %get3A_244 {offsets = [7], sizes = [1], strides = [1]} : vector<16xi32> to vector<1xi32>
      %squeeze3A_502 = vector.extract %slice3A_501[0] : i32 from vector<1xi32>
      %mul3A_503 = arith.constant 16 : i32
      %mul3A_504 = arith.muli %scan3A_237, %mul3A_503 : i32
      %add3A_505 = arith.constant 7 : i32
      %add3A_506 = arith.addi %mul3A_504, %add3A_505 : i32
      %dma_start3A_507 = arith.constant 0 : i32
      %dma_start3A_508 = tpu.memref_slice %arg9[%add3A_506, %dma_start3A_507] : memref<128x64xf32, #tpu.memory_space<vmem>> -> memref<1x64xf32, #tpu.memory_space<vmem>>
      %dma_start3A_509 = tpu.memref_squeeze %dma_start3A_508 : memref<1x64xf32, #tpu.memory_space<vmem>> -> memref<64xf32, #tpu.memory_space<vmem>>
      %dma_start3A_510 = arith.constant 0 : i32
      %dma_start3A_511 = tpu.memref_slice %arg4[%squeeze3A_502, %dma_start3A_510] : memref<1000000x64xf32, #tpu.memory_space<hbm>> -> memref<1x64xf32, #tpu.memory_space<hbm>>
      %dma_start3A_512 = tpu.memref_squeeze %dma_start3A_511 : memref<1x64xf32, #tpu.memory_space<hbm>> -> memref<64xf32, #tpu.memory_space<hbm>>
      %dma_start3A_513 = arith.constant 0 : i32
      %dma_start3A_514 = tpu.memref_slice %arg9[%add3A_506, %dma_start3A_513] : memref<128x64xf32, #tpu.memory_space<vmem>> -> memref<1x64xf32, #tpu.memory_space<vmem>>
      %dma_start3A_515 = tpu.memref_squeeze %dma_start3A_514 : memref<1x64xf32, #tpu.memory_space<vmem>> -> memref<64xf32, #tpu.memory_space<vmem>>
      %dma_start3A_516 = arith.constant 0 : i32
      %dma_start3A_517 = tpu.memref_slice %arg4[%squeeze3A_502, %dma_start3A_516] : memref<1000000x64xf32, #tpu.memory_space<hbm>> -> memref<1x64xf32, #tpu.memory_space<hbm>>
      %dma_start3A_518 = tpu.memref_squeeze %dma_start3A_517 : memref<1x64xf32, #tpu.memory_space<hbm>> -> memref<64xf32, #tpu.memory_space<hbm>>
      tpu.enqueue_dma source(%dma_start3A_518 : memref<64xf32, #tpu.memory_space<hbm>>) target(%dma_start3A_515 : memref<64xf32, #tpu.memory_space<vmem>>) target_semaphore(%arg21 : memref<!tpu.dma_semaphore, #tpu.memory_space<semaphore_mem>>)
      %slice3A_519 = vector.extract_strided_slice %get3A_251 {offsets = [7], sizes = [1], strides = [1]} : vector<16xi32> to vector<1xi32>
      %squeeze3A_520 = vector.extract %slice3A_519[0] : i32 from vector<1xi32>
      %mul3A_521 = arith.constant 16 : i32
      %mul3A_522 = arith.muli %scan3A_237, %mul3A_521 : i32
      %add3A_523 = arith.constant 7 : i32
      %add3A_524 = arith.addi %mul3A_522, %add3A_523 : i32
      %dma_start3A_525 = arith.constant 0 : i32
      %dma_start3A_526 = tpu.memref_slice %arg11[%add3A_524, %dma_start3A_525] : memref<128x64xf32, #tpu.memory_space<vmem>> -> memref<1x64xf32, #tpu.memory_space<vmem>>
      %dma_start3A_527 = tpu.memref_squeeze %dma_start3A_526 : memref<1x64xf32, #tpu.memory_space<vmem>> -> memref<64xf32, #tpu.memory_space<vmem>>
      %dma_start3A_528 = arith.constant 0 : i32
      %dma_start3A_529 = tpu.memref_slice %arg5[%squeeze3A_520, %dma_start3A_528] : memref<1000000x64xf32, #tpu.memory_space<hbm>> -> memref<1x64xf32, #tpu.memory_space<hbm>>
      %dma_start3A_530 = tpu.memref_squeeze %dma_start3A_529 : memref<1x64xf32, #tpu.memory_space<hbm>> -> memref<64xf32, #tpu.memory_space<hbm>>
      %dma_start3A_531 = arith.constant 0 : i32
      %dma_start3A_532 = tpu.memref_slice %arg11[%add3A_524, %dma_start3A_531] : memref<128x64xf32, #tpu.memory_space<vmem>> -> memref<1x64xf32, #tpu.memory_space<vmem>>
      %dma_start3A_533 = tpu.memref_squeeze %dma_start3A_532 : memref<1x64xf32, #tpu.memory_space<vmem>> -> memref<64xf32, #tpu.memory_space<vmem>>
      %dma_start3A_534 = arith.constant 0 : i32
      %dma_start3A_535 = tpu.memref_slice %arg5[%squeeze3A_520, %dma_start3A_534] : memref<1000000x64xf32, #tpu.memory_space<hbm>> -> memref<1x64xf32, #tpu.memory_space<hbm>>
      %dma_start3A_536 = tpu.memref_squeeze %dma_start3A_535 : memref<1x64xf32, #tpu.memory_space<hbm>> -> memref<64xf32, #tpu.memory_space<hbm>>
      tpu.enqueue_dma source(%dma_start3A_536 : memref<64xf32, #tpu.memory_space<hbm>>) target(%dma_start3A_533 : memref<64xf32, #tpu.memory_space<vmem>>) target_semaphore(%arg21 : memref<!tpu.dma_semaphore, #tpu.memory_space<semaphore_mem>>)
      %slice3A_537 = vector.extract_strided_slice %get3A_244 {offsets = [8], sizes = [1], strides = [1]} : vector<16xi32> to vector<1xi32>
      %squeeze3A_538 = vector.extract %slice3A_537[0] : i32 from vector<1xi32>
      %mul3A_539 = arith.constant 16 : i32
      %mul3A_540 = arith.muli %scan3A_237, %mul3A_539 : i32
      %add3A_541 = arith.constant 8 : i32
      %add3A_542 = arith.addi %mul3A_540, %add3A_541 : i32
      %dma_start3A_543 = arith.constant 0 : i32
      %dma_start3A_544 = tpu.memref_slice %arg9[%add3A_542, %dma_start3A_543] : memref<128x64xf32, #tpu.memory_space<vmem>> -> memref<1x64xf32, #tpu.memory_space<vmem>>
      %dma_start3A_545 = tpu.memref_squeeze %dma_start3A_544 : memref<1x64xf32, #tpu.memory_space<vmem>> -> memref<64xf32, #tpu.memory_space<vmem>>
      %dma_start3A_546 = arith.constant 0 : i32
      %dma_start3A_547 = tpu.memref_slice %arg4[%squeeze3A_538, %dma_start3A_546] : memref<1000000x64xf32, #tpu.memory_space<hbm>> -> memref<1x64xf32, #tpu.memory_space<hbm>>
      %dma_start3A_548 = tpu.memref_squeeze %dma_start3A_547 : memref<1x64xf32, #tpu.memory_space<hbm>> -> memref<64xf32, #tpu.memory_space<hbm>>
      %dma_start3A_549 = arith.constant 0 : i32
      %dma_start3A_550 = tpu.memref_slice %arg9[%add3A_542, %dma_start3A_549] : memref<128x64xf32, #tpu.memory_space<vmem>> -> memref<1x64xf32, #tpu.memory_space<vmem>>
      %dma_start3A_551 = tpu.memref_squeeze %dma_start3A_550 : memref<1x64xf32, #tpu.memory_space<vmem>> -> memref<64xf32, #tpu.memory_space<vmem>>
      %dma_start3A_552 = arith.constant 0 : i32
      %dma_start3A_553 = tpu.memref_slice %arg4[%squeeze3A_538, %dma_start3A_552] : memref<1000000x64xf32, #tpu.memory_space<hbm>> -> memref<1x64xf32, #tpu.memory_space<hbm>>
      %dma_start3A_554 = tpu.memref_squeeze %dma_start3A_553 : memref<1x64xf32, #tpu.memory_space<hbm>> -> memref<64xf32, #tpu.memory_space<hbm>>
      tpu.enqueue_dma source(%dma_start3A_554 : memref<64xf32, #tpu.memory_space<hbm>>) target(%dma_start3A_551 : memref<64xf32, #tpu.memory_space<vmem>>) target_semaphore(%arg18 : memref<!tpu.dma_semaphore, #tpu.memory_space<semaphore_mem>>)
      %slice3A_555 = vector.extract_strided_slice %get3A_251 {offsets = [8], sizes = [1], strides = [1]} : vector<16xi32> to vector<1xi32>
      %squeeze3A_556 = vector.extract %slice3A_555[0] : i32 from vector<1xi32>
      %mul3A_557 = arith.constant 16 : i32
      %mul3A_558 = arith.muli %scan3A_237, %mul3A_557 : i32
      %add3A_559 = arith.constant 8 : i32
      %add3A_560 = arith.addi %mul3A_558, %add3A_559 : i32
      %dma_start3A_561 = arith.constant 0 : i32
      %dma_start3A_562 = tpu.memref_slice %arg11[%add3A_560, %dma_start3A_561] : memref<128x64xf32, #tpu.memory_space<vmem>> -> memref<1x64xf32, #tpu.memory_space<vmem>>
      %dma_start3A_563 = tpu.memref_squeeze %dma_start3A_562 : memref<1x64xf32, #tpu.memory_space<vmem>> -> memref<64xf32, #tpu.memory_space<vmem>>
      %dma_start3A_564 = arith.constant 0 : i32
      %dma_start3A_565 = tpu.memref_slice %arg5[%squeeze3A_556, %dma_start3A_564] : memref<1000000x64xf32, #tpu.memory_space<hbm>> -> memref<1x64xf32, #tpu.memory_space<hbm>>
      %dma_start3A_566 = tpu.memref_squeeze %dma_start3A_565 : memref<1x64xf32, #tpu.memory_space<hbm>> -> memref<64xf32, #tpu.memory_space<hbm>>
      %dma_start3A_567 = arith.constant 0 : i32
      %dma_start3A_568 = tpu.memref_slice %arg11[%add3A_560, %dma_start3A_567] : memref<128x64xf32, #tpu.memory_space<vmem>> -> memref<1x64xf32, #tpu.memory_space<vmem>>
      %dma_start3A_569 = tpu.memref_squeeze %dma_start3A_568 : memref<1x64xf32, #tpu.memory_space<vmem>> -> memref<64xf32, #tpu.memory_space<vmem>>
      %dma_start3A_570 = arith.constant 0 : i32
      %dma_start3A_571 = tpu.memref_slice %arg5[%squeeze3A_556, %dma_start3A_570] : memref<1000000x64xf32, #tpu.memory_space<hbm>> -> memref<1x64xf32, #tpu.memory_space<hbm>>
      %dma_start3A_572 = tpu.memref_squeeze %dma_start3A_571 : memref<1x64xf32, #tpu.memory_space<hbm>> -> memref<64xf32, #tpu.memory_space<hbm>>
      tpu.enqueue_dma source(%dma_start3A_572 : memref<64xf32, #tpu.memory_space<hbm>>) target(%dma_start3A_569 : memref<64xf32, #tpu.memory_space<vmem>>) target_semaphore(%arg18 : memref<!tpu.dma_semaphore, #tpu.memory_space<semaphore_mem>>)
      %slice3A_573 = vector.extract_strided_slice %get3A_244 {offsets = [9], sizes = [1], strides = [1]} : vector<16xi32> to vector<1xi32>
      %squeeze3A_574 = vector.extract %slice3A_573[0] : i32 from vector<1xi32>
      %mul3A_575 = arith.constant 16 : i32
      %mul3A_576 = arith.muli %scan3A_237, %mul3A_575 : i32
      %add3A_577 = arith.constant 9 : i32
      %add3A_578 = arith.addi %mul3A_576, %add3A_577 : i32
      %dma_start3A_579 = arith.constant 0 : i32
      %dma_start3A_580 = tpu.memref_slice %arg9[%add3A_578, %dma_start3A_579] : memref<128x64xf32, #tpu.memory_space<vmem>> -> memref<1x64xf32, #tpu.memory_space<vmem>>
      %dma_start3A_581 = tpu.memref_squeeze %dma_start3A_580 : memref<1x64xf32, #tpu.memory_space<vmem>> -> memref<64xf32, #tpu.memory_space<vmem>>
      %dma_start3A_582 = arith.constant 0 : i32
      %dma_start3A_583 = tpu.memref_slice %arg4[%squeeze3A_574, %dma_start3A_582] : memref<1000000x64xf32, #tpu.memory_space<hbm>> -> memref<1x64xf32, #tpu.memory_space<hbm>>
      %dma_start3A_584 = tpu.memref_squeeze %dma_start3A_583 : memref<1x64xf32, #tpu.memory_space<hbm>> -> memref<64xf32, #tpu.memory_space<hbm>>
      %dma_start3A_585 = arith.constant 0 : i32
      %dma_start3A_586 = tpu.memref_slice %arg9[%add3A_578, %dma_start3A_585] : memref<128x64xf32, #tpu.memory_space<vmem>> -> memref<1x64xf32, #tpu.memory_space<vmem>>
      %dma_start3A_587 = tpu.memref_squeeze %dma_start3A_586 : memref<1x64xf32, #tpu.memory_space<vmem>> -> memref<64xf32, #tpu.memory_space<vmem>>
      %dma_start3A_588 = arith.constant 0 : i32
      %dma_start3A_589 = tpu.memref_slice %arg4[%squeeze3A_574, %dma_start3A_588] : memref<1000000x64xf32, #tpu.memory_space<hbm>> -> memref<1x64xf32, #tpu.memory_space<hbm>>
      %dma_start3A_590 = tpu.memref_squeeze %dma_start3A_589 : memref<1x64xf32, #tpu.memory_space<hbm>> -> memref<64xf32, #tpu.memory_space<hbm>>
      tpu.enqueue_dma source(%dma_start3A_590 : memref<64xf32, #tpu.memory_space<hbm>>) target(%dma_start3A_587 : memref<64xf32, #tpu.memory_space<vmem>>) target_semaphore(%arg19 : memref<!tpu.dma_semaphore, #tpu.memory_space<semaphore_mem>>)
      %slice3A_591 = vector.extract_strided_slice %get3A_251 {offsets = [9], sizes = [1], strides = [1]} : vector<16xi32> to vector<1xi32>
      %squeeze3A_592 = vector.extract %slice3A_591[0] : i32 from vector<1xi32>
      %mul3A_593 = arith.constant 16 : i32
      %mul3A_594 = arith.muli %scan3A_237, %mul3A_593 : i32
      %add3A_595 = arith.constant 9 : i32
      %add3A_596 = arith.addi %mul3A_594, %add3A_595 : i32
      %dma_start3A_597 = arith.constant 0 : i32
      %dma_start3A_598 = tpu.memref_slice %arg11[%add3A_596, %dma_start3A_597] : memref<128x64xf32, #tpu.memory_space<vmem>> -> memref<1x64xf32, #tpu.memory_space<vmem>>
      %dma_start3A_599 = tpu.memref_squeeze %dma_start3A_598 : memref<1x64xf32, #tpu.memory_space<vmem>> -> memref<64xf32, #tpu.memory_space<vmem>>
      %dma_start3A_600 = arith.constant 0 : i32
      %dma_start3A_601 = tpu.memref_slice %arg5[%squeeze3A_592, %dma_start3A_600] : memref<1000000x64xf32, #tpu.memory_space<hbm>> -> memref<1x64xf32, #tpu.memory_space<hbm>>
      %dma_start3A_602 = tpu.memref_squeeze %dma_start3A_601 : memref<1x64xf32, #tpu.memory_space<hbm>> -> memref<64xf32, #tpu.memory_space<hbm>>
      %dma_start3A_603 = arith.constant 0 : i32
      %dma_start3A_604 = tpu.memref_slice %arg11[%add3A_596, %dma_start3A_603] : memref<128x64xf32, #tpu.memory_space<vmem>> -> memref<1x64xf32, #tpu.memory_space<vmem>>
      %dma_start3A_605 = tpu.memref_squeeze %dma_start3A_604 : memref<1x64xf32, #tpu.memory_space<vmem>> -> memref<64xf32, #tpu.memory_space<vmem>>
      %dma_start3A_606 = arith.constant 0 : i32
      %dma_start3A_607 = tpu.memref_slice %arg5[%squeeze3A_592, %dma_start3A_606] : memref<1000000x64xf32, #tpu.memory_space<hbm>> -> memref<1x64xf32, #tpu.memory_space<hbm>>
      %dma_start3A_608 = tpu.memref_squeeze %dma_start3A_607 : memref<1x64xf32, #tpu.memory_space<hbm>> -> memref<64xf32, #tpu.memory_space<hbm>>
      tpu.enqueue_dma source(%dma_start3A_608 : memref<64xf32, #tpu.memory_space<hbm>>) target(%dma_start3A_605 : memref<64xf32, #tpu.memory_space<vmem>>) target_semaphore(%arg19 : memref<!tpu.dma_semaphore, #tpu.memory_space<semaphore_mem>>)
      %slice3A_609 = vector.extract_strided_slice %get3A_244 {offsets = [10], sizes = [1], strides = [1]} : vector<16xi32> to vector<1xi32>
      %squeeze3A_610 = vector.extract %slice3A_609[0] : i32 from vector<1xi32>
      %mul3A_611 = arith.constant 16 : i32
      %mul3A_612 = arith.muli %scan3A_237, %mul3A_611 : i32
      %add3A_613 = arith.constant 10 : i32
      %add3A_614 = arith.addi %mul3A_612, %add3A_613 : i32
      %dma_start3A_615 = arith.constant 0 : i32
      %dma_start3A_616 = tpu.memref_slice %arg9[%add3A_614, %dma_start3A_615] : memref<128x64xf32, #tpu.memory_space<vmem>> -> memref<1x64xf32, #tpu.memory_space<vmem>>
      %dma_start3A_617 = tpu.memref_squeeze %dma_start3A_616 : memref<1x64xf32, #tpu.memory_space<vmem>> -> memref<64xf32, #tpu.memory_space<vmem>>
      %dma_start3A_618 = arith.constant 0 : i32
      %dma_start3A_619 = tpu.memref_slice %arg4[%squeeze3A_610, %dma_start3A_618] : memref<1000000x64xf32, #tpu.memory_space<hbm>> -> memref<1x64xf32, #tpu.memory_space<hbm>>
      %dma_start3A_620 = tpu.memref_squeeze %dma_start3A_619 : memref<1x64xf32, #tpu.memory_space<hbm>> -> memref<64xf32, #tpu.memory_space<hbm>>
      %dma_start3A_621 = arith.constant 0 : i32
      %dma_start3A_622 = tpu.memref_slice %arg9[%add3A_614, %dma_start3A_621] : memref<128x64xf32, #tpu.memory_space<vmem>> -> memref<1x64xf32, #tpu.memory_space<vmem>>
      %dma_start3A_623 = tpu.memref_squeeze %dma_start3A_622 : memref<1x64xf32, #tpu.memory_space<vmem>> -> memref<64xf32, #tpu.memory_space<vmem>>
      %dma_start3A_624 = arith.constant 0 : i32
      %dma_start3A_625 = tpu.memref_slice %arg4[%squeeze3A_610, %dma_start3A_624] : memref<1000000x64xf32, #tpu.memory_space<hbm>> -> memref<1x64xf32, #tpu.memory_space<hbm>>
      %dma_start3A_626 = tpu.memref_squeeze %dma_start3A_625 : memref<1x64xf32, #tpu.memory_space<hbm>> -> memref<64xf32, #tpu.memory_space<hbm>>
      tpu.enqueue_dma source(%dma_start3A_626 : memref<64xf32, #tpu.memory_space<hbm>>) target(%dma_start3A_623 : memref<64xf32, #tpu.memory_space<vmem>>) target_semaphore(%arg20 : memref<!tpu.dma_semaphore, #tpu.memory_space<semaphore_mem>>)
      %slice3A_627 = vector.extract_strided_slice %get3A_251 {offsets = [10], sizes = [1], strides = [1]} : vector<16xi32> to vector<1xi32>
      %squeeze3A_628 = vector.extract %slice3A_627[0] : i32 from vector<1xi32>
      %mul3A_629 = arith.constant 16 : i32
      %mul3A_630 = arith.muli %scan3A_237, %mul3A_629 : i32
      %add3A_631 = arith.constant 10 : i32
      %add3A_632 = arith.addi %mul3A_630, %add3A_631 : i32
      %dma_start3A_633 = arith.constant 0 : i32
      %dma_start3A_634 = tpu.memref_slice %arg11[%add3A_632, %dma_start3A_633] : memref<128x64xf32, #tpu.memory_space<vmem>> -> memref<1x64xf32, #tpu.memory_space<vmem>>
      %dma_start3A_635 = tpu.memref_squeeze %dma_start3A_634 : memref<1x64xf32, #tpu.memory_space<vmem>> -> memref<64xf32, #tpu.memory_space<vmem>>
      %dma_start3A_636 = arith.constant 0 : i32
      %dma_start3A_637 = tpu.memref_slice %arg5[%squeeze3A_628, %dma_start3A_636] : memref<1000000x64xf32, #tpu.memory_space<hbm>> -> memref<1x64xf32, #tpu.memory_space<hbm>>
      %dma_start3A_638 = tpu.memref_squeeze %dma_start3A_637 : memref<1x64xf32, #tpu.memory_space<hbm>> -> memref<64xf32, #tpu.memory_space<hbm>>
      %dma_start3A_639 = arith.constant 0 : i32
      %dma_start3A_640 = tpu.memref_slice %arg11[%add3A_632, %dma_start3A_639] : memref<128x64xf32, #tpu.memory_space<vmem>> -> memref<1x64xf32, #tpu.memory_space<vmem>>
      %dma_start3A_641 = tpu.memref_squeeze %dma_start3A_640 : memref<1x64xf32, #tpu.memory_space<vmem>> -> memref<64xf32, #tpu.memory_space<vmem>>
      %dma_start3A_642 = arith.constant 0 : i32
      %dma_start3A_643 = tpu.memref_slice %arg5[%squeeze3A_628, %dma_start3A_642] : memref<1000000x64xf32, #tpu.memory_space<hbm>> -> memref<1x64xf32, #tpu.memory_space<hbm>>
      %dma_start3A_644 = tpu.memref_squeeze %dma_start3A_643 : memref<1x64xf32, #tpu.memory_space<hbm>> -> memref<64xf32, #tpu.memory_space<hbm>>
      tpu.enqueue_dma source(%dma_start3A_644 : memref<64xf32, #tpu.memory_space<hbm>>) target(%dma_start3A_641 : memref<64xf32, #tpu.memory_space<vmem>>) target_semaphore(%arg20 : memref<!tpu.dma_semaphore, #tpu.memory_space<semaphore_mem>>)
      %slice3A_645 = vector.extract_strided_slice %get3A_244 {offsets = [11], sizes = [1], strides = [1]} : vector<16xi32> to vector<1xi32>
      %squeeze3A_646 = vector.extract %slice3A_645[0] : i32 from vector<1xi32>
      %mul3A_647 = arith.constant 16 : i32
      %mul3A_648 = arith.muli %scan3A_237, %mul3A_647 : i32
      %add3A_649 = arith.constant 11 : i32
      %add3A_650 = arith.addi %mul3A_648, %add3A_649 : i32
      %dma_start3A_651 = arith.constant 0 : i32
      %dma_start3A_652 = tpu.memref_slice %arg9[%add3A_650, %dma_start3A_651] : memref<128x64xf32, #tpu.memory_space<vmem>> -> memref<1x64xf32, #tpu.memory_space<vmem>>
      %dma_start3A_653 = tpu.memref_squeeze %dma_start3A_652 : memref<1x64xf32, #tpu.memory_space<vmem>> -> memref<64xf32, #tpu.memory_space<vmem>>
      %dma_start3A_654 = arith.constant 0 : i32
      %dma_start3A_655 = tpu.memref_slice %arg4[%squeeze3A_646, %dma_start3A_654] : memref<1000000x64xf32, #tpu.memory_space<hbm>> -> memref<1x64xf32, #tpu.memory_space<hbm>>
      %dma_start3A_656 = tpu.memref_squeeze %dma_start3A_655 : memref<1x64xf32, #tpu.memory_space<hbm>> -> memref<64xf32, #tpu.memory_space<hbm>>
      %dma_start3A_657 = arith.constant 0 : i32
      %dma_start3A_658 = tpu.memref_slice %arg9[%add3A_650, %dma_start3A_657] : memref<128x64xf32, #tpu.memory_space<vmem>> -> memref<1x64xf32, #tpu.memory_space<vmem>>
      %dma_start3A_659 = tpu.memref_squeeze %dma_start3A_658 : memref<1x64xf32, #tpu.memory_space<vmem>> -> memref<64xf32, #tpu.memory_space<vmem>>
      %dma_start3A_660 = arith.constant 0 : i32
      %dma_start3A_661 = tpu.memref_slice %arg4[%squeeze3A_646, %dma_start3A_660] : memref<1000000x64xf32, #tpu.memory_space<hbm>> -> memref<1x64xf32, #tpu.memory_space<hbm>>
      %dma_start3A_662 = tpu.memref_squeeze %dma_start3A_661 : memref<1x64xf32, #tpu.memory_space<hbm>> -> memref<64xf32, #tpu.memory_space<hbm>>
      tpu.enqueue_dma source(%dma_start3A_662 : memref<64xf32, #tpu.memory_space<hbm>>) target(%dma_start3A_659 : memref<64xf32, #tpu.memory_space<vmem>>) target_semaphore(%arg21 : memref<!tpu.dma_semaphore, #tpu.memory_space<semaphore_mem>>)
      %slice3A_663 = vector.extract_strided_slice %get3A_251 {offsets = [11], sizes = [1], strides = [1]} : vector<16xi32> to vector<1xi32>
      %squeeze3A_664 = vector.extract %slice3A_663[0] : i32 from vector<1xi32>
      %mul3A_665 = arith.constant 16 : i32
      %mul3A_666 = arith.muli %scan3A_237, %mul3A_665 : i32
      %add3A_667 = arith.constant 11 : i32
      %add3A_668 = arith.addi %mul3A_666, %add3A_667 : i32
      %dma_start3A_669 = arith.constant 0 : i32
      %dma_start3A_670 = tpu.memref_slice %arg11[%add3A_668, %dma_start3A_669] : memref<128x64xf32, #tpu.memory_space<vmem>> -> memref<1x64xf32, #tpu.memory_space<vmem>>
      %dma_start3A_671 = tpu.memref_squeeze %dma_start3A_670 : memref<1x64xf32, #tpu.memory_space<vmem>> -> memref<64xf32, #tpu.memory_space<vmem>>
      %dma_start3A_672 = arith.constant 0 : i32
      %dma_start3A_673 = tpu.memref_slice %arg5[%squeeze3A_664, %dma_start3A_672] : memref<1000000x64xf32, #tpu.memory_space<hbm>> -> memref<1x64xf32, #tpu.memory_space<hbm>>
      %dma_start3A_674 = tpu.memref_squeeze %dma_start3A_673 : memref<1x64xf32, #tpu.memory_space<hbm>> -> memref<64xf32, #tpu.memory_space<hbm>>
      %dma_start3A_675 = arith.constant 0 : i32
      %dma_start3A_676 = tpu.memref_slice %arg11[%add3A_668, %dma_start3A_675] : memref<128x64xf32, #tpu.memory_space<vmem>> -> memref<1x64xf32, #tpu.memory_space<vmem>>
      %dma_start3A_677 = tpu.memref_squeeze %dma_start3A_676 : memref<1x64xf32, #tpu.memory_space<vmem>> -> memref<64xf32, #tpu.memory_space<vmem>>
      %dma_start3A_678 = arith.constant 0 : i32
      %dma_start3A_679 = tpu.memref_slice %arg5[%squeeze3A_664, %dma_start3A_678] : memref<1000000x64xf32, #tpu.memory_space<hbm>> -> memref<1x64xf32, #tpu.memory_space<hbm>>
      %dma_start3A_680 = tpu.memref_squeeze %dma_start3A_679 : memref<1x64xf32, #tpu.memory_space<hbm>> -> memref<64xf32, #tpu.memory_space<hbm>>
      tpu.enqueue_dma source(%dma_start3A_680 : memref<64xf32, #tpu.memory_space<hbm>>) target(%dma_start3A_677 : memref<64xf32, #tpu.memory_space<vmem>>) target_semaphore(%arg21 : memref<!tpu.dma_semaphore, #tpu.memory_space<semaphore_mem>>)
      %slice3A_681 = vector.extract_strided_slice %get3A_244 {offsets = [12], sizes = [1], strides = [1]} : vector<16xi32> to vector<1xi32>
      %squeeze3A_682 = vector.extract %slice3A_681[0] : i32 from vector<1xi32>
      %mul3A_683 = arith.constant 16 : i32
      %mul3A_684 = arith.muli %scan3A_237, %mul3A_683 : i32
      %add3A_685 = arith.constant 12 : i32
      %add3A_686 = arith.addi %mul3A_684, %add3A_685 : i32
      %dma_start3A_687 = arith.constant 0 : i32
      %dma_start3A_688 = tpu.memref_slice %arg9[%add3A_686, %dma_start3A_687] : memref<128x64xf32, #tpu.memory_space<vmem>> -> memref<1x64xf32, #tpu.memory_space<vmem>>
      %dma_start3A_689 = tpu.memref_squeeze %dma_start3A_688 : memref<1x64xf32, #tpu.memory_space<vmem>> -> memref<64xf32, #tpu.memory_space<vmem>>
      %dma_start3A_690 = arith.constant 0 : i32
      %dma_start3A_691 = tpu.memref_slice %arg4[%squeeze3A_682, %dma_start3A_690] : memref<1000000x64xf32, #tpu.memory_space<hbm>> -> memref<1x64xf32, #tpu.memory_space<hbm>>
      %dma_start3A_692 = tpu.memref_squeeze %dma_start3A_691 : memref<1x64xf32, #tpu.memory_space<hbm>> -> memref<64xf32, #tpu.memory_space<hbm>>
      %dma_start3A_693 = arith.constant 0 : i32
      %dma_start3A_694 = tpu.memref_slice %arg9[%add3A_686, %dma_start3A_693] : memref<128x64xf32, #tpu.memory_space<vmem>> -> memref<1x64xf32, #tpu.memory_space<vmem>>
      %dma_start3A_695 = tpu.memref_squeeze %dma_start3A_694 : memref<1x64xf32, #tpu.memory_space<vmem>> -> memref<64xf32, #tpu.memory_space<vmem>>
      %dma_start3A_696 = arith.constant 0 : i32
      %dma_start3A_697 = tpu.memref_slice %arg4[%squeeze3A_682, %dma_start3A_696] : memref<1000000x64xf32, #tpu.memory_space<hbm>> -> memref<1x64xf32, #tpu.memory_space<hbm>>
      %dma_start3A_698 = tpu.memref_squeeze %dma_start3A_697 : memref<1x64xf32, #tpu.memory_space<hbm>> -> memref<64xf32, #tpu.memory_space<hbm>>
      tpu.enqueue_dma source(%dma_start3A_698 : memref<64xf32, #tpu.memory_space<hbm>>) target(%dma_start3A_695 : memref<64xf32, #tpu.memory_space<vmem>>) target_semaphore(%arg18 : memref<!tpu.dma_semaphore, #tpu.memory_space<semaphore_mem>>)
      %slice3A_699 = vector.extract_strided_slice %get3A_251 {offsets = [12], sizes = [1], strides = [1]} : vector<16xi32> to vector<1xi32>
      %squeeze3A_700 = vector.extract %slice3A_699[0] : i32 from vector<1xi32>
      %mul3A_701 = arith.constant 16 : i32
      %mul3A_702 = arith.muli %scan3A_237, %mul3A_701 : i32
      %add3A_703 = arith.constant 12 : i32
      %add3A_704 = arith.addi %mul3A_702, %add3A_703 : i32
      %dma_start3A_705 = arith.constant 0 : i32
      %dma_start3A_706 = tpu.memref_slice %arg11[%add3A_704, %dma_start3A_705] : memref<128x64xf32, #tpu.memory_space<vmem>> -> memref<1x64xf32, #tpu.memory_space<vmem>>
      %dma_start3A_707 = tpu.memref_squeeze %dma_start3A_706 : memref<1x64xf32, #tpu.memory_space<vmem>> -> memref<64xf32, #tpu.memory_space<vmem>>
      %dma_start3A_708 = arith.constant 0 : i32
      %dma_start3A_709 = tpu.memref_slice %arg5[%squeeze3A_700, %dma_start3A_708] : memref<1000000x64xf32, #tpu.memory_space<hbm>> -> memref<1x64xf32, #tpu.memory_space<hbm>>
      %dma_start3A_710 = tpu.memref_squeeze %dma_start3A_709 : memref<1x64xf32, #tpu.memory_space<hbm>> -> memref<64xf32, #tpu.memory_space<hbm>>
      %dma_start3A_711 = arith.constant 0 : i32
      %dma_start3A_712 = tpu.memref_slice %arg11[%add3A_704, %dma_start3A_711] : memref<128x64xf32, #tpu.memory_space<vmem>> -> memref<1x64xf32, #tpu.memory_space<vmem>>
      %dma_start3A_713 = tpu.memref_squeeze %dma_start3A_712 : memref<1x64xf32, #tpu.memory_space<vmem>> -> memref<64xf32, #tpu.memory_space<vmem>>
      %dma_start3A_714 = arith.constant 0 : i32
      %dma_start3A_715 = tpu.memref_slice %arg5[%squeeze3A_700, %dma_start3A_714] : memref<1000000x64xf32, #tpu.memory_space<hbm>> -> memref<1x64xf32, #tpu.memory_space<hbm>>
      %dma_start3A_716 = tpu.memref_squeeze %dma_start3A_715 : memref<1x64xf32, #tpu.memory_space<hbm>> -> memref<64xf32, #tpu.memory_space<hbm>>
      tpu.enqueue_dma source(%dma_start3A_716 : memref<64xf32, #tpu.memory_space<hbm>>) target(%dma_start3A_713 : memref<64xf32, #tpu.memory_space<vmem>>) target_semaphore(%arg18 : memref<!tpu.dma_semaphore, #tpu.memory_space<semaphore_mem>>)
      %slice3A_717 = vector.extract_strided_slice %get3A_244 {offsets = [13], sizes = [1], strides = [1]} : vector<16xi32> to vector<1xi32>
      %squeeze3A_718 = vector.extract %slice3A_717[0] : i32 from vector<1xi32>
      %mul3A_719 = arith.constant 16 : i32
      %mul3A_720 = arith.muli %scan3A_237, %mul3A_719 : i32
      %add3A_721 = arith.constant 13 : i32
      %add3A_722 = arith.addi %mul3A_720, %add3A_721 : i32
      %dma_start3A_723 = arith.constant 0 : i32
      %dma_start3A_724 = tpu.memref_slice %arg9[%add3A_722, %dma_start3A_723] : memref<128x64xf32, #tpu.memory_space<vmem>> -> memref<1x64xf32, #tpu.memory_space<vmem>>
      %dma_start3A_725 = tpu.memref_squeeze %dma_start3A_724 : memref<1x64xf32, #tpu.memory_space<vmem>> -> memref<64xf32, #tpu.memory_space<vmem>>
      %dma_start3A_726 = arith.constant 0 : i32
      %dma_start3A_727 = tpu.memref_slice %arg4[%squeeze3A_718, %dma_start3A_726] : memref<1000000x64xf32, #tpu.memory_space<hbm>> -> memref<1x64xf32, #tpu.memory_space<hbm>>
      %dma_start3A_728 = tpu.memref_squeeze %dma_start3A_727 : memref<1x64xf32, #tpu.memory_space<hbm>> -> memref<64xf32, #tpu.memory_space<hbm>>
      %dma_start3A_729 = arith.constant 0 : i32
      %dma_start3A_730 = tpu.memref_slice %arg9[%add3A_722, %dma_start3A_729] : memref<128x64xf32, #tpu.memory_space<vmem>> -> memref<1x64xf32, #tpu.memory_space<vmem>>
      %dma_start3A_731 = tpu.memref_squeeze %dma_start3A_730 : memref<1x64xf32, #tpu.memory_space<vmem>> -> memref<64xf32, #tpu.memory_space<vmem>>
      %dma_start3A_732 = arith.constant 0 : i32
      %dma_start3A_733 = tpu.memref_slice %arg4[%squeeze3A_718, %dma_start3A_732] : memref<1000000x64xf32, #tpu.memory_space<hbm>> -> memref<1x64xf32, #tpu.memory_space<hbm>>
      %dma_start3A_734 = tpu.memref_squeeze %dma_start3A_733 : memref<1x64xf32, #tpu.memory_space<hbm>> -> memref<64xf32, #tpu.memory_space<hbm>>
      tpu.enqueue_dma source(%dma_start3A_734 : memref<64xf32, #tpu.memory_space<hbm>>) target(%dma_start3A_731 : memref<64xf32, #tpu.memory_space<vmem>>) target_semaphore(%arg19 : memref<!tpu.dma_semaphore, #tpu.memory_space<semaphore_mem>>)
      %slice3A_735 = vector.extract_strided_slice %get3A_251 {offsets = [13], sizes = [1], strides = [1]} : vector<16xi32> to vector<1xi32>
      %squeeze3A_736 = vector.extract %slice3A_735[0] : i32 from vector<1xi32>
      %mul3A_737 = arith.constant 16 : i32
      %mul3A_738 = arith.muli %scan3A_237, %mul3A_737 : i32
      %add3A_739 = arith.constant 13 : i32
      %add3A_740 = arith.addi %mul3A_738, %add3A_739 : i32
      %dma_start3A_741 = arith.constant 0 : i32
      %dma_start3A_742 = tpu.memref_slice %arg11[%add3A_740, %dma_start3A_741] : memref<128x64xf32, #tpu.memory_space<vmem>> -> memref<1x64xf32, #tpu.memory_space<vmem>>
      %dma_start3A_743 = tpu.memref_squeeze %dma_start3A_742 : memref<1x64xf32, #tpu.memory_space<vmem>> -> memref<64xf32, #tpu.memory_space<vmem>>
      %dma_start3A_744 = arith.constant 0 : i32
      %dma_start3A_745 = tpu.memref_slice %arg5[%squeeze3A_736, %dma_start3A_744] : memref<1000000x64xf32, #tpu.memory_space<hbm>> -> memref<1x64xf32, #tpu.memory_space<hbm>>
      %dma_start3A_746 = tpu.memref_squeeze %dma_start3A_745 : memref<1x64xf32, #tpu.memory_space<hbm>> -> memref<64xf32, #tpu.memory_space<hbm>>
      %dma_start3A_747 = arith.constant 0 : i32
      %dma_start3A_748 = tpu.memref_slice %arg11[%add3A_740, %dma_start3A_747] : memref<128x64xf32, #tpu.memory_space<vmem>> -> memref<1x64xf32, #tpu.memory_space<vmem>>
      %dma_start3A_749 = tpu.memref_squeeze %dma_start3A_748 : memref<1x64xf32, #tpu.memory_space<vmem>> -> memref<64xf32, #tpu.memory_space<vmem>>
      %dma_start3A_750 = arith.constant 0 : i32
      %dma_start3A_751 = tpu.memref_slice %arg5[%squeeze3A_736, %dma_start3A_750] : memref<1000000x64xf32, #tpu.memory_space<hbm>> -> memref<1x64xf32, #tpu.memory_space<hbm>>
      %dma_start3A_752 = tpu.memref_squeeze %dma_start3A_751 : memref<1x64xf32, #tpu.memory_space<hbm>> -> memref<64xf32, #tpu.memory_space<hbm>>
      tpu.enqueue_dma source(%dma_start3A_752 : memref<64xf32, #tpu.memory_space<hbm>>) target(%dma_start3A_749 : memref<64xf32, #tpu.memory_space<vmem>>) target_semaphore(%arg19 : memref<!tpu.dma_semaphore, #tpu.memory_space<semaphore_mem>>)
      %slice3A_753 = vector.extract_strided_slice %get3A_244 {offsets = [14], sizes = [1], strides = [1]} : vector<16xi32> to vector<1xi32>
      %squeeze3A_754 = vector.extract %slice3A_753[0] : i32 from vector<1xi32>
      %mul3A_755 = arith.constant 16 : i32
      %mul3A_756 = arith.muli %scan3A_237, %mul3A_755 : i32
      %add3A_757 = arith.constant 14 : i32
      %add3A_758 = arith.addi %mul3A_756, %add3A_757 : i32
      %dma_start3A_759 = arith.constant 0 : i32
      %dma_start3A_760 = tpu.memref_slice %arg9[%add3A_758, %dma_start3A_759] : memref<128x64xf32, #tpu.memory_space<vmem>> -> memref<1x64xf32, #tpu.memory_space<vmem>>
      %dma_start3A_761 = tpu.memref_squeeze %dma_start3A_760 : memref<1x64xf32, #tpu.memory_space<vmem>> -> memref<64xf32, #tpu.memory_space<vmem>>
      %dma_start3A_762 = arith.constant 0 : i32
      %dma_start3A_763 = tpu.memref_slice %arg4[%squeeze3A_754, %dma_start3A_762] : memref<1000000x64xf32, #tpu.memory_space<hbm>> -> memref<1x64xf32, #tpu.memory_space<hbm>>
      %dma_start3A_764 = tpu.memref_squeeze %dma_start3A_763 : memref<1x64xf32, #tpu.memory_space<hbm>> -> memref<64xf32, #tpu.memory_space<hbm>>
      %dma_start3A_765 = arith.constant 0 : i32
      %dma_start3A_766 = tpu.memref_slice %arg9[%add3A_758, %dma_start3A_765] : memref<128x64xf32, #tpu.memory_space<vmem>> -> memref<1x64xf32, #tpu.memory_space<vmem>>
      %dma_start3A_767 = tpu.memref_squeeze %dma_start3A_766 : memref<1x64xf32, #tpu.memory_space<vmem>> -> memref<64xf32, #tpu.memory_space<vmem>>
      %dma_start3A_768 = arith.constant 0 : i32
      %dma_start3A_769 = tpu.memref_slice %arg4[%squeeze3A_754, %dma_start3A_768] : memref<1000000x64xf32, #tpu.memory_space<hbm>> -> memref<1x64xf32, #tpu.memory_space<hbm>>
      %dma_start3A_770 = tpu.memref_squeeze %dma_start3A_769 : memref<1x64xf32, #tpu.memory_space<hbm>> -> memref<64xf32, #tpu.memory_space<hbm>>
      tpu.enqueue_dma source(%dma_start3A_770 : memref<64xf32, #tpu.memory_space<hbm>>) target(%dma_start3A_767 : memref<64xf32, #tpu.memory_space<vmem>>) target_semaphore(%arg20 : memref<!tpu.dma_semaphore, #tpu.memory_space<semaphore_mem>>)
      %slice3A_771 = vector.extract_strided_slice %get3A_251 {offsets = [14], sizes = [1], strides = [1]} : vector<16xi32> to vector<1xi32>
      %squeeze3A_772 = vector.extract %slice3A_771[0] : i32 from vector<1xi32>
      %mul3A_773 = arith.constant 16 : i32
      %mul3A_774 = arith.muli %scan3A_237, %mul3A_773 : i32
      %add3A_775 = arith.constant 14 : i32
      %add3A_776 = arith.addi %mul3A_774, %add3A_775 : i32
      %dma_start3A_777 = arith.constant 0 : i32
      %dma_start3A_778 = tpu.memref_slice %arg11[%add3A_776, %dma_start3A_777] : memref<128x64xf32, #tpu.memory_space<vmem>> -> memref<1x64xf32, #tpu.memory_space<vmem>>
      %dma_start3A_779 = tpu.memref_squeeze %dma_start3A_778 : memref<1x64xf32, #tpu.memory_space<vmem>> -> memref<64xf32, #tpu.memory_space<vmem>>
      %dma_start3A_780 = arith.constant 0 : i32
      %dma_start3A_781 = tpu.memref_slice %arg5[%squeeze3A_772, %dma_start3A_780] : memref<1000000x64xf32, #tpu.memory_space<hbm>> -> memref<1x64xf32, #tpu.memory_space<hbm>>
      %dma_start3A_782 = tpu.memref_squeeze %dma_start3A_781 : memref<1x64xf32, #tpu.memory_space<hbm>> -> memref<64xf32, #tpu.memory_space<hbm>>
      %dma_start3A_783 = arith.constant 0 : i32
      %dma_start3A_784 = tpu.memref_slice %arg11[%add3A_776, %dma_start3A_783] : memref<128x64xf32, #tpu.memory_space<vmem>> -> memref<1x64xf32, #tpu.memory_space<vmem>>
      %dma_start3A_785 = tpu.memref_squeeze %dma_start3A_784 : memref<1x64xf32, #tpu.memory_space<vmem>> -> memref<64xf32, #tpu.memory_space<vmem>>
      %dma_start3A_786 = arith.constant 0 : i32
      %dma_start3A_787 = tpu.memref_slice %arg5[%squeeze3A_772, %dma_start3A_786] : memref<1000000x64xf32, #tpu.memory_space<hbm>> -> memref<1x64xf32, #tpu.memory_space<hbm>>
      %dma_start3A_788 = tpu.memref_squeeze %dma_start3A_787 : memref<1x64xf32, #tpu.memory_space<hbm>> -> memref<64xf32, #tpu.memory_space<hbm>>
      tpu.enqueue_dma source(%dma_start3A_788 : memref<64xf32, #tpu.memory_space<hbm>>) target(%dma_start3A_785 : memref<64xf32, #tpu.memory_space<vmem>>) target_semaphore(%arg20 : memref<!tpu.dma_semaphore, #tpu.memory_space<semaphore_mem>>)
      %slice3A_789 = vector.extract_strided_slice %get3A_244 {offsets = [15], sizes = [1], strides = [1]} : vector<16xi32> to vector<1xi32>
      %squeeze3A_790 = vector.extract %slice3A_789[0] : i32 from vector<1xi32>
      %mul3A_791 = arith.constant 16 : i32
      %mul3A_792 = arith.muli %scan3A_237, %mul3A_791 : i32
      %add3A_793 = arith.constant 15 : i32
      %add3A_794 = arith.addi %mul3A_792, %add3A_793 : i32
      %dma_start3A_795 = arith.constant 0 : i32
      %dma_start3A_796 = tpu.memref_slice %arg9[%add3A_794, %dma_start3A_795] : memref<128x64xf32, #tpu.memory_space<vmem>> -> memref<1x64xf32, #tpu.memory_space<vmem>>
      %dma_start3A_797 = tpu.memref_squeeze %dma_start3A_796 : memref<1x64xf32, #tpu.memory_space<vmem>> -> memref<64xf32, #tpu.memory_space<vmem>>
      %dma_start3A_798 = arith.constant 0 : i32
      %dma_start3A_799 = tpu.memref_slice %arg4[%squeeze3A_790, %dma_start3A_798] : memref<1000000x64xf32, #tpu.memory_space<hbm>> -> memref<1x64xf32, #tpu.memory_space<hbm>>
      %dma_start3A_800 = tpu.memref_squeeze %dma_start3A_799 : memref<1x64xf32, #tpu.memory_space<hbm>> -> memref<64xf32, #tpu.memory_space<hbm>>
      %dma_start3A_801 = arith.constant 0 : i32
      %dma_start3A_802 = tpu.memref_slice %arg9[%add3A_794, %dma_start3A_801] : memref<128x64xf32, #tpu.memory_space<vmem>> -> memref<1x64xf32, #tpu.memory_space<vmem>>
      %dma_start3A_803 = tpu.memref_squeeze %dma_start3A_802 : memref<1x64xf32, #tpu.memory_space<vmem>> -> memref<64xf32, #tpu.memory_space<vmem>>
      %dma_start3A_804 = arith.constant 0 : i32
      %dma_start3A_805 = tpu.memref_slice %arg4[%squeeze3A_790, %dma_start3A_804] : memref<1000000x64xf32, #tpu.memory_space<hbm>> -> memref<1x64xf32, #tpu.memory_space<hbm>>
      %dma_start3A_806 = tpu.memref_squeeze %dma_start3A_805 : memref<1x64xf32, #tpu.memory_space<hbm>> -> memref<64xf32, #tpu.memory_space<hbm>>
      tpu.enqueue_dma source(%dma_start3A_806 : memref<64xf32, #tpu.memory_space<hbm>>) target(%dma_start3A_803 : memref<64xf32, #tpu.memory_space<vmem>>) target_semaphore(%arg21 : memref<!tpu.dma_semaphore, #tpu.memory_space<semaphore_mem>>)
      %slice3A_807 = vector.extract_strided_slice %get3A_251 {offsets = [15], sizes = [1], strides = [1]} : vector<16xi32> to vector<1xi32>
      %squeeze3A_808 = vector.extract %slice3A_807[0] : i32 from vector<1xi32>
      %mul3A_809 = arith.constant 16 : i32
      %mul3A_810 = arith.muli %scan3A_237, %mul3A_809 : i32
      %add3A_811 = arith.constant 15 : i32
      %add3A_812 = arith.addi %mul3A_810, %add3A_811 : i32
      %dma_start3A_813 = arith.constant 0 : i32
      %dma_start3A_814 = tpu.memref_slice %arg11[%add3A_812, %dma_start3A_813] : memref<128x64xf32, #tpu.memory_space<vmem>> -> memref<1x64xf32, #tpu.memory_space<vmem>>
      %dma_start3A_815 = tpu.memref_squeeze %dma_start3A_814 : memref<1x64xf32, #tpu.memory_space<vmem>> -> memref<64xf32, #tpu.memory_space<vmem>>
      %dma_start3A_816 = arith.constant 0 : i32
      %dma_start3A_817 = tpu.memref_slice %arg5[%squeeze3A_808, %dma_start3A_816] : memref<1000000x64xf32, #tpu.memory_space<hbm>> -> memref<1x64xf32, #tpu.memory_space<hbm>>
      %dma_start3A_818 = tpu.memref_squeeze %dma_start3A_817 : memref<1x64xf32, #tpu.memory_space<hbm>> -> memref<64xf32, #tpu.memory_space<hbm>>
      %dma_start3A_819 = arith.constant 0 : i32
      %dma_start3A_820 = tpu.memref_slice %arg11[%add3A_812, %dma_start3A_819] : memref<128x64xf32, #tpu.memory_space<vmem>> -> memref<1x64xf32, #tpu.memory_space<vmem>>
      %dma_start3A_821 = tpu.memref_squeeze %dma_start3A_820 : memref<1x64xf32, #tpu.memory_space<vmem>> -> memref<64xf32, #tpu.memory_space<vmem>>
      %dma_start3A_822 = arith.constant 0 : i32
      %dma_start3A_823 = tpu.memref_slice %arg5[%squeeze3A_808, %dma_start3A_822] : memref<1000000x64xf32, #tpu.memory_space<hbm>> -> memref<1x64xf32, #tpu.memory_space<hbm>>
      %dma_start3A_824 = tpu.memref_squeeze %dma_start3A_823 : memref<1x64xf32, #tpu.memory_space<hbm>> -> memref<64xf32, #tpu.memory_space<hbm>>
      tpu.enqueue_dma source(%dma_start3A_824 : memref<64xf32, #tpu.memory_space<hbm>>) target(%dma_start3A_821 : memref<64xf32, #tpu.memory_space<vmem>>) target_semaphore(%arg21 : memref<!tpu.dma_semaphore, #tpu.memory_space<semaphore_mem>>)
      %scan3A_825 = arith.constant 0 : i32
      scf.yield %scan3A_825 : i32
    }
    %scan3A_132 = arith.constant 8 : i32
    %dma_wait3A_133 = arith.constant 0 : i32
    %dma_wait3A_134 = arith.constant 0 : i32
    %dma_wait3A_135 = tpu.memref_slice %arg8[%dma_wait3A_133, %dma_wait3A_134] : memref<128x64xf32, #tpu.memory_space<vmem>> -> memref<64x64xf32, #tpu.memory_space<vmem>>
    %dma_wait3A_136 = arith.constant 0 : i32
    %dma_wait3A_137 = arith.constant 0 : i32
    %dma_wait3A_138 = tpu.memref_slice %arg4[%dma_wait3A_136, %dma_wait3A_137] : memref<1000000x64xf32, #tpu.memory_space<hbm>> -> memref<64x64xf32, #tpu.memory_space<hbm>>
    %dma_wait3A_139 = arith.constant 0 : i32
    %dma_wait3A_140 = arith.constant 0 : i32
    %dma_wait3A_141 = tpu.memref_slice %arg8[%dma_wait3A_139, %dma_wait3A_140] : memref<128x64xf32, #tpu.memory_space<vmem>> -> memref<64x64xf32, #tpu.memory_space<vmem>>
    %dma_wait3A_142 = arith.constant 0 : i32
    %dma_wait3A_143 = arith.constant 0 : i32
    %dma_wait3A_144 = tpu.memref_slice %arg4[%dma_wait3A_142, %dma_wait3A_143] : memref<1000000x64xf32, #tpu.memory_space<hbm>> -> memref<64x64xf32, #tpu.memory_space<hbm>>
    tpu.wait_dma2 semaphore(%arg14 : memref<!tpu.dma_semaphore, #tpu.memory_space<semaphore_mem>>) src(%dma_wait3A_144 : memref<64x64xf32, #tpu.memory_space<hbm>>) dst(%dma_wait3A_141 : memref<64x64xf32, #tpu.memory_space<vmem>>)
    %dma_wait3A_145 = arith.constant 0 : i32
    %dma_wait3A_146 = arith.constant 0 : i32
    %dma_wait3A_147 = tpu.memref_slice %arg8[%dma_wait3A_145, %dma_wait3A_146] : memref<128x64xf32, #tpu.memory_space<vmem>> -> memref<64x64xf32, #tpu.memory_space<vmem>>
    %dma_wait3A_148 = arith.constant 0 : i32
    %dma_wait3A_149 = arith.constant 0 : i32
    %dma_wait3A_150 = tpu.memref_slice %arg4[%dma_wait3A_148, %dma_wait3A_149] : memref<1000000x64xf32, #tpu.memory_space<hbm>> -> memref<64x64xf32, #tpu.memory_space<hbm>>
    %dma_wait3A_151 = arith.constant 0 : i32
    %dma_wait3A_152 = arith.constant 0 : i32
    %dma_wait3A_153 = tpu.memref_slice %arg8[%dma_wait3A_151, %dma_wait3A_152] : memref<128x64xf32, #tpu.memory_space<vmem>> -> memref<64x64xf32, #tpu.memory_space<vmem>>
    %dma_wait3A_154 = arith.constant 0 : i32
    %dma_wait3A_155 = arith.constant 0 : i32
    %dma_wait3A_156 = tpu.memref_slice %arg4[%dma_wait3A_154, %dma_wait3A_155] : memref<1000000x64xf32, #tpu.memory_space<hbm>> -> memref<64x64xf32, #tpu.memory_space<hbm>>
    tpu.wait_dma2 semaphore(%arg15 : memref<!tpu.dma_semaphore, #tpu.memory_space<semaphore_mem>>) src(%dma_wait3A_156 : memref<64x64xf32, #tpu.memory_space<hbm>>) dst(%dma_wait3A_153 : memref<64x64xf32, #tpu.memory_space<vmem>>)
    %dma_wait3A_157 = arith.constant 0 : i32
    %dma_wait3A_158 = arith.constant 0 : i32
    %dma_wait3A_159 = tpu.memref_slice %arg8[%dma_wait3A_157, %dma_wait3A_158] : memref<128x64xf32, #tpu.memory_space<vmem>> -> memref<64x64xf32, #tpu.memory_space<vmem>>
    %dma_wait3A_160 = arith.constant 0 : i32
    %dma_wait3A_161 = arith.constant 0 : i32
    %dma_wait3A_162 = tpu.memref_slice %arg4[%dma_wait3A_160, %dma_wait3A_161] : memref<1000000x64xf32, #tpu.memory_space<hbm>> -> memref<64x64xf32, #tpu.memory_space<hbm>>
    %dma_wait3A_163 = arith.constant 0 : i32
    %dma_wait3A_164 = arith.constant 0 : i32
    %dma_wait3A_165 = tpu.memref_slice %arg8[%dma_wait3A_163, %dma_wait3A_164] : memref<128x64xf32, #tpu.memory_space<vmem>> -> memref<64x64xf32, #tpu.memory_space<vmem>>
    %dma_wait3A_166 = arith.constant 0 : i32
    %dma_wait3A_167 = arith.constant 0 : i32
    %dma_wait3A_168 = tpu.memref_slice %arg4[%dma_wait3A_166, %dma_wait3A_167] : memref<1000000x64xf32, #tpu.memory_space<hbm>> -> memref<64x64xf32, #tpu.memory_space<hbm>>
    tpu.wait_dma2 semaphore(%arg16 : memref<!tpu.dma_semaphore, #tpu.memory_space<semaphore_mem>>) src(%dma_wait3A_168 : memref<64x64xf32, #tpu.memory_space<hbm>>) dst(%dma_wait3A_165 : memref<64x64xf32, #tpu.memory_space<vmem>>)
    %dma_wait3A_169 = arith.constant 0 : i32
    %dma_wait3A_170 = arith.constant 0 : i32
    %dma_wait3A_171 = tpu.memref_slice %arg8[%dma_wait3A_169, %dma_wait3A_170] : memref<128x64xf32, #tpu.memory_space<vmem>> -> memref<64x64xf32, #tpu.memory_space<vmem>>
    %dma_wait3A_172 = arith.constant 0 : i32
    %dma_wait3A_173 = arith.constant 0 : i32
    %dma_wait3A_174 = tpu.memref_slice %arg4[%dma_wait3A_172, %dma_wait3A_173] : memref<1000000x64xf32, #tpu.memory_space<hbm>> -> memref<64x64xf32, #tpu.memory_space<hbm>>
    %dma_wait3A_175 = arith.constant 0 : i32
    %dma_wait3A_176 = arith.constant 0 : i32
    %dma_wait3A_177 = tpu.memref_slice %arg8[%dma_wait3A_175, %dma_wait3A_176] : memref<128x64xf32, #tpu.memory_space<vmem>> -> memref<64x64xf32, #tpu.memory_space<vmem>>
    %dma_wait3A_178 = arith.constant 0 : i32
    %dma_wait3A_179 = arith.constant 0 : i32
    %dma_wait3A_180 = tpu.memref_slice %arg4[%dma_wait3A_178, %dma_wait3A_179] : memref<1000000x64xf32, #tpu.memory_space<hbm>> -> memref<64x64xf32, #tpu.memory_space<hbm>>
    tpu.wait_dma2 semaphore(%arg17 : memref<!tpu.dma_semaphore, #tpu.memory_space<semaphore_mem>>) src(%dma_wait3A_180 : memref<64x64xf32, #tpu.memory_space<hbm>>) dst(%dma_wait3A_177 : memref<64x64xf32, #tpu.memory_space<vmem>>)
    %add3A_181 = arith.constant 256 : i32
    %add3A_182 = arith.addi %mul3A_2, %add3A_181 : i32
    "tpu.region"() ({
      %run_scoped3A = tpu.sem_alloc : memref<!tpu.dma_semaphore, #tpu.memory_space<semaphore_mem>>
      %dma_start3A = arith.constant 0 : i32
      %dma_start3A_237 = tpu.memref_slice %arg6[%add3A_182, %dma_start3A] : memref<16384x64xf32, #tpu.memory_space<hbm>> -> memref<128x64xf32, #tpu.memory_space<hbm>>
      %dma_start3A_238 = arith.constant 0 : i32
      %dma_start3A_239 = tpu.memref_slice %arg6[%add3A_182, %dma_start3A_238] : memref<16384x64xf32, #tpu.memory_space<hbm>> -> memref<128x64xf32, #tpu.memory_space<hbm>>
      tpu.enqueue_dma source(%arg8 : memref<128x64xf32, #tpu.memory_space<vmem>>) target(%dma_start3A_239 : memref<128x64xf32, #tpu.memory_space<hbm>>) target_semaphore(%run_scoped3A : memref<!tpu.dma_semaphore, #tpu.memory_space<semaphore_mem>>)
      %dma_wait3A_240 = arith.constant 0 : i32
      %dma_wait3A_241 = tpu.memref_slice %arg6[%add3A_182, %dma_wait3A_240] : memref<16384x64xf32, #tpu.memory_space<hbm>> -> memref<128x64xf32, #tpu.memory_space<hbm>>
      %dma_wait3A_242 = arith.constant 0 : i32
      %dma_wait3A_243 = tpu.memref_slice %arg6[%add3A_182, %dma_wait3A_242] : memref<16384x64xf32, #tpu.memory_space<hbm>> -> memref<128x64xf32, #tpu.memory_space<hbm>>
      tpu.wait_dma2 semaphore(%run_scoped3A : memref<!tpu.dma_semaphore, #tpu.memory_space<semaphore_mem>>) src(%arg8 : memref<128x64xf32, #tpu.memory_space<vmem>>) dst(%dma_wait3A_243 : memref<128x64xf32, #tpu.memory_space<hbm>>)
      tpu.yield
    }) : () -> ()
    %add3A_183 = arith.constant 256 : i32
    %add3A_184 = arith.addi %mul3A_2, %add3A_183 : i32
    "tpu.region"() ({
      %run_scoped3A = tpu.sem_alloc : memref<!tpu.dma_semaphore, #tpu.memory_space<semaphore_mem>>
      %dma_start3A = arith.constant 0 : i32
      %dma_start3A_237 = tpu.memref_slice %arg7[%add3A_184, %dma_start3A] : memref<16384x64xf32, #tpu.memory_space<hbm>> -> memref<128x64xf32, #tpu.memory_space<hbm>>
      %dma_start3A_238 = arith.constant 0 : i32
      %dma_start3A_239 = tpu.memref_slice %arg7[%add3A_184, %dma_start3A_238] : memref<16384x64xf32, #tpu.memory_space<hbm>> -> memref<128x64xf32, #tpu.memory_space<hbm>>
      tpu.enqueue_dma source(%arg10 : memref<128x64xf32, #tpu.memory_space<vmem>>) target(%dma_start3A_239 : memref<128x64xf32, #tpu.memory_space<hbm>>) target_semaphore(%run_scoped3A : memref<!tpu.dma_semaphore, #tpu.memory_space<semaphore_mem>>)
      %dma_wait3A_240 = arith.constant 0 : i32
      %dma_wait3A_241 = tpu.memref_slice %arg7[%add3A_184, %dma_wait3A_240] : memref<16384x64xf32, #tpu.memory_space<hbm>> -> memref<128x64xf32, #tpu.memory_space<hbm>>
      %dma_wait3A_242 = arith.constant 0 : i32
      %dma_wait3A_243 = tpu.memref_slice %arg7[%add3A_184, %dma_wait3A_242] : memref<16384x64xf32, #tpu.memory_space<hbm>> -> memref<128x64xf32, #tpu.memory_space<hbm>>
      tpu.wait_dma2 semaphore(%run_scoped3A : memref<!tpu.dma_semaphore, #tpu.memory_space<semaphore_mem>>) src(%arg10 : memref<128x64xf32, #tpu.memory_space<vmem>>) dst(%dma_wait3A_243 : memref<128x64xf32, #tpu.memory_space<hbm>>)
      tpu.yield
    }) : () -> ()
    %dma_wait3A_185 = arith.constant 0 : i32
    %dma_wait3A_186 = arith.constant 0 : i32
    %dma_wait3A_187 = tpu.memref_slice %arg9[%dma_wait3A_185, %dma_wait3A_186] : memref<128x64xf32, #tpu.memory_space<vmem>> -> memref<64x64xf32, #tpu.memory_space<vmem>>
    %dma_wait3A_188 = arith.constant 0 : i32
    %dma_wait3A_189 = arith.constant 0 : i32
    %dma_wait3A_190 = tpu.memref_slice %arg4[%dma_wait3A_188, %dma_wait3A_189] : memref<1000000x64xf32, #tpu.memory_space<hbm>> -> memref<64x64xf32, #tpu.memory_space<hbm>>
    %dma_wait3A_191 = arith.constant 0 : i32
    %dma_wait3A_192 = arith.constant 0 : i32
    %dma_wait3A_193 = tpu.memref_slice %arg9[%dma_wait3A_191, %dma_wait3A_192] : memref<128x64xf32, #tpu.memory_space<vmem>> -> memref<64x64xf32, #tpu.memory_space<vmem>>
    %dma_wait3A_194 = arith.constant 0 : i32
    %dma_wait3A_195 = arith.constant 0 : i32
    %dma_wait3A_196 = tpu.memref_slice %arg4[%dma_wait3A_194, %dma_wait3A_195] : memref<1000000x64xf32, #tpu.memory_space<hbm>> -> memref<64x64xf32, #tpu.memory_space<hbm>>
    tpu.wait_dma2 semaphore(%arg18 : memref<!tpu.dma_semaphore, #tpu.memory_space<semaphore_mem>>) src(%dma_wait3A_196 : memref<64x64xf32, #tpu.memory_space<hbm>>) dst(%dma_wait3A_193 : memref<64x64xf32, #tpu.memory_space<vmem>>)
    %dma_wait3A_197 = arith.constant 0 : i32
    %dma_wait3A_198 = arith.constant 0 : i32
    %dma_wait3A_199 = tpu.memref_slice %arg9[%dma_wait3A_197, %dma_wait3A_198] : memref<128x64xf32, #tpu.memory_space<vmem>> -> memref<64x64xf32, #tpu.memory_space<vmem>>
    %dma_wait3A_200 = arith.constant 0 : i32
    %dma_wait3A_201 = arith.constant 0 : i32
    %dma_wait3A_202 = tpu.memref_slice %arg4[%dma_wait3A_200, %dma_wait3A_201] : memref<1000000x64xf32, #tpu.memory_space<hbm>> -> memref<64x64xf32, #tpu.memory_space<hbm>>
    %dma_wait3A_203 = arith.constant 0 : i32
    %dma_wait3A_204 = arith.constant 0 : i32
    %dma_wait3A_205 = tpu.memref_slice %arg9[%dma_wait3A_203, %dma_wait3A_204] : memref<128x64xf32, #tpu.memory_space<vmem>> -> memref<64x64xf32, #tpu.memory_space<vmem>>
    %dma_wait3A_206 = arith.constant 0 : i32
    %dma_wait3A_207 = arith.constant 0 : i32
    %dma_wait3A_208 = tpu.memref_slice %arg4[%dma_wait3A_206, %dma_wait3A_207] : memref<1000000x64xf32, #tpu.memory_space<hbm>> -> memref<64x64xf32, #tpu.memory_space<hbm>>
    tpu.wait_dma2 semaphore(%arg19 : memref<!tpu.dma_semaphore, #tpu.memory_space<semaphore_mem>>) src(%dma_wait3A_208 : memref<64x64xf32, #tpu.memory_space<hbm>>) dst(%dma_wait3A_205 : memref<64x64xf32, #tpu.memory_space<vmem>>)
    %dma_wait3A_209 = arith.constant 0 : i32
    %dma_wait3A_210 = arith.constant 0 : i32
    %dma_wait3A_211 = tpu.memref_slice %arg9[%dma_wait3A_209, %dma_wait3A_210] : memref<128x64xf32, #tpu.memory_space<vmem>> -> memref<64x64xf32, #tpu.memory_space<vmem>>
    %dma_wait3A_212 = arith.constant 0 : i32
    %dma_wait3A_213 = arith.constant 0 : i32
    %dma_wait3A_214 = tpu.memref_slice %arg4[%dma_wait3A_212, %dma_wait3A_213] : memref<1000000x64xf32, #tpu.memory_space<hbm>> -> memref<64x64xf32, #tpu.memory_space<hbm>>
    %dma_wait3A_215 = arith.constant 0 : i32
    %dma_wait3A_216 = arith.constant 0 : i32
    %dma_wait3A_217 = tpu.memref_slice %arg9[%dma_wait3A_215, %dma_wait3A_216] : memref<128x64xf32, #tpu.memory_space<vmem>> -> memref<64x64xf32, #tpu.memory_space<vmem>>
    %dma_wait3A_218 = arith.constant 0 : i32
    %dma_wait3A_219 = arith.constant 0 : i32
    %dma_wait3A_220 = tpu.memref_slice %arg4[%dma_wait3A_218, %dma_wait3A_219] : memref<1000000x64xf32, #tpu.memory_space<hbm>> -> memref<64x64xf32, #tpu.memory_space<hbm>>
    tpu.wait_dma2 semaphore(%arg20 : memref<!tpu.dma_semaphore, #tpu.memory_space<semaphore_mem>>) src(%dma_wait3A_220 : memref<64x64xf32, #tpu.memory_space<hbm>>) dst(%dma_wait3A_217 : memref<64x64xf32, #tpu.memory_space<vmem>>)
    %dma_wait3A_221 = arith.constant 0 : i32
    %dma_wait3A_222 = arith.constant 0 : i32
    %dma_wait3A_223 = tpu.memref_slice %arg9[%dma_wait3A_221, %dma_wait3A_222] : memref<128x64xf32, #tpu.memory_space<vmem>> -> memref<64x64xf32, #tpu.memory_space<vmem>>
    %dma_wait3A_224 = arith.constant 0 : i32
    %dma_wait3A_225 = arith.constant 0 : i32
    %dma_wait3A_226 = tpu.memref_slice %arg4[%dma_wait3A_224, %dma_wait3A_225] : memref<1000000x64xf32, #tpu.memory_space<hbm>> -> memref<64x64xf32, #tpu.memory_space<hbm>>
    %dma_wait3A_227 = arith.constant 0 : i32
    %dma_wait3A_228 = arith.constant 0 : i32
    %dma_wait3A_229 = tpu.memref_slice %arg9[%dma_wait3A_227, %dma_wait3A_228] : memref<128x64xf32, #tpu.memory_space<vmem>> -> memref<64x64xf32, #tpu.memory_space<vmem>>
    %dma_wait3A_230 = arith.constant 0 : i32
    %dma_wait3A_231 = arith.constant 0 : i32
    %dma_wait3A_232 = tpu.memref_slice %arg4[%dma_wait3A_230, %dma_wait3A_231] : memref<1000000x64xf32, #tpu.memory_space<hbm>> -> memref<64x64xf32, #tpu.memory_space<hbm>>
    tpu.wait_dma2 semaphore(%arg21 : memref<!tpu.dma_semaphore, #tpu.memory_space<semaphore_mem>>) src(%dma_wait3A_232 : memref<64x64xf32, #tpu.memory_space<hbm>>) dst(%dma_wait3A_229 : memref<64x64xf32, #tpu.memory_space<vmem>>)
    %add3A_233 = arith.constant 384 : i32
    %add3A_234 = arith.addi %mul3A_2, %add3A_233 : i32
    "tpu.region"() ({
      %run_scoped3A = tpu.sem_alloc : memref<!tpu.dma_semaphore, #tpu.memory_space<semaphore_mem>>
      %dma_start3A = arith.constant 0 : i32
      %dma_start3A_237 = tpu.memref_slice %arg6[%add3A_234, %dma_start3A] : memref<16384x64xf32, #tpu.memory_space<hbm>> -> memref<128x64xf32, #tpu.memory_space<hbm>>
      %dma_start3A_238 = arith.constant 0 : i32
      %dma_start3A_239 = tpu.memref_slice %arg6[%add3A_234, %dma_start3A_238] : memref<16384x64xf32, #tpu.memory_space<hbm>> -> memref<128x64xf32, #tpu.memory_space<hbm>>
      tpu.enqueue_dma source(%arg9 : memref<128x64xf32, #tpu.memory_space<vmem>>) target(%dma_start3A_239 : memref<128x64xf32, #tpu.memory_space<hbm>>) target_semaphore(%run_scoped3A : memref<!tpu.dma_semaphore, #tpu.memory_space<semaphore_mem>>)
      %dma_wait3A_240 = arith.constant 0 : i32
      %dma_wait3A_241 = tpu.memref_slice %arg6[%add3A_234, %dma_wait3A_240] : memref<16384x64xf32, #tpu.memory_space<hbm>> -> memref<128x64xf32, #tpu.memory_space<hbm>>
      %dma_wait3A_242 = arith.constant 0 : i32
      %dma_wait3A_243 = tpu.memref_slice %arg6[%add3A_234, %dma_wait3A_242] : memref<16384x64xf32, #tpu.memory_space<hbm>> -> memref<128x64xf32, #tpu.memory_space<hbm>>
      tpu.wait_dma2 semaphore(%run_scoped3A : memref<!tpu.dma_semaphore, #tpu.memory_space<semaphore_mem>>) src(%arg9 : memref<128x64xf32, #tpu.memory_space<vmem>>) dst(%dma_wait3A_243 : memref<128x64xf32, #tpu.memory_space<hbm>>)
      tpu.yield
    }) : () -> ()
    %add3A_235 = arith.constant 384 : i32
    %add3A_236 = arith.addi %mul3A_2, %add3A_235 : i32
    "tpu.region"() ({
      %run_scoped3A = tpu.sem_alloc : memref<!tpu.dma_semaphore, #tpu.memory_space<semaphore_mem>>
      %dma_start3A = arith.constant 0 : i32
      %dma_start3A_237 = tpu.memref_slice %arg7[%add3A_236, %dma_start3A] : memref<16384x64xf32, #tpu.memory_space<hbm>> -> memref<128x64xf32, #tpu.memory_space<hbm>>
      %dma_start3A_238 = arith.constant 0 : i32
      %dma_start3A_239 = tpu.memref_slice %arg7[%add3A_236, %dma_start3A_238] : memref<16384x64xf32, #tpu.memory_space<hbm>> -> memref<128x64xf32, #tpu.memory_space<hbm>>
      tpu.enqueue_dma source(%arg11 : memref<128x64xf32, #tpu.memory_space<vmem>>) target(%dma_start3A_239 : memref<128x64xf32, #tpu.memory_space<hbm>>) target_semaphore(%run_scoped3A : memref<!tpu.dma_semaphore, #tpu.memory_space<semaphore_mem>>)
      %dma_wait3A_240 = arith.constant 0 : i32
      %dma_wait3A_241 = tpu.memref_slice %arg7[%add3A_236, %dma_wait3A_240] : memref<16384x64xf32, #tpu.memory_space<hbm>> -> memref<128x64xf32, #tpu.memory_space<hbm>>
      %dma_wait3A_242 = arith.constant 0 : i32
      %dma_wait3A_243 = tpu.memref_slice %arg7[%add3A_236, %dma_wait3A_242] : memref<16384x64xf32, #tpu.memory_space<hbm>> -> memref<128x64xf32, #tpu.memory_space<hbm>>
      tpu.wait_dma2 semaphore(%run_scoped3A : memref<!tpu.dma_semaphore, #tpu.memory_space<semaphore_mem>>) src(%arg11 : memref<128x64xf32, #tpu.memory_space<vmem>>) dst(%dma_wait3A_243 : memref<128x64xf32, #tpu.memory_space<hbm>>)
      tpu.yield
    }) : () -> ()
    return
  }
}

module attributes {stable_mosaic.version = 14 : i64} {
  func.func @_mlp_body(%arg0: i32, %arg1: memref<2048x64xf32, #tpu.memory_space<vmem>>, %arg2: memref<2048x64xf32, #tpu.memory_space<vmem>>, %arg3: memref<64x256xf32, #tpu.memory_space<vmem>>, %arg4: memref<64x256xf32, #tpu.memory_space<vmem>>, %arg5: memref<1x256xf32, #tpu.memory_space<vmem>>, %arg6: memref<256x128xf32, #tpu.memory_space<vmem>>, %arg7: memref<1x128xf32, #tpu.memory_space<vmem>>, %arg8: memref<128x64xf32, #tpu.memory_space<vmem>>, %arg9: memref<1x64xf32, #tpu.memory_space<vmem>>, %arg10: memref<64x1xf32, #tpu.memory_space<vmem>>, %arg11: memref<1x1xf32, #tpu.memory_space<vmem>>, %arg12: memref<2048x1xf32, #tpu.memory_space<vmem>>) attributes {dimension_semantics = [#tpu.dimension_semantics<arbitrary>], iteration_bounds = array<i64: 8>, scalar_prefetch = 0 : i64, scratch_operands = 0 : i64, tpu.core_type = #tpu.core_type<tc>, window_params = [{transform_indices = @transform_0, window_bounds = array<i64: 2048, 64>}, {transform_indices = @transform_1, window_bounds = array<i64: 2048, 64>}, {pipeline_mode = #tpu.pipeline_mode<synchronous>, transform_indices = @transform_2, window_bounds = array<i64: 64, 256>}, {pipeline_mode = #tpu.pipeline_mode<synchronous>, transform_indices = @transform_3, window_bounds = array<i64: 64, 256>}, {pipeline_mode = #tpu.pipeline_mode<synchronous>, transform_indices = @transform_4, window_bounds = array<i64: 1, 256>}, {pipeline_mode = #tpu.pipeline_mode<synchronous>, transform_indices = @transform_5, window_bounds = array<i64: 256, 128>}, {pipeline_mode = #tpu.pipeline_mode<synchronous>, transform_indices = @transform_6, window_bounds = array<i64: 1, 128>}, {pipeline_mode = #tpu.pipeline_mode<synchronous>, transform_indices = @transform_7, window_bounds = array<i64: 128, 64>}, {pipeline_mode = #tpu.pipeline_mode<synchronous>, transform_indices = @transform_8, window_bounds = array<i64: 1, 64>}, {pipeline_mode = #tpu.pipeline_mode<synchronous>, transform_indices = @transform_9, window_bounds = array<i64: 64, 1>}, {pipeline_mode = #tpu.pipeline_mode<synchronous>, transform_indices = @transform_10, window_bounds = array<i64: 1, 1>}, {transform_indices = @transform_11, window_bounds = array<i64: 2048, 1>}]} {
    %get3A = arith.constant 0 : index
    %get3A_0 = arith.constant 0 : index
    %get3A_1 = vector.load %arg1[%get3A, %get3A_0] : memref<2048x64xf32, #tpu.memory_space<vmem>>, vector<2048x64xf32>
    %get3A_2 = arith.constant 0 : index
    %get3A_3 = arith.constant 0 : index
    %get3A_4 = vector.load %arg3[%get3A_2, %get3A_3] : memref<64x256xf32, #tpu.memory_space<vmem>>, vector<64x256xf32>
    %dot_general3A = arith.constant dense<0.000000e+00> : vector<2048x256xf32>
    %dot_general3A_5 = tpu.matmul %get3A_1, %get3A_4, %dot_general3A {dimension_numbers = #tpu.dot_dimension_numbers<[1], [0], [0], [1], [0, 0, 1, 1], [], []>, transpose_lhs_hint = false} : vector<2048x64xf32>, vector<64x256xf32>, vector<2048x256xf32> -> vector<2048x256xf32>
    %get3A_6 = arith.constant 0 : index
    %get3A_7 = arith.constant 0 : index
    %get3A_8 = vector.load %arg2[%get3A_6, %get3A_7] : memref<2048x64xf32, #tpu.memory_space<vmem>>, vector<2048x64xf32>
    %get3A_9 = arith.constant 0 : index
    %get3A_10 = arith.constant 0 : index
    %get3A_11 = vector.load %arg4[%get3A_9, %get3A_10] : memref<64x256xf32, #tpu.memory_space<vmem>>, vector<64x256xf32>
    %dot_general3A_12 = arith.constant dense<0.000000e+00> : vector<2048x256xf32>
    %dot_general3A_13 = tpu.matmul %get3A_8, %get3A_11, %dot_general3A_12 {dimension_numbers = #tpu.dot_dimension_numbers<[1], [0], [0], [1], [0, 0, 1, 1], [], []>, transpose_lhs_hint = false} : vector<2048x64xf32>, vector<64x256xf32>, vector<2048x256xf32> -> vector<2048x256xf32>
    %add3A = arith.addf %dot_general3A_5, %dot_general3A_13 : vector<2048x256xf32>
    %get3A_14 = arith.constant 0 : index
    %get3A_15 = arith.constant 0 : index
    %get3A_16 = vector.load %arg5[%get3A_14, %get3A_15] : memref<1x256xf32, #tpu.memory_space<vmem>>, vector<1x256xf32>
    %add3A_17 = vector.broadcast %get3A_16 : vector<1x256xf32> to vector<2048x256xf32>
    %add3A_18 = arith.addf %add3A, %add3A_17 : vector<2048x256xf32>
    %max3A = arith.constant 0.000000e+00 : f32
    %max3A_19 = vector.broadcast %max3A : f32 to vector<2048x256xf32>
    %max3A_20 = arith.maximumf %add3A_18, %max3A_19 : vector<2048x256xf32>
    %get3A_21 = arith.constant 0 : index
    %get3A_22 = arith.constant 0 : index
    %get3A_23 = vector.load %arg6[%get3A_21, %get3A_22] : memref<256x128xf32, #tpu.memory_space<vmem>>, vector<256x128xf32>
    %dot_general3A_24 = arith.constant dense<0.000000e+00> : vector<2048x128xf32>
    %dot_general3A_25 = tpu.matmul %max3A_20, %get3A_23, %dot_general3A_24 {dimension_numbers = #tpu.dot_dimension_numbers<[1], [0], [0], [1], [0, 0, 1, 1], [], []>, transpose_lhs_hint = false} : vector<2048x256xf32>, vector<256x128xf32>, vector<2048x128xf32> -> vector<2048x128xf32>
    %get3A_26 = arith.constant 0 : index
    %get3A_27 = arith.constant 0 : index
    %get3A_28 = vector.load %arg7[%get3A_26, %get3A_27] : memref<1x128xf32, #tpu.memory_space<vmem>>, vector<1x128xf32>
    %add3A_29 = vector.broadcast %get3A_28 : vector<1x128xf32> to vector<2048x128xf32>
    %add3A_30 = arith.addf %dot_general3A_25, %add3A_29 : vector<2048x128xf32>
    %max3A_31 = arith.constant 0.000000e+00 : f32
    %max3A_32 = vector.broadcast %max3A_31 : f32 to vector<2048x128xf32>
    %max3A_33 = arith.maximumf %add3A_30, %max3A_32 : vector<2048x128xf32>
    %get3A_34 = arith.constant 0 : index
    %get3A_35 = arith.constant 0 : index
    %get3A_36 = vector.load %arg8[%get3A_34, %get3A_35] : memref<128x64xf32, #tpu.memory_space<vmem>>, vector<128x64xf32>
    %dot_general3A_37 = arith.constant dense<0.000000e+00> : vector<2048x64xf32>
    %dot_general3A_38 = tpu.matmul %max3A_33, %get3A_36, %dot_general3A_37 {dimension_numbers = #tpu.dot_dimension_numbers<[1], [0], [0], [1], [0, 0, 1, 1], [], []>, transpose_lhs_hint = false} : vector<2048x128xf32>, vector<128x64xf32>, vector<2048x64xf32> -> vector<2048x64xf32>
    %get3A_39 = arith.constant 0 : index
    %get3A_40 = arith.constant 0 : index
    %get3A_41 = vector.load %arg9[%get3A_39, %get3A_40] : memref<1x64xf32, #tpu.memory_space<vmem>>, vector<1x64xf32>
    %add3A_42 = vector.broadcast %get3A_41 : vector<1x64xf32> to vector<2048x64xf32>
    %add3A_43 = arith.addf %dot_general3A_38, %add3A_42 : vector<2048x64xf32>
    %max3A_44 = arith.constant 0.000000e+00 : f32
    %max3A_45 = vector.broadcast %max3A_44 : f32 to vector<2048x64xf32>
    %max3A_46 = arith.maximumf %add3A_43, %max3A_45 : vector<2048x64xf32>
    %get3A_47 = arith.constant 0 : index
    %get3A_48 = arith.constant 0 : index
    %get3A_49 = vector.load %arg10[%get3A_47, %get3A_48] : memref<64x1xf32, #tpu.memory_space<vmem>>, vector<64x1xf32>
    %dot_general3A_50 = arith.constant dense<0.000000e+00> : vector<2048x1xf32>
    %dot_general3A_51 = tpu.matmul %max3A_46, %get3A_49, %dot_general3A_50 {dimension_numbers = #tpu.dot_dimension_numbers<[1], [0], [0], [1], [0, 0, 1, 1], [], []>, transpose_lhs_hint = false} : vector<2048x64xf32>, vector<64x1xf32>, vector<2048x1xf32> -> vector<2048x1xf32>
    %get3A_52 = arith.constant 0 : index
    %get3A_53 = arith.constant 0 : index
    %get3A_54 = vector.load %arg11[%get3A_52, %get3A_53] : memref<1x1xf32, #tpu.memory_space<vmem>>, vector<1x1xf32>
    %add3A_55 = vector.broadcast %get3A_54 : vector<1x1xf32> to vector<2048x1xf32>
    %add3A_56 = arith.addf %dot_general3A_51, %add3A_55 : vector<2048x1xf32>
    %logistic3A = arith.negf %add3A_56 : vector<2048x1xf32>
    %logistic3A_57 = math.exp %logistic3A : vector<2048x1xf32>
    %logistic3A_58 = arith.constant 1.000000e+00 : f32
    %logistic3A_59 = vector.broadcast %logistic3A_58 : f32 to vector<2048x1xf32>
    %logistic3A_60 = arith.addf %logistic3A_59, %logistic3A_57 : vector<2048x1xf32>
    %logistic3A_61 = arith.divf %logistic3A_59, %logistic3A_60 : vector<2048x1xf32>
    %swap3A = arith.constant 0 : index
    %swap3A_62 = arith.constant 0 : index
    %swap3A_63 = vector.load %arg12[%swap3A, %swap3A_62] : memref<2048x1xf32, #tpu.memory_space<vmem>>, vector<2048x1xf32>
    tpu.vector_store %arg12[%swap3A, %swap3A_62], %logistic3A_61 {strides = array<i32>} : memref<2048x1xf32, #tpu.memory_space<vmem>>, vector<2048x1xf32>,
    return
  }
  func.func @transform_0(%arg0: i32) -> (i32, i32) {
    %c0_i32 = arith.constant 0 : i32
    %c0_i32_0 = arith.constant 0 : i32
    return %arg0, %c0_i32 : i32, i32
  }
  func.func @transform_1(%arg0: i32) -> (i32, i32) {
    %c0_i32 = arith.constant 0 : i32
    %c0_i32_0 = arith.constant 0 : i32
    return %arg0, %c0_i32 : i32, i32
  }
  func.func @transform_2(%arg0: i32) -> (i32, i32) {
    %c0_i32 = arith.constant 0 : i32
    %c0_i32_0 = arith.constant 0 : i32
    %c0_i32_1 = arith.constant 0 : i32
    return %c0_i32, %c0_i32_0 : i32, i32
  }
  func.func @transform_3(%arg0: i32) -> (i32, i32) {
    %c0_i32 = arith.constant 0 : i32
    %c0_i32_0 = arith.constant 0 : i32
    %c0_i32_1 = arith.constant 0 : i32
    return %c0_i32, %c0_i32_0 : i32, i32
  }
  func.func @transform_4(%arg0: i32) -> (i32, i32) {
    %c0_i32 = arith.constant 0 : i32
    %c0_i32_0 = arith.constant 0 : i32
    %c0_i32_1 = arith.constant 0 : i32
    return %c0_i32, %c0_i32_0 : i32, i32
  }
  func.func @transform_5(%arg0: i32) -> (i32, i32) {
    %c0_i32 = arith.constant 0 : i32
    %c0_i32_0 = arith.constant 0 : i32
    %c0_i32_1 = arith.constant 0 : i32
    return %c0_i32, %c0_i32_0 : i32, i32
  }
  func.func @transform_6(%arg0: i32) -> (i32, i32) {
    %c0_i32 = arith.constant 0 : i32
    %c0_i32_0 = arith.constant 0 : i32
    %c0_i32_1 = arith.constant 0 : i32
    return %c0_i32, %c0_i32_0 : i32, i32
  }
  func.func @transform_7(%arg0: i32) -> (i32, i32) {
    %c0_i32 = arith.constant 0 : i32
    %c0_i32_0 = arith.constant 0 : i32
    %c0_i32_1 = arith.constant 0 : i32
    return %c0_i32, %c0_i32_0 : i32, i32
  }
  func.func @transform_8(%arg0: i32) -> (i32, i32) {
    %c0_i32 = arith.constant 0 : i32
    %c0_i32_0 = arith.constant 0 : i32
    %c0_i32_1 = arith.constant 0 : i32
    return %c0_i32, %c0_i32_0 : i32, i32
  }
  func.func @transform_9(%arg0: i32) -> (i32, i32) {
    %c0_i32 = arith.constant 0 : i32
    %c0_i32_0 = arith.constant 0 : i32
    %c0_i32_1 = arith.constant 0 : i32
    return %c0_i32, %c0_i32_0 : i32, i32
  }
  func.func @transform_10(%arg0: i32) -> (i32, i32) {
    %c0_i32 = arith.constant 0 : i32
    %c0_i32_0 = arith.constant 0 : i32
    %c0_i32_1 = arith.constant 0 : i32
    return %c0_i32, %c0_i32_0 : i32, i32
  }
  func.func @transform_11(%arg0: i32) -> (i32, i32) {
    %c0_i32 = arith.constant 0 : i32
    %c0_i32_0 = arith.constant 0 : i32
    return %arg0, %c0_i32 : i32, i32
  }
}

</mosaic_0001>

<sc_bundles>
// kernel: kernel.4.cloned.1.call-start
scs
__scs_entry_jumppad:
0x0: {  	(pc) =	sbr.rel $0x88, $3  }
0x1: {  	(tag) =	ssettag $0x0;
	lr =	simm.s32 $0x1  }
0x2: {  	[smem:$0x3F95] =	sst lr;
	_ =	strace $0xD0000000  }
0x3: {  	_ = 	snop  }
0x4: {  	_ = 	snop  }
0x5: {  	_ = 	snop  }
0x6: {  	_ = 	snop  }
0x7: {  	_ = 	snop  }
__scs_overlays_trampoline_lowered:
0x8: {  	[smem:$0x3FA4] =	sst s0  }
0x9: {  	[smem:$0x3FA5] =	sst s1  }
0xa: {  	[smem:$0x3FA6] =	sst s2  }
0xb: {  	[smem:$0x3FA7] =	sst s3  }
0xc: {  	[smem:$0x3FA8] =	sst s4  }
0xd: {  	[smem:$0x3FA9] =	sst s5  }
0xe: {  	[smem:$0x3FAA] =	sst s6  }
0xf: {  	[smem:$0x3FAB] =	sst s7  }
0x10: {  	[smem:$0x3FAC] =	sst s8  }
0x11: {  	[smem:$0x3FAD] =	sst s9;
	s0 =	simm.s32 @!p0 $0x0  }
0x12: {  	s1 =	sld [smem:$0x3F93];
	s0 =	simm.s32 @p0 $0x1  }
0x13: {  	[smem:$0x3FAE] =	sst s0;
	s0 =	simm.s32 @!p1 $0x0  }
0x14: {  	s2 =	sld [smem:$0x3F92];
	s0 =	simm.s32 @p1 $0x1  }
0x15: {  	[smem:$0x3FAF] =	sst s0;
	s0 =	simm.s32 @!p2 $0x0  }
0x16: {  	s3 =	sld [smem:$0x3FDB];
	s0 =	simm.s32 @p2 $0x1  }
0x17: {  	s4 =	simm.s32 $0x1BF5;
	[smem:$0x3FB1] =	sst s0  }
0x18: {  	s0 =	sld [smem:$0x3F94];
	_ =	swait.ge [sflag:s4], $0x0  }
0x19: {  	s7 =	sld [smem:$0x3F95]  }
0x1a: {  	s8 =	sadd.s32 $0xFFFFE003, lr  }
0x1b: {  	s9 =	sadd.s32 $0xFFFFFEF7, lr;
	s5 =	simm.s32 $0xFFFFFFFF;
	p2 =	slt.u32 s8, $0xFFFFF086  }
0x1c: {  	p1 =	slt.u32 s9, $0xF7A;
	s5 =	simm.s32 @!p2 $0x0  }
0x1d: {  	s5 =	simm.s32 @p1 $0x1;
	p0 =	seq.s32 s7, s2  }
0x1e: {  	s7 =	smul.u32 @!p0 $0xF7A, s2;
	p2 =	seq.s32 @!p0 s5, $0x0  }
0x1f: {  	s9 =	smul.u32 $0xF7A, s1;
	s8 =	simm.s32 @!p0 $0x1BF5;
	p2 =	por !p2, p0  }
0x20: {  	[sflag:s8] =	ssyncset.s32 @!p0 $0xFFFFF086;
	s6 =	sadd.s32 @!p0 s3, s7;
	s7 =	simm.s32 @!p0 $0x108  }
0x21: {  	s3 =	sadd.s32 s3, s9;
	s6 =	sadd.s32 @!p0 $0x88, s6;
	s7 =	simm.s32 @p2 $0x1082  }
0x22: {  	[simem:s7], [sflag:s8] =	dma.local @!p0 [hbm:s6], $0xF7A  }
0x23: {  	s9 =	sor.u32 $0xD0000000, s2;
	s6 =	simm.s32 $0x108;
	_ =	swait.ge @!p0 [sflag:s8], $0x0  }
0x24: {  	s3 =	sadd.s32 $0x88, s3;
	s6 =	simm.s32 @!p1 $0x1082;
	[sflag:s4] =	ssyncset.s32 $0xFFFFF086  }
0x25: {  	[simem:s6], [sflag:s4] =	dma.local [hbm:s3], $0xF7A  }
0x26: {  	[smem:$0x3F95] =	sst s1;
	(tag) =	ssettag s2;
	_ =	strace s9  }
0x27: {  	s1 =	sld [smem:$0x3FA5]  }
0x28: {  	s2 =	sld [smem:$0x3FA6]  }
0x29: {  	s4 =	sld [smem:$0x3FA8]  }
0x2a: {  	p0 =	seq.s32 s5, $0x0;
	s5 =	sld [smem:$0x3FA9]  }
0x2b: {  	s6 =	sld [smem:$0x3FAA]  }
0x2c: {  	s7 =	sld [smem:$0x3FAB]  }
0x2d: {  	s3 =	simm.s32 $0x108;
	s8 =	sld [smem:$0x3FAC]  }
0x2e: {  	s3 =	simm.s32 @!p0 $0x1082;
	s9 =	sld [smem:$0x3FAD]  }
0x2f: {  	lr =	sadd.s32 s0, s3;
	s0 =	sld [smem:$0x3FA4]  }
0x30: {  	s3 =	sld [smem:$0x3FA7]  }
0x31: {  	[smem:$0x3FB0] =	sst s10  }
0x32: {  	s10 =	sld [smem:$0x3FAE];
	_ =	sdelay $0x3  }
0x33: {  	p0 =	seq.s32 s10, $0x1;
	s10 =	sld [smem:$0x3FB0];
	_ =	sdelay $0x3  }
0x34: {  	[smem:$0x3FB0] =	sst s10  }
0x35: {  	s10 =	sld [smem:$0x3FAF];
	_ =	sdelay $0x3  }
0x36: {  	p1 =	seq.s32 s10, $0x1;
	s10 =	sld [smem:$0x3FB0];
	_ =	sdelay $0x3  }
0x37: {  	[smem:$0x3FB0] =	sst s10  }
0x38: {  	s10 =	sld [smem:$0x3FB1]  }
0x39: {  	_ = 	snop;
	(pc) =	sbr.ind lr, $3  }
0x3a: {  	_ = 	snop  }
0x3b: {  	_ = 	snop  }
0x3c: {  	p2 =	seq.s32 s10, $0x1;
	s10 =	sld [smem:$0x3FB0]  }
0x3d: {  	_ =	shalt  }
0x3e: {  	_ =	shalt  }
0x3f: {  	_ =	shalt  }
0x40: {  	_ =	shalt  }
0x41: {  	_ =	shalt  }
0x42: {  	_ =	shalt  }
0x43: {  	_ =	shalt  }
0x44: {  	_ =	shalt  }
0x45: {  	_ =	shalt  }
0x46: {  	_ =	shalt  }
0x47: {  	_ =	shalt  }
0x48: {  	_ =	shalt  }
0x49: {  	_ =	shalt  }
0x4a: {  	_ =	shalt  }
0x4b: {  	_ =	shalt  }
0x4c: {  	_ =	shalt  }
0x4d: {  	_ =	shalt  }
0x4e: {  	_ =	shalt  }
0x4f: {  	_ =	shalt  }
0x50: {  	_ =	shalt  }
0x51: {  	_ =	shalt  }
0x52: {  	_ =	shalt  }
0x53: {  	_ =	shalt  }
0x54: {  	_ =	shalt  }
0x55: {  	_ =	shalt  }
0x56: {  	_ =	shalt  }
0x57: {  	_ =	shalt  }
0x58: {  	_ =	shalt  }
0x59: {  	_ =	shalt  }
0x5a: {  	_ =	shalt  }
0x5b: {  	_ =	shalt  }
0x5c: {  	_ =	shalt  }
0x5d: {  	_ =	shalt  }
0x5e: {  	_ =	shalt  }
0x5f: {  	_ =	shalt  }
0x60: {  	_ =	shalt  }
0x61: {  	_ =	shalt  }
0x62: {  	_ =	shalt  }
0x63: {  	_ =	shalt  }
0x64: {  	_ =	shalt  }
0x65: {  	_ =	shalt  }
0x66: {  	_ =	shalt  }
0x67: {  	_ =	shalt  }
0x68: {  	_ =	shalt  }
0x69: {  	_ =	shalt  }
0x6a: {  	_ =	shalt  }
0x6b: {  	_ =	shalt  }
0x6c: {  	_ =	shalt  }
0x6d: {  	_ =	shalt  }
0x6e: {  	_ =	shalt  }
0x6f: {  	_ =	shalt  }
0x70: {  	_ =	shalt  }
0x71: {  	_ =	shalt  }
0x72: {  	_ =	shalt  }
0x73: {  	_ =	shalt  }
0x74: {  	_ =	shalt  }
0x75: {  	_ =	shalt  }
0x76: {  	_ =	shalt  }
0x77: {  	_ =	shalt  }
0x78: {  	_ =	shalt  }
0x79: {  	_ =	shalt  }
0x7a: {  	_ =	shalt  }
0x7b: {  	_ =	shalt  }
0x7c: {  	_ =	shalt  }
0x7d: {  	_ =	shalt  }
0x7e: {  	_ =	shalt  }
0x7f: {  	_ =	shalt  }
0x80: {  	_ =	shalt  }
0x81: {  	_ =	shalt  }
0x82: {  	_ =	shalt  }
0x83: {  	_ =	shalt  }
0x84: {  	_ =	shalt  }
0x85: {  	_ =	shalt  }
0x86: {  	_ =	shalt  }
0x87: {  	_ =	shalt  }
.Lfunc_end0:
.L_simem_size_0:
called_computation_lowered:
.L_overlay_start_0:
0x88: {  	s2 =	sld [smem:$0x3FD9]  }
0x89: {  	s3 =	sld [smem:$0x3FFE];
	_ =	sdelay $0x1  }
0x8a: {  	s1 =	srdreg.scid  }
0x8b: {  	s0 =	sand.u32 $0x1, s1  }
0x8c: {  	s17 =	sshll.u32 s0, $0xA;
	s2 =	sadd.s32 s3, s2  }
0x8d: {  	s2 =	sadd.s32 s2, s17  }
0x8e: {  	[smem:$0x3FBC] =	sst s2  }
0x8f: {  	_ = 	snop  }
0x90: {  	s2 =	sld [smem:$0x3FC9]  }
0x91: {  	s18 =	sld [smem:$0x3FC8];
	(tm) =	ssettm $0x1  }
0x92: {  	s4 =	sld [smem:$0x3FFB];
	_ =	sdelay $0x3  }
0x93: {  	_ =	strace s4  }
0x94: {  	s4 =	sld [smem:$0x3FFC];
	_ =	sdelay $0x3  }
0x95: {  	_ =	strace s4  }
0x96: {  	s4 =	sld [smem:$0x3FFD];
	_ =	sdelay $0x3  }
0x97: {  	_ =	strace s4  }
0x98: {  	_ =	strace $0x8FFFFFFF  }
0x99: {  	s19 =	sld [smem:$0x3FDB];
	_ =	sdelay $0x1  }
0x9a: {  	s5 =	simm.s32 $_scs_section_size  }
0x9b: {  	s6 =	simm.s32 $_size__tile_overlayer_lowered;
	s7 =	simm.s32 $_tile_overlayer_lowered  }
0x9c: {  	s22 =	simm.s32 $0x1BFF;
	s21 =	sshll.u32 s7, $0x1;
	s4 =	sadd.s32 s5, s19  }
0x9d: {  	s8 =	simm.s32 $0x0;
	s20 =	sshll.u32 s6, $0x1;
	s6 =	sadd.s32 s21, s4  }
0x9e: {  	[timem:s8], [sflag:s22] =	dma.local [hbm:s6], s20  }
0x9f: {  	_ =	swait.ge [sflag:s22], s20  }
0xa0: {  	s5 =	ssub.s32 $0x0, s20;
	[sflag:s22] =	ssyncset.done $0x0  }
0xa1: {  	[sflag:s22] =	ssyncadd.s32 s5;
	_ =	sdelay $0x1  }
0xa2: {  	s23 =	simm.s32 $0x1B8B  }
0xa3: {  	_ =	swait.ge [sflag:s23], $0x1  }
0xa4: {  	[sflag:s23] =	ssyncset.done $0x0  }
0xa5: {  	s25 =	simm.s32 $0x1B8E;
	s24 =	sld [smem:$0x3FFE];
	[sflag:s23] =	ssyncadd.s32 $0xFFFFFFFF  }
0xa6: {  	s26 =	simm.s32 $execute0_lowered;
	[smem:$0x3FD2] =	sst s25  }
0xa7: {  	s6 =	sshll.u32 s26, $0x1;
	_ =	strace $0x80000046;
	[dreg:$0x1] =	wrdreg $0xFFFFFFFF  }
0xa8: {  	s28 =	simm.s32 $_size_execute0_lowered;
	s4 =	sadd.s32 s4, s6;
	[dreg:$0x0] =	wrdreg $0x0  }
0xa9: {  	s6 =	sshll.u32 s28, $0x1;
	[dreg:$0x2] =	wrdreg s4  }
0xaa: {  	[dreg:$0x3] =	wrdreg s6  }
0xab: {  	[dreg:$0x4] =	wrdreg $0xC0  }
0xac: {  	_ =	task [dreg:s8], $0x5FFFF  }
0xad: {  	[dreg:$0x1] =	wrdreg $0xFFFFFFFF  }
0xae: {  	[dreg:$0x0] =	wrdreg $0x60  }
0xaf: {  	[dreg:$0x2] =	wrdreg s2  }
0xb0: {  	[dreg:$0x3] =	wrdreg s18  }
0xb1: {  	[dreg:$0x4] =	wrdreg s24  }
0xb2: {  	[dreg:$0x5] =	wrdreg $0x9  }
0xb3: {  	_ =	task.clear_ibuf [dreg:s8], $0x6FFFF;
	_ =	strace $0x90000046  }
0xb4: {  	s29 =	simm.s32 $0x9;
	_ =	strace $0x80000048  }
0xb5: {  	_ =	swait.ge [sflag:s29], $0x1  }
0xb6: {  	[sflag:s29] =	ssyncadd.s32 $0xFFFFFFFF  }
0xb7: {  	_ =	strace $0x90000048  }
0xb8: {  	_ =	sfence  }
0xb9: {  	s30 =	sld [smem:$0x0];
	_ =	sdelay $0x2  }
0xba: {  	s31 =	sshll.u32 s1, $0xD;
	s1 =	sshrl.u32 s1, $0x2  }
0xbb: {  	s3 =	sand.u32 $0x4000, s31;
	s1 =	sadd.s32 s1, s30  }
0xbc: {  	s0 =	sor.u32 s3, s0;
	s1 =	sshll.u32 s1, $0x11  }
0xbd: {  	s0 =	sor.u32 s1, s0  }
0xbe: {  	s0 =	sadd.s32 $0x8F2B, s0  }
0xbf: {  	[sflag:s0] =	ssyncadd.remote.s32 $0x1  }
0xc0: {  	_ =	sfence.sel $0xFFFF  }
0xc1: {  	[dreg:$0x0] =	wrdreg $0xFFFFFFFF;
	(pc) =	sbr.abs _section_cstart, $3  }
0xc2: {  	[dreg:$0x1] =	wrdreg $0xFFFFFFFF  }
0xc3: {  	_ =	task.clear_ibuf [dreg:s8], $0x2FFFF;
	_ =	strace $0x9FFFFFFF  }
0xc4: {  	(tm) =	ssettm $0x7FFFFFFF  }
0xc5: {  	_ =	shalt  }
tec
execute0_lowered:
.L_overlay_start_1:
0x0: {  	(tag) =	ssettag $0x1  }
0x1: {  	s0 =	rddreg [dreg:$0x0]  }
0x2: {  	s2 =	rddreg [dreg:$0x1]  }
0x3: {  	s5 =	rddreg [dreg:$0x2];
	s6 =	srdreg.scid  }
0x4: {  	s1 =	simm.s32 $0x0;
	s9 =	stileid.u32;
	s6 =	sand.u32 $0x1, s6  }
0x5: {  	s9 =	sshll.u32 s9, $0xA;
	s8 =	ssub.s32 $0x2, s6;
	s6 =	sshll.u32 s6, $0x9  }
0x6: {  	[smem:$0x7FF] =	sst s1;
	s3 =	sadd.s32 $0x1A00, s5;
	s6 =	sor.u32 s6, s9  }
0x7: {  	s4 =	sadd.s32 $0xF43E00, s5;
	s7 =	sadd.s32 $0x1E86200, s5;
	s9 =	sshrl.u32 s6, $0x3  }
0x8: {  	s5 =	sadd.s32 $0x1EC6200, s5;
	_ =	strace $0x80000047;
	s0 =	sadd.s32 s0, s9  }
0x9: {  	s6 =	sshll.u32 s6, $0x4;
	s20 =	sadd.s32 s2, s9;
	[smem:$0x7F3] =	sst s0  }
0xa: {  	s10 =	sshrl.u32 s8, $0x1;
	s22 =	sadd.s32 s7, s6;
	[smem:$0x7F4] =	sst s20  }
0xb: {  	s8 =	ssub.s32 s8, s10;
	s23 =	sadd.s32 s5, s6;
	[smem:$0x7F5] =	sst s22  }
0xc: {  	s21 =	sor.u32 $0x800, s6;
	s31 =	smax.u32 s8, $0x1;
	[smem:$0x7F6] =	sst s23  }
0xd: {  	s24 =	sadd.s32 s7, s21;
	[smem:$0x7FD] =	sst s31  }
0xe: {  	s25 =	sor.u32 $0x1000, s6;
	s0 =	sadd.s32 s5, s21;
	[smem:$0x7F7] =	sst s24  }
0xf: {  	s26 =	sor.u32 $0x1800, s6;
	s28 =	sadd.s32 s7, s25;
	[smem:$0x7F8] =	sst s0  }
0x10: {  	s29 =	sadd.s32 s7, s26;
	[smem:$0x7F9] =	sst s28  }
0x11: {  	s30 =	sadd.s32 s5, s26;
	[smem:$0x7FB] =	sst s29  }
0x12: {  	s0 =	sadd.s32 s5, s25;
	[smem:$0x7FC] =	sst s30  }
0x13: {  	s6 =	simm.s32 $0x9;
	s2 =	simm.s32 $0x0;
	[smem:$0x7FA] =	sst s0  }
.LBB2_1:
0x14: {  	s18 =	sld [smem:$0x7F3];
	_ =	sdelay $0x1  }
0x15: {  	[smem:$0x7F2] =	sst s2;
	s0 =	simm.s32 $0x10000  }
0x16: {  	[tilespmem:s0], [sflag:$0x9] =	stream.linear.gather [hbm4b:s18+s1], $0x200, $0x38;
	[tilespmem:$0x10400] =	vst v63  }
0x17: {  	_ =	swait.ge [sflag:s6], $0x200  }
0x18: {  	s5 =	sld [smem:$0x7F4]  }
0x19: {  	[sflag:s6] =	ssyncset.done $0x0  }
0x1a: {  	s19 =	simm.s32 $0x10200;
	[sflag:s6] =	ssyncadd.s32 $0xFFFFFE00  }
0x1b: {  	[tilespmem:s19], [sflag:$0x9] =	stream.linear.gather [hbm4b:s5+s1], $0x200, $0x38;
	[tilespmem:$0x10400] =	vst v63  }
0x1c: {  	_ =	swait.ge [sflag:s6], $0x200  }
0x1d: {  	[sflag:s6] =	ssyncset.done $0x0  }
0x1e: {  	[sflag:s6] =	ssyncadd.s32 $0xFFFFFE00  }
0x1f: {  	v0 =	vld [tilespmem:s19+$0x0]  }
0x20: {  	v1 =	vld [tilespmem:s0+$0x0];
	_ =	sdelay $0x3  }
0x21: {  	v0 =	vshll.u32 v0, $0x4  }
0x22: {  	v1 =	vshll.u32 v1, $0x4;
	(v2sf) =	vpush v0, $0x0  }
0x23: {  	(v2sf) =	vpush v1, $0x0  }
0x24: {  	(v2sf) =	vpush v1, $0x1  }
0x25: {  	(v2sf) =	vpush v0, $0x1;
	_ =	sdelay $0x1  }
0x26: {  	(v2sf) =	vpush v1, $0x2  }
0x27: {  	(v2sf) =	vpush v0, $0x2;
	_ =	sdelay $0x1  }
0x28: {  	(v2sf) =	vpush v1, $0x3;
	_ =	sdelay $0x1  }
0x29: {  	(v2sf) =	vpush v0, $0x3  }
0x2a: {  	s30 =	simm.s32 $0x2000  }
0x2b: {  	s31 =	simm.s32 $0x0;
	s20 =	simm.s32 $0x8000;
	s2 =	simm.s32 $0x8280  }
0x2c: {  	s8 =	simm.s32 $0x200;
	s9 =	simm.s32 $0x8200;
	s22 =	simm.s32 $0x100  }
0x2d: {  	s23 =	simm.s32 $0x80;
	s26 =	simm.s32 $0x8080;
	s29 =	simm.s32 $0x180  }
0x2e: {  	s14 =	simm.s32 $0x8100;
	s5 =	simm.s32 $0x500;
	s7 =	spop (v2sf)  }
0x2f: {  	s0 =	simm.s32 $0x8400;
	s19 =	simm.s32 $0x8180;
	(v2sf) =	vpush v1, $0x4;
	s21 =	spop (v2sf)  }
0x30: {  	s7 =	sand.u32 $0x1FFFFFF0, s7;
	s10 =	sand.u32 $0x1FFFFFF0, s21;
	s11 =	spop (v2sf)  }
0x31: {  	(v2sf) =	vpush v0, $0x4;
	s7 =	sadd.s32 s4, s7;
	s10 =	sadd.s32 s3, s10;
	s25 =	spop (v2sf)  }
0x32: {  	(v2sf) =	vpush v1, $0x5;
	[tilespmem:s31], [sflag:$0x1] =	stream.linear.gather [hbm4b:s10+s1], $0x80, $0x38;
	[tilespmem:$0x10400] =	vst v63  }
0x33: {  	s21 =	simm.s32 $0x280;
	s24 =	sand.u32 $0x1FFFFFF0, s11;
	s12 =	spop (v2sf)  }
0x34: {  	(v2sf) =	vpush v0, $0x5;
	s11 =	sand.u32 $0x1FFFFFF0, s25;
	s28 =	sand.u32 $0x1FFFFFF0, s12;
	s13 =	spop (v2sf)  }
0x35: {  	[tilespmem:s20], [sflag:$0x1] =	stream.linear.gather [hbm4b:s7+s1], $0x80, $0x38;
	[tilespmem:$0x10400] =	vst v63  }
0x36: {  	s7 =	sadd.s32 s3, s24;
	s15 =	sand.u32 $0x1FFFFFF0, s13;
	s16 =	spop (v2sf)  }
0x37: {  	[tilespmem:s23], [sflag:$0x2] =	stream.linear.gather [hbm4b:s7+s1], $0x80, $0x38;
	[tilespmem:$0x10400] =	vst v63  }
0x38: {  	(v2sf) =	vpush v1, $0x6;
	s11 =	sadd.s32 s4, s11;
	s17 =	spop (v2sf);
	s10 =	sadd.s32 s4, s15  }
0x39: {  	[tilespmem:s26], [sflag:$0x2] =	stream.linear.gather [hbm4b:s11+s1], $0x80, $0x38;
	[tilespmem:$0x10400] =	vst v63  }
0x3a: {  	(v2sf) =	vpush v0, $0x6;
	s7 =	sadd.s32 s3, s28;
	s18 =	sand.u32 $0x1FFFFFF0, s17;
	s11 =	sand.u32 $0x1FFFFFF0, s16  }
0x3b: {  	[tilespmem:s22], [sflag:$0x3] =	stream.linear.gather [hbm4b:s7+s1], $0x80, $0x38;
	[tilespmem:$0x10400] =	vst v63  }
0x3c: {  	(v2sf) =	vpush v1, $0x7;
	s26 =	simm.s32 $0x300;
	s11 =	sadd.s32 s3, s11;
	s7 =	sadd.s32 s4, s18  }
0x3d: {  	[tilespmem:s14], [sflag:$0x3] =	stream.linear.gather [hbm4b:s10+s1], $0x80, $0x38;
	[tilespmem:$0x10400] =	vst v63  }
0x3e: {  	s18 =	simm.s32 $0x8300;
	s10 =	simm.s32 $0x8500;
	s20 =	spop (v2sf)  }
0x3f: {  	[tilespmem:s29], [sflag:$0x4] =	stream.linear.gather [hbm4b:s11+s1], $0x80, $0x38;
	[tilespmem:$0x10400] =	vst v63  }
0x40: {  	(v2sf) =	vpush v0, $0x7;
	s22 =	sand.u32 $0x1FFFFFF0, s20;
	s23 =	spop (v2sf);
	s29 =	simm.s32 $0x8380  }
0x41: {  	(v2sf) =	vpush v1, $0x8;
	s20 =	simm.s32 $0x380;
	s11 =	sand.u32 $0x1FFFFFF0, s23;
	s24 =	spop (v2sf)  }
0x42: {  	[tilespmem:s19], [sflag:$0x4] =	stream.linear.gather [hbm4b:s7+s1], $0x80, $0x38;
	[tilespmem:$0x10400] =	vst v63  }
0x43: {  	(v2sf) =	vpush v0, $0x8;
	s7 =	sadd.s32 s3, s22;
	s25 =	sand.u32 $0x1FFFFFF0, s24;
	s28 =	spop (v2sf)  }
0x44: {  	(v2sf) =	vpush v1, $0x9;
	[tilespmem:s8], [sflag:$0x1] =	stream.linear.gather [hbm4b:s7+s1], $0x80, $0x38;
	[tilespmem:$0x10400] =	vst v63  }
0x45: {  	s11 =	sadd.s32 s4, s11;
	s24 =	simm.s32 $0x400;
	s12 =	sand.u32 $0x1FFFFFF0, s28  }
0x46: {  	[tilespmem:s9], [sflag:$0x1] =	stream.linear.gather [hbm4b:s11+s1], $0x80, $0x38;
	[tilespmem:$0x10400] =	vst v63  }
0x47: {  	(v2sf) =	vpush v0, $0x9;
	s14 =	spop (v2sf);
	s8 =	simm.s32 $0x580;
	s7 =	sadd.s32 s3, s25  }
0x48: {  	[tilespmem:s21], [sflag:$0x2] =	stream.linear.gather [hbm4b:s7+s1], $0x80, $0x38;
	[tilespmem:$0x10400] =	vst v63  }
0x49: {  	s15 =	sand.u32 $0x1FFFFFF0, s14;
	s13 =	spop (v2sf);
	(v2sf) =	vpush v1, $0xA;
	s7 =	sadd.s32 s4, s12  }
0x4a: {  	[tilespmem:s2], [sflag:$0x2] =	stream.linear.gather [hbm4b:s7+s1], $0x80, $0x38;
	[tilespmem:$0x10400] =	vst v63  }
0x4b: {  	s16 =	sand.u32 $0x1FFFFFF0, s13;
	s17 =	sadd.s32 s3, s15;
	s19 =	spop (v2sf);
	(v2sf) =	vpush v0, $0xA  }
0x4c: {  	[tilespmem:s26], [sflag:$0x3] =	stream.linear.gather [hbm4b:s17+s1], $0x80, $0x38;
	[tilespmem:$0x10400] =	vst v63  }
0x4d: {  	s9 =	simm.s32 $0x8580;
	(v2sf) =	vpush v1, $0xB;
	s21 =	sand.u32 $0x1FFFFFF0, s19;
	s2 =	sadd.s32 s4, s16  }
0x4e: {  	[tilespmem:s18], [sflag:$0x3] =	stream.linear.gather [hbm4b:s2+s1], $0x80, $0x38;
	[tilespmem:$0x10400] =	vst v63  }
0x4f: {  	s7 =	sadd.s32 s3, s21;
	s26 =	simm.s32 $0x480;
	s22 =	spop (v2sf)  }
0x50: {  	s2 =	simm.s32 $0x10010;
	s11 =	sand.u32 $0x1FFFFFF0, s22;
	s23 =	spop (v2sf)  }
0x51: {  	(v2sf) =	vpush v0, $0xB;
	[tilespmem:s20], [sflag:$0x4] =	stream.linear.gather [hbm4b:s7+s1], $0x80, $0x38;
	[tilespmem:$0x10400] =	vst v63  }
0x52: {  	s25 =	sand.u32 $0x1FFFFFF0, s23;
	s11 =	sadd.s32 s4, s11;
	s28 =	spop (v2sf)  }
0x53: {  	(v2sf) =	vpush v1, $0xC;
	s23 =	simm.s32 $0x600;
	s7 =	sadd.s32 s3, s25;
	s13 =	spop (v2sf)  }
0x54: {  	[tilespmem:s29], [sflag:$0x4] =	stream.linear.gather [hbm4b:s11+s1], $0x80, $0x38;
	[tilespmem:$0x10400] =	vst v63  }
0x55: {  	(v2sf) =	vpush v0, $0xC;
	s12 =	sand.u32 $0x1FFFFFF0, s28;
	s29 =	simm.s32 $0x8480;
	s11 =	sand.u32 $0x1FFFFFF0, s13  }
0x56: {  	s14 =	spop (v2sf);
	(v2sf) =	vpush v1, $0xD;
	s13 =	simm.s32 $0x8700;
	s15 =	sadd.s32 s3, s11  }
0x57: {  	[tilespmem:s24], [sflag:$0x1] =	stream.linear.gather [hbm4b:s7+s1], $0x80, $0x38;
	[tilespmem:$0x10400] =	vst v63  }
0x58: {  	(v2sf) =	vpush v0, $0xD;
	s16 =	spop (v2sf);
	s7 =	sadd.s32 s4, s12;
	s12 =	sand.u32 $0x1FFFFFF0, s14  }
0x59: {  	[tilespmem:s0], [sflag:$0x1] =	stream.linear.gather [hbm4b:s7+s1], $0x80, $0x38;
	[tilespmem:$0x10400] =	vst v63  }
0x5a: {  	(v2sf) =	vpush v1, $0xE;
	s6 =	sand.u32 $0x1FFFFFF0, s16;
	s18 =	spop (v2sf);
	s17 =	sadd.s32 s4, s12  }
0x5b: {  	[tilespmem:s26], [sflag:$0x2] =	stream.linear.gather [hbm4b:s15+s1], $0x80, $0x38;
	[tilespmem:$0x10400] =	vst v63  }
0x5c: {  	s11 =	sand.u32 $0x1FFFFFF0, s18;
	s19 =	spop (v2sf);
	s6 =	sadd.s32 s3, s6  }
0x5d: {  	[tilespmem:s29], [sflag:$0x2] =	stream.linear.gather [hbm4b:s17+s1], $0x80, $0x38;
	[tilespmem:$0x10400] =	vst v63  }
0x5e: {  	s0 =	simm.s32 $0x10210;
	s7 =	sand.u32 $0x1FFFFFF0, s19;
	s20 =	sadd.s32 s4, s11  }
0x5f: {  	[tilespmem:s5], [sflag:$0x3] =	stream.linear.gather [hbm4b:s6+s1], $0x80, $0x38;
	[tilespmem:$0x10400] =	vst v63  }
0x60: {  	s22 =	sadd.s32 s3, s7;
	s6 =	simm.s32 $0x8600;
	s21 =	spop (v2sf)  }
0x61: {  	[tilespmem:s10], [sflag:$0x3] =	stream.linear.gather [hbm4b:s20+s1], $0x80, $0x38;
	[tilespmem:$0x10400] =	vst v63  }
0x62: {  	s5 =	simm.s32 $0x8680;
	s10 =	sand.u32 $0x1FFFFFF0, s21;
	s24 =	spop (v2sf)  }
0x63: {  	[tilespmem:s8], [sflag:$0x4] =	stream.linear.gather [hbm4b:s22+s1], $0x80, $0x38;
	[tilespmem:$0x10400] =	vst v63  }
0x64: {  	s21 =	simm.s32 $0x0;
	s10 =	sadd.s32 s4, s10;
	s25 =	spop (v2sf)  }
0x65: {  	s11 =	sand.u32 $0x1FFFFFF0, s24;
	s26 =	sand.u32 $0x1FFFFFF0, s25;
	s28 =	spop (v2sf)  }
0x66: {  	[tilespmem:s9], [sflag:$0x4] =	stream.linear.gather [hbm4b:s10+s1], $0x80, $0x38;
	[tilespmem:$0x10400] =	vst v63  }
0x67: {  	s11 =	sadd.s32 s3, s11;
	(v2sf) =	vpush v0, $0xE;
	s8 =	sand.u32 $0x1FFFFFF0, s28;
	s29 =	spop (v2sf)  }
0x68: {  	(v2sf) =	vpush v1, $0xF;
	[tilespmem:s23], [sflag:$0x1] =	stream.linear.gather [hbm4b:s11+s1], $0x80, $0x38;
	[tilespmem:$0x10400] =	vst v63  }
0x69: {  	(v2sf) =	vpush v0, $0xF;
	s9 =	sand.u32 $0x1FFFFFF0, s29;
	s10 =	spop (v2sf);
	s11 =	sadd.s32 s4, s26  }
.LBB2_2:
0x6a: {  	_ =	sdelay $0x4  }
0x6b: {  	[tilespmem:s6], [sflag:$0x1] =	stream.linear.gather [hbm4b:s11+s21], $0x80, $0x38;
	[tilespmem:$0x10400] =	vst v63  }
0x6c: {  	s14 =	sadd.s32 $0x680, s31;
	s8 =	sadd.s32 s3, s8  }
0x6d: {  	[tilespmem:s14], [sflag:$0x2] =	stream.linear.gather [hbm4b:s8+s21], $0x80, $0x38;
	[tilespmem:$0x10400] =	vst v63  }
0x6e: {  	s16 =	sadd.s32 s4, s9;
	s17 =	sand.u32 $0x1FFFFFF0, s10  }
0x6f: {  	[tilespmem:s5], [sflag:$0x2] =	stream.linear.gather [hbm4b:s16+s21], $0x80, $0x38;
	[tilespmem:$0x10400] =	vst v63  }
0x70: {  	s19 =	sadd.s32 $0x700, s31;
	s20 =	sadd.s32 s3, s17  }
0x71: {  	[tilespmem:s19], [sflag:$0x3] =	stream.linear.gather [hbm4b:s20+s21], $0x80, $0x38;
	[tilespmem:$0x10400] =	vst v63  }
0x72: {  	s15 =	spop (v2sf)  }
0x73: {  	s18 =	sand.u32 $0x1FFFFFF0, s15;
	s22 =	spop (v2sf)  }
0x74: {  	s23 =	sadd.s32 s4, s18;
	s24 =	sand.u32 $0x1FFFFFF0, s22;
	s25 =	spop (v2sf)  }
0x75: {  	[tilespmem:s13], [sflag:$0x3] =	stream.linear.gather [hbm4b:s23+s21], $0x80, $0x38;
	[tilespmem:$0x10400] =	vst v63  }
0x76: {  	s26 =	sadd.s32 $0x780, s31;
	s6 =	sadd.s32 s3, s24;
	s7 =	sand.u32 $0x1FFFFFF0, s25  }
0x77: {  	[tilespmem:s26], [sflag:$0x4] =	stream.linear.gather [hbm4b:s6+s21], $0x80, $0x38;
	[tilespmem:$0x10400] =	vst v63  }
0x78: {  	s28 =	sadd.s32 $0x8780, s31;
	s29 =	sadd.s32 s4, s7  }
0x79: {  	[tilespmem:s28], [sflag:$0x4] =	stream.linear.gather [hbm4b:s29+s21], $0x80, $0x38;
	[tilespmem:$0x10400] =	vst v63  }
0x7a: {  	v0 =	vld [tilespmem:s0+$0x0]  }
0x7b: {  	v1 =	vld [tilespmem:s2+$0x0];
	_ =	sdelay $0x3  }
0x7c: {  	v0 =	vshll.u32 v0, $0x4  }
0x7d: {  	v1 =	vshll.u32 v1, $0x4;
	(v2sf) =	vpush v0, $0x0  }
0x7e: {  	(v2sf) =	vpush v1, $0x0  }
0x7f: {  	s6 =	smov.u32 s30;
	(v2sf) =	vpush v1, $0x1  }
0x80: {  	p0 =	sne.s32 s30, $0xE000;
	s31 =	sshra.s32 s6, $0x2;
	(v2sf) =	vpush v0, $0x1  }
0x81: {  	s30 =	sadd.s32 $0x2000, s30;
	s21 =	simm.s32 $0x0;
	s26 =	sadd.s32 $0x8000, s31  }
0x82: {  	s8 =	sadd.s32 $0x8280, s31;
	s5 =	sadd.s32 $0x8400, s31;
	s24 =	sadd.s32 $0x200, s31;
	(v2sf) =	vpush v1, $0x2  }
0x83: {  	s22 =	sadd.s32 $0x8200, s31;
	s7 =	sadd.s32 $0x500, s31;
	s29 =	sadd.s32 $0x100, s31  }
0x84: {  	s16 =	sadd.s32 $0x180, s31;
	s9 =	sadd.s32 $0x8500, s31;
	[dreg:$0x12] =	wrdreg s5;
	(v2sf) =	vpush v0, $0x2  }
0x85: {  	s25 =	sadd.s32 $0x8100, s31;
	s23 =	sadd.s32 $0x280, s31;
	[dreg:$0xe] =	wrdreg s7  }
0x86: {  	s10 =	sadd.s32 $0x580, s31;
	s19 =	sadd.s32 $0x300, s31;
	[dreg:$0xc] =	wrdreg s9;
	(v2sf) =	vpush v1, $0x3  }
0x87: {  	s11 =	sadd.s32 $0x8580, s31;
	s18 =	sadd.s32 $0x8300, s31;
	[dreg:$0xa] =	wrdreg s10  }
0x88: {  	s12 =	sadd.s32 $0x400, s31;
	s28 =	sadd.s32 $0x80, s31;
	[dreg:$0x8] =	wrdreg s11;
	(v2sf) =	vpush v0, $0x3  }
0x89: {  	s13 =	sadd.s32 $0x480, s31;
	s14 =	sadd.s32 $0x8480, s31;
	[smem:$0x7F1] =	sst s12  }
0x8a: {  	s20 =	sadd.s32 $0x380, s31;
	s6 =	sadd.s32 $0x8600, s31;
	[dreg:$0x1c] =	wrdreg s13  }
0x8b: {  	s10 =	sadd.s32 $0x8380, s31;
	s7 =	sadd.s32 $0x8080, s31;
	[dreg:$0x1a] =	wrdreg s14  }
0x8c: {  	s0 =	sadd.s32 $0x10, s0;
	s9 =	sadd.s32 $0x8700, s31;
	(v2sf) =	vpush v1, $0x4;
	s15 =	spop (v2sf)  }
0x8d: {  	s2 =	sadd.s32 $0x10, s2;
	s5 =	sadd.s32 $0x8680, s31;
	s17 =	spop (v2sf)  }
0x8e: {  	(v2sf) =	vpush v0, $0x4;
	s12 =	sand.u32 $0x1FFFFFF0, s15;
	s14 =	sand.u32 $0x1FFFFFF0, s17;
	s15 =	spop (v2sf)  }
0x8f: {  	(v2sf) =	vpush v1, $0x5;
	s12 =	sadd.s32 s4, s12;
	s14 =	sadd.s32 s3, s14;
	s17 =	spop (v2sf)  }
0x90: {  	[tilespmem:s31], [sflag:$0x1] =	stream.linear.gather [hbm4b:s14+s21], $0x80, $0x38;
	[tilespmem:$0x10400] =	vst v63  }
0x91: {  	s15 =	sand.u32 $0x1FFFFFF0, s15;
	(v2sf) =	vpush v0, $0x5;
	s14 =	sand.u32 $0x1FFFFFF0, s17;
	s17 =	spop (v2sf)  }
0x92: {  	[tilespmem:s26], [sflag:$0x1] =	stream.linear.gather [hbm4b:s12+s21], $0x80, $0x38;
	[tilespmem:$0x10400] =	vst v63  }
0x93: {  	(v2sf) =	vpush v1, $0x6;
	s26 =	sadd.s32 s3, s15;
	s15 =	sand.u32 $0x1FFFFFF0, s17;
	s17 =	spop (v2sf)  }
0x94: {  	[tilespmem:s28], [sflag:$0x2] =	stream.linear.gather [hbm4b:s26+s21], $0x80, $0x38;
	[tilespmem:$0x10400] =	vst v63  }
0x95: {  	(v2sf) =	vpush v0, $0x6;
	s15 =	sadd.s32 s3, s15;
	s26 =	sadd.s32 s4, s14;
	s28 =	spop (v2sf)  }
0x96: {  	(v2sf) =	vpush v1, $0x7;
	[tilespmem:s7], [sflag:$0x2] =	stream.linear.gather [hbm4b:s26+s21], $0x80, $0x38;
	[tilespmem:$0x10400] =	vst v63  }
0x97: {  	s14 =	sand.u32 $0x1FFFFFF0, s17;
	s26 =	sand.u32 $0x1FFFFFF0, s28;
	s28 =	spop (v2sf)  }
0x98: {  	(v2sf) =	vpush v0, $0x7;
	[tilespmem:s29], [sflag:$0x3] =	stream.linear.gather [hbm4b:s15+s21], $0x80, $0x38;
	[tilespmem:$0x10400] =	vst v63  }
0x99: {  	s13 =	sadd.s32 $0x8180, s31;
	s11 =	sadd.s32 $0x600, s31;
	s29 =	sadd.s32 s4, s14  }
0x9a: {  	[tilespmem:s25], [sflag:$0x3] =	stream.linear.gather [hbm4b:s29+s21], $0x80, $0x38;
	[tilespmem:$0x10400] =	vst v63  }
0x9b: {  	s17 =	spop (v2sf);
	s26 =	sadd.s32 s3, s26;
	s14 =	sand.u32 $0x1FFFFFF0, s28  }
0x9c: {  	(v2sf) =	vpush v1, $0x8;
	[tilespmem:s16], [sflag:$0x4] =	stream.linear.gather [hbm4b:s26+s21], $0x80, $0x38;
	[tilespmem:$0x10400] =	vst v63  }
0x9d: {  	s28 =	sand.u32 $0x1FFFFFF0, s17;
	s29 =	spop (v2sf);
	s16 =	sadd.s32 s4, s14  }
0x9e: {  	(v2sf) =	vpush v0, $0x8;
	s17 =	sand.u32 $0x1FFFFFF0, s29;
	s26 =	sadd.s32 s3, s28;
	s25 =	spop (v2sf)  }
0x9f: {  	[tilespmem:s13], [sflag:$0x4] =	stream.linear.gather [hbm4b:s16+s21], $0x80, $0x38;
	[tilespmem:$0x10400] =	vst v63  }
0xa0: {  	(v2sf) =	vpush v1, $0x9;
	s14 =	sadd.s32 s4, s17;
	s28 =	sand.u32 $0x1FFFFFF0, s25;
	s29 =	spop (v2sf)  }
0xa1: {  	(v2sf) =	vpush v0, $0x9;
	[tilespmem:s24], [sflag:$0x1] =	stream.linear.gather [hbm4b:s26+s21], $0x80, $0x38;
	[tilespmem:$0x10400] =	vst v63  }
0xa2: {  	s13 =	sand.u32 $0x1FFFFFF0, s29;
	s15 =	spop (v2sf);
	s16 =	sadd.s32 s3, s28  }
0xa3: {  	(v2sf) =	vpush v1, $0xA;
	[tilespmem:s22], [sflag:$0x1] =	stream.linear.gather [hbm4b:s14+s21], $0x80, $0x38;
	[tilespmem:$0x10400] =	vst v63  }
0xa4: {  	s17 =	sand.u32 $0x1FFFFFF0, s15;
	s24 =	sadd.s32 s4, s13;
	s22 =	spop (v2sf)  }
0xa5: {  	s13 =	smov.u32 s9;
	s28 =	sadd.s32 s3, s17;
	s26 =	spop (v2sf)  }
0xa6: {  	(v2sf) =	vpush v0, $0xA;
	[tilespmem:s23], [sflag:$0x2] =	stream.linear.gather [hbm4b:s16+s21], $0x80, $0x38;
	[tilespmem:$0x10400] =	vst v63  }
0xa7: {  	s25 =	sand.u32 $0x1FFFFFF0, s22;
	s29 =	sand.u32 $0x1FFFFFF0, s26;
	s14 =	spop (v2sf)  }
0xa8: {  	(v2sf) =	vpush v1, $0xB;
	[tilespmem:s8], [sflag:$0x2] =	stream.linear.gather [hbm4b:s24+s21], $0x80, $0x38;
	[tilespmem:$0x10400] =	vst v63  }
0xa9: {  	s15 =	sadd.s32 s4, s25;
	s17 =	sadd.s32 s3, s29;
	s12 =	sand.u32 $0x1FFFFFF0, s14  }
0xaa: {  	[tilespmem:s19], [sflag:$0x3] =	stream.linear.gather [hbm4b:s28+s21], $0x80, $0x38;
	[tilespmem:$0x10400] =	vst v63  }
0xab: {  	s29 =	sld [smem:$0x7F1];
	s16 =	spop (v2sf);
	s22 =	sadd.s32 s4, s12  }
0xac: {  	(v2sf) =	vpush v0, $0xB;
	[tilespmem:s18], [sflag:$0x3] =	stream.linear.gather [hbm4b:s15+s21], $0x80, $0x38;
	[tilespmem:$0x10400] =	vst v63  }
0xad: {  	s18 =	sand.u32 $0x1FFFFFF0, s16;
	s19 =	spop (v2sf);
	s15 =	rddreg [dreg:$0x12]  }
0xae: {  	(v2sf) =	vpush v1, $0xC;
	[tilespmem:s20], [sflag:$0x4] =	stream.linear.gather [hbm4b:s17+s21], $0x80, $0x38;
	[tilespmem:$0x10400] =	vst v63  }
0xaf: {  	s23 =	sand.u32 $0x1FFFFFF0, s19;
	s25 =	sadd.s32 s3, s18;
	s24 =	spop (v2sf)  }
0xb0: {  	(v2sf) =	vpush v0, $0xC;
	s19 =	rddreg [dreg:$0x1c];
	s12 =	sadd.s32 s4, s23;
	s28 =	spop (v2sf)  }
0xb1: {  	[tilespmem:s10], [sflag:$0x4] =	stream.linear.gather [hbm4b:s22+s21], $0x80, $0x38;
	[tilespmem:$0x10400] =	vst v63  }
0xb2: {  	(v2sf) =	vpush v1, $0xD;
	s26 =	sand.u32 $0x1FFFFFF0, s24;
	s24 =	rddreg [dreg:$0x1a];
	s14 =	spop (v2sf)  }
0xb3: {  	s9 =	sand.u32 $0x1FFFFFF0, s28;
	s16 =	sadd.s32 s3, s26;
	s17 =	sand.u32 $0x1FFFFFF0, s14  }
0xb4: {  	(v2sf) =	vpush v0, $0xD;
	[tilespmem:s29], [sflag:$0x1] =	stream.linear.gather [hbm4b:s25+s21], $0x80, $0x38;
	[tilespmem:$0x10400] =	vst v63  }
0xb5: {  	s20 =	sadd.s32 s4, s9;
	s25 =	sadd.s32 s3, s17;
	s18 =	spop (v2sf)  }
0xb6: {  	(v2sf) =	vpush v1, $0xE;
	[tilespmem:s15], [sflag:$0x1] =	stream.linear.gather [hbm4b:s12+s21], $0x80, $0x38;
	[tilespmem:$0x10400] =	vst v63  }
0xb7: {  	s29 =	rddreg [dreg:$0xe];
	s22 =	sand.u32 $0x1FFFFFF0, s18;
	s23 =	spop (v2sf)  }
0xb8: {  	[tilespmem:s19], [sflag:$0x2] =	stream.linear.gather [hbm4b:s16+s21], $0x80, $0x38;
	[tilespmem:$0x10400] =	vst v63  }
0xb9: {  	s17 =	rddreg [dreg:$0xc];
	s26 =	sand.u32 $0x1FFFFFF0, s23;
	s14 =	sadd.s32 s4, s22  }
0xba: {  	[tilespmem:s24], [sflag:$0x2] =	stream.linear.gather [hbm4b:s20+s21], $0x80, $0x38;
	[tilespmem:$0x10400] =	vst v63  }
0xbb: {  	s22 =	rddreg [dreg:$0xa];
	s28 =	spop (v2sf);
	s18 =	sadd.s32 s3, s26  }
0xbc: {  	[tilespmem:s29], [sflag:$0x3] =	stream.linear.gather [hbm4b:s25+s21], $0x80, $0x38;
	[tilespmem:$0x10400] =	vst v63  }
0xbd: {  	s26 =	rddreg [dreg:$0x8];
	s15 =	sand.u32 $0x1FFFFFF0, s28;
	s16 =	spop (v2sf)  }
0xbe: {  	[tilespmem:s17], [sflag:$0x3] =	stream.linear.gather [hbm4b:s14+s21], $0x80, $0x38;
	[tilespmem:$0x10400] =	vst v63  }
0xbf: {  	s19 =	sand.u32 $0x1FFFFFF0, s16;
	s23 =	sadd.s32 s4, s15;
	s20 =	spop (v2sf)  }
0xc0: {  	[tilespmem:s22], [sflag:$0x4] =	stream.linear.gather [hbm4b:s18+s21], $0x80, $0x38;
	[tilespmem:$0x10400] =	vst v63  }
.Ltmp0:
0xc1: {  	s28 =	sadd.s32 s3, s19;
	s25 =	spop (v2sf);
	(pc) =	sbr.rel @p0 .LBB2_2-.Ltmp0, $4  }
0xc2: {  	[tilespmem:s26], [sflag:$0x4] =	stream.linear.gather [hbm4b:s23+s21], $0x80, $0x38;
	[tilespmem:$0x10400] =	vst v63  }
0xc3: {  	(v2sf) =	vpush v0, $0xE;
	s24 =	sand.u32 $0x1FFFFFF0, s20;
	s8 =	sand.u32 $0x1FFFFFF0, s25;
	s29 =	spop (v2sf)  }
0xc4: {  	(v2sf) =	vpush v1, $0xF;
	[tilespmem:s11], [sflag:$0x1] =	stream.linear.gather [hbm4b:s28+s21], $0x80, $0x38;
	[tilespmem:$0x10400] =	vst v63  }
0xc5: {  	(v2sf) =	vpush v0, $0xF;
	s9 =	sand.u32 $0x1FFFFFF0, s29;
	s10 =	spop (v2sf);
	s11 =	sadd.s32 s4, s24  }
0xc6: {  	_ =	sdelay $0x4  }
0xc7: {  	[tilespmem:s6], [sflag:$0x1] =	stream.linear.gather [hbm4b:s11+s21], $0x80, $0x38;
	[tilespmem:$0x10400] =	vst v63  }
0xc8: {  	s0 =	sadd.s32 $0x680, s31;
	s2 =	sadd.s32 s3, s8  }
0xc9: {  	[tilespmem:s0], [sflag:$0x2] =	stream.linear.gather [hbm4b:s2+s21], $0x80, $0x38;
	[tilespmem:$0x10400] =	vst v63  }
0xca: {  	s24 =	sadd.s32 s4, s9;
	s25 =	sand.u32 $0x1FFFFFF0, s10  }
0xcb: {  	[tilespmem:s5], [sflag:$0x2] =	stream.linear.gather [hbm4b:s24+s21], $0x80, $0x38;
	[tilespmem:$0x10400] =	vst v63  }
0xcc: {  	s26 =	sadd.s32 $0x700, s31;
	s2 =	sadd.s32 s3, s25  }
0xcd: {  	[tilespmem:s26], [sflag:$0x3] =	stream.linear.gather [hbm4b:s2+s21], $0x80, $0x38;
	[tilespmem:$0x10400] =	vst v63  }
0xce: {  	s23 =	spop (v2sf)  }
0xcf: {  	s6 =	sand.u32 $0x1FFFFFF0, s23;
	s29 =	spop (v2sf)  }
0xd0: {  	s6 =	sadd.s32 s4, s6;
	s7 =	sand.u32 $0x1FFFFFF0, s29;
	s8 =	spop (v2sf)  }
0xd1: {  	[tilespmem:s13], [sflag:$0x3] =	stream.linear.gather [hbm4b:s6+s21], $0x80, $0x38;
	[tilespmem:$0x10400] =	vst v63  }
0xd2: {  	s9 =	sadd.s32 $0x780, s31;
	s2 =	sadd.s32 s3, s7;
	s5 =	sand.u32 $0x1FFFFFF0, s8  }
0xd3: {  	[tilespmem:s9], [sflag:$0x4] =	stream.linear.gather [hbm4b:s2+s21], $0x80, $0x38;
	[tilespmem:$0x10400] =	vst v63  }
0xd4: {  	s10 =	sadd.s32 $0x8780, s31;
	s12 =	simm.s32 $0x10080;
	s11 =	sadd.s32 s4, s5  }
0xd5: {  	[tilespmem:s10], [sflag:$0x4] =	stream.linear.gather [hbm4b:s11+s21], $0x80, $0x38;
	[tilespmem:$0x10400] =	vst v63  }
0xd6: {  	s13 =	simm.s32 $0x10280;
	v0 =	vld [tilespmem:s12+$0x0]  }
0xd7: {  	v2 =	vld [tilespmem:s13+$0x0];
	_ =	sdelay $0x3  }
0xd8: {  	v1 =	vshll.u32 v0, $0x4  }
0xd9: {  	v63 =	vshll.u32 v2, $0x4;
	(v2sf) =	vpush v1, $0x0  }
0xda: {  	(v2sf) =	vpush v63, $0x0  }
0xdb: {  	(v2sf) =	vpush v1, $0x1;
	_ =	sdelay $0x1  }
0xdc: {  	(v2sf) =	vpush v63, $0x1  }
0xdd: {  	(v2sf) =	vpush v1, $0x2;
	_ =	sdelay $0x1  }
0xde: {  	(v2sf) =	vpush v63, $0x2  }
0xdf: {  	(v2sf) =	vpush v1, $0x3;
	_ =	sdelay $0x1  }
0xe0: {  	(v2sf) =	vpush v63, $0x3  }
0xe1: {  	s31 =	simm.s32 $0x2000  }
0xe2: {  	s30 =	simm.s32 $0x0;
	s14 =	simm.s32 $0xC000;
	s16 =	simm.s32 $0x4180  }
0xe3: {  	s20 =	simm.s32 $0x4080;
	s28 =	simm.s32 $0x10090;
	s0 =	simm.s32 $0x4280;
	(v2sf) =	vpush v1, $0x4  }
0xe4: {  	s25 =	simm.s32 $0x4100;
	s23 =	simm.s32 $0xC080;
	s6 =	simm.s32 $0x4480  }
0xe5: {  	s7 =	simm.s32 $0x4000;
	s5 =	simm.s32 $0xC500;
	s15 =	spop (v2sf)  }
0xe6: {  	s9 =	simm.s32 $0x4200;
	s8 =	sand.u32 $0x1FFFFFF0, s15;
	s17 =	spop (v2sf)  }
0xe7: {  	s8 =	sadd.s32 s3, s8;
	s18 =	sand.u32 $0x1FFFFFF0, s17;
	s19 =	spop (v2sf)  }
0xe8: {  	[tilespmem:s7], [sflag:$0x5] =	stream.linear.gather [hbm4b:s8+s1], $0x80, $0x38;
	[tilespmem:$0x10400] =	vst v63  }
0xe9: {  	(v2sf) =	vpush v63, $0x4;
	s7 =	simm.s32 $0xC180;
	s8 =	sadd.s32 s4, s18;
	s12 =	spop (v2sf)  }
0xea: {  	s11 =	sand.u32 $0x1FFFFFF0, s19;
	s22 =	sand.u32 $0x1FFFFFF0, s12;
	s24 =	spop (v2sf)  }
0xeb: {  	(v2sf) =	vpush v1, $0x5;
	[tilespmem:s14], [sflag:$0x5] =	stream.linear.gather [hbm4b:s8+s1], $0x80, $0x38;
	[tilespmem:$0x10400] =	vst v63  }
0xec: {  	(v2sf) =	vpush v63, $0x5;
	s21 =	sadd.s32 s3, s11;
	s11 =	sadd.s32 s4, s22;
	s26 =	spop (v2sf)  }
0xed: {  	s8 =	sand.u32 $0x1FFFFFF0, s24;
	s14 =	simm.s32 $0xC600;
	s29 =	spop (v2sf)  }
0xee: {  	(v2sf) =	vpush v1, $0x6;
	[tilespmem:s20], [sflag:$0x6] =	stream.linear.gather [hbm4b:s21+s1], $0x80, $0x38;
	[tilespmem:$0x10400] =	vst v63  }
0xef: {  	s8 =	sadd.s32 s3, s8;
	s12 =	sand.u32 $0x1FFFFFF0, s29;
	s13 =	spop (v2sf)  }
0xf0: {  	s21 =	simm.s32 $0xC280;
	s15 =	sadd.s32 s3, s12;
	s2 =	sand.u32 $0x1FFFFFF0, s13  }
0xf1: {  	(v2sf) =	vpush v63, $0x6;
	[tilespmem:s23], [sflag:$0x6] =	stream.linear.gather [hbm4b:s11+s1], $0x80, $0x38;
	[tilespmem:$0x10400] =	vst v63  }
0xf2: {  	s17 =	spop (v2sf);
	s13 =	simm.s32 $0x4680;
	s11 =	sand.u32 $0x1FFFFFF0, s26  }
0xf3: {  	[tilespmem:s25], [sflag:$0x7] =	stream.linear.gather [hbm4b:s8+s1], $0x80, $0x38;
	[tilespmem:$0x10400] =	vst v63  }
0xf4: {  	s2 =	sadd.s32 s4, s2;
	s11 =	sadd.s32 s4, s11;
	s8 =	simm.s32 $0xC100  }
0xf5: {  	(v2sf) =	vpush v1, $0x7;
	[tilespmem:s8], [sflag:$0x7] =	stream.linear.gather [hbm4b:s11+s1], $0x80, $0x38;
	[tilespmem:$0x10400] =	vst v63  }
0xf6: {  	s10 =	sand.u32 $0x1FFFFFF0, s17;
	s23 =	simm.s32 $0x4300;
	s17 =	simm.s32 $0x4380  }
0xf7: {  	(v2sf) =	vpush v63, $0x7;
	[tilespmem:s16], [sflag:$0x8] =	stream.linear.gather [hbm4b:s15+s1], $0x80, $0x38;
	[tilespmem:$0x10400] =	vst v63  }
0xf8: {  	s19 =	sadd.s32 s3, s10;
	s11 =	simm.s32 $0xC300;
	s18 =	spop (v2sf)  }
0xf9: {  	(v2sf) =	vpush v1, $0x8;
	[tilespmem:s7], [sflag:$0x8] =	stream.linear.gather [hbm4b:s2+s1], $0x80, $0x38;
	[tilespmem:$0x10400] =	vst v63  }
0xfa: {  	s16 =	simm.s32 $0xC200;
	s20 =	sand.u32 $0x1FFFFFF0, s18;
	s22 =	spop (v2sf)  }
0xfb: {  	s15 =	simm.s32 $0xC680;
	(v2sf) =	vpush v63, $0x8;
	s10 =	sadd.s32 s4, s20;
	s24 =	spop (v2sf)  }
0xfc: {  	(v2sf) =	vpush v1, $0x9;
	[tilespmem:s9], [sflag:$0x5] =	stream.linear.gather [hbm4b:s19+s1], $0x80, $0x38;
	[tilespmem:$0x10400] =	vst v63  }
0xfd: {  	s20 =	simm.s32 $0xC380;
	s9 =	sand.u32 $0x1FFFFFF0, s22;
	s25 =	spop (v2sf)  }
0xfe: {  	s22 =	simm.s32 $0x4400;
	s9 =	sadd.s32 s3, s9;
	s29 =	sand.u32 $0x1FFFFFF0, s25  }
0xff: {  	[tilespmem:s16], [sflag:$0x5] =	stream.linear.gather [hbm4b:s10+s1], $0x80, $0x38;
	[tilespmem:$0x10400] =	vst v63  }
0x100: {  	(v2sf) =	vpush v63, $0x9;
	s2 =	spop (v2sf);
	s25 =	simm.s32 $0xC400;
	s10 =	sand.u32 $0x1FFFFFF0, s24  }
0x101: {  	[tilespmem:s0], [sflag:$0x6] =	stream.linear.gather [hbm4b:s9+s1], $0x80, $0x38;
	[tilespmem:$0x10400] =	vst v63  }
0x102: {  	(v2sf) =	vpush v1, $0xA;
	s7 =	sand.u32 $0x1FFFFFF0, s2;
	s2 =	simm.s32 $0xC480;
	s26 =	sadd.s32 s4, s10  }
0x103: {  	[tilespmem:s21], [sflag:$0x6] =	stream.linear.gather [hbm4b:s26+s1], $0x80, $0x38;
	[tilespmem:$0x10400] =	vst v63  }
0x104: {  	(v2sf) =	vpush v63, $0xA;
	s10 =	sadd.s32 s3, s29;
	s12 =	spop (v2sf);
	s7 =	sadd.s32 s4, s7  }
0x105: {  	[tilespmem:s23], [sflag:$0x7] =	stream.linear.gather [hbm4b:s10+s1], $0x80, $0x38;
	[tilespmem:$0x10400] =	vst v63  }
0x106: {  	(v2sf) =	vpush v1, $0xB;
	s0 =	simm.s32 $0xC580;
	s9 =	sand.u32 $0x1FFFFFF0, s12;
	s16 =	spop (v2sf)  }
0x107: {  	[tilespmem:s11], [sflag:$0x7] =	stream.linear.gather [hbm4b:s7+s1], $0x80, $0x38;
	[tilespmem:$0x10400] =	vst v63  }
0x108: {  	(v2sf) =	vpush v63, $0xB;
	s18 =	sadd.s32 s3, s9;
	s19 =	sand.u32 $0x1FFFFFF0, s16;
	s21 =	spop (v2sf)  }
0x109: {  	[tilespmem:s17], [sflag:$0x8] =	stream.linear.gather [hbm4b:s18+s1], $0x80, $0x38;
	[tilespmem:$0x10400] =	vst v63  }
0x10a: {  	s9 =	sadd.s32 s4, s19;
	s8 =	sand.u32 $0x1FFFFFF0, s21;
	s23 =	spop (v2sf)  }
0x10b: {  	s8 =	sadd.s32 s3, s8;
	s11 =	simm.s32 $0x4500;
	s24 =	spop (v2sf)  }
0x10c: {  	(v2sf) =	vpush v1, $0xC;
	[tilespmem:s20], [sflag:$0x8] =	stream.linear.gather [hbm4b:s9+s1], $0x80, $0x38;
	[tilespmem:$0x10400] =	vst v63  }
0x10d: {  	s7 =	simm.s32 $0x4600;
	s9 =	sand.u32 $0x1FFFFFF0, s23;
	s29 =	sand.u32 $0x1FFFFFF0, s24  }
0x10e: {  	(v2sf) =	vpush v63, $0xC;
	[tilespmem:s22], [sflag:$0x5] =	stream.linear.gather [hbm4b:s8+s1], $0x80, $0x38;
	[tilespmem:$0x10400] =	vst v63  }
0x10f: {  	s10 =	spop (v2sf);
	s23 =	simm.s32 $0x4580;
	s26 =	sadd.s32 s4, s9  }
0x110: {  	[tilespmem:s25], [sflag:$0x5] =	stream.linear.gather [hbm4b:s26+s1], $0x80, $0x38;
	[tilespmem:$0x10400] =	vst v63  }
0x111: {  	s9 =	sadd.s32 s3, s29;
	s12 =	spop (v2sf);
	s8 =	sand.u32 $0x1FFFFFF0, s10  }
0x112: {  	[tilespmem:s6], [sflag:$0x6] =	stream.linear.gather [hbm4b:s9+s1], $0x80, $0x38;
	[tilespmem:$0x10400] =	vst v63  }
0x113: {  	s16 =	spop (v2sf);
	s8 =	sadd.s32 s4, s8;
	s9 =	sand.u32 $0x1FFFFFF0, s12  }
0x114: {  	[tilespmem:s2], [sflag:$0x6] =	stream.linear.gather [hbm4b:s8+s1], $0x80, $0x38;
	[tilespmem:$0x10400] =	vst v63  }
0x115: {  	s18 =	sand.u32 $0x1FFFFFF0, s16;
	s19 =	spop (v2sf);
	s17 =	sadd.s32 s3, s9  }
0x116: {  	[tilespmem:s11], [sflag:$0x7] =	stream.linear.gather [hbm4b:s17+s1], $0x80, $0x38;
	[tilespmem:$0x10400] =	vst v63  }
0x117: {  	s20 =	sadd.s32 s4, s18;
	s21 =	sand.u32 $0x1FFFFFF0, s19;
	s22 =	spop (v2sf)  }
0x118: {  	(v2sf) =	vpush v1, $0xD;
	[tilespmem:s5], [sflag:$0x7] =	stream.linear.gather [hbm4b:s20+s1], $0x80, $0x38;
	[tilespmem:$0x10400] =	vst v63  }
0x119: {  	s26 =	simm.s32 $0x10290;
	(v2sf) =	vpush v63, $0xD;
	s24 =	sadd.s32 s3, s21;
	s8 =	sand.u32 $0x1FFFFFF0, s22  }
0x11a: {  	(v2sf) =	vpush v1, $0xE;
	[tilespmem:s23], [sflag:$0x8] =	stream.linear.gather [hbm4b:s24+s1], $0x80, $0x38;
	[tilespmem:$0x10400] =	vst v63  }
0x11b: {  	s6 =	simm.s32 $0x4700;
	(v2sf) =	vpush v63, $0xE;
	s25 =	sadd.s32 s4, s8;
	s29 =	spop (v2sf)  }
0x11c: {  	(v2sf) =	vpush v1, $0xF;
	[tilespmem:s0], [sflag:$0x8] =	stream.linear.gather [hbm4b:s25+s1], $0x80, $0x38;
	[tilespmem:$0x10400] =	vst v63  }
0x11d: {  	(v2sf) =	vpush v63, $0xF;
	s17 =	simm.s32 $0xC700;
	s8 =	spop (v2sf);
	s0 =	sand.u32 $0x1FFFFFF0, s29  }
.LBB2_4:
0x11e: {  	_ =	sdelay $0x4  }
0x11f: {  	s0 =	sadd.s32 s3, s0;
	s8 =	sand.u32 $0x1FFFFFF0, s8  }
0x120: {  	[tilespmem:s7], [sflag:$0x5] =	stream.linear.gather [hbm4b:s0+s1], $0x80, $0x38;
	[tilespmem:$0x10400] =	vst v63  }
0x121: {  	s8 =	sadd.s32 s4, s8  }
0x122: {  	[tilespmem:s14], [sflag:$0x5] =	stream.linear.gather [hbm4b:s8+s1], $0x80, $0x38;
	[tilespmem:$0x10400] =	vst v63  }
0x123: {  	s9 =	spop (v2sf)  }
0x124: {  	s10 =	sand.u32 $0x1FFFFFF0, s9;
	s11 =	spop (v2sf)  }
0x125: {  	s12 =	sadd.s32 s3, s10;
	s14 =	sand.u32 $0x1FFFFFF0, s11;
	s16 =	spop (v2sf)  }
0x126: {  	[tilespmem:s13], [sflag:$0x6] =	stream.linear.gather [hbm4b:s12+s1], $0x80, $0x38;
	[tilespmem:$0x10400] =	vst v63  }
0x127: {  	s18 =	sadd.s32 s4, s14;
	s2 =	sand.u32 $0x1FFFFFF0, s16;
	s19 =	spop (v2sf)  }
0x128: {  	[tilespmem:s15], [sflag:$0x6] =	stream.linear.gather [hbm4b:s18+s1], $0x80, $0x38;
	[tilespmem:$0x10400] =	vst v63  }
0x129: {  	s20 =	sadd.s32 s3, s2;
	s21 =	sand.u32 $0x1FFFFFF0, s19;
	s22 =	spop (v2sf)  }
0x12a: {  	[tilespmem:s6], [sflag:$0x7] =	stream.linear.gather [hbm4b:s20+s1], $0x80, $0x38;
	[tilespmem:$0x10400] =	vst v63  }
0x12b: {  	s23 =	sadd.s32 s4, s21;
	s24 =	sand.u32 $0x1FFFFFF0, s22;
	s25 =	spop (v2sf)  }
0x12c: {  	[tilespmem:s17], [sflag:$0x7] =	stream.linear.gather [hbm4b:s23+s1], $0x80, $0x38;
	[tilespmem:$0x10400] =	vst v63  }
0x12d: {  	s29 =	sadd.s32 $0x4780, s30;
	s2 =	sadd.s32 s3, s24;
	s5 =	sand.u32 $0x1FFFFFF0, s25  }
0x12e: {  	[tilespmem:s29], [sflag:$0x8] =	stream.linear.gather [hbm4b:s2+s1], $0x80, $0x38;
	[tilespmem:$0x10400] =	vst v63  }
0x12f: {  	s6 =	sadd.s32 s4, s5;
	s2 =	sadd.s32 $0xC780, s30  }
0x130: {  	[tilespmem:s2], [sflag:$0x8] =	stream.linear.gather [hbm4b:s6+s1], $0x80, $0x38;
	[tilespmem:$0x10400] =	vst v63  }
0x131: {  	v0 =	vld [tilespmem:s28+$0x0]  }
0x132: {  	v2 =	vld [tilespmem:s26+$0x0];
	_ =	sdelay $0x3  }
0x133: {  	v1 =	vshll.u32 v0, $0x4  }
0x134: {  	v63 =	vshll.u32 v2, $0x4;
	(v2sf) =	vpush v1, $0x0  }
0x135: {  	s7 =	smov.u32 s31;
	(v2sf) =	vpush v63, $0x0  }
0x136: {  	s30 =	sshra.s32 s7, $0x2;
	(v2sf) =	vpush v1, $0x1  }
0x137: {  	p0 =	sne.s32 s31, $0xE000;
	s31 =	sadd.s32 $0x2000, s31;
	s9 =	sadd.s32 $0xC000, s30  }
0x138: {  	s0 =	sadd.s32 $0x4280, s30;
	s8 =	sadd.s32 $0x4480, s30;
	s11 =	sadd.s32 $0x4000, s30  }
0x139: {  	s24 =	sadd.s32 $0x4200, s30;
	s10 =	sadd.s32 $0xC500, s30;
	s16 =	sadd.s32 $0x4180, s30;
	(v2sf) =	vpush v63, $0x1  }
0x13a: {  	s29 =	sadd.s32 $0xC180, s30;
	s14 =	sadd.s32 $0xC600, s30;
	s25 =	sadd.s32 $0xC200, s30  }
0x13b: {  	s5 =	sadd.s32 $0x4680, s30;
	s23 =	sadd.s32 $0xC280, s30;
	s22 =	sadd.s32 $0x4300, s30;
	(v2sf) =	vpush v1, $0x2  }
0x13c: {  	s12 =	sadd.s32 $0xC580, s30;
	s15 =	sadd.s32 $0xC680, s30;
	[smem:$0x7EF] =	sst s0  }
0x13d: {  	s20 =	sadd.s32 $0xC300, s30;
	s13 =	sadd.s32 $0xC480, s30;
	[dreg:$0x10] =	wrdreg s8;
	(v2sf) =	vpush v63, $0x2  }
0x13e: {  	s17 =	sadd.s32 $0x4500, s30;
	s19 =	sadd.s32 $0x4380, s30;
	[dreg:$0x4] =	wrdreg s10  }
0x13f: {  	s18 =	sadd.s32 $0xC400, s30;
	s7 =	sadd.s32 $0x4600, s30;
	[dreg:$0x6] =	wrdreg s12;
	(v2sf) =	vpush v1, $0x3  }
0x140: {  	s21 =	sadd.s32 $0x4400, s30;
	s8 =	sadd.s32 $0x4100, s30;
	[dreg:$0x16] =	wrdreg s13  }
0x141: {  	s10 =	sadd.s32 $0xC080, s30;
	s0 =	sadd.s32 $0xC100, s30;
	[dreg:$0x13] =	wrdreg s17;
	(v2sf) =	vpush v63, $0x3  }
0x142: {  	[dreg:$0x1e] =	wrdreg s18;
	s12 =	sadd.s32 $0x4080, s30;
	s18 =	sadd.s32 $0xC380, s30  }
0x143: {  	[smem:$0x7F0] =	sst s21;
	s21 =	sadd.s32 $0x4580, s30;
	(v2sf) =	vpush v1, $0x4;
	s2 =	spop (v2sf)  }
0x144: {  	[dreg:$0x18] =	wrdreg s21;
	s13 =	sand.u32 $0x1FFFFFF0, s2;
	s21 =	spop (v2sf)  }
0x145: {  	(v2sf) =	vpush v63, $0x4;
	s13 =	sadd.s32 s3, s13;
	s2 =	sand.u32 $0x1FFFFFF0, s21;
	s21 =	spop (v2sf)  }
0x146: {  	[tilespmem:s11], [sflag:$0x5] =	stream.linear.gather [hbm4b:s13+s1], $0x80, $0x38;
	[tilespmem:$0x10400] =	vst v63  }
0x147: {  	s6 =	sadd.s32 $0x4700, s30;
	s17 =	sadd.s32 $0xC700, s30;
	s13 =	sand.u32 $0x1FFFFFF0, s21  }
0x148: {  	(v2sf) =	vpush v1, $0x5;
	s2 =	sadd.s32 s4, s2;
	s21 =	spop (v2sf);
	s11 =	sadd.s32 s3, s13  }
0x149: {  	(v2sf) =	vpush v63, $0x5;
	[tilespmem:s9], [sflag:$0x5] =	stream.linear.gather [hbm4b:s2+s1], $0x80, $0x38;
	[tilespmem:$0x10400] =	vst v63  }
0x14a: {  	s21 =	sand.u32 $0x1FFFFFF0, s21;
	s13 =	smov.u32 s5;
	s5 =	spop (v2sf)  }
0x14b: {  	(v2sf) =	vpush v1, $0x6;
	[tilespmem:s12], [sflag:$0x6] =	stream.linear.gather [hbm4b:s11+s1], $0x80, $0x38;
	[tilespmem:$0x10400] =	vst v63  }
0x14c: {  	s12 =	sadd.s32 s4, s21;
	s21 =	sand.u32 $0x1FFFFFF0, s5;
	s5 =	spop (v2sf)  }
0x14d: {  	(v2sf) =	vpush v63, $0x6;
	[tilespmem:s10], [sflag:$0x6] =	stream.linear.gather [hbm4b:s12+s1], $0x80, $0x38;
	[tilespmem:$0x10400] =	vst v63  }
0x14e: {  	s12 =	sadd.s32 s3, s21;
	s21 =	sand.u32 $0x1FFFFFF0, s5;
	s5 =	spop (v2sf)  }
0x14f: {  	(v2sf) =	vpush v1, $0x7;
	[tilespmem:s8], [sflag:$0x7] =	stream.linear.gather [hbm4b:s12+s1], $0x80, $0x38;
	[tilespmem:$0x10400] =	vst v63  }
0x150: {  	s11 =	sadd.s32 s4, s21;
	s21 =	spop (v2sf);
	s12 =	sand.u32 $0x1FFFFFF0, s5  }
0x151: {  	(v2sf) =	vpush v63, $0x7;
	[tilespmem:s0], [sflag:$0x7] =	stream.linear.gather [hbm4b:s11+s1], $0x80, $0x38;
	[tilespmem:$0x10400] =	vst v63  }
0x152: {  	s8 =	sand.u32 $0x1FFFFFF0, s21;
	s9 =	spop (v2sf);
	s5 =	sadd.s32 s3, s12  }
0x153: {  	(v2sf) =	vpush v1, $0x8;
	[tilespmem:s16], [sflag:$0x8] =	stream.linear.gather [hbm4b:s5+s1], $0x80, $0x38;
	[tilespmem:$0x10400] =	vst v63  }
0x154: {  	s26 =	sadd.s32 $0x10, s26;
	s10 =	sadd.s32 s4, s8;
	s12 =	spop (v2sf)  }
0x155: {  	[tilespmem:s29], [sflag:$0x8] =	stream.linear.gather [hbm4b:s10+s1], $0x80, $0x38;
	[tilespmem:$0x10400] =	vst v63  }
0x156: {  	s28 =	sadd.s32 $0x10, s28;
	s11 =	sand.u32 $0x1FFFFFF0, s9;
	s21 =	sand.u32 $0x1FFFFFF0, s12  }
0x157: {  	s16 =	sadd.s32 s3, s11;
	(v2sf) =	vpush v63, $0x8;
	s29 =	spop (v2sf);
	s5 =	sadd.s32 s4, s21  }
0x158: {  	(v2sf) =	vpush v1, $0x9;
	s9 =	sand.u32 $0x1FFFFFF0, s29;
	s10 =	spop (v2sf);
	s21 =	sld [smem:$0x7EF]  }
0x159: {  	[tilespmem:s24], [sflag:$0x5] =	stream.linear.gather [hbm4b:s16+s1], $0x80, $0x38;
	[tilespmem:$0x10400] =	vst v63  }
0x15a: {  	(v2sf) =	vpush v63, $0x9;
	s11 =	sadd.s32 s3, s9;
	s12 =	sand.u32 $0x1FFFFFF0, s10;
	s16 =	spop (v2sf)  }
0x15b: {  	[tilespmem:s25], [sflag:$0x5] =	stream.linear.gather [hbm4b:s5+s1], $0x80, $0x38;
	[tilespmem:$0x10400] =	vst v63  }
0x15c: {  	s24 =	sadd.s32 s4, s12;
	s25 =	sand.u32 $0x1FFFFFF0, s16;
	s29 =	spop (v2sf)  }
0x15d: {  	[tilespmem:s21], [sflag:$0x6] =	stream.linear.gather [hbm4b:s11+s1], $0x80, $0x38;
	[tilespmem:$0x10400] =	vst v63  }
0x15e: {  	(v2sf) =	vpush v1, $0xA;
	s5 =	sadd.s32 s3, s25;
	s9 =	sand.u32 $0x1FFFFFF0, s29;
	s10 =	spop (v2sf)  }
0x15f: {  	[tilespmem:s23], [sflag:$0x6] =	stream.linear.gather [hbm4b:s24+s1], $0x80, $0x38;
	[tilespmem:$0x10400] =	vst v63  }
0x160: {  	(v2sf) =	vpush v63, $0xA;
	s11 =	sadd.s32 s4, s9;
	s12 =	sand.u32 $0x1FFFFFF0, s10;
	s16 =	spop (v2sf)  }
0x161: {  	[tilespmem:s22], [sflag:$0x7] =	stream.linear.gather [hbm4b:s5+s1], $0x80, $0x38;
	[tilespmem:$0x10400] =	vst v63  }
0x162: {  	s21 =	sadd.s32 s3, s12;
	s23 =	spop (v2sf);
	s22 =	sand.u32 $0x1FFFFFF0, s16  }
0x163: {  	[tilespmem:s20], [sflag:$0x7] =	stream.linear.gather [hbm4b:s11+s1], $0x80, $0x38;
	[tilespmem:$0x10400] =	vst v63  }
0x164: {  	(v2sf) =	vpush v1, $0xB;
	s25 =	sand.u32 $0x1FFFFFF0, s23;
	s23 =	rddreg [dreg:$0x10];
	s24 =	sadd.s32 s4, s22  }
0x165: {  	[tilespmem:s19], [sflag:$0x8] =	stream.linear.gather [hbm4b:s21+s1], $0x80, $0x38;
	[tilespmem:$0x10400] =	vst v63  }
0x166: {  	(v2sf) =	vpush v63, $0xB;
	s5 =	sadd.s32 s3, s25;
	s11 =	sld [smem:$0x7F0];
	s29 =	spop (v2sf)  }
0x167: {  	(v2sf) =	vpush v1, $0xC;
	s19 =	rddreg [dreg:$0x1e];
	s9 =	sand.u32 $0x1FFFFFF0, s29;
	s10 =	spop (v2sf)  }
0x168: {  	[tilespmem:s18], [sflag:$0x8] =	stream.linear.gather [hbm4b:s24+s1], $0x80, $0x38;
	[tilespmem:$0x10400] =	vst v63  }
0x169: {  	(v2sf) =	vpush v63, $0xC;
	s12 =	sadd.s32 s4, s9;
	s16 =	sand.u32 $0x1FFFFFF0, s10;
	s18 =	spop (v2sf)  }
0x16a: {  	[tilespmem:s11], [sflag:$0x5] =	stream.linear.gather [hbm4b:s5+s1], $0x80, $0x38;
	[tilespmem:$0x10400] =	vst v63  }
0x16b: {  	s9 =	rddreg [dreg:$0x16];
	s20 =	sadd.s32 s3, s16;
	s21 =	sand.u32 $0x1FFFFFF0, s18  }
0x16c: {  	[tilespmem:s19], [sflag:$0x5] =	stream.linear.gather [hbm4b:s12+s1], $0x80, $0x38;
	[tilespmem:$0x10400] =	vst v63  }
0x16d: {  	s22 =	spop (v2sf);
	s16 =	rddreg [dreg:$0x13];
	s24 =	sadd.s32 s4, s21  }
0x16e: {  	[tilespmem:s23], [sflag:$0x6] =	stream.linear.gather [hbm4b:s20+s1], $0x80, $0x38;
	[tilespmem:$0x10400] =	vst v63  }
0x16f: {  	s25 =	sand.u32 $0x1FFFFFF0, s22;
	s21 =	rddreg [dreg:$0x4];
	s29 =	spop (v2sf)  }
0x170: {  	[tilespmem:s9], [sflag:$0x6] =	stream.linear.gather [hbm4b:s24+s1], $0x80, $0x38;
	[tilespmem:$0x10400] =	vst v63  }
0x171: {  	s10 =	sadd.s32 s3, s25;
	s25 =	rddreg [dreg:$0x18];
	s11 =	sand.u32 $0x1FFFFFF0, s29  }
0x172: {  	[tilespmem:s16], [sflag:$0x7] =	stream.linear.gather [hbm4b:s10+s1], $0x80, $0x38;
	[tilespmem:$0x10400] =	vst v63  }
0x173: {  	s29 =	rddreg [dreg:$0x6];
	s12 =	spop (v2sf);
	s18 =	sadd.s32 s4, s11  }
0x174: {  	(v2sf) =	vpush v1, $0xD;
	[tilespmem:s21], [sflag:$0x7] =	stream.linear.gather [hbm4b:s18+s1], $0x80, $0x38;
	[tilespmem:$0x10400] =	vst v63  }
.Ltmp1:
0x175: {  	(v2sf) =	vpush v63, $0xD;
	s19 =	sand.u32 $0x1FFFFFF0, s12;
	s20 =	spop (v2sf);
	(pc) =	sbr.rel @p0 .LBB2_4-.Ltmp1, $4  }
0x176: {  	(v2sf) =	vpush v1, $0xE;
	s22 =	sadd.s32 s3, s19;
	s23 =	sand.u32 $0x1FFFFFF0, s20;
	s24 =	spop (v2sf)  }
0x177: {  	(v2sf) =	vpush v63, $0xE;
	[tilespmem:s25], [sflag:$0x8] =	stream.linear.gather [hbm4b:s22+s1], $0x80, $0x38;
	[tilespmem:$0x10400] =	vst v63  }
0x178: {  	(v2sf) =	vpush v1, $0xF;
	s2 =	sadd.s32 s4, s23;
	s0 =	sand.u32 $0x1FFFFFF0, s24;
	s8 =	spop (v2sf)  }
0x179: {  	(v2sf) =	vpush v63, $0xF;
	[tilespmem:s29], [sflag:$0x8] =	stream.linear.gather [hbm4b:s2+s1], $0x80, $0x38;
	[tilespmem:$0x10400] =	vst v63  }
0x17a: {  	_ =	sdelay $0x4  }
0x17b: {  	s0 =	sadd.s32 s3, s0;
	s2 =	sand.u32 $0x1FFFFFF0, s8  }
0x17c: {  	[tilespmem:s7], [sflag:$0x5] =	stream.linear.gather [hbm4b:s0+s1], $0x80, $0x38;
	[tilespmem:$0x10400] =	vst v63  }
0x17d: {  	s10 =	sadd.s32 s4, s2  }
0x17e: {  	[tilespmem:s14], [sflag:$0x5] =	stream.linear.gather [hbm4b:s10+s1], $0x80, $0x38;
	[tilespmem:$0x10400] =	vst v63  }
0x17f: {  	s9 =	spop (v2sf)  }
0x180: {  	s11 =	sand.u32 $0x1FFFFFF0, s9;
	s12 =	spop (v2sf)  }
0x181: {  	s14 =	sadd.s32 s3, s11;
	s16 =	sand.u32 $0x1FFFFFF0, s12;
	s18 =	spop (v2sf)  }
0x182: {  	[tilespmem:s13], [sflag:$0x6] =	stream.linear.gather [hbm4b:s14+s1], $0x80, $0x38;
	[tilespmem:$0x10400] =	vst v63  }
0x183: {  	s19 =	sadd.s32 s4, s16;
	s20 =	sand.u32 $0x1FFFFFF0, s18;
	s21 =	spop (v2sf)  }
0x184: {  	[tilespmem:s15], [sflag:$0x6] =	stream.linear.gather [hbm4b:s19+s1], $0x80, $0x38;
	[tilespmem:$0x10400] =	vst v63  }
0x185: {  	s22 =	sadd.s32 s3, s20;
	s23 =	sand.u32 $0x1FFFFFF0, s21;
	s24 =	spop (v2sf)  }
0x186: {  	[tilespmem:s6], [sflag:$0x7] =	stream.linear.gather [hbm4b:s22+s1], $0x80, $0x38;
	[tilespmem:$0x10400] =	vst v63  }
0x187: {  	s25 =	sadd.s32 s4, s23;
	s26 =	sand.u32 $0x1FFFFFF0, s24;
	s28 =	spop (v2sf)  }
0x188: {  	[tilespmem:s17], [sflag:$0x7] =	stream.linear.gather [hbm4b:s25+s1], $0x80, $0x38;
	[tilespmem:$0x10400] =	vst v63  }
0x189: {  	s29 =	sadd.s32 $0x4780, s30;
	s2 =	sadd.s32 s3, s26;
	s5 =	sand.u32 $0x1FFFFFF0, s28  }
0x18a: {  	[tilespmem:s29], [sflag:$0x8] =	stream.linear.gather [hbm4b:s2+s1], $0x80, $0x38;
	[tilespmem:$0x10400] =	vst v63  }
0x18b: {  	s7 =	sadd.s32 $0xC780, s30;
	s9 =	simm.s32 $0x1;
	s8 =	sadd.s32 s4, s5  }
0x18c: {  	[tilespmem:s7], [sflag:$0x8] =	stream.linear.gather [hbm4b:s8+s1], $0x80, $0x38;
	[tilespmem:$0x10400] =	vst v63  }
0x18d: {  	_ =	swait.ge [sflag:s9], $0x2000  }
0x18e: {  	[sflag:s9] =	ssyncset.done $0x0  }
0x18f: {  	s10 =	simm.s32 $0x2;
	[sflag:s9] =	ssyncadd.s32 $0xFFFFE000  }
0x190: {  	_ =	swait.ge [sflag:s10], $0x2000  }
0x191: {  	[sflag:s10] =	ssyncset.done $0x0  }
0x192: {  	s11 =	simm.s32 $0x3;
	[sflag:s10] =	ssyncadd.s32 $0xFFFFE000  }
0x193: {  	_ =	swait.ge [sflag:s11], $0x2000  }
0x194: {  	[sflag:s11] =	ssyncset.done $0x0  }
0x195: {  	s12 =	simm.s32 $0x4;
	[sflag:s11] =	ssyncadd.s32 $0xFFFFE000  }
0x196: {  	_ =	swait.ge [sflag:s12], $0x2000  }
0x197: {  	s14 =	sld [smem:$0x7F5]  }
0x198: {  	[sflag:s12] =	ssyncset.done $0x0  }
0x199: {  	s13 =	simm.s32 $0x0;
	s15 =	simm.s32 $0x9;
	[sflag:s12] =	ssyncadd.s32 $0xFFFFE000  }
0x19a: {  	[hbm4b:s14+s13] =	stream.linear.scatter [tilespmem:s13], [sflag:$0x9], $0x4000, $0x38;
	[tilespmem:$0x10400] =	vst v63  }
0x19b: {  	_ =	swait.ge [sflag:s15], $0x4000  }
0x19c: {  	s16 =	sld [smem:$0x7F6]  }
0x19d: {  	[sflag:s15] =	ssyncset.done $0x0  }
0x19e: {  	s17 =	simm.s32 $0x8000;
	[sflag:s15] =	ssyncadd.s32 $0xFFFFC000  }
0x19f: {  	[hbm4b:s16+s13] =	stream.linear.scatter [tilespmem:s17], [sflag:$0x9], $0x4000, $0x38;
	[tilespmem:$0x10400] =	vst v63  }
0x1a0: {  	_ =	swait.ge [sflag:s15], $0x4000  }
0x1a1: {  	[sflag:s15] =	ssyncset.done $0x0  }
0x1a2: {  	s18 =	simm.s32 $0x10300;
	[sflag:s15] =	ssyncadd.s32 $0xFFFFC000  }
0x1a3: {  	s19 =	simm.s32 $0x10100;
	v0 =	vld [tilespmem:s18+$0x0]  }
0x1a4: {  	v1 =	vld [tilespmem:s19+$0x0];
	_ =	sdelay $0x3  }
0x1a5: {  	v0 =	vshll.u32 v0, $0x4  }
0x1a6: {  	v1 =	vshll.u32 v1, $0x4;
	(v2sf) =	vpush v0, $0x0  }
0x1a7: {  	(v2sf) =	vpush v1, $0x0  }
0x1a8: {  	(v2sf) =	vpush v1, $0x1  }
0x1a9: {  	(v2sf) =	vpush v0, $0x1;
	_ =	sdelay $0x1  }
0x1aa: {  	(v2sf) =	vpush v1, $0x2  }
0x1ab: {  	(v2sf) =	vpush v0, $0x2;
	_ =	sdelay $0x1  }
0x1ac: {  	(v2sf) =	vpush v1, $0x3;
	_ =	sdelay $0x1  }
0x1ad: {  	(v2sf) =	vpush v0, $0x3;
	_ =	sdelay $0x1  }
0x1ae: {  	s31 =	simm.s32 $0x0;
	s30 =	simm.s32 $0x2000;
	s0 =	simm.s32 $0x8400  }
0x1af: {  	s21 =	simm.s32 $0x8000;
	s28 =	simm.s32 $0x8080;
	s6 =	simm.s32 $0x8280  }
0x1b0: {  	s5 =	simm.s32 $0x8500;
	s25 =	simm.s32 $0x80;
	s2 =	simm.s32 $0x500  }
0x1b1: {  	s8 =	simm.s32 $0x200;
	s9 =	simm.s32 $0x8200;
	s20 =	spop (v2sf)  }
0x1b2: {  	s13 =	simm.s32 $0x8100;
	s17 =	simm.s32 $0x180;
	(v2sf) =	vpush v1, $0x4;
	s22 =	spop (v2sf)  }
0x1b3: {  	s19 =	simm.s32 $0x8180;
	s7 =	sand.u32 $0x1FFFFFF0, s22;
	s24 =	spop (v2sf)  }
0x1b4: {  	s10 =	sand.u32 $0x1FFFFFF0, s20;
	(v2sf) =	vpush v0, $0x4;
	s23 =	sadd.s32 s3, s7;
	s26 =	spop (v2sf)  }
0x1b5: {  	(v2sf) =	vpush v1, $0x5;
	[tilespmem:s31], [sflag:$0x1] =	stream.linear.gather [hbm4b:s23+s1], $0x80, $0x38;
	[tilespmem:$0x10400] =	vst v63  }
0x1b6: {  	s10 =	sadd.s32 s4, s10;
	s7 =	sand.u32 $0x1FFFFFF0, s24;
	s11 =	spop (v2sf)  }
0x1b7: {  	s24 =	simm.s32 $0x280;
	s7 =	sadd.s32 s3, s7;
	s12 =	spop (v2sf)  }
0x1b8: {  	[tilespmem:s21], [sflag:$0x1] =	stream.linear.gather [hbm4b:s10+s1], $0x80, $0x38;
	[tilespmem:$0x10400] =	vst v63  }
0x1b9: {  	(v2sf) =	vpush v0, $0x5;
	s29 =	sand.u32 $0x1FFFFFF0, s11;
	s10 =	sand.u32 $0x1FFFFFF0, s26;
	s15 =	spop (v2sf)  }
0x1ba: {  	[tilespmem:s25], [sflag:$0x2] =	stream.linear.gather [hbm4b:s7+s1], $0x80, $0x38;
	[tilespmem:$0x10400] =	vst v63  }
0x1bb: {  	(v2sf) =	vpush v1, $0x6;
	s11 =	simm.s32 $0x100;
	s10 =	sadd.s32 s4, s10;
	s16 =	spop (v2sf)  }
0x1bc: {  	[tilespmem:s28], [sflag:$0x2] =	stream.linear.gather [hbm4b:s10+s1], $0x80, $0x38;
	[tilespmem:$0x10400] =	vst v63  }
0x1bd: {  	(v2sf) =	vpush v0, $0x6;
	s14 =	sand.u32 $0x1FFFFFF0, s12;
	s7 =	sadd.s32 s3, s29;
	s18 =	sand.u32 $0x1FFFFFF0, s16  }
0x1be: {  	[tilespmem:s11], [sflag:$0x3] =	stream.linear.gather [hbm4b:s7+s1], $0x80, $0x38;
	[tilespmem:$0x10400] =	vst v63  }
0x1bf: {  	(v2sf) =	vpush v1, $0x7;
	s29 =	simm.s32 $0x300;
	s10 =	sand.u32 $0x1FFFFFF0, s15;
	s7 =	sadd.s32 s4, s14  }
0x1c0: {  	[tilespmem:s13], [sflag:$0x3] =	stream.linear.gather [hbm4b:s7+s1], $0x80, $0x38;
	[tilespmem:$0x10400] =	vst v63  }
0x1c1: {  	s16 =	simm.s32 $0x8300;
	s10 =	sadd.s32 s3, s10;
	s20 =	spop (v2sf)  }
0x1c2: {  	[tilespmem:s17], [sflag:$0x4] =	stream.linear.gather [hbm4b:s10+s1], $0x80, $0x38;
	[tilespmem:$0x10400] =	vst v63  }
0x1c3: {  	s14 =	simm.s32 $0x8380;
	s7 =	sadd.s32 s4, s18;
	(v2sf) =	vpush v0, $0x7;
	s22 =	spop (v2sf)  }
0x1c4: {  	s18 =	simm.s32 $0x380;
	(v2sf) =	vpush v1, $0x8;
	s21 =	sand.u32 $0x1FFFFFF0, s20;
	s23 =	spop (v2sf)  }
0x1c5: {  	[tilespmem:s19], [sflag:$0x4] =	stream.linear.gather [hbm4b:s7+s1], $0x80, $0x38;
	[tilespmem:$0x10400] =	vst v63  }
0x1c6: {  	s10 =	sand.u32 $0x1FFFFFF0, s22;
	(v2sf) =	vpush v0, $0x8;
	s7 =	sadd.s32 s3, s21;
	s11 =	sand.u32 $0x1FFFFFF0, s23  }
0x1c7: {  	(v2sf) =	vpush v1, $0x9;
	[tilespmem:s8], [sflag:$0x1] =	stream.linear.gather [hbm4b:s7+s1], $0x80, $0x38;
	[tilespmem:$0x10400] =	vst v63  }
0x1c8: {  	s25 =	sadd.s32 s4, s10;
	s26 =	spop (v2sf);
	s23 =	simm.s32 $0x400  }
0x1c9: {  	(v2sf) =	vpush v0, $0x9;
	[tilespmem:s9], [sflag:$0x1] =	stream.linear.gather [hbm4b:s25+s1], $0x80, $0x38;
	[tilespmem:$0x10400] =	vst v63  }
0x1ca: {  	s28 =	sadd.s32 s3, s11;
	s12 =	spop (v2sf);
	(v2sf) =	vpush v1, $0xA;
	s9 =	sand.u32 $0x1FFFFFF0, s26  }
0x1cb: {  	[tilespmem:s24], [sflag:$0x2] =	stream.linear.gather [hbm4b:s28+s1], $0x80, $0x38;
	[tilespmem:$0x10400] =	vst v63  }
0x1cc: {  	s10 =	sand.u32 $0x1FFFFFF0, s12;
	s13 =	spop (v2sf);
	(v2sf) =	vpush v0, $0xA;
	s9 =	sadd.s32 s4, s9  }
0x1cd: {  	[tilespmem:s6], [sflag:$0x2] =	stream.linear.gather [hbm4b:s9+s1], $0x80, $0x38;
	[tilespmem:$0x10400] =	vst v63  }
0x1ce: {  	s15 =	sand.u32 $0x1FFFFFF0, s13;
	s10 =	sadd.s32 s3, s10;
	s17 =	spop (v2sf);
	(v2sf) =	vpush v1, $0xB  }
0x1cf: {  	[tilespmem:s29], [sflag:$0x3] =	stream.linear.gather [hbm4b:s10+s1], $0x80, $0x38;
	[tilespmem:$0x10400] =	vst v63  }
0x1d0: {  	s7 =	simm.s32 $0x580;
	s8 =	simm.s32 $0x8580;
	s9 =	sadd.s32 s4, s15  }
0x1d1: {  	[tilespmem:s16], [sflag:$0x3] =	stream.linear.gather [hbm4b:s9+s1], $0x80, $0x38;
	[tilespmem:$0x10400] =	vst v63  }
0x1d2: {  	s12 =	simm.s32 $0x8480;
	s19 =	sand.u32 $0x1FFFFFF0, s17;
	s20 =	spop (v2sf)  }
0x1d3: {  	s25 =	simm.s32 $0x480;
	s9 =	sadd.s32 s3, s19;
	s21 =	spop (v2sf)  }
0x1d4: {  	(v2sf) =	vpush v0, $0xB;
	[tilespmem:s18], [sflag:$0x4] =	stream.linear.gather [hbm4b:s9+s1], $0x80, $0x38;
	[tilespmem:$0x10400] =	vst v63  }
0x1d5: {  	s17 =	simm.s32 $0x8700;
	s10 =	sand.u32 $0x1FFFFFF0, s20;
	s24 =	spop (v2sf)  }
0x1d6: {  	s22 =	sand.u32 $0x1FFFFFF0, s21;
	s10 =	sadd.s32 s4, s10;
	(v2sf) =	vpush v1, $0xC;
	s28 =	spop (v2sf)  }
0x1d7: {  	[tilespmem:s14], [sflag:$0x4] =	stream.linear.gather [hbm4b:s10+s1], $0x80, $0x38;
	[tilespmem:$0x10400] =	vst v63  }
0x1d8: {  	s9 =	sadd.s32 s3, s22;
	(v2sf) =	vpush v0, $0xC;
	s26 =	sand.u32 $0x1FFFFFF0, s24;
	s29 =	spop (v2sf)  }
0x1d9: {  	s10 =	sand.u32 $0x1FFFFFF0, s28;
	(v2sf) =	vpush v1, $0xD;
	s11 =	sand.u32 $0x1FFFFFF0, s29;
	s14 =	spop (v2sf)  }
0x1da: {  	[tilespmem:s23], [sflag:$0x1] =	stream.linear.gather [hbm4b:s9+s1], $0x80, $0x38;
	[tilespmem:$0x10400] =	vst v63  }
0x1db: {  	s13 =	sadd.s32 s3, s10;
	(v2sf) =	vpush v0, $0xD;
	s9 =	sadd.s32 s4, s26;
	s16 =	spop (v2sf)  }
0x1dc: {  	[tilespmem:s0], [sflag:$0x1] =	stream.linear.gather [hbm4b:s9+s1], $0x80, $0x38;
	[tilespmem:$0x10400] =	vst v63  }
0x1dd: {  	(v2sf) =	vpush v1, $0xE;
	s15 =	sadd.s32 s4, s11;
	s6 =	sand.u32 $0x1FFFFFF0, s14;
	s18 =	spop (v2sf)  }
0x1de: {  	[tilespmem:s25], [sflag:$0x2] =	stream.linear.gather [hbm4b:s13+s1], $0x80, $0x38;
	[tilespmem:$0x10400] =	vst v63  }
0x1df: {  	s6 =	sadd.s32 s3, s6;
	s9 =	sand.u32 $0x1FFFFFF0, s16;
	s10 =	sand.u32 $0x1FFFFFF0, s18  }
0x1e0: {  	[tilespmem:s12], [sflag:$0x2] =	stream.linear.gather [hbm4b:s15+s1], $0x80, $0x38;
	[tilespmem:$0x10400] =	vst v63  }
0x1e1: {  	s0 =	simm.s32 $0x10110;
	s19 =	sadd.s32 s4, s9;
	s21 =	sadd.s32 s3, s10  }
0x1e2: {  	[tilespmem:s2], [sflag:$0x3] =	stream.linear.gather [hbm4b:s6+s1], $0x80, $0x38;
	[tilespmem:$0x10400] =	vst v63  }
0x1e3: {  	s25 =	simm.s32 $0x600;
	s2 =	simm.s32 $0x10310;
	s20 =	spop (v2sf)  }
0x1e4: {  	[tilespmem:s5], [sflag:$0x3] =	stream.linear.gather [hbm4b:s19+s1], $0x80, $0x38;
	[tilespmem:$0x10400] =	vst v63  }
0x1e5: {  	s6 =	simm.s32 $0x8600;
	s5 =	simm.s32 $0x8680;
	s23 =	spop (v2sf)  }
0x1e6: {  	[tilespmem:s7], [sflag:$0x4] =	stream.linear.gather [hbm4b:s21+s1], $0x80, $0x38;
	[tilespmem:$0x10400] =	vst v63  }
0x1e7: {  	s22 =	sand.u32 $0x1FFFFFF0, s20;
	s9 =	sand.u32 $0x1FFFFFF0, s23;
	s24 =	spop (v2sf)  }
0x1e8: {  	s7 =	sadd.s32 s4, s22;
	s26 =	spop (v2sf);
	s9 =	sadd.s32 s3, s9  }
0x1e9: {  	[tilespmem:s8], [sflag:$0x4] =	stream.linear.gather [hbm4b:s7+s1], $0x80, $0x38;
	[tilespmem:$0x10400] =	vst v63  }
0x1ea: {  	(v2sf) =	vpush v0, $0xE;
	s28 =	sand.u32 $0x1FFFFFF0, s24;
	s7 =	sand.u32 $0x1FFFFFF0, s26;
	s29 =	spop (v2sf)  }
0x1eb: {  	(v2sf) =	vpush v1, $0xF;
	[tilespmem:s25], [sflag:$0x1] =	stream.linear.gather [hbm4b:s9+s1], $0x80, $0x38;
	[tilespmem:$0x10400] =	vst v63  }
0x1ec: {  	s10 =	sadd.s32 s4, s28;
	(v2sf) =	vpush v0, $0xF;
	s8 =	sand.u32 $0x1FFFFFF0, s29;
	s9 =	spop (v2sf)  }
.LBB2_6:
0x1ed: {  	_ =	sdelay $0x4  }
0x1ee: {  	[tilespmem:s6], [sflag:$0x1] =	stream.linear.gather [hbm4b:s10+s1], $0x80, $0x38;
	[tilespmem:$0x10400] =	vst v63  }
0x1ef: {  	s14 =	sadd.s32 $0x680, s31;
	s7 =	sadd.s32 s3, s7  }
0x1f0: {  	[tilespmem:s14], [sflag:$0x2] =	stream.linear.gather [hbm4b:s7+s1], $0x80, $0x38;
	[tilespmem:$0x10400] =	vst v63  }
0x1f1: {  	s16 =	sadd.s32 s4, s8;
	s18 =	sand.u32 $0x1FFFFFF0, s9  }
0x1f2: {  	[tilespmem:s5], [sflag:$0x2] =	stream.linear.gather [hbm4b:s16+s1], $0x80, $0x38;
	[tilespmem:$0x10400] =	vst v63  }
0x1f3: {  	s20 =	sadd.s32 $0x700, s31;
	s21 =	sadd.s32 s3, s18  }
0x1f4: {  	[tilespmem:s20], [sflag:$0x3] =	stream.linear.gather [hbm4b:s21+s1], $0x80, $0x38;
	[tilespmem:$0x10400] =	vst v63  }
0x1f5: {  	s15 =	spop (v2sf)  }
0x1f6: {  	s19 =	sand.u32 $0x1FFFFFF0, s15;
	s22 =	spop (v2sf)  }
0x1f7: {  	s23 =	sadd.s32 s4, s19;
	s24 =	sand.u32 $0x1FFFFFF0, s22;
	s25 =	spop (v2sf)  }
0x1f8: {  	[tilespmem:s17], [sflag:$0x3] =	stream.linear.gather [hbm4b:s23+s1], $0x80, $0x38;
	[tilespmem:$0x10400] =	vst v63  }
0x1f9: {  	s26 =	sadd.s32 $0x780, s31;
	s6 =	sadd.s32 s3, s24;
	s7 =	sand.u32 $0x1FFFFFF0, s25  }
0x1fa: {  	[tilespmem:s26], [sflag:$0x4] =	stream.linear.gather [hbm4b:s6+s1], $0x80, $0x38;
	[tilespmem:$0x10400] =	vst v63  }
0x1fb: {  	s28 =	sadd.s32 $0x8780, s31;
	s29 =	sadd.s32 s4, s7  }
0x1fc: {  	[tilespmem:s28], [sflag:$0x4] =	stream.linear.gather [hbm4b:s29+s1], $0x80, $0x38;
	[tilespmem:$0x10400] =	vst v63  }
0x1fd: {  	v0 =	vld [tilespmem:s2+$0x0]  }
0x1fe: {  	v1 =	vld [tilespmem:s0+$0x0];
	_ =	sdelay $0x3  }
0x1ff: {  	v0 =	vshll.u32 v0, $0x4  }
0x200: {  	v1 =	vshll.u32 v1, $0x4;
	(v2sf) =	vpush v0, $0x0  }
0x201: {  	(v2sf) =	vpush v1, $0x0  }
0x202: {  	s7 =	smov.u32 s30;
	(v2sf) =	vpush v1, $0x1  }
0x203: {  	s31 =	sshra.s32 s7, $0x2;
	(v2sf) =	vpush v0, $0x1  }
0x204: {  	p0 =	sne.s32 s30, $0xE000;
	s30 =	sadd.s32 $0x2000, s30;
	s7 =	sadd.s32 $0x8280, s31  }
0x205: {  	s5 =	sadd.s32 $0x8400, s31;
	s24 =	sadd.s32 $0x200, s31;
	s22 =	sadd.s32 $0x8200, s31;
	(v2sf) =	vpush v1, $0x2  }
0x206: {  	s8 =	sadd.s32 $0x500, s31;
	s16 =	sadd.s32 $0x180, s31;
	s9 =	sadd.s32 $0x8500, s31  }
0x207: {  	s25 =	sadd.s32 $0x8100, s31;
	s23 =	sadd.s32 $0x280, s31;
	s10 =	sadd.s32 $0x580, s31;
	(v2sf) =	vpush v0, $0x2  }
0x208: {  	s19 =	sadd.s32 $0x300, s31;
	s11 =	sadd.s32 $0x8580, s31;
	[dreg:$0x14] =	wrdreg s5  }
0x209: {  	s21 =	sadd.s32 $0x8080, s31;
	s18 =	sadd.s32 $0x8300, s31;
	[dreg:$0xf] =	wrdreg s8;
	(v2sf) =	vpush v1, $0x3  }
0x20a: {  	s26 =	sadd.s32 $0x80, s31;
	s12 =	sadd.s32 $0x480, s31;
	[dreg:$0xd] =	wrdreg s9  }
0x20b: {  	s13 =	sadd.s32 $0x8480, s31;
	s20 =	sadd.s32 $0x380, s31;
	[dreg:$0xb] =	wrdreg s10;
	(v2sf) =	vpush v0, $0x3  }
0x20c: {  	s17 =	sadd.s32 $0x8700, s31;
	s6 =	sadd.s32 $0x8600, s31;
	[dreg:$0x9] =	wrdreg s11  }
0x20d: {  	s29 =	sadd.s32 $0x8000, s31;
	s28 =	sadd.s32 $0x100, s31;
	[dreg:$0x1d] =	wrdreg s12;
	(v2sf) =	vpush v1, $0x4  }
0x20e: {  	s9 =	sadd.s32 $0x8380, s31;
	s10 =	sadd.s32 $0x400, s31;
	[dreg:$0x1b] =	wrdreg s13  }
0x20f: {  	s5 =	sadd.s32 $0x8680, s31;
	s12 =	sadd.s32 $0x8180, s31;
	s14 =	spop (v2sf);
	(v2sf) =	vpush v0, $0x4  }
0x210: {  	s8 =	sadd.s32 $0x600, s31;
	s0 =	sadd.s32 $0x10, s0;
	s15 =	spop (v2sf)  }
0x211: {  	s11 =	sand.u32 $0x1FFFFFF0, s14;
	s13 =	sand.u32 $0x1FFFFFF0, s15;
	s14 =	spop (v2sf);
	(v2sf) =	vpush v1, $0x5  }
0x212: {  	s11 =	sadd.s32 s4, s11;
	s13 =	sadd.s32 s3, s13;
	s15 =	spop (v2sf)  }
0x213: {  	(v2sf) =	vpush v0, $0x5;
	[tilespmem:s31], [sflag:$0x1] =	stream.linear.gather [hbm4b:s13+s1], $0x80, $0x38;
	[tilespmem:$0x10400] =	vst v63  }
0x214: {  	s14 =	sand.u32 $0x1FFFFFF0, s14;
	s13 =	sand.u32 $0x1FFFFFF0, s15;
	s15 =	spop (v2sf)  }
0x215: {  	(v2sf) =	vpush v1, $0x6;
	[tilespmem:s29], [sflag:$0x1] =	stream.linear.gather [hbm4b:s11+s1], $0x80, $0x38;
	[tilespmem:$0x10400] =	vst v63  }
0x216: {  	s11 =	sadd.s32 s3, s14;
	s14 =	sand.u32 $0x1FFFFFF0, s15;
	s29 =	spop (v2sf)  }
0x217: {  	(v2sf) =	vpush v0, $0x6;
	[tilespmem:s26], [sflag:$0x2] =	stream.linear.gather [hbm4b:s11+s1], $0x80, $0x38;
	[tilespmem:$0x10400] =	vst v63  }
0x218: {  	s26 =	sadd.s32 s4, s13;
	s13 =	sand.u32 $0x1FFFFFF0, s29;
	s29 =	spop (v2sf)  }
0x219: {  	(v2sf) =	vpush v1, $0x7;
	[tilespmem:s21], [sflag:$0x2] =	stream.linear.gather [hbm4b:s26+s1], $0x80, $0x38;
	[tilespmem:$0x10400] =	vst v63  }
0x21a: {  	s2 =	sadd.s32 $0x10, s2;
	s21 =	sadd.s32 s3, s14;
	s26 =	spop (v2sf)  }
0x21b: {  	(v2sf) =	vpush v0, $0x7;
	[tilespmem:s28], [sflag:$0x3] =	stream.linear.gather [hbm4b:s21+s1], $0x80, $0x38;
	[tilespmem:$0x10400] =	vst v63  }
0x21c: {  	s14 =	sand.u32 $0x1FFFFFF0, s29;
	s29 =	sadd.s32 s4, s13;
	s21 =	spop (v2sf)  }
0x21d: {  	(v2sf) =	vpush v1, $0x8;
	[tilespmem:s25], [sflag:$0x3] =	stream.linear.gather [hbm4b:s29+s1], $0x80, $0x38;
	[tilespmem:$0x10400] =	vst v63  }
0x21e: {  	s13 =	sand.u32 $0x1FFFFFF0, s26;
	s26 =	sadd.s32 s3, s14;
	s29 =	spop (v2sf)  }
0x21f: {  	[tilespmem:s16], [sflag:$0x4] =	stream.linear.gather [hbm4b:s26+s1], $0x80, $0x38;
	[tilespmem:$0x10400] =	vst v63  }
0x220: {  	s28 =	sand.u32 $0x1FFFFFF0, s21;
	(v2sf) =	vpush v0, $0x8;
	s16 =	sadd.s32 s4, s13;
	s25 =	spop (v2sf)  }
0x221: {  	[tilespmem:s12], [sflag:$0x4] =	stream.linear.gather [hbm4b:s16+s1], $0x80, $0x38;
	[tilespmem:$0x10400] =	vst v63  }
0x222: {  	s21 =	sand.u32 $0x1FFFFFF0, s29;
	s26 =	sadd.s32 s3, s28;
	(v2sf) =	vpush v1, $0x9;
	s29 =	spop (v2sf)  }
0x223: {  	(v2sf) =	vpush v0, $0x9;
	[tilespmem:s24], [sflag:$0x1] =	stream.linear.gather [hbm4b:s26+s1], $0x80, $0x38;
	[tilespmem:$0x10400] =	vst v63  }
0x224: {  	s15 =	sadd.s32 s4, s21;
	s28 =	sand.u32 $0x1FFFFFF0, s25;
	s21 =	spop (v2sf)  }
0x225: {  	(v2sf) =	vpush v1, $0xA;
	[tilespmem:s22], [sflag:$0x1] =	stream.linear.gather [hbm4b:s15+s1], $0x80, $0x38;
	[tilespmem:$0x10400] =	vst v63  }
0x226: {  	s16 =	sand.u32 $0x1FFFFFF0, s29;
	s25 =	spop (v2sf);
	s22 =	sadd.s32 s3, s28  }
0x227: {  	[tilespmem:s23], [sflag:$0x2] =	stream.linear.gather [hbm4b:s22+s1], $0x80, $0x38;
	[tilespmem:$0x10400] =	vst v63  }
0x228: {  	s24 =	sand.u32 $0x1FFFFFF0, s21;
	s26 =	sadd.s32 s4, s16;
	(v2sf) =	vpush v0, $0xA;
	s29 =	spop (v2sf)  }
0x229: {  	[tilespmem:s7], [sflag:$0x2] =	stream.linear.gather [hbm4b:s26+s1], $0x80, $0x38;
	[tilespmem:$0x10400] =	vst v63  }
0x22a: {  	s12 =	sadd.s32 s3, s24;
	s28 =	sand.u32 $0x1FFFFFF0, s25;
	(v2sf) =	vpush v1, $0xB;
	s15 =	spop (v2sf)  }
0x22b: {  	[tilespmem:s19], [sflag:$0x3] =	stream.linear.gather [hbm4b:s12+s1], $0x80, $0x38;
	[tilespmem:$0x10400] =	vst v63  }
0x22c: {  	s16 =	sadd.s32 s4, s28;
	s14 =	sand.u32 $0x1FFFFFF0, s29;
	(v2sf) =	vpush v0, $0xB;
	s19 =	spop (v2sf)  }
0x22d: {  	s21 =	sadd.s32 s3, s14;
	s12 =	sand.u32 $0x1FFFFFF0, s15;
	s22 =	sand.u32 $0x1FFFFFF0, s19  }
0x22e: {  	[tilespmem:s18], [sflag:$0x3] =	stream.linear.gather [hbm4b:s16+s1], $0x80, $0x38;
	[tilespmem:$0x10400] =	vst v63  }
0x22f: {  	s24 =	sadd.s32 s4, s12;
	s23 =	spop (v2sf);
	s28 =	sadd.s32 s3, s22  }
0x230: {  	(v2sf) =	vpush v1, $0xC;
	[tilespmem:s20], [sflag:$0x4] =	stream.linear.gather [hbm4b:s21+s1], $0x80, $0x38;
	[tilespmem:$0x10400] =	vst v63  }
0x231: {  	s18 =	rddreg [dreg:$0x14];
	s25 =	sand.u32 $0x1FFFFFF0, s23;
	s26 =	spop (v2sf)  }
0x232: {  	(v2sf) =	vpush v0, $0xC;
	s22 =	rddreg [dreg:$0x1d];
	s14 =	sadd.s32 s4, s25;
	s13 =	spop (v2sf)  }
0x233: {  	[tilespmem:s9], [sflag:$0x4] =	stream.linear.gather [hbm4b:s24+s1], $0x80, $0x38;
	[tilespmem:$0x10400] =	vst v63  }
0x234: {  	(v2sf) =	vpush v1, $0xD;
	s29 =	sand.u32 $0x1FFFFFF0, s26;
	s26 =	rddreg [dreg:$0x1b];
	s16 =	spop (v2sf)  }
0x235: {  	s15 =	sand.u32 $0x1FFFFFF0, s13;
	s19 =	sadd.s32 s3, s29;
	s20 =	sand.u32 $0x1FFFFFF0, s16  }
0x236: {  	(v2sf) =	vpush v0, $0xD;
	[tilespmem:s10], [sflag:$0x1] =	stream.linear.gather [hbm4b:s28+s1], $0x80, $0x38;
	[tilespmem:$0x10400] =	vst v63  }
0x237: {  	s23 =	sadd.s32 s4, s15;
	s21 =	spop (v2sf);
	s28 =	sadd.s32 s3, s20  }
0x238: {  	(v2sf) =	vpush v1, $0xE;
	[tilespmem:s18], [sflag:$0x1] =	stream.linear.gather [hbm4b:s14+s1], $0x80, $0x38;
	[tilespmem:$0x10400] =	vst v63  }
0x239: {  	s24 =	sand.u32 $0x1FFFFFF0, s21;
	s25 =	spop (v2sf);
	s14 =	rddreg [dreg:$0xf]  }
0x23a: {  	[tilespmem:s22], [sflag:$0x2] =	stream.linear.gather [hbm4b:s19+s1], $0x80, $0x38;
	[tilespmem:$0x10400] =	vst v63  }
0x23b: {  	s15 =	sadd.s32 s4, s24;
	s29 =	sand.u32 $0x1FFFFFF0, s25;
	s13 =	spop (v2sf)  }
0x23c: {  	[tilespmem:s26], [sflag:$0x2] =	stream.linear.gather [hbm4b:s23+s1], $0x80, $0x38;
	[tilespmem:$0x10400] =	vst v63  }
0x23d: {  	s19 =	rddreg [dreg:$0xd];
	s20 =	sadd.s32 s3, s29;
	s16 =	sand.u32 $0x1FFFFFF0, s13  }
0x23e: {  	[tilespmem:s14], [sflag:$0x3] =	stream.linear.gather [hbm4b:s28+s1], $0x80, $0x38;
	[tilespmem:$0x10400] =	vst v63  }
0x23f: {  	s23 =	rddreg [dreg:$0xb];
	s24 =	sadd.s32 s4, s16;
	s18 =	spop (v2sf)  }
0x240: {  	[tilespmem:s19], [sflag:$0x3] =	stream.linear.gather [hbm4b:s15+s1], $0x80, $0x38;
	[tilespmem:$0x10400] =	vst v63  }
0x241: {  	s21 =	sand.u32 $0x1FFFFFF0, s18;
	s28 =	rddreg [dreg:$0x9];
	s22 =	spop (v2sf)  }
0x242: {  	[tilespmem:s23], [sflag:$0x4] =	stream.linear.gather [hbm4b:s20+s1], $0x80, $0x38;
	[tilespmem:$0x10400] =	vst v63  }
.Ltmp2:
0x243: {  	s25 =	sand.u32 $0x1FFFFFF0, s22;
	s26 =	spop (v2sf);
	(pc) =	sbr.rel @p0 .LBB2_6-.Ltmp2, $4  }
0x244: {  	[tilespmem:s28], [sflag:$0x4] =	stream.linear.gather [hbm4b:s24+s1], $0x80, $0x38;
	[tilespmem:$0x10400] =	vst v63  }
0x245: {  	(v2sf) =	vpush v0, $0xE;
	s9 =	sadd.s32 s3, s21;
	s10 =	sadd.s32 s4, s25;
	s29 =	spop (v2sf)  }
0x246: {  	(v2sf) =	vpush v1, $0xF;
	[tilespmem:s8], [sflag:$0x1] =	stream.linear.gather [hbm4b:s9+s1], $0x80, $0x38;
	[tilespmem:$0x10400] =	vst v63  }
0x247: {  	(v2sf) =	vpush v0, $0xF;
	s7 =	sand.u32 $0x1FFFFFF0, s26;
	s8 =	sand.u32 $0x1FFFFFF0, s29;
	s9 =	spop (v2sf)  }
0x248: {  	_ =	sdelay $0x4  }
0x249: {  	[tilespmem:s6], [sflag:$0x1] =	stream.linear.gather [hbm4b:s10+s1], $0x80, $0x38;
	[tilespmem:$0x10400] =	vst v63  }
0x24a: {  	s0 =	sadd.s32 $0x680, s31;
	s2 =	sadd.s32 s3, s7  }
0x24b: {  	[tilespmem:s0], [sflag:$0x2] =	stream.linear.gather [hbm4b:s2+s1], $0x80, $0x38;
	[tilespmem:$0x10400] =	vst v63  }
0x24c: {  	s15 =	sadd.s32 s4, s8;
	s16 =	sand.u32 $0x1FFFFFF0, s9  }
0x24d: {  	[tilespmem:s5], [sflag:$0x2] =	stream.linear.gather [hbm4b:s15+s1], $0x80, $0x38;
	[tilespmem:$0x10400] =	vst v63  }
0x24e: {  	s18 =	sadd.s32 $0x700, s31;
	s2 =	sadd.s32 s3, s16  }
0x24f: {  	[tilespmem:s18], [sflag:$0x3] =	stream.linear.gather [hbm4b:s2+s1], $0x80, $0x38;
	[tilespmem:$0x10400] =	vst v63  }
0x250: {  	s14 =	spop (v2sf)  }
0x251: {  	s6 =	sand.u32 $0x1FFFFFF0, s14;
	s19 =	spop (v2sf)  }
0x252: {  	s20 =	sadd.s32 s4, s6;
	s21 =	sand.u32 $0x1FFFFFF0, s19;
	s22 =	spop (v2sf)  }
0x253: {  	[tilespmem:s17], [sflag:$0x3] =	stream.linear.gather [hbm4b:s20+s1], $0x80, $0x38;
	[tilespmem:$0x10400] =	vst v63  }
0x254: {  	s23 =	sadd.s32 $0x780, s31;
	s2 =	sadd.s32 s3, s21;
	s5 =	sand.u32 $0x1FFFFFF0, s22  }
0x255: {  	[tilespmem:s23], [sflag:$0x4] =	stream.linear.gather [hbm4b:s2+s1], $0x80, $0x38;
	[tilespmem:$0x10400] =	vst v63  }
0x256: {  	s24 =	sadd.s32 $0x8780, s31;
	s26 =	simm.s32 $0x5;
	s25 =	sadd.s32 s4, s5  }
0x257: {  	[tilespmem:s24], [sflag:$0x4] =	stream.linear.gather [hbm4b:s25+s1], $0x80, $0x38;
	[tilespmem:$0x10400] =	vst v63  }
0x258: {  	_ =	swait.ge [sflag:s26], $0x2000  }
0x259: {  	[sflag:s26] =	ssyncset.done $0x0  }
0x25a: {  	s29 =	simm.s32 $0x6;
	[sflag:s26] =	ssyncadd.s32 $0xFFFFE000  }
0x25b: {  	_ =	swait.ge [sflag:s29], $0x2000  }
0x25c: {  	[sflag:s29] =	ssyncset.done $0x0  }
0x25d: {  	s2 =	simm.s32 $0x7;
	[sflag:s29] =	ssyncadd.s32 $0xFFFFE000  }
0x25e: {  	_ =	swait.ge [sflag:s2], $0x2000  }
0x25f: {  	[sflag:s2] =	ssyncset.done $0x0  }
0x260: {  	s5 =	simm.s32 $0x8;
	[sflag:s2] =	ssyncadd.s32 $0xFFFFE000  }
0x261: {  	_ =	swait.ge [sflag:s5], $0x2000  }
0x262: {  	s7 =	sld [smem:$0x7F7]  }
0x263: {  	s8 =	simm.s32 $0x4000;
	[sflag:s5] =	ssyncset.done $0x0  }
0x264: {  	s9 =	simm.s32 $0x9;
	s6 =	simm.s32 $0x0;
	[sflag:s5] =	ssyncadd.s32 $0xFFFFE000  }
0x265: {  	[hbm4b:s7+s6] =	stream.linear.scatter [tilespmem:s8], [sflag:$0x9], $0x4000, $0x38;
	[tilespmem:$0x10400] =	vst v63  }
0x266: {  	_ =	swait.ge [sflag:s9], $0x4000  }
0x267: {  	s10 =	sld [smem:$0x7F8]  }
0x268: {  	[sflag:s9] =	ssyncset.done $0x0  }
0x269: {  	s11 =	simm.s32 $0xC000;
	[sflag:s9] =	ssyncadd.s32 $0xFFFFC000  }
0x26a: {  	[hbm4b:s10+s6] =	stream.linear.scatter [tilespmem:s11], [sflag:$0x9], $0x4000, $0x38;
	[tilespmem:$0x10400] =	vst v63  }
0x26b: {  	_ =	swait.ge [sflag:s9], $0x4000  }
0x26c: {  	[sflag:s9] =	ssyncset.done $0x0  }
0x26d: {  	s12 =	simm.s32 $0x10180;
	[sflag:s9] =	ssyncadd.s32 $0xFFFFC000  }
0x26e: {  	s13 =	simm.s32 $0x10380;
	v0 =	vld [tilespmem:s12+$0x0]  }
0x26f: {  	v2 =	vld [tilespmem:s13+$0x0];
	_ =	sdelay $0x3  }
0x270: {  	v1 =	vshll.u32 v0, $0x4  }
0x271: {  	v63 =	vshll.u32 v2, $0x4;
	(v2sf) =	vpush v1, $0x0  }
0x272: {  	(v2sf) =	vpush v63, $0x0  }
0x273: {  	(v2sf) =	vpush v1, $0x1;
	_ =	sdelay $0x1  }
0x274: {  	(v2sf) =	vpush v63, $0x1  }
0x275: {  	(v2sf) =	vpush v1, $0x2;
	_ =	sdelay $0x1  }
0x276: {  	(v2sf) =	vpush v63, $0x2  }
0x277: {  	(v2sf) =	vpush v1, $0x3;
	_ =	sdelay $0x2  }
0x278: {  	s31 =	simm.s32 $0x2000  }
0x279: {  	s30 =	simm.s32 $0x0;
	s28 =	simm.s32 $0x10190;
	s0 =	simm.s32 $0x4280;
	(v2sf) =	vpush v63, $0x3  }
0x27a: {  	s15 =	simm.s32 $0x4000;
	s14 =	simm.s32 $0xC000;
	s17 =	simm.s32 $0x4180  }
0x27b: {  	s20 =	simm.s32 $0x4080;
	s23 =	simm.s32 $0xC080;
	s25 =	simm.s32 $0x4100  }
0x27c: {  	s5 =	simm.s32 $0xC500;
	s7 =	simm.s32 $0xC180;
	s16 =	spop (v2sf)  }
0x27d: {  	s6 =	simm.s32 $0x4480;
	s8 =	sand.u32 $0x1FFFFFF0, s16;
	s11 =	spop (v2sf)  }
0x27e: {  	s9 =	simm.s32 $0x4200;
	s8 =	sadd.s32 s3, s8;
	s19 =	spop (v2sf)  }
0x27f: {  	(v2sf) =	vpush v1, $0x4;
	[tilespmem:s15], [sflag:$0x5] =	stream.linear.gather [hbm4b:s8+s1], $0x80, $0x38;
	[tilespmem:$0x10400] =	vst v63  }
0x280: {  	(v2sf) =	vpush v63, $0x4;
	s16 =	simm.s32 $0xC200;
	s18 =	sand.u32 $0x1FFFFFF0, s11;
	s12 =	spop (v2sf)  }
0x281: {  	s8 =	sadd.s32 s4, s18;
	s11 =	sand.u32 $0x1FFFFFF0, s19;
	s24 =	spop (v2sf)  }
0x282: {  	(v2sf) =	vpush v1, $0x5;
	[tilespmem:s14], [sflag:$0x5] =	stream.linear.gather [hbm4b:s8+s1], $0x80, $0x38;
	[tilespmem:$0x10400] =	vst v63  }
0x283: {  	(v2sf) =	vpush v63, $0x5;
	s21 =	sadd.s32 s3, s11;
	s22 =	sand.u32 $0x1FFFFFF0, s12;
	s26 =	spop (v2sf)  }
0x284: {  	s11 =	sadd.s32 s4, s22;
	s8 =	sand.u32 $0x1FFFFFF0, s24;
	s29 =	spop (v2sf)  }
0x285: {  	(v2sf) =	vpush v1, $0x6;
	[tilespmem:s20], [sflag:$0x6] =	stream.linear.gather [hbm4b:s21+s1], $0x80, $0x38;
	[tilespmem:$0x10400] =	vst v63  }
0x286: {  	s14 =	simm.s32 $0xC600;
	s8 =	sadd.s32 s3, s8;
	s12 =	sand.u32 $0x1FFFFFF0, s29  }
0x287: {  	[tilespmem:s23], [sflag:$0x6] =	stream.linear.gather [hbm4b:s11+s1], $0x80, $0x38;
	[tilespmem:$0x10400] =	vst v63  }
0x288: {  	(v2sf) =	vpush v63, $0x6;
	s13 =	spop (v2sf);
	s21 =	simm.s32 $0xC280;
	s11 =	sand.u32 $0x1FFFFFF0, s26  }
0x289: {  	[tilespmem:s25], [sflag:$0x7] =	stream.linear.gather [hbm4b:s8+s1], $0x80, $0x38;
	[tilespmem:$0x10400] =	vst v63  }
0x28a: {  	s2 =	sand.u32 $0x1FFFFFF0, s13;
	s11 =	sadd.s32 s4, s11;
	s8 =	simm.s32 $0xC100  }
0x28b: {  	[tilespmem:s8], [sflag:$0x7] =	stream.linear.gather [hbm4b:s11+s1], $0x80, $0x38;
	[tilespmem:$0x10400] =	vst v63  }
0x28c: {  	(v2sf) =	vpush v1, $0x7;
	s15 =	sadd.s32 s3, s12;
	s13 =	simm.s32 $0x4680;
	s2 =	sadd.s32 s4, s2  }
0x28d: {  	[tilespmem:s17], [sflag:$0x8] =	stream.linear.gather [hbm4b:s15+s1], $0x80, $0x38;
	[tilespmem:$0x10400] =	vst v63  }
0x28e: {  	(v2sf) =	vpush v63, $0x7;
	s23 =	simm.s32 $0x4300;
	s11 =	simm.s32 $0xC300;
	s17 =	spop (v2sf)  }
0x28f: {  	s15 =	simm.s32 $0xC680;
	s10 =	sand.u32 $0x1FFFFFF0, s17;
	s18 =	spop (v2sf)  }
0x290: {  	(v2sf) =	vpush v1, $0x8;
	[tilespmem:s7], [sflag:$0x8] =	stream.linear.gather [hbm4b:s2+s1], $0x80, $0x38;
	[tilespmem:$0x10400] =	vst v63  }
0x291: {  	s17 =	simm.s32 $0x4380;
	s20 =	sand.u32 $0x1FFFFFF0, s18;
	s22 =	spop (v2sf)  }
0x292: {  	(v2sf) =	vpush v63, $0x8;
	s19 =	sadd.s32 s3, s10;
	s10 =	sadd.s32 s4, s20;
	s24 =	spop (v2sf)  }
0x293: {  	(v2sf) =	vpush v1, $0x9;
	[tilespmem:s9], [sflag:$0x5] =	stream.linear.gather [hbm4b:s19+s1], $0x80, $0x38;
	[tilespmem:$0x10400] =	vst v63  }
0x294: {  	s20 =	simm.s32 $0xC380;
	s9 =	sand.u32 $0x1FFFFFF0, s22;
	s25 =	spop (v2sf)  }
0x295: {  	s22 =	simm.s32 $0x4400;
	s9 =	sadd.s32 s3, s9;
	s29 =	sand.u32 $0x1FFFFFF0, s25  }
0x296: {  	[tilespmem:s16], [sflag:$0x5] =	stream.linear.gather [hbm4b:s10+s1], $0x80, $0x38;
	[tilespmem:$0x10400] =	vst v63  }
0x297: {  	(v2sf) =	vpush v63, $0x9;
	s2 =	spop (v2sf);
	s25 =	simm.s32 $0xC400;
	s10 =	sand.u32 $0x1FFFFFF0, s24  }
0x298: {  	[tilespmem:s0], [sflag:$0x6] =	stream.linear.gather [hbm4b:s9+s1], $0x80, $0x38;
	[tilespmem:$0x10400] =	vst v63  }
0x299: {  	(v2sf) =	vpush v1, $0xA;
	s7 =	sand.u32 $0x1FFFFFF0, s2;
	s2 =	simm.s32 $0xC480;
	s26 =	sadd.s32 s4, s10  }
0x29a: {  	[tilespmem:s21], [sflag:$0x6] =	stream.linear.gather [hbm4b:s26+s1], $0x80, $0x38;
	[tilespmem:$0x10400] =	vst v63  }
0x29b: {  	(v2sf) =	vpush v63, $0xA;
	s10 =	sadd.s32 s3, s29;
	s12 =	spop (v2sf);
	s7 =	sadd.s32 s4, s7  }
0x29c: {  	[tilespmem:s23], [sflag:$0x7] =	stream.linear.gather [hbm4b:s10+s1], $0x80, $0x38;
	[tilespmem:$0x10400] =	vst v63  }
0x29d: {  	(v2sf) =	vpush v1, $0xB;
	s0 =	simm.s32 $0xC580;
	s9 =	sand.u32 $0x1FFFFFF0, s12;
	s16 =	spop (v2sf)  }
0x29e: {  	[tilespmem:s11], [sflag:$0x7] =	stream.linear.gather [hbm4b:s7+s1], $0x80, $0x38;
	[tilespmem:$0x10400] =	vst v63  }
0x29f: {  	(v2sf) =	vpush v63, $0xB;
	s18 =	sadd.s32 s3, s9;
	s19 =	sand.u32 $0x1FFFFFF0, s16;
	s21 =	spop (v2sf)  }
0x2a0: {  	[tilespmem:s17], [sflag:$0x8] =	stream.linear.gather [hbm4b:s18+s1], $0x80, $0x38;
	[tilespmem:$0x10400] =	vst v63  }
0x2a1: {  	s9 =	sadd.s32 s4, s19;
	s11 =	simm.s32 $0x4500;
	s23 =	spop (v2sf)  }
0x2a2: {  	s7 =	simm.s32 $0x4600;
	s8 =	sand.u32 $0x1FFFFFF0, s21;
	s24 =	spop (v2sf)  }
0x2a3: {  	(v2sf) =	vpush v1, $0xC;
	[tilespmem:s20], [sflag:$0x8] =	stream.linear.gather [hbm4b:s9+s1], $0x80, $0x38;
	[tilespmem:$0x10400] =	vst v63  }
0x2a4: {  	s8 =	sadd.s32 s3, s8;
	s9 =	sand.u32 $0x1FFFFFF0, s23;
	s29 =	sand.u32 $0x1FFFFFF0, s24  }
0x2a5: {  	(v2sf) =	vpush v63, $0xC;
	[tilespmem:s22], [sflag:$0x5] =	stream.linear.gather [hbm4b:s8+s1], $0x80, $0x38;
	[tilespmem:$0x10400] =	vst v63  }
0x2a6: {  	s10 =	spop (v2sf);
	s23 =	simm.s32 $0x4580;
	s26 =	sadd.s32 s4, s9  }
0x2a7: {  	[tilespmem:s25], [sflag:$0x5] =	stream.linear.gather [hbm4b:s26+s1], $0x80, $0x38;
	[tilespmem:$0x10400] =	vst v63  }
0x2a8: {  	s9 =	sadd.s32 s3, s29;
	s12 =	spop (v2sf);
	s8 =	sand.u32 $0x1FFFFFF0, s10  }
0x2a9: {  	[tilespmem:s6], [sflag:$0x6] =	stream.linear.gather [hbm4b:s9+s1], $0x80, $0x38;
	[tilespmem:$0x10400] =	vst v63  }
0x2aa: {  	s16 =	spop (v2sf);
	s8 =	sadd.s32 s4, s8;
	s9 =	sand.u32 $0x1FFFFFF0, s12  }
0x2ab: {  	[tilespmem:s2], [sflag:$0x6] =	stream.linear.gather [hbm4b:s8+s1], $0x80, $0x38;
	[tilespmem:$0x10400] =	vst v63  }
0x2ac: {  	s18 =	sand.u32 $0x1FFFFFF0, s16;
	s19 =	spop (v2sf);
	s17 =	sadd.s32 s3, s9  }
0x2ad: {  	[tilespmem:s11], [sflag:$0x7] =	stream.linear.gather [hbm4b:s17+s1], $0x80, $0x38;
	[tilespmem:$0x10400] =	vst v63  }
0x2ae: {  	s20 =	sadd.s32 s4, s18;
	s21 =	sand.u32 $0x1FFFFFF0, s19;
	s22 =	spop (v2sf)  }
0x2af: {  	(v2sf) =	vpush v1, $0xD;
	[tilespmem:s5], [sflag:$0x7] =	stream.linear.gather [hbm4b:s20+s1], $0x80, $0x38;
	[tilespmem:$0x10400] =	vst v63  }
0x2b0: {  	s26 =	simm.s32 $0x10390;
	(v2sf) =	vpush v63, $0xD;
	s24 =	sadd.s32 s3, s21;
	s8 =	sand.u32 $0x1FFFFFF0, s22  }
0x2b1: {  	(v2sf) =	vpush v1, $0xE;
	[tilespmem:s23], [sflag:$0x8] =	stream.linear.gather [hbm4b:s24+s1], $0x80, $0x38;
	[tilespmem:$0x10400] =	vst v63  }
0x2b2: {  	s6 =	simm.s32 $0x4700;
	(v2sf) =	vpush v63, $0xE;
	s25 =	sadd.s32 s4, s8;
	s29 =	spop (v2sf)  }
0x2b3: {  	(v2sf) =	vpush v1, $0xF;
	[tilespmem:s0], [sflag:$0x8] =	stream.linear.gather [hbm4b:s25+s1], $0x80, $0x38;
	[tilespmem:$0x10400] =	vst v63  }
0x2b4: {  	(v2sf) =	vpush v63, $0xF;
	s17 =	simm.s32 $0xC700;
	s8 =	sand.u32 $0x1FFFFFF0, s29;
	s0 =	spop (v2sf)  }
.LBB2_8:
0x2b5: {  	_ =	sdelay $0x4  }
0x2b6: {  	s8 =	sadd.s32 s3, s8;
	s0 =	sand.u32 $0x1FFFFFF0, s0  }
0x2b7: {  	[tilespmem:s7], [sflag:$0x5] =	stream.linear.gather [hbm4b:s8+s1], $0x80, $0x38;
	[tilespmem:$0x10400] =	vst v63  }
0x2b8: {  	s0 =	sadd.s32 s4, s0  }
0x2b9: {  	[tilespmem:s14], [sflag:$0x5] =	stream.linear.gather [hbm4b:s0+s1], $0x80, $0x38;
	[tilespmem:$0x10400] =	vst v63  }
0x2ba: {  	s9 =	spop (v2sf)  }
0x2bb: {  	s10 =	sand.u32 $0x1FFFFFF0, s9;
	s11 =	spop (v2sf)  }
0x2bc: {  	s12 =	sadd.s32 s3, s10;
	s14 =	sand.u32 $0x1FFFFFF0, s11;
	s16 =	spop (v2sf)  }
0x2bd: {  	[tilespmem:s13], [sflag:$0x6] =	stream.linear.gather [hbm4b:s12+s1], $0x80, $0x38;
	[tilespmem:$0x10400] =	vst v63  }
0x2be: {  	s18 =	sadd.s32 s4, s14;
	s2 =	sand.u32 $0x1FFFFFF0, s16;
	s19 =	spop (v2sf)  }
0x2bf: {  	[tilespmem:s15], [sflag:$0x6] =	stream.linear.gather [hbm4b:s18+s1], $0x80, $0x38;
	[tilespmem:$0x10400] =	vst v63  }
0x2c0: {  	s20 =	sadd.s32 s3, s2;
	s21 =	sand.u32 $0x1FFFFFF0, s19;
	s22 =	spop (v2sf)  }
0x2c1: {  	[tilespmem:s6], [sflag:$0x7] =	stream.linear.gather [hbm4b:s20+s1], $0x80, $0x38;
	[tilespmem:$0x10400] =	vst v63  }
0x2c2: {  	s23 =	sadd.s32 s4, s21;
	s24 =	sand.u32 $0x1FFFFFF0, s22;
	s25 =	spop (v2sf)  }
0x2c3: {  	[tilespmem:s17], [sflag:$0x7] =	stream.linear.gather [hbm4b:s23+s1], $0x80, $0x38;
	[tilespmem:$0x10400] =	vst v63  }
0x2c4: {  	s29 =	sadd.s32 $0x4780, s30;
	s2 =	sadd.s32 s3, s24;
	s5 =	sand.u32 $0x1FFFFFF0, s25  }
0x2c5: {  	[tilespmem:s29], [sflag:$0x8] =	stream.linear.gather [hbm4b:s2+s1], $0x80, $0x38;
	[tilespmem:$0x10400] =	vst v63  }
0x2c6: {  	s6 =	sadd.s32 s4, s5;
	s2 =	sadd.s32 $0xC780, s30  }
0x2c7: {  	[tilespmem:s2], [sflag:$0x8] =	stream.linear.gather [hbm4b:s6+s1], $0x80, $0x38;
	[tilespmem:$0x10400] =	vst v63  }
0x2c8: {  	v0 =	vld [tilespmem:s28+$0x0]  }
0x2c9: {  	v2 =	vld [tilespmem:s26+$0x0];
	_ =	sdelay $0x3  }
0x2ca: {  	v1 =	vshll.u32 v0, $0x4  }
0x2cb: {  	v63 =	vshll.u32 v2, $0x4;
	(v2sf) =	vpush v1, $0x0  }
0x2cc: {  	s7 =	smov.u32 s31;
	(v2sf) =	vpush v63, $0x0  }
0x2cd: {  	s30 =	sshra.s32 s7, $0x2;
	(v2sf) =	vpush v1, $0x1  }
0x2ce: {  	p0 =	sne.s32 s31, $0xE000;
	s31 =	sadd.s32 $0x2000, s31;
	s9 =	sadd.s32 $0xC000, s30  }
0x2cf: {  	s0 =	sadd.s32 $0x4280, s30;
	s8 =	sadd.s32 $0x4480, s30;
	s11 =	sadd.s32 $0x4000, s30  }
0x2d0: {  	s24 =	sadd.s32 $0x4200, s30;
	s10 =	sadd.s32 $0xC500, s30;
	s16 =	sadd.s32 $0x4180, s30;
	(v2sf) =	vpush v63, $0x1  }
0x2d1: {  	s29 =	sadd.s32 $0xC180, s30;
	s14 =	sadd.s32 $0xC600, s30;
	s25 =	sadd.s32 $0xC200, s30  }
0x2d2: {  	s5 =	sadd.s32 $0x4680, s30;
	s23 =	sadd.s32 $0xC280, s30;
	s22 =	sadd.s32 $0x4300, s30;
	(v2sf) =	vpush v1, $0x2  }
0x2d3: {  	s12 =	sadd.s32 $0xC580, s30;
	s15 =	sadd.s32 $0xC680, s30;
	[smem:$0x7ED] =	sst s0  }
0x2d4: {  	s20 =	sadd.s32 $0xC300, s30;
	s13 =	sadd.s32 $0xC480, s30;
	[dreg:$0x11] =	wrdreg s8;
	(v2sf) =	vpush v63, $0x2  }
0x2d5: {  	s17 =	sadd.s32 $0x4500, s30;
	s19 =	sadd.s32 $0x4380, s30;
	[dreg:$0x5] =	wrdreg s10  }
0x2d6: {  	s18 =	sadd.s32 $0xC400, s30;
	s7 =	sadd.s32 $0x4600, s30;
	[dreg:$0x7] =	wrdreg s12;
	(v2sf) =	vpush v1, $0x3  }
0x2d7: {  	s21 =	sadd.s32 $0x4400, s30;
	s8 =	sadd.s32 $0x4100, s30;
	[dreg:$0x17] =	wrdreg s13  }
0x2d8: {  	s10 =	sadd.s32 $0xC080, s30;
	s0 =	sadd.s32 $0xC100, s30;
	[dreg:$0x15] =	wrdreg s17;
	(v2sf) =	vpush v63, $0x3  }
0x2d9: {  	[dreg:$0x1f] =	wrdreg s18;
	s12 =	sadd.s32 $0x4080, s30;
	s18 =	sadd.s32 $0xC380, s30  }
0x2da: {  	[smem:$0x7EE] =	sst s21;
	s21 =	sadd.s32 $0x4580, s30;
	(v2sf) =	vpush v1, $0x4;
	s2 =	spop (v2sf)  }
0x2db: {  	[dreg:$0x19] =	wrdreg s21;
	s13 =	sand.u32 $0x1FFFFFF0, s2;
	s21 =	spop (v2sf)  }
0x2dc: {  	(v2sf) =	vpush v63, $0x4;
	s13 =	sadd.s32 s3, s13;
	s2 =	sand.u32 $0x1FFFFFF0, s21;
	s21 =	spop (v2sf)  }
0x2dd: {  	[tilespmem:s11], [sflag:$0x5] =	stream.linear.gather [hbm4b:s13+s1], $0x80, $0x38;
	[tilespmem:$0x10400] =	vst v63  }
0x2de: {  	s6 =	sadd.s32 $0x4700, s30;
	s17 =	sadd.s32 $0xC700, s30;
	s13 =	sand.u32 $0x1FFFFFF0, s21  }
0x2df: {  	(v2sf) =	vpush v1, $0x5;
	s2 =	sadd.s32 s4, s2;
	s21 =	spop (v2sf);
	s11 =	sadd.s32 s3, s13  }
0x2e0: {  	(v2sf) =	vpush v63, $0x5;
	[tilespmem:s9], [sflag:$0x5] =	stream.linear.gather [hbm4b:s2+s1], $0x80, $0x38;
	[tilespmem:$0x10400] =	vst v63  }
0x2e1: {  	s21 =	sand.u32 $0x1FFFFFF0, s21;
	s13 =	smov.u32 s5;
	s5 =	spop (v2sf)  }
0x2e2: {  	(v2sf) =	vpush v1, $0x6;
	[tilespmem:s12], [sflag:$0x6] =	stream.linear.gather [hbm4b:s11+s1], $0x80, $0x38;
	[tilespmem:$0x10400] =	vst v63  }
0x2e3: {  	s12 =	sadd.s32 s4, s21;
	s21 =	sand.u32 $0x1FFFFFF0, s5;
	s5 =	spop (v2sf)  }
0x2e4: {  	(v2sf) =	vpush v63, $0x6;
	[tilespmem:s10], [sflag:$0x6] =	stream.linear.gather [hbm4b:s12+s1], $0x80, $0x38;
	[tilespmem:$0x10400] =	vst v63  }
0x2e5: {  	s12 =	sadd.s32 s3, s21;
	s21 =	sand.u32 $0x1FFFFFF0, s5;
	s5 =	spop (v2sf)  }
0x2e6: {  	(v2sf) =	vpush v1, $0x7;
	[tilespmem:s8], [sflag:$0x7] =	stream.linear.gather [hbm4b:s12+s1], $0x80, $0x38;
	[tilespmem:$0x10400] =	vst v63  }
0x2e7: {  	s11 =	sadd.s32 s4, s21;
	s21 =	spop (v2sf);
	s12 =	sand.u32 $0x1FFFFFF0, s5  }
0x2e8: {  	(v2sf) =	vpush v63, $0x7;
	[tilespmem:s0], [sflag:$0x7] =	stream.linear.gather [hbm4b:s11+s1], $0x80, $0x38;
	[tilespmem:$0x10400] =	vst v63  }
0x2e9: {  	s8 =	sand.u32 $0x1FFFFFF0, s21;
	s9 =	spop (v2sf);
	s5 =	sadd.s32 s3, s12  }
0x2ea: {  	(v2sf) =	vpush v1, $0x8;
	[tilespmem:s16], [sflag:$0x8] =	stream.linear.gather [hbm4b:s5+s1], $0x80, $0x38;
	[tilespmem:$0x10400] =	vst v63  }
0x2eb: {  	s26 =	sadd.s32 $0x10, s26;
	s10 =	sadd.s32 s4, s8;
	s12 =	spop (v2sf)  }
0x2ec: {  	[tilespmem:s29], [sflag:$0x8] =	stream.linear.gather [hbm4b:s10+s1], $0x80, $0x38;
	[tilespmem:$0x10400] =	vst v63  }
0x2ed: {  	s28 =	sadd.s32 $0x10, s28;
	s11 =	sand.u32 $0x1FFFFFF0, s9;
	s21 =	sand.u32 $0x1FFFFFF0, s12  }
0x2ee: {  	s16 =	sadd.s32 s3, s11;
	(v2sf) =	vpush v63, $0x8;
	s29 =	spop (v2sf);
	s5 =	sadd.s32 s4, s21  }
0x2ef: {  	(v2sf) =	vpush v1, $0x9;
	s9 =	sand.u32 $0x1FFFFFF0, s29;
	s10 =	spop (v2sf);
	s21 =	sld [smem:$0x7ED]  }
0x2f0: {  	[tilespmem:s24], [sflag:$0x5] =	stream.linear.gather [hbm4b:s16+s1], $0x80, $0x38;
	[tilespmem:$0x10400] =	vst v63  }
0x2f1: {  	(v2sf) =	vpush v63, $0x9;
	s11 =	sadd.s32 s3, s9;
	s12 =	sand.u32 $0x1FFFFFF0, s10;
	s16 =	spop (v2sf)  }
0x2f2: {  	[tilespmem:s25], [sflag:$0x5] =	stream.linear.gather [hbm4b:s5+s1], $0x80, $0x38;
	[tilespmem:$0x10400] =	vst v63  }
0x2f3: {  	s24 =	sadd.s32 s4, s12;
	s25 =	sand.u32 $0x1FFFFFF0, s16;
	s29 =	spop (v2sf)  }
0x2f4: {  	[tilespmem:s21], [sflag:$0x6] =	stream.linear.gather [hbm4b:s11+s1], $0x80, $0x38;
	[tilespmem:$0x10400] =	vst v63  }
0x2f5: {  	(v2sf) =	vpush v1, $0xA;
	s5 =	sadd.s32 s3, s25;
	s9 =	sand.u32 $0x1FFFFFF0, s29;
	s10 =	spop (v2sf)  }
0x2f6: {  	[tilespmem:s23], [sflag:$0x6] =	stream.linear.gather [hbm4b:s24+s1], $0x80, $0x38;
	[tilespmem:$0x10400] =	vst v63  }
0x2f7: {  	(v2sf) =	vpush v63, $0xA;
	s11 =	sadd.s32 s4, s9;
	s12 =	sand.u32 $0x1FFFFFF0, s10;
	s16 =	spop (v2sf)  }
0x2f8: {  	[tilespmem:s22], [sflag:$0x7] =	stream.linear.gather [hbm4b:s5+s1], $0x80, $0x38;
	[tilespmem:$0x10400] =	vst v63  }
0x2f9: {  	s21 =	sadd.s32 s3, s12;
	s23 =	spop (v2sf);
	s22 =	sand.u32 $0x1FFFFFF0, s16  }
0x2fa: {  	[tilespmem:s20], [sflag:$0x7] =	stream.linear.gather [hbm4b:s11+s1], $0x80, $0x38;
	[tilespmem:$0x10400] =	vst v63  }
0x2fb: {  	(v2sf) =	vpush v1, $0xB;
	s25 =	sand.u32 $0x1FFFFFF0, s23;
	s23 =	rddreg [dreg:$0x11];
	s24 =	sadd.s32 s4, s22  }
0x2fc: {  	[tilespmem:s19], [sflag:$0x8] =	stream.linear.gather [hbm4b:s21+s1], $0x80, $0x38;
	[tilespmem:$0x10400] =	vst v63  }
0x2fd: {  	(v2sf) =	vpush v63, $0xB;
	s5 =	sadd.s32 s3, s25;
	s11 =	sld [smem:$0x7EE];
	s29 =	spop (v2sf)  }
0x2fe: {  	(v2sf) =	vpush v1, $0xC;
	s19 =	rddreg [dreg:$0x1f];
	s9 =	sand.u32 $0x1FFFFFF0, s29;
	s10 =	spop (v2sf)  }
0x2ff: {  	[tilespmem:s18], [sflag:$0x8] =	stream.linear.gather [hbm4b:s24+s1], $0x80, $0x38;
	[tilespmem:$0x10400] =	vst v63  }
0x300: {  	(v2sf) =	vpush v63, $0xC;
	s12 =	sadd.s32 s4, s9;
	s16 =	sand.u32 $0x1FFFFFF0, s10;
	s18 =	spop (v2sf)  }
0x301: {  	[tilespmem:s11], [sflag:$0x5] =	stream.linear.gather [hbm4b:s5+s1], $0x80, $0x38;
	[tilespmem:$0x10400] =	vst v63  }
0x302: {  	s9 =	rddreg [dreg:$0x17];
	s20 =	sadd.s32 s3, s16;
	s21 =	sand.u32 $0x1FFFFFF0, s18  }
0x303: {  	[tilespmem:s19], [sflag:$0x5] =	stream.linear.gather [hbm4b:s12+s1], $0x80, $0x38;
	[tilespmem:$0x10400] =	vst v63  }
0x304: {  	s22 =	spop (v2sf);
	s16 =	rddreg [dreg:$0x15];
	s24 =	sadd.s32 s4, s21  }
0x305: {  	[tilespmem:s23], [sflag:$0x6] =	stream.linear.gather [hbm4b:s20+s1], $0x80, $0x38;
	[tilespmem:$0x10400] =	vst v63  }
0x306: {  	s25 =	sand.u32 $0x1FFFFFF0, s22;
	s21 =	rddreg [dreg:$0x5];
	s29 =	spop (v2sf)  }
0x307: {  	[tilespmem:s9], [sflag:$0x6] =	stream.linear.gather [hbm4b:s24+s1], $0x80, $0x38;
	[tilespmem:$0x10400] =	vst v63  }
0x308: {  	s10 =	sadd.s32 s3, s25;
	s25 =	rddreg [dreg:$0x19];
	s11 =	sand.u32 $0x1FFFFFF0, s29  }
0x309: {  	[tilespmem:s16], [sflag:$0x7] =	stream.linear.gather [hbm4b:s10+s1], $0x80, $0x38;
	[tilespmem:$0x10400] =	vst v63  }
0x30a: {  	s29 =	rddreg [dreg:$0x7];
	s12 =	spop (v2sf);
	s18 =	sadd.s32 s4, s11  }
0x30b: {  	(v2sf) =	vpush v1, $0xD;
	[tilespmem:s21], [sflag:$0x7] =	stream.linear.gather [hbm4b:s18+s1], $0x80, $0x38;
	[tilespmem:$0x10400] =	vst v63  }
.Ltmp3:
0x30c: {  	(v2sf) =	vpush v63, $0xD;
	s19 =	sand.u32 $0x1FFFFFF0, s12;
	s20 =	spop (v2sf);
	(pc) =	sbr.rel @p0 .LBB2_8-.Ltmp3, $4  }
0x30d: {  	(v2sf) =	vpush v1, $0xE;
	s22 =	sadd.s32 s3, s19;
	s23 =	sand.u32 $0x1FFFFFF0, s20;
	s24 =	spop (v2sf)  }
0x30e: {  	(v2sf) =	vpush v63, $0xE;
	[tilespmem:s25], [sflag:$0x8] =	stream.linear.gather [hbm4b:s22+s1], $0x80, $0x38;
	[tilespmem:$0x10400] =	vst v63  }
0x30f: {  	(v2sf) =	vpush v1, $0xF;
	s2 =	sadd.s32 s4, s23;
	s8 =	sand.u32 $0x1FFFFFF0, s24;
	s0 =	spop (v2sf)  }
0x310: {  	(v2sf) =	vpush v63, $0xF;
	[tilespmem:s29], [sflag:$0x8] =	stream.linear.gather [hbm4b:s2+s1], $0x80, $0x38;
	[tilespmem:$0x10400] =	vst v63  }
0x311: {  	_ =	sdelay $0x4  }
0x312: {  	s2 =	sadd.s32 s3, s8;
	s0 =	sand.u32 $0x1FFFFFF0, s0  }
0x313: {  	[tilespmem:s7], [sflag:$0x5] =	stream.linear.gather [hbm4b:s2+s1], $0x80, $0x38;
	[tilespmem:$0x10400] =	vst v63  }
0x314: {  	s0 =	sadd.s32 s4, s0  }
0x315: {  	[tilespmem:s14], [sflag:$0x5] =	stream.linear.gather [hbm4b:s0+s1], $0x80, $0x38;
	[tilespmem:$0x10400] =	vst v63  }
0x316: {  	s5 =	spop (v2sf)  }
0x317: {  	s0 =	sand.u32 $0x1FFFFFF0, s5  }
0x318: {  	s7 =	spop (v2sf);
	s0 =	sadd.s32 s3, s0  }
0x319: {  	[tilespmem:s13], [sflag:$0x6] =	stream.linear.gather [hbm4b:s0+s1], $0x80, $0x38;
	[tilespmem:$0x10400] =	vst v63  }
0x31a: {  	s0 =	sand.u32 $0x1FFFFFF0, s7  }
0x31b: {  	s8 =	spop (v2sf);
	s0 =	sadd.s32 s4, s0  }
0x31c: {  	[tilespmem:s15], [sflag:$0x6] =	stream.linear.gather [hbm4b:s0+s1], $0x80, $0x38;
	[tilespmem:$0x10400] =	vst v63  }
0x31d: {  	s0 =	sand.u32 $0x1FFFFFF0, s8  }
0x31e: {  	s9 =	spop (v2sf);
	s0 =	sadd.s32 s3, s0  }
0x31f: {  	[tilespmem:s6], [sflag:$0x7] =	stream.linear.gather [hbm4b:s0+s1], $0x80, $0x38;
	[tilespmem:$0x10400] =	vst v63  }
0x320: {  	s0 =	sand.u32 $0x1FFFFFF0, s9  }
0x321: {  	s10 =	spop (v2sf);
	s0 =	sadd.s32 s4, s0  }
0x322: {  	[tilespmem:s17], [sflag:$0x7] =	stream.linear.gather [hbm4b:s0+s1], $0x80, $0x38;
	[tilespmem:$0x10400] =	vst v63  }
0x323: {  	s0 =	sand.u32 $0x1FFFFFF0, s10  }
0x324: {  	s11 =	sadd.s32 $0x4780, s30;
	s12 =	spop (v2sf);
	s0 =	sadd.s32 s3, s0  }
0x325: {  	[tilespmem:s11], [sflag:$0x8] =	stream.linear.gather [hbm4b:s0+s1], $0x80, $0x38;
	[tilespmem:$0x10400] =	vst v63  }
0x326: {  	s0 =	sand.u32 $0x1FFFFFF0, s12  }
0x327: {  	s14 =	simm.s32 $0x1;
	s13 =	sadd.s32 $0xC780, s30;
	s0 =	sadd.s32 s4, s0  }
0x328: {  	[tilespmem:s13], [sflag:$0x8] =	stream.linear.gather [hbm4b:s0+s1], $0x80, $0x38;
	[tilespmem:$0x10400] =	vst v63  }
0x329: {  	_ =	swait.ge [sflag:s14], $0x2000  }
0x32a: {  	[sflag:s14] =	ssyncset.done $0x0  }
0x32b: {  	s15 =	simm.s32 $0x2;
	[sflag:s14] =	ssyncadd.s32 $0xFFFFE000  }
0x32c: {  	_ =	swait.ge [sflag:s15], $0x2000  }
0x32d: {  	[sflag:s15] =	ssyncset.done $0x0  }
0x32e: {  	s16 =	simm.s32 $0x3;
	[sflag:s15] =	ssyncadd.s32 $0xFFFFE000  }
0x32f: {  	_ =	swait.ge [sflag:s16], $0x2000  }
0x330: {  	[sflag:s16] =	ssyncset.done $0x0  }
0x331: {  	s17 =	simm.s32 $0x4;
	[sflag:s16] =	ssyncadd.s32 $0xFFFFE000  }
0x332: {  	_ =	swait.ge [sflag:s17], $0x2000  }
0x333: {  	s18 =	sld [smem:$0x7F9]  }
0x334: {  	[sflag:s17] =	ssyncset.done $0x0  }
0x335: {  	s6 =	simm.s32 $0x9;
	[sflag:s17] =	ssyncadd.s32 $0xFFFFE000  }
0x336: {  	[hbm4b:s18+s1] =	stream.linear.scatter [tilespmem:s1], [sflag:$0x9], $0x4000, $0x38;
	[tilespmem:$0x10400] =	vst v63  }
0x337: {  	_ =	swait.ge [sflag:s6], $0x4000  }
0x338: {  	s19 =	sld [smem:$0x7FA]  }
0x339: {  	[sflag:s6] =	ssyncset.done $0x0  }
0x33a: {  	s20 =	simm.s32 $0x8000;
	[sflag:s6] =	ssyncadd.s32 $0xFFFFC000  }
0x33b: {  	[hbm4b:s19+s1] =	stream.linear.scatter [tilespmem:s20], [sflag:$0x9], $0x4000, $0x38;
	[tilespmem:$0x10400] =	vst v63  }
0x33c: {  	_ =	swait.ge [sflag:s6], $0x4000  }
0x33d: {  	[sflag:s6] =	ssyncset.done $0x0  }
0x33e: {  	s21 =	simm.s32 $0x5;
	[sflag:s6] =	ssyncadd.s32 $0xFFFFC000  }
0x33f: {  	_ =	swait.ge [sflag:s21], $0x2000  }
0x340: {  	[sflag:s21] =	ssyncset.done $0x0  }
0x341: {  	s22 =	simm.s32 $0x6;
	[sflag:s21] =	ssyncadd.s32 $0xFFFFE000  }
0x342: {  	_ =	swait.ge [sflag:s22], $0x2000  }
0x343: {  	[sflag:s22] =	ssyncset.done $0x0  }
0x344: {  	s23 =	simm.s32 $0x7;
	[sflag:s22] =	ssyncadd.s32 $0xFFFFE000  }
0x345: {  	_ =	swait.ge [sflag:s23], $0x2000  }
0x346: {  	[sflag:s23] =	ssyncset.done $0x0  }
0x347: {  	s24 =	simm.s32 $0x8;
	[sflag:s23] =	ssyncadd.s32 $0xFFFFE000  }
0x348: {  	_ =	swait.ge [sflag:s24], $0x2000  }
0x349: {  	s25 =	sld [smem:$0x7FB]  }
0x34a: {  	[sflag:s24] =	ssyncset.done $0x0  }
0x34b: {  	s26 =	simm.s32 $0x4000;
	[sflag:s24] =	ssyncadd.s32 $0xFFFFE000  }
0x34c: {  	[hbm4b:s25+s1] =	stream.linear.scatter [tilespmem:s26], [sflag:$0x9], $0x4000, $0x38;
	[tilespmem:$0x10400] =	vst v63  }
0x34d: {  	_ =	swait.ge [sflag:s6], $0x4000  }
0x34e: {  	s28 =	sld [smem:$0x7FC]  }
0x34f: {  	[sflag:s6] =	ssyncset.done $0x0  }
0x350: {  	s29 =	simm.s32 $0xC000;
	[sflag:s6] =	ssyncadd.s32 $0xFFFFC000  }
0x351: {  	[hbm4b:s28+s1] =	stream.linear.scatter [tilespmem:s29], [sflag:$0x9], $0x4000, $0x38;
	[tilespmem:$0x10400] =	vst v63  }
0x352: {  	_ =	swait.ge [sflag:s6], $0x4000  }
0x353: {  	s30 =	sld [smem:$0x7F2]  }
0x354: {  	s31 =	sld [smem:$0x7FD];
	_ =	sdelay $0x1  }
0x355: {  	s2 =	sadd.s32 $0x1, s30  }
0x356: {  	p0 =	sne.s32 s2, s31  }
.Ltmp4:
0x357: {  	_ = 	snop;
	(pc) =	sbr.rel @p0 .LBB2_1-.Ltmp4, $3  }
0x358: {  	_ =	sdelay $0x1  }
0x359: {  	[sflag:s6] =	ssyncset.done $0x0  }
0x35a: {  	[sflag:s6] =	ssyncadd.s32 $0xFFFFC000  }
0x35b: {  	_ =	sfence.sel $0x180000  }
0x35c: {  	[bflag:$0x0] =	sbarrier.arrive $0xFFFF  }
0x35d: {  	_ =	strace $0x90000047  }
0x35e: {  	s0 =	stileid.u32;
	[bflag:$0x2] =	sbarrier.arrive $0xFFFF  }
0x35f: {  	p0 =	sne.s32 s0, $0x0;
	s0 =	rddreg [dreg:$0x3]  }
0x360: {  	s0 =	sadd.s32 @!p0 $0x100000, s0  }
0x361: {  	[sflag:s0] =	ssyncadd.tile.s32 @!p0 $0x1;
	_ =	shalt  }
.Lfunc_end2:
_tile_overlayer_lowered:
.L_overlay_start_2:
0x362: {  	(tag) =	ssettag $0x2  }
0x363: {  	s0 =	rddreg [dreg:$0x0];
	s2 =	stileid.u32  }
0x364: {  	s1 =	rddreg [dreg:$0x1];
	p0 =	sne.s32 s2, $0x0  }
0x365: {  	s3 =	rddreg [dreg:$0x2];
	[bflag:$0x3] =	sbarrier.arrive $0xFFFF;
	s2 =	simm.s32 @!p0 $0x1C09  }
0x366: {  	[timem:s3], [sflag:s2] =	dma.local @!p0 [hbm:s0], s1  }
0x367: {  	s0 =	simm.s32 @!p0 $0x9  }
0x368: {  	_ =	swait.ge @!p0 [sflag:s0], s1  }
0x369: {  	s1 =	ssub.s32 @!p0 $0x0, s1;
	[sflag:s0] =	ssyncset.done @!p0 $0x0  }
0x36a: {  	[sflag:s0] =	ssyncadd.s32 @!p0 s1  }
0x36b: {  	[bflag:$0x3] =	sbarrier.arrive $0xFFFF  }
0x36c: {  	_ =	shalt  }

</sc_bundles>
